<compile_context>
chip_gen: v7x
topology: tpu7x:2x2x1
jax: 0.10.2.dev20260603
libtpu: 0.0.44.dev20260713+nightly
codegen_flags: <defaults>
</compile_context>

<pallas_src>
import functools

import jax
import jax.numpy as jnp
from jax import lax
from jax.experimental import pallas as pl
from jax.experimental.pallas import tpu as pltpu
from jax.experimental.pallas import tpu_sc as plsc

L = 16

_GDN = lax.GatherDimensionNumbers(
    offset_dims=(), collapsed_slice_dims=(0,), start_index_map=(0,))


def _bcast_lane(vec, ivec):
    return lax.gather(vec, ivec[:, None], _GDN, (1,),
                      mode=lax.GatherScatterMode.PROMISE_IN_BOUNDS)


def _sc_counts():
    try:
        info = plsc.get_sparse_core_info()
        return info.num_cores, info.num_subcores
    except Exception:
        return 2, 16


def kernel(feature_map, keypoint_xyz):
    N, C, H, W = feature_map.shape
    K = keypoint_xyz.shape[1]
    NC, NS = _sc_counts()
    NWORK = NC * NS
    TW = W // 8
    TCH = C // 128
    RPH = TW * TCH * 8
    M = N * H * RPH

    t = feature_map.transpose(0, 2, 3, 1)
    t = t.reshape(N, H, TW, 8, TCH, 128)
    t = t.transpose(0, 1, 2, 4, 3, 5)
    rows = t.reshape(M, 128)

    kp_t = jnp.transpose(keypoint_xyz[:, :, :2], (0, 2, 1))

    WPB = NWORK // N
    KPW = K // WPB
    NG = KPW // L
    SGK = 2 * L
    NSG = KPW // SGK
    NQ = 4
    RPQ = SGK * 8 // NQ
    C8 = C // 8
    KT = K // 128

    mesh = plsc.VectorSubcoreMesh(core_axis_name="c", subcore_axis_name="s")

    @functools.partial(
        pl.kernel,
        out_type=jax.ShapeDtypeStruct((N, C8, KT, 8, 128), jnp.float32),
        mesh=mesh,
        compiler_params=pltpu.CompilerParams(
            use_tc_tiling_on_sc=False, needs_layout_passes=False),
        scratch_types=[
            pltpu.VMEM((KPW,), jnp.float32),
            pltpu.VMEM((KPW,), jnp.float32),
            pltpu.VMEM((KPW,), jnp.float32),
            pltpu.VMEM((KPW,), jnp.float32),
            pltpu.VMEM((KPW,), jnp.float32),
            pltpu.VMEM((KPW,), jnp.float32),
            pltpu.VMEM((NSG, NQ, RPQ), jnp.int32),
            pltpu.VMEM((SGK * 8, 128), jnp.float32),
            pltpu.VMEM((SGK * 8, 128), jnp.float32),
            pltpu.VMEM((C8, 8, SGK + 1), jnp.float32),
            pltpu.VMEM((C8, 8, SGK + 1), jnp.float32),
            pltpu.SemaphoreType.DMA,
            pltpu.SemaphoreType.DMA,
            pltpu.SemaphoreType.DMA,
            pltpu.SemaphoreType.DMA,
        ],
    )
    def bev_gather(tab, kp, out, u_v, v_v, w00_v, w01_v, w10_v, w11_v,
                   idx_v, buf_a, buf_b, stag_a, stag_b,
                   gsem_a, gsem_b, ssem_a, ssem_b):
        wid = lax.axis_index("s") * NC + lax.axis_index("c")
        n = wid // WPB
        k0 = (wid % WPB) * KPW
        kt0 = k0 // 128

        bufs = [buf_a, buf_b]
        gsems = [gsem_a, gsem_b]
        stags = [stag_a, stag_b]
        ssems = [ssem_a, ssem_b]

        wm1 = jnp.float32(W - 1)
        hm1 = jnp.float32(H - 1)
        wm2 = jnp.float32(W - 2)
        hm2 = jnp.float32(H - 2)
        iota = lax.iota(jnp.int32, L)
        zeros_i = jnp.zeros((L,), jnp.int32)
        nh = n * H

        pltpu.sync_copy(kp.at[n, 0, pl.ds(k0, KPW)], u_v)
        pltpu.sync_copy(kp.at[n, 1, pl.ds(k0, KPW)], v_v)

        @plsc.parallel_loop(0, NG, unroll=1)
        def _(g):
            s = pl.ds(g * L, L)
            u = u_v[s]
            v = v_v[s]
            iu = jnp.minimum(jnp.maximum(u / 0.005, 0.0), wm1)
            iv = jnp.minimum(jnp.maximum(v / 0.005, 0.0), hm1)
            nu = 2.0 * (iu / wm2) - 1.0
            nv = 2.0 * (iv / hm2) - 1.0
            x = (nv + 1.0) * wm1 / 2.0
            y = (nu + 1.0) * hm1 / 2.0
            xi = x.astype(jnp.int32)
            yi = y.astype(jnp.int32)
            fx = x - xi.astype(jnp.float32)
            fy = y - yi.astype(jnp.float32)
            wx0 = 1.0 - fx
            wx1 = jnp.where(xi + 1 <= W - 1, fx, 0.0)
            wy0 = jnp.where(yi <= H - 1, 1.0 - fy, 0.0)
            wy1 = jnp.where(yi + 1 <= H - 1, fy, 0.0)
            w00_v[s] = wx0 * wy0
            w01_v[s] = wx1 * wy0
            w10_v[s] = wx0 * wy1
            w11_v[s] = wx1 * wy1
            xc0 = jnp.minimum(xi, W - 1)
            xc1 = jnp.minimum(xi + 1, W - 1)
            yc0 = jnp.minimum(yi, H - 1)
            yc1 = jnp.minimum(yi + 1, H - 1)
            xo0 = (xc0 >> 3) * (TCH * 8) + (xc0 & 7)
            xo1 = (xc1 >> 3) * (TCH * 8) + (xc1 & 7)
            yb0 = (nh + yc0) * RPH
            yb1 = (nh + yc1) * RPH
            sg = g >> 1
            gsplat = zeros_i + sg
            base = (g & 1) * 128
            for ci, rv in enumerate((yb0 + xo0, yb0 + xo1,
                                     yb1 + xo0, yb1 + xo1)):
                for hh in range(2):
                    pos = iota * 8 + (base + 2 * ci + hh)
                    plsc.store_scatter(
                        idx_v, [gsplat, pos >> 6, pos & (RPQ - 1)],
                        rv + 8 * hh)

        def start_gather(sg, par):
            b = bufs[par]
            sem = gsems[par]
            for q in range(NQ):
                pltpu.async_copy(tab.at[idx_v.at[sg, q]],
                                 b.at[pl.ds(q * RPQ, RPQ)], sem)

        def wait_gather(par):
            for q in range(NQ):
                pltpu.make_async_copy(tab.at[idx_v.at[0, 0]],
                                      bufs[par].at[pl.ds(0, RPQ)],
                                      gsems[par]).wait()

        def start_stag(sg, par):
            kt = kt0 + (sg >> 2)
            o = pl.multiple_of((sg * SGK) & 127, SGK)
            return pltpu.async_copy(
                stags[par].at[:, :, pl.ds(0, SGK)],
                out.at[n, :, kt, :, pl.ds(o, SGK)], ssems[par])

        def wait_stag(par):
            pltpu.make_async_copy(
                stags[par].at[:, :, pl.ds(0, SGK)],
                out.at[0, :, 0, :, pl.ds(0, SGK)], ssems[par]).wait()

        def combine(sg, buf, stag):
            @plsc.parallel_loop(0, SGK, unroll=1)
            def _(i):
                sw = pl.ds(sg * SGK + (i & ~(L - 1)), L)
                ivec = zeros_i + (i & (L - 1))
                w00i = _bcast_lane(w00_v[sw], ivec)
                w01i = _bcast_lane(w01_v[sw], ivec)
                w10i = _bcast_lane(w10_v[sw], ivec)
                w11i = _bcast_lane(w11_v[sw], ivec)
                kcol = zeros_i + i
                r = i * 8
                for h in range(TCH):
                    for vj in range(128 // L):
                        cs = pl.ds(vj * L, L)
                        acc = (buf[r + h, cs] * w00i
                               + buf[r + 2 + h, cs] * w01i
                               + buf[r + 4 + h, cs] * w10i
                               + buf[r + 6 + h, cs] * w11i)
                        cv = iota + (h * 128 + vj * L)
                        plsc.store_scatter(
                            stag, [cv >> 3, cv & 7, kcol], acc)

        start_gather(0, 0)

        @pl.loop(0, NSG // 2)
        def _(tt):
            for par in range(2):
                sg = tt * 2 + par

                @pl.when(sg + 1 < NSG)
                def _():
                    start_gather(sg + 1, 1 - par)

                wait_gather(par)

                @pl.when(sg >= 2)
                def _():
                    wait_stag(par)

                combine(sg, bufs[par], stags[par])
                start_stag(sg, par)

        wait_stag(0)
        wait_stag(1)

    res = bev_gather(rows, kp_t)
    res = res.transpose(0, 1, 3, 2, 4)
    return res.reshape(N, C, K)

# --- scband reference (transcript-rebuilt; emitter-appended) ---
"""Pipeline reference for scband-bevfeature-gatherer-46883863003170 (READ-ONLY COPY).

The authoritative reference and input builder live on the scoring server;
editing this copy changes nothing except your own understanding.
"""

import jax, jax.numpy as jnp
import numpy as np

PIXEL_OFFSET = jnp.array([0.0, 0.0], dtype=jnp.float32)
BASE_PIXEL_SIZE = jnp.array([0.005, 0.005], dtype=jnp.float32)
STRIDE = 1.0


def setup_inputs(seed: int = 0) -> dict:
    key = jax.random.key(seed)
    k1, k2 = jax.random.split(key)
    feature_map = jax.random.normal(k1, (4, 256, 200, 176), dtype=jnp.float32)
    keypoint_xyz = jax.random.uniform(k2, (4, 4096, 3), dtype=jnp.float32)
    return {"feature_map": feature_map, "keypoint_xyz": keypoint_xyz}


def _grid_sample_bilinear_zeros(fm, grid):
    # fm: [N, C, H, W]; grid: [N, Hg, Wg, 2] with (x, y) in (-1, 1)
    # align_corners=True, padding_mode='zeros' (torch F.grid_sample defaults + align_corners=True)
    N, C, H, W = fm.shape
    x = (grid[..., 0] + 1.0) * (W - 1) / 2.0
    y = (grid[..., 1] + 1.0) * (H - 1) / 2.0
    x0 = jnp.floor(x)
    x1 = x0 + 1.0
    y0 = jnp.floor(y)
    y1 = y0 + 1.0
    wx1 = x - x0
    wx0 = 1.0 - wx1
    wy1 = y - y0
    wy0 = 1.0 - wy1
    fm_t = jnp.transpose(fm, (0, 2, 3, 1))  # [N, H, W, C]
    b = jnp.arange(N).reshape(N, 1, 1)

    def corner(xi, yi, wxi, wyi):
        valid = (xi >= 0) & (xi <= W - 1) & (yi >= 0) & (yi <= H - 1)
        xc = jnp.clip(xi, 0, W - 1).astype(jnp.int32)
        yc = jnp.clip(yi, 0, H - 1).astype(jnp.int32)
        v = fm_t[b, yc, xc]  # gather -> [N, Hg, Wg, C]
        w = (wxi * wyi * valid.astype(fm.dtype))[..., None]
        return v * w

    out = (corner(x0, y0, wx0, wy0) + corner(x1, y0, wx1, wy0)
           + corner(x0, y1, wx0, wy1) + corner(x1, y1, wx1, wy1))
    return jnp.transpose(out, (0, 3, 1, 2))  # [N, C, Hg, Wg]


def reference(feature_map, keypoint_xyz):
    N, C, H, W = feature_map.shape
    # compute_bev_indices
    indices = keypoint_xyz[:, None, :, :2] - PIXEL_OFFSET  # [N, 1, K, 2]
    indices = indices / (BASE_PIXEL_SIZE * STRIDE)
    # normalize_indices
    image_dims = jnp.array([W - 1, H - 1], dtype=indices.dtype)
    indices = jnp.minimum(jnp.maximum(indices, 0.0), image_dims)
    indices = 2.0 * (indices / (image_dims - 1.0)) - 1.0
    # flip(3)
    indices = indices[..., ::-1]
    features = _grid_sample_bilinear_zeros(feature_map, indices)  # [N, C, 1, K]
    return jnp.squeeze(features, axis=2)  # [N, C, K]

if __name__ == "__main__":
    import jax
    _d = setup_inputs()
    print(jax.jit(kernel)(*tuple(_d.values())))

</pallas_src>

<mosaic_0001>
#map = affine_map<(d0, d1) -> (0, 0)>
#map1 = affine_map<(d0, d1) -> (0, 0, 0)>
#map2 = affine_map<(d0, d1) -> (0, 0, 0, 0, 0)>
module attributes {stable_mosaic.version = 14 : i64} {
  func.func @bev_gather(%arg0: i32, %arg1: i32, %arg2: memref<281600x128xf32, #tpu.memory_space<hbm>>, %arg3: memref<4x2x4096xf32, #tpu.memory_space<hbm>>, %arg4: memref<4x32x32x8x128xf32, #tpu.memory_space<hbm>>, %arg5: memref<512xf32, #tpu.memory_space<vmem>>, %arg6: memref<512xf32, #tpu.memory_space<vmem>>, %arg7: memref<512xf32, #tpu.memory_space<vmem>>, %arg8: memref<512xf32, #tpu.memory_space<vmem>>, %arg9: memref<512xf32, #tpu.memory_space<vmem>>, %arg10: memref<512xf32, #tpu.memory_space<vmem>>, %arg11: memref<16x4x64xi32, #tpu.memory_space<vmem>>, %arg12: memref<256x128xf32, #tpu.memory_space<vmem>>, %arg13: memref<256x128xf32, #tpu.memory_space<vmem>>, %arg14: memref<32x8x33xf32, #tpu.memory_space<vmem>>, %arg15: memref<32x8x33xf32, #tpu.memory_space<vmem>>, %arg16: memref<!tpu.dma_semaphore, #tpu.memory_space<semaphore_mem>>, %arg17: memref<!tpu.dma_semaphore, #tpu.memory_space<semaphore_mem>>, %arg18: memref<!tpu.dma_semaphore, #tpu.memory_space<semaphore_mem>>, %arg19: memref<!tpu.dma_semaphore, #tpu.memory_space<semaphore_mem>>) attributes {dimension_semantics = [#tpu.dimension_semantics<core_parallel>, #tpu.dimension_semantics<subcore_parallel>], iteration_bounds = array<i64: 2, 16>, scalar_prefetch = 0 : i64, scratch_operands = 15 : i64, tpu.core_type = #tpu.core_type<sc_vector_subcore>, window_params = [{transform_indices = #map}, {transform_indices = #map1}, {transform_indices = #map2}]} {
    %mul3A = arith.constant 2 : i32
    %mul3A_0 = arith.muli %arg1, %mul3A : i32
    %add3A = arith.addi %mul3A_0, %arg0 : i32
    %jit3A = arith.constant 8 : i32
    %div3A = arith.divsi %add3A, %jit3A : i32
    %sign3A = arith.constant 0 : i32
    %sign3A_1 = arith.cmpi sgt, %add3A, %sign3A : i32
    %sign3A_2 = arith.extui %sign3A_1 : i1 to i32
    %sign3A_3 = arith.constant 0 : i32
    %sign3A_4 = arith.cmpi slt, %add3A, %sign3A_3 : i32
    %sign3A_5 = arith.extui %sign3A_4 : i1 to i32
    %sign3A_6 = arith.subi %sign3A_2, %sign3A_5 : i32
    %sign3A_7 = arith.constant 0 : i32
    %sign3A_8 = arith.cmpi sgt, %jit3A, %sign3A_7 : i32
    %sign3A_9 = arith.extui %sign3A_8 : i1 to i32
    %sign3A_10 = arith.constant 0 : i32
    %sign3A_11 = arith.cmpi slt, %jit3A, %sign3A_10 : i32
    %sign3A_12 = arith.extui %sign3A_11 : i1 to i32
    %sign3A_13 = arith.subi %sign3A_9, %sign3A_12 : i32
    %ne3A = arith.cmpi ne, %sign3A_6, %sign3A_13 : i32
    %rem3A = arith.remsi %add3A, %jit3A : i32
    %ne3A_14 = arith.constant 0 : i32
    %ne3A_15 = arith.cmpi ne, %rem3A, %ne3A_14 : i32
    %and3A = arith.andi %ne3A, %ne3A_15 : i1
    %sub3A = arith.constant 1 : i32
    %sub3A_16 = arith.subi %div3A, %sub3A : i32
    %select_n3A = arith.select %and3A, %sub3A_16, %div3A : i32
    %jit3A_17 = arith.constant 8 : i32
    %eq3A = arith.constant 0 : i32
    %eq3A_18 = arith.cmpi eq, %jit3A_17, %eq3A : i32
    %jit3A_19 = arith.constant 1 : i32
    %select_n3A_20 = arith.select %eq3A_18, %jit3A_19, %jit3A_17 : i32
    %rem3A_21 = arith.remsi %add3A, %select_n3A_20 : i32
    %ne3A_22 = arith.constant 0 : i32
    %ne3A_23 = arith.cmpi ne, %rem3A_21, %ne3A_22 : i32
    %lt3A = arith.constant 0 : i32
    %lt3A_24 = arith.cmpi slt, %rem3A_21, %lt3A : i32
    %lt3A_25 = arith.constant 0 : i32
    %lt3A_26 = arith.cmpi slt, %select_n3A_20, %lt3A_25 : i32
    %ne3A_27 = arith.xori %lt3A_24, %lt3A_26 : i1
    %and3A_28 = arith.andi %ne3A_27, %ne3A_23 : i1
    %add3A_29 = arith.addi %rem3A_21, %select_n3A_20 : i32
    %select_n3A_30 = arith.select %and3A_28, %add3A_29, %rem3A_21 : i32
    %mul3A_31 = arith.constant 512 : i32
    %mul3A_32 = arith.muli %select_n3A_30, %mul3A_31 : i32
    %jit3A_33 = arith.constant 128 : i32
    %div3A_34 = arith.divsi %mul3A_32, %jit3A_33 : i32
    %sign3A_35 = arith.constant 0 : i32
    %sign3A_36 = arith.cmpi sgt, %mul3A_32, %sign3A_35 : i32
    %sign3A_37 = arith.extui %sign3A_36 : i1 to i32
    %sign3A_38 = arith.constant 0 : i32
    %sign3A_39 = arith.cmpi slt, %mul3A_32, %sign3A_38 : i32
    %sign3A_40 = arith.extui %sign3A_39 : i1 to i32
    %sign3A_41 = arith.subi %sign3A_37, %sign3A_40 : i32
    %sign3A_42 = arith.constant 0 : i32
    %sign3A_43 = arith.cmpi sgt, %jit3A_33, %sign3A_42 : i32
    %sign3A_44 = arith.extui %sign3A_43 : i1 to i32
    %sign3A_45 = arith.constant 0 : i32
    %sign3A_46 = arith.cmpi slt, %jit3A_33, %sign3A_45 : i32
    %sign3A_47 = arith.extui %sign3A_46 : i1 to i32
    %sign3A_48 = arith.subi %sign3A_44, %sign3A_47 : i32
    %ne3A_49 = arith.cmpi ne, %sign3A_41, %sign3A_48 : i32
    %rem3A_50 = arith.remsi %mul3A_32, %jit3A_33 : i32
    %ne3A_51 = arith.constant 0 : i32
    %ne3A_52 = arith.cmpi ne, %rem3A_50, %ne3A_51 : i32
    %and3A_53 = arith.andi %ne3A_49, %ne3A_52 : i1
    %sub3A_54 = arith.constant 1 : i32
    %sub3A_55 = arith.subi %div3A_34, %sub3A_54 : i32
    %select_n3A_56 = arith.select %and3A_53, %sub3A_55, %div3A_34 : i32
    %iota3A = tpu.iota {dimensions = array<i32: 0>} : vector<16xi32>
    %broadcast_in_dim3A = arith.constant 0 : i32
    %broadcast_in_dim3A_57 = vector.broadcast %broadcast_in_dim3A : i32 to vector<16xi32>
    %mul3A_58 = arith.constant 200 : i32
    %mul3A_59 = arith.muli %select_n3A, %mul3A_58 : i32
    %run_scoped3A = arith.constant 0 : i32
    "tpu.region"() ({
      %run_scoped3A_153 = tpu.sem_alloc : memref<!tpu.dma_semaphore, #tpu.memory_space<semaphore_mem>>
      %dma_start3A_154 = tpu.memref_slice %arg3[%select_n3A, %run_scoped3A, %mul3A_32] : memref<4x2x4096xf32, #tpu.memory_space<hbm>> -> memref<1x1x512xf32, #tpu.memory_space<hbm>>
      %dma_start3A_155 = tpu.memref_squeeze %dma_start3A_154 : memref<1x1x512xf32, #tpu.memory_space<hbm>> -> memref<512xf32, #tpu.memory_space<hbm>>
      %dma_start3A_156 = tpu.memref_slice %arg3[%select_n3A, %run_scoped3A, %mul3A_32] : memref<4x2x4096xf32, #tpu.memory_space<hbm>> -> memref<1x1x512xf32, #tpu.memory_space<hbm>>
      %dma_start3A_157 = tpu.memref_squeeze %dma_start3A_156 : memref<1x1x512xf32, #tpu.memory_space<hbm>> -> memref<512xf32, #tpu.memory_space<hbm>>
      tpu.enqueue_dma source(%dma_start3A_157 : memref<512xf32, #tpu.memory_space<hbm>>) target(%arg5 : memref<512xf32, #tpu.memory_space<vmem>>) target_semaphore(%run_scoped3A_153 : memref<!tpu.dma_semaphore, #tpu.memory_space<semaphore_mem>>)
      %dma_wait3A_158 = tpu.memref_slice %arg3[%select_n3A, %run_scoped3A, %mul3A_32] : memref<4x2x4096xf32, #tpu.memory_space<hbm>> -> memref<1x1x512xf32, #tpu.memory_space<hbm>>
      %dma_wait3A_159 = tpu.memref_squeeze %dma_wait3A_158 : memref<1x1x512xf32, #tpu.memory_space<hbm>> -> memref<512xf32, #tpu.memory_space<hbm>>
      %dma_wait3A_160 = tpu.memref_slice %arg3[%select_n3A, %run_scoped3A, %mul3A_32] : memref<4x2x4096xf32, #tpu.memory_space<hbm>> -> memref<1x1x512xf32, #tpu.memory_space<hbm>>
      %dma_wait3A_161 = tpu.memref_squeeze %dma_wait3A_160 : memref<1x1x512xf32, #tpu.memory_space<hbm>> -> memref<512xf32, #tpu.memory_space<hbm>>
      tpu.wait_dma2 semaphore(%run_scoped3A_153 : memref<!tpu.dma_semaphore, #tpu.memory_space<semaphore_mem>>) src(%dma_wait3A_161 : memref<512xf32, #tpu.memory_space<hbm>>) dst(%arg5 : memref<512xf32, #tpu.memory_space<vmem>>)
      tpu.yield
    }) : () -> ()
    %run_scoped3A_60 = arith.constant 1 : i32
    "tpu.region"() ({
      %run_scoped3A_153 = tpu.sem_alloc : memref<!tpu.dma_semaphore, #tpu.memory_space<semaphore_mem>>
      %dma_start3A_154 = tpu.memref_slice %arg3[%select_n3A, %run_scoped3A_60, %mul3A_32] : memref<4x2x4096xf32, #tpu.memory_space<hbm>> -> memref<1x1x512xf32, #tpu.memory_space<hbm>>
      %dma_start3A_155 = tpu.memref_squeeze %dma_start3A_154 : memref<1x1x512xf32, #tpu.memory_space<hbm>> -> memref<512xf32, #tpu.memory_space<hbm>>
      %dma_start3A_156 = tpu.memref_slice %arg3[%select_n3A, %run_scoped3A_60, %mul3A_32] : memref<4x2x4096xf32, #tpu.memory_space<hbm>> -> memref<1x1x512xf32, #tpu.memory_space<hbm>>
      %dma_start3A_157 = tpu.memref_squeeze %dma_start3A_156 : memref<1x1x512xf32, #tpu.memory_space<hbm>> -> memref<512xf32, #tpu.memory_space<hbm>>
      tpu.enqueue_dma source(%dma_start3A_157 : memref<512xf32, #tpu.memory_space<hbm>>) target(%arg6 : memref<512xf32, #tpu.memory_space<vmem>>) target_semaphore(%run_scoped3A_153 : memref<!tpu.dma_semaphore, #tpu.memory_space<semaphore_mem>>)
      %dma_wait3A_158 = tpu.memref_slice %arg3[%select_n3A, %run_scoped3A_60, %mul3A_32] : memref<4x2x4096xf32, #tpu.memory_space<hbm>> -> memref<1x1x512xf32, #tpu.memory_space<hbm>>
      %dma_wait3A_159 = tpu.memref_squeeze %dma_wait3A_158 : memref<1x1x512xf32, #tpu.memory_space<hbm>> -> memref<512xf32, #tpu.memory_space<hbm>>
      %dma_wait3A_160 = tpu.memref_slice %arg3[%select_n3A, %run_scoped3A_60, %mul3A_32] : memref<4x2x4096xf32, #tpu.memory_space<hbm>> -> memref<1x1x512xf32, #tpu.memory_space<hbm>>
      %dma_wait3A_161 = tpu.memref_squeeze %dma_wait3A_160 : memref<1x1x512xf32, #tpu.memory_space<hbm>> -> memref<512xf32, #tpu.memory_space<hbm>>
      tpu.wait_dma2 semaphore(%run_scoped3A_153 : memref<!tpu.dma_semaphore, #tpu.memory_space<semaphore_mem>>) src(%dma_wait3A_161 : memref<512xf32, #tpu.memory_space<hbm>>) dst(%arg6 : memref<512xf32, #tpu.memory_space<vmem>>)
      tpu.yield
    }) : () -> ()
    %parallel_loop3A = arith.constant 0 : i32
    %parallel_loop3A_61 = arith.constant 32 : i32
    %parallel_loop3A_62 = arith.constant 1 : i32
    %parallel_loop3A_63 = arith.constant 1.750000e+02 : f32
    %parallel_loop3A_64 = arith.constant 1.990000e+02 : f32
    %parallel_loop3A_65 = arith.constant 1.740000e+02 : f32
    %parallel_loop3A_66 = arith.constant 1.980000e+02 : f32
    scf.for %parallel_loop3A_153 = %parallel_loop3A to %parallel_loop3A_61 step %parallel_loop3A_62  : i32 {
      %parallel_loop3A_154 = arith.constant 16 : i32
      %parallel_loop3A_155 = arith.muli %parallel_loop3A_153, %parallel_loop3A_154 : i32
      %parallel_loop3A_156 = arith.index_cast %parallel_loop3A_155 : i32 to index
      %parallel_loop3A_157 = tpu.vector_load %arg5[%parallel_loop3A_156] {strides = array<i32>} : memref<512xf32, #tpu.memory_space<vmem>>, vector<16xf32>,
      %parallel_loop3A_158 = arith.index_cast %parallel_loop3A_155 : i32 to index
      %parallel_loop3A_159 = tpu.vector_load %arg6[%parallel_loop3A_158] {strides = array<i32>} : memref<512xf32, #tpu.memory_space<vmem>>, vector<16xf32>,
      %parallel_loop3A_160 = arith.constant 5.000000e-03 : f32
      %parallel_loop3A_161 = vector.broadcast %parallel_loop3A_160 : f32 to vector<16xf32>
      %parallel_loop3A_162 = arith.divf %parallel_loop3A_157, %parallel_loop3A_161 : vector<16xf32>
      %parallel_loop3A_163 = arith.constant 0.000000e+00 : f32
      %parallel_loop3A_164 = vector.broadcast %parallel_loop3A_163 : f32 to vector<16xf32>
      %parallel_loop3A_165 = arith.maximumf %parallel_loop3A_162, %parallel_loop3A_164 : vector<16xf32>
      %parallel_loop3A_166 = vector.broadcast %parallel_loop3A_63 : f32 to vector<16xf32>
      %parallel_loop3A_167 = arith.minimumf %parallel_loop3A_165, %parallel_loop3A_166 : vector<16xf32>
      %parallel_loop3A_168 = arith.constant 5.000000e-03 : f32
      %parallel_loop3A_169 = vector.broadcast %parallel_loop3A_168 : f32 to vector<16xf32>
      %parallel_loop3A_170 = arith.divf %parallel_loop3A_159, %parallel_loop3A_169 : vector<16xf32>
      %parallel_loop3A_171 = arith.constant 0.000000e+00 : f32
      %parallel_loop3A_172 = vector.broadcast %parallel_loop3A_171 : f32 to vector<16xf32>
      %parallel_loop3A_173 = arith.maximumf %parallel_loop3A_170, %parallel_loop3A_172 : vector<16xf32>
      %parallel_loop3A_174 = vector.broadcast %parallel_loop3A_64 : f32 to vector<16xf32>
      %parallel_loop3A_175 = arith.minimumf %parallel_loop3A_173, %parallel_loop3A_174 : vector<16xf32>
      %parallel_loop3A_176 = vector.broadcast %parallel_loop3A_65 : f32 to vector<16xf32>
      %parallel_loop3A_177 = arith.divf %parallel_loop3A_167, %parallel_loop3A_176 : vector<16xf32>
      %parallel_loop3A_178 = arith.constant 2.000000e+00 : f32
      %parallel_loop3A_179 = vector.broadcast %parallel_loop3A_178 : f32 to vector<16xf32>
      %parallel_loop3A_180 = arith.mulf %parallel_loop3A_179, %parallel_loop3A_177 : vector<16xf32>
      %parallel_loop3A_181 = arith.constant 1.000000e+00 : f32
      %parallel_loop3A_182 = vector.broadcast %parallel_loop3A_181 : f32 to vector<16xf32>
      %parallel_loop3A_183 = arith.subf %parallel_loop3A_180, %parallel_loop3A_182 : vector<16xf32>
      %parallel_loop3A_184 = vector.broadcast %parallel_loop3A_66 : f32 to vector<16xf32>
      %parallel_loop3A_185 = arith.divf %parallel_loop3A_175, %parallel_loop3A_184 : vector<16xf32>
      %parallel_loop3A_186 = arith.constant 2.000000e+00 : f32
      %parallel_loop3A_187 = vector.broadcast %parallel_loop3A_186 : f32 to vector<16xf32>
      %parallel_loop3A_188 = arith.mulf %parallel_loop3A_187, %parallel_loop3A_185 : vector<16xf32>
      %parallel_loop3A_189 = arith.constant 1.000000e+00 : f32
      %parallel_loop3A_190 = vector.broadcast %parallel_loop3A_189 : f32 to vector<16xf32>
      %parallel_loop3A_191 = arith.subf %parallel_loop3A_188, %parallel_loop3A_190 : vector<16xf32>
      %parallel_loop3A_192 = arith.constant 1.000000e+00 : f32
      %parallel_loop3A_193 = vector.broadcast %parallel_loop3A_192 : f32 to vector<16xf32>
      %parallel_loop3A_194 = arith.addf %parallel_loop3A_191, %parallel_loop3A_193 : vector<16xf32>
      %parallel_loop3A_195 = vector.broadcast %parallel_loop3A_63 : f32 to vector<16xf32>
      %parallel_loop3A_196 = arith.mulf %parallel_loop3A_194, %parallel_loop3A_195 : vector<16xf32>
      %parallel_loop3A_197 = arith.constant 2.000000e+00 : f32
      %parallel_loop3A_198 = vector.broadcast %parallel_loop3A_197 : f32 to vector<16xf32>
      %parallel_loop3A_199 = arith.divf %parallel_loop3A_196, %parallel_loop3A_198 : vector<16xf32>
      %parallel_loop3A_200 = arith.constant 1.000000e+00 : f32
      %parallel_loop3A_201 = vector.broadcast %parallel_loop3A_200 : f32 to vector<16xf32>
      %parallel_loop3A_202 = arith.addf %parallel_loop3A_183, %parallel_loop3A_201 : vector<16xf32>
      %parallel_loop3A_203 = vector.broadcast %parallel_loop3A_64 : f32 to vector<16xf32>
      %parallel_loop3A_204 = arith.mulf %parallel_loop3A_202, %parallel_loop3A_203 : vector<16xf32>
      %parallel_loop3A_205 = arith.constant 2.000000e+00 : f32
      %parallel_loop3A_206 = vector.broadcast %parallel_loop3A_205 : f32 to vector<16xf32>
      %parallel_loop3A_207 = arith.divf %parallel_loop3A_204, %parallel_loop3A_206 : vector<16xf32>
      %parallel_loop3A_208 = arith.fptosi %parallel_loop3A_199 : vector<16xf32> to vector<16xi32>
      %parallel_loop3A_209 = arith.fptosi %parallel_loop3A_207 : vector<16xf32> to vector<16xi32>
      %parallel_loop3A_210 = arith.sitofp %parallel_loop3A_208 : vector<16xi32> to vector<16xf32>
      %parallel_loop3A_211 = arith.subf %parallel_loop3A_199, %parallel_loop3A_210 : vector<16xf32>
      %parallel_loop3A_212 = arith.sitofp %parallel_loop3A_209 : vector<16xi32> to vector<16xf32>
      %parallel_loop3A_213 = arith.subf %parallel_loop3A_207, %parallel_loop3A_212 : vector<16xf32>
      %parallel_loop3A_214 = arith.constant 1.000000e+00 : f32
      %parallel_loop3A_215 = vector.broadcast %parallel_loop3A_214 : f32 to vector<16xf32>
      %parallel_loop3A_216 = arith.subf %parallel_loop3A_215, %parallel_loop3A_211 : vector<16xf32>
      %parallel_loop3A_217 = arith.constant 1 : i32
      %parallel_loop3A_218 = vector.broadcast %parallel_loop3A_217 : i32 to vector<16xi32>
      %parallel_loop3A_219 = arith.addi %parallel_loop3A_208, %parallel_loop3A_218 : vector<16xi32>
      %parallel_loop3A_220 = arith.constant 175 : i32
      %parallel_loop3A_221 = vector.broadcast %parallel_loop3A_220 : i32 to vector<16xi32>
      %parallel_loop3A_222 = arith.cmpi sle, %parallel_loop3A_219, %parallel_loop3A_221 : vector<16xi32>
      %parallel_loop3A_223 = arith.constant 0.000000e+00 : f32
      %parallel_loop3A_224 = vector.broadcast %parallel_loop3A_223 : f32 to vector<16xf32>
      %parallel_loop3A_225 = arith.select %parallel_loop3A_222, %parallel_loop3A_211, %parallel_loop3A_224 : vector<16xi1>, vector<16xf32>
      %parallel_loop3A_226 = arith.constant 199 : i32
      %parallel_loop3A_227 = vector.broadcast %parallel_loop3A_226 : i32 to vector<16xi32>
      %parallel_loop3A_228 = arith.cmpi sle, %parallel_loop3A_209, %parallel_loop3A_227 : vector<16xi32>
      %parallel_loop3A_229 = arith.constant 1.000000e+00 : f32
      %parallel_loop3A_230 = vector.broadcast %parallel_loop3A_229 : f32 to vector<16xf32>
      %parallel_loop3A_231 = arith.subf %parallel_loop3A_230, %parallel_loop3A_213 : vector<16xf32>
      %parallel_loop3A_232 = arith.constant 0.000000e+00 : f32
      %parallel_loop3A_233 = vector.broadcast %parallel_loop3A_232 : f32 to vector<16xf32>
      %parallel_loop3A_234 = arith.select %parallel_loop3A_228, %parallel_loop3A_231, %parallel_loop3A_233 : vector<16xi1>, vector<16xf32>
      %parallel_loop3A_235 = arith.constant 1 : i32
      %parallel_loop3A_236 = vector.broadcast %parallel_loop3A_235 : i32 to vector<16xi32>
      %parallel_loop3A_237 = arith.addi %parallel_loop3A_209, %parallel_loop3A_236 : vector<16xi32>
      %parallel_loop3A_238 = arith.constant 199 : i32
      %parallel_loop3A_239 = vector.broadcast %parallel_loop3A_238 : i32 to vector<16xi32>
      %parallel_loop3A_240 = arith.cmpi sle, %parallel_loop3A_237, %parallel_loop3A_239 : vector<16xi32>
      %parallel_loop3A_241 = arith.constant 0.000000e+00 : f32
      %parallel_loop3A_242 = vector.broadcast %parallel_loop3A_241 : f32 to vector<16xf32>
      %parallel_loop3A_243 = arith.select %parallel_loop3A_240, %parallel_loop3A_213, %parallel_loop3A_242 : vector<16xi1>, vector<16xf32>
      %parallel_loop3A_244 = arith.mulf %parallel_loop3A_216, %parallel_loop3A_234 : vector<16xf32>
      %parallel_loop3A_245 = arith.index_cast %parallel_loop3A_155 : i32 to index
      %parallel_loop3A_246 = tpu.vector_load %arg7[%parallel_loop3A_245] {strides = array<i32>} : memref<512xf32, #tpu.memory_space<vmem>>, vector<16xf32>,
      tpu.vector_store %arg7[%parallel_loop3A_245], %parallel_loop3A_244 {strides = array<i32>} : memref<512xf32, #tpu.memory_space<vmem>>, vector<16xf32>,
      %parallel_loop3A_247 = arith.mulf %parallel_loop3A_225, %parallel_loop3A_234 : vector<16xf32>
      %parallel_loop3A_248 = arith.index_cast %parallel_loop3A_155 : i32 to index
      %parallel_loop3A_249 = tpu.vector_load %arg8[%parallel_loop3A_248] {strides = array<i32>} : memref<512xf32, #tpu.memory_space<vmem>>, vector<16xf32>,
      tpu.vector_store %arg8[%parallel_loop3A_248], %parallel_loop3A_247 {strides = array<i32>} : memref<512xf32, #tpu.memory_space<vmem>>, vector<16xf32>,
      %parallel_loop3A_250 = arith.mulf %parallel_loop3A_216, %parallel_loop3A_243 : vector<16xf32>
      %parallel_loop3A_251 = arith.index_cast %parallel_loop3A_155 : i32 to index
      %parallel_loop3A_252 = tpu.vector_load %arg9[%parallel_loop3A_251] {strides = array<i32>} : memref<512xf32, #tpu.memory_space<vmem>>, vector<16xf32>,
      tpu.vector_store %arg9[%parallel_loop3A_251], %parallel_loop3A_250 {strides = array<i32>} : memref<512xf32, #tpu.memory_space<vmem>>, vector<16xf32>,
      %parallel_loop3A_253 = arith.mulf %parallel_loop3A_225, %parallel_loop3A_243 : vector<16xf32>
      %parallel_loop3A_254 = arith.index_cast %parallel_loop3A_155 : i32 to index
      %parallel_loop3A_255 = tpu.vector_load %arg10[%parallel_loop3A_254] {strides = array<i32>} : memref<512xf32, #tpu.memory_space<vmem>>, vector<16xf32>,
      tpu.vector_store %arg10[%parallel_loop3A_254], %parallel_loop3A_253 {strides = array<i32>} : memref<512xf32, #tpu.memory_space<vmem>>, vector<16xf32>,
      %parallel_loop3A_256 = arith.constant 175 : i32
      %parallel_loop3A_257 = vector.broadcast %parallel_loop3A_256 : i32 to vector<16xi32>
      %parallel_loop3A_258 = arith.minsi %parallel_loop3A_208, %parallel_loop3A_257 : vector<16xi32>
      %parallel_loop3A_259 = arith.constant 1 : i32
      %parallel_loop3A_260 = vector.broadcast %parallel_loop3A_259 : i32 to vector<16xi32>
      %parallel_loop3A_261 = arith.addi %parallel_loop3A_208, %parallel_loop3A_260 : vector<16xi32>
      %parallel_loop3A_262 = arith.constant 175 : i32
      %parallel_loop3A_263 = vector.broadcast %parallel_loop3A_262 : i32 to vector<16xi32>
      %parallel_loop3A_264 = arith.minsi %parallel_loop3A_261, %parallel_loop3A_263 : vector<16xi32>
      %parallel_loop3A_265 = arith.constant 199 : i32
      %parallel_loop3A_266 = vector.broadcast %parallel_loop3A_265 : i32 to vector<16xi32>
      %parallel_loop3A_267 = arith.minsi %parallel_loop3A_209, %parallel_loop3A_266 : vector<16xi32>
      %parallel_loop3A_268 = arith.constant 1 : i32
      %parallel_loop3A_269 = vector.broadcast %parallel_loop3A_268 : i32 to vector<16xi32>
      %parallel_loop3A_270 = arith.addi %parallel_loop3A_209, %parallel_loop3A_269 : vector<16xi32>
      %parallel_loop3A_271 = arith.constant 199 : i32
      %parallel_loop3A_272 = vector.broadcast %parallel_loop3A_271 : i32 to vector<16xi32>
      %parallel_loop3A_273 = arith.minsi %parallel_loop3A_270, %parallel_loop3A_272 : vector<16xi32>
      %parallel_loop3A_274 = arith.constant 3 : i32
      %parallel_loop3A_275 = vector.broadcast %parallel_loop3A_274 : i32 to vector<16xi32>
      %parallel_loop3A_276 = arith.shrsi %parallel_loop3A_258, %parallel_loop3A_275 : vector<16xi32>
      %parallel_loop3A_277 = arith.constant 16 : i32
      %parallel_loop3A_278 = vector.broadcast %parallel_loop3A_277 : i32 to vector<16xi32>
      %parallel_loop3A_279 = arith.muli %parallel_loop3A_276, %parallel_loop3A_278 : vector<16xi32>
      %parallel_loop3A_280 = arith.constant 7 : i32
      %parallel_loop3A_281 = vector.broadcast %parallel_loop3A_280 : i32 to vector<16xi32>
      %parallel_loop3A_282 = arith.andi %parallel_loop3A_258, %parallel_loop3A_281 : vector<16xi32>
      %parallel_loop3A_283 = arith.addi %parallel_loop3A_279, %parallel_loop3A_282 : vector<16xi32>
      %parallel_loop3A_284 = arith.constant 3 : i32
      %parallel_loop3A_285 = vector.broadcast %parallel_loop3A_284 : i32 to vector<16xi32>
      %parallel_loop3A_286 = arith.shrsi %parallel_loop3A_264, %parallel_loop3A_285 : vector<16xi32>
      %parallel_loop3A_287 = arith.constant 16 : i32
      %parallel_loop3A_288 = vector.broadcast %parallel_loop3A_287 : i32 to vector<16xi32>
      %parallel_loop3A_289 = arith.muli %parallel_loop3A_286, %parallel_loop3A_288 : vector<16xi32>
      %parallel_loop3A_290 = arith.constant 7 : i32
      %parallel_loop3A_291 = vector.broadcast %parallel_loop3A_290 : i32 to vector<16xi32>
      %parallel_loop3A_292 = arith.andi %parallel_loop3A_264, %parallel_loop3A_291 : vector<16xi32>
      %parallel_loop3A_293 = arith.addi %parallel_loop3A_289, %parallel_loop3A_292 : vector<16xi32>
      %parallel_loop3A_294 = vector.broadcast %mul3A_59 : i32 to vector<16xi32>
      %parallel_loop3A_295 = arith.addi %parallel_loop3A_294, %parallel_loop3A_267 : vector<16xi32>
      %parallel_loop3A_296 = arith.constant 352 : i32
      %parallel_loop3A_297 = vector.broadcast %parallel_loop3A_296 : i32 to vector<16xi32>
      %parallel_loop3A_298 = arith.muli %parallel_loop3A_295, %parallel_loop3A_297 : vector<16xi32>
      %parallel_loop3A_299 = vector.broadcast %mul3A_59 : i32 to vector<16xi32>
      %parallel_loop3A_300 = arith.addi %parallel_loop3A_299, %parallel_loop3A_273 : vector<16xi32>
      %parallel_loop3A_301 = arith.constant 352 : i32
      %parallel_loop3A_302 = vector.broadcast %parallel_loop3A_301 : i32 to vector<16xi32>
      %parallel_loop3A_303 = arith.muli %parallel_loop3A_300, %parallel_loop3A_302 : vector<16xi32>
      %parallel_loop3A_304 = arith.constant 1 : i32
      %parallel_loop3A_305 = arith.shrsi %parallel_loop3A_153, %parallel_loop3A_304 : i32
      %parallel_loop3A_306 = vector.broadcast %parallel_loop3A_305 : i32 to vector<16xi32>
      %parallel_loop3A_307 = arith.addi %broadcast_in_dim3A_57, %parallel_loop3A_306 : vector<16xi32>
      %parallel_loop3A_308 = arith.constant 1 : i32
      %parallel_loop3A_309 = arith.andi %parallel_loop3A_153, %parallel_loop3A_308 : i32
      %parallel_loop3A_310 = arith.constant 128 : i32
      %parallel_loop3A_311 = arith.muli %parallel_loop3A_309, %parallel_loop3A_310 : i32
      %parallel_loop3A_312 = arith.addi %parallel_loop3A_298, %parallel_loop3A_283 : vector<16xi32>
      %parallel_loop3A_313 = arith.addi %parallel_loop3A_298, %parallel_loop3A_293 : vector<16xi32>
      %parallel_loop3A_314 = arith.addi %parallel_loop3A_303, %parallel_loop3A_283 : vector<16xi32>
      %parallel_loop3A_315 = arith.addi %parallel_loop3A_303, %parallel_loop3A_293 : vector<16xi32>
      %parallel_loop3A_316 = arith.constant 8 : i32
      %parallel_loop3A_317 = vector.broadcast %parallel_loop3A_316 : i32 to vector<16xi32>
      %parallel_loop3A_318 = arith.muli %iota3A, %parallel_loop3A_317 : vector<16xi32>
      %parallel_loop3A_319 = arith.constant 0 : i32
      %parallel_loop3A_320 = arith.addi %parallel_loop3A_311, %parallel_loop3A_319 : i32
      %parallel_loop3A_321 = arith.constant 0 : i32
      %parallel_loop3A_322 = arith.addi %parallel_loop3A_320, %parallel_loop3A_321 : i32
      %parallel_loop3A_323 = vector.broadcast %parallel_loop3A_322 : i32 to vector<16xi32>
      %parallel_loop3A_324 = arith.addi %parallel_loop3A_318, %parallel_loop3A_323 : vector<16xi32>
      %parallel_loop3A_325 = arith.constant 6 : i32
      %parallel_loop3A_326 = vector.broadcast %parallel_loop3A_325 : i32 to vector<16xi32>
      %parallel_loop3A_327 = arith.shrsi %parallel_loop3A_324, %parallel_loop3A_326 : vector<16xi32>
      %parallel_loop3A_328 = arith.constant 63 : i32
      %parallel_loop3A_329 = vector.broadcast %parallel_loop3A_328 : i32 to vector<16xi32>
      %parallel_loop3A_330 = arith.andi %parallel_loop3A_324, %parallel_loop3A_329 : vector<16xi32>
      %parallel_loop3A_331 = arith.constant 0 : i32
      %parallel_loop3A_332 = vector.broadcast %parallel_loop3A_331 : i32 to vector<16xi32>
      %parallel_loop3A_333 = arith.addi %parallel_loop3A_312, %parallel_loop3A_332 : vector<16xi32>
      tpu.vector_store_idx %arg11[%parallel_loop3A_307, %parallel_loop3A_327, %parallel_loop3A_330], %parallel_loop3A_333 : memref<16x4x64xi32, #tpu.memory_space<vmem>>[vector<16xi32>, vector<16xi32>, vector<16xi32>], vector<16xi32>,
      %parallel_loop3A_334 = arith.constant 8 : i32
      %parallel_loop3A_335 = vector.broadcast %parallel_loop3A_334 : i32 to vector<16xi32>
      %parallel_loop3A_336 = arith.muli %iota3A, %parallel_loop3A_335 : vector<16xi32>
      %parallel_loop3A_337 = arith.constant 0 : i32
      %parallel_loop3A_338 = arith.addi %parallel_loop3A_311, %parallel_loop3A_337 : i32
      %parallel_loop3A_339 = arith.constant 1 : i32
      %parallel_loop3A_340 = arith.addi %parallel_loop3A_338, %parallel_loop3A_339 : i32
      %parallel_loop3A_341 = vector.broadcast %parallel_loop3A_340 : i32 to vector<16xi32>
      %parallel_loop3A_342 = arith.addi %parallel_loop3A_336, %parallel_loop3A_341 : vector<16xi32>
      %parallel_loop3A_343 = arith.constant 6 : i32
      %parallel_loop3A_344 = vector.broadcast %parallel_loop3A_343 : i32 to vector<16xi32>
      %parallel_loop3A_345 = arith.shrsi %parallel_loop3A_342, %parallel_loop3A_344 : vector<16xi32>
      %parallel_loop3A_346 = arith.constant 63 : i32
      %parallel_loop3A_347 = vector.broadcast %parallel_loop3A_346 : i32 to vector<16xi32>
      %parallel_loop3A_348 = arith.andi %parallel_loop3A_342, %parallel_loop3A_347 : vector<16xi32>
      %parallel_loop3A_349 = arith.constant 8 : i32
      %parallel_loop3A_350 = vector.broadcast %parallel_loop3A_349 : i32 to vector<16xi32>
      %parallel_loop3A_351 = arith.addi %parallel_loop3A_312, %parallel_loop3A_350 : vector<16xi32>
      tpu.vector_store_idx %arg11[%parallel_loop3A_307, %parallel_loop3A_345, %parallel_loop3A_348], %parallel_loop3A_351 : memref<16x4x64xi32, #tpu.memory_space<vmem>>[vector<16xi32>, vector<16xi32>, vector<16xi32>], vector<16xi32>,
      %parallel_loop3A_352 = arith.constant 8 : i32
      %parallel_loop3A_353 = vector.broadcast %parallel_loop3A_352 : i32 to vector<16xi32>
      %parallel_loop3A_354 = arith.muli %iota3A, %parallel_loop3A_353 : vector<16xi32>
      %parallel_loop3A_355 = arith.constant 2 : i32
      %parallel_loop3A_356 = arith.addi %parallel_loop3A_311, %parallel_loop3A_355 : i32
      %parallel_loop3A_357 = arith.constant 0 : i32
      %parallel_loop3A_358 = arith.addi %parallel_loop3A_356, %parallel_loop3A_357 : i32
      %parallel_loop3A_359 = vector.broadcast %parallel_loop3A_358 : i32 to vector<16xi32>
      %parallel_loop3A_360 = arith.addi %parallel_loop3A_354, %parallel_loop3A_359 : vector<16xi32>
      %parallel_loop3A_361 = arith.constant 6 : i32
      %parallel_loop3A_362 = vector.broadcast %parallel_loop3A_361 : i32 to vector<16xi32>
      %parallel_loop3A_363 = arith.shrsi %parallel_loop3A_360, %parallel_loop3A_362 : vector<16xi32>
      %parallel_loop3A_364 = arith.constant 63 : i32
      %parallel_loop3A_365 = vector.broadcast %parallel_loop3A_364 : i32 to vector<16xi32>
      %parallel_loop3A_366 = arith.andi %parallel_loop3A_360, %parallel_loop3A_365 : vector<16xi32>
      %parallel_loop3A_367 = arith.constant 0 : i32
      %parallel_loop3A_368 = vector.broadcast %parallel_loop3A_367 : i32 to vector<16xi32>
      %parallel_loop3A_369 = arith.addi %parallel_loop3A_313, %parallel_loop3A_368 : vector<16xi32>
      tpu.vector_store_idx %arg11[%parallel_loop3A_307, %parallel_loop3A_363, %parallel_loop3A_366], %parallel_loop3A_369 : memref<16x4x64xi32, #tpu.memory_space<vmem>>[vector<16xi32>, vector<16xi32>, vector<16xi32>], vector<16xi32>,
      %parallel_loop3A_370 = arith.constant 8 : i32
      %parallel_loop3A_371 = vector.broadcast %parallel_loop3A_370 : i32 to vector<16xi32>
      %parallel_loop3A_372 = arith.muli %iota3A, %parallel_loop3A_371 : vector<16xi32>
      %parallel_loop3A_373 = arith.constant 2 : i32
      %parallel_loop3A_374 = arith.addi %parallel_loop3A_311, %parallel_loop3A_373 : i32
      %parallel_loop3A_375 = arith.constant 1 : i32
      %parallel_loop3A_376 = arith.addi %parallel_loop3A_374, %parallel_loop3A_375 : i32
      %parallel_loop3A_377 = vector.broadcast %parallel_loop3A_376 : i32 to vector<16xi32>
      %parallel_loop3A_378 = arith.addi %parallel_loop3A_372, %parallel_loop3A_377 : vector<16xi32>
      %parallel_loop3A_379 = arith.constant 6 : i32
      %parallel_loop3A_380 = vector.broadcast %parallel_loop3A_379 : i32 to vector<16xi32>
      %parallel_loop3A_381 = arith.shrsi %parallel_loop3A_378, %parallel_loop3A_380 : vector<16xi32>
      %parallel_loop3A_382 = arith.constant 63 : i32
      %parallel_loop3A_383 = vector.broadcast %parallel_loop3A_382 : i32 to vector<16xi32>
      %parallel_loop3A_384 = arith.andi %parallel_loop3A_378, %parallel_loop3A_383 : vector<16xi32>
      %parallel_loop3A_385 = arith.constant 8 : i32
      %parallel_loop3A_386 = vector.broadcast %parallel_loop3A_385 : i32 to vector<16xi32>
      %parallel_loop3A_387 = arith.addi %parallel_loop3A_313, %parallel_loop3A_386 : vector<16xi32>
      tpu.vector_store_idx %arg11[%parallel_loop3A_307, %parallel_loop3A_381, %parallel_loop3A_384], %parallel_loop3A_387 : memref<16x4x64xi32, #tpu.memory_space<vmem>>[vector<16xi32>, vector<16xi32>, vector<16xi32>], vector<16xi32>,
      %parallel_loop3A_388 = arith.constant 8 : i32
      %parallel_loop3A_389 = vector.broadcast %parallel_loop3A_388 : i32 to vector<16xi32>
      %parallel_loop3A_390 = arith.muli %iota3A, %parallel_loop3A_389 : vector<16xi32>
      %parallel_loop3A_391 = arith.constant 4 : i32
      %parallel_loop3A_392 = arith.addi %parallel_loop3A_311, %parallel_loop3A_391 : i32
      %parallel_loop3A_393 = arith.constant 0 : i32
      %parallel_loop3A_394 = arith.addi %parallel_loop3A_392, %parallel_loop3A_393 : i32
      %parallel_loop3A_395 = vector.broadcast %parallel_loop3A_394 : i32 to vector<16xi32>
      %parallel_loop3A_396 = arith.addi %parallel_loop3A_390, %parallel_loop3A_395 : vector<16xi32>
      %parallel_loop3A_397 = arith.constant 6 : i32
      %parallel_loop3A_398 = vector.broadcast %parallel_loop3A_397 : i32 to vector<16xi32>
      %parallel_loop3A_399 = arith.shrsi %parallel_loop3A_396, %parallel_loop3A_398 : vector<16xi32>
      %parallel_loop3A_400 = arith.constant 63 : i32
      %parallel_loop3A_401 = vector.broadcast %parallel_loop3A_400 : i32 to vector<16xi32>
      %parallel_loop3A_402 = arith.andi %parallel_loop3A_396, %parallel_loop3A_401 : vector<16xi32>
      %parallel_loop3A_403 = arith.constant 0 : i32
      %parallel_loop3A_404 = vector.broadcast %parallel_loop3A_403 : i32 to vector<16xi32>
      %parallel_loop3A_405 = arith.addi %parallel_loop3A_314, %parallel_loop3A_404 : vector<16xi32>
      tpu.vector_store_idx %arg11[%parallel_loop3A_307, %parallel_loop3A_399, %parallel_loop3A_402], %parallel_loop3A_405 : memref<16x4x64xi32, #tpu.memory_space<vmem>>[vector<16xi32>, vector<16xi32>, vector<16xi32>], vector<16xi32>,
      %parallel_loop3A_406 = arith.constant 8 : i32
      %parallel_loop3A_407 = vector.broadcast %parallel_loop3A_406 : i32 to vector<16xi32>
      %parallel_loop3A_408 = arith.muli %iota3A, %parallel_loop3A_407 : vector<16xi32>
      %parallel_loop3A_409 = arith.constant 4 : i32
      %parallel_loop3A_410 = arith.addi %parallel_loop3A_311, %parallel_loop3A_409 : i32
      %parallel_loop3A_411 = arith.constant 1 : i32
      %parallel_loop3A_412 = arith.addi %parallel_loop3A_410, %parallel_loop3A_411 : i32
      %parallel_loop3A_413 = vector.broadcast %parallel_loop3A_412 : i32 to vector<16xi32>
      %parallel_loop3A_414 = arith.addi %parallel_loop3A_408, %parallel_loop3A_413 : vector<16xi32>
      %parallel_loop3A_415 = arith.constant 6 : i32
      %parallel_loop3A_416 = vector.broadcast %parallel_loop3A_415 : i32 to vector<16xi32>
      %parallel_loop3A_417 = arith.shrsi %parallel_loop3A_414, %parallel_loop3A_416 : vector<16xi32>
      %parallel_loop3A_418 = arith.constant 63 : i32
      %parallel_loop3A_419 = vector.broadcast %parallel_loop3A_418 : i32 to vector<16xi32>
      %parallel_loop3A_420 = arith.andi %parallel_loop3A_414, %parallel_loop3A_419 : vector<16xi32>
      %parallel_loop3A_421 = arith.constant 8 : i32
      %parallel_loop3A_422 = vector.broadcast %parallel_loop3A_421 : i32 to vector<16xi32>
      %parallel_loop3A_423 = arith.addi %parallel_loop3A_314, %parallel_loop3A_422 : vector<16xi32>
      tpu.vector_store_idx %arg11[%parallel_loop3A_307, %parallel_loop3A_417, %parallel_loop3A_420], %parallel_loop3A_423 : memref<16x4x64xi32, #tpu.memory_space<vmem>>[vector<16xi32>, vector<16xi32>, vector<16xi32>], vector<16xi32>,
      %parallel_loop3A_424 = arith.constant 8 : i32
      %parallel_loop3A_425 = vector.broadcast %parallel_loop3A_424 : i32 to vector<16xi32>
      %parallel_loop3A_426 = arith.muli %iota3A, %parallel_loop3A_425 : vector<16xi32>
      %parallel_loop3A_427 = arith.constant 6 : i32
      %parallel_loop3A_428 = arith.addi %parallel_loop3A_311, %parallel_loop3A_427 : i32
      %parallel_loop3A_429 = arith.constant 0 : i32
      %parallel_loop3A_430 = arith.addi %parallel_loop3A_428, %parallel_loop3A_429 : i32
      %parallel_loop3A_431 = vector.broadcast %parallel_loop3A_430 : i32 to vector<16xi32>
      %parallel_loop3A_432 = arith.addi %parallel_loop3A_426, %parallel_loop3A_431 : vector<16xi32>
      %parallel_loop3A_433 = arith.constant 6 : i32
      %parallel_loop3A_434 = vector.broadcast %parallel_loop3A_433 : i32 to vector<16xi32>
      %parallel_loop3A_435 = arith.shrsi %parallel_loop3A_432, %parallel_loop3A_434 : vector<16xi32>
      %parallel_loop3A_436 = arith.constant 63 : i32
      %parallel_loop3A_437 = vector.broadcast %parallel_loop3A_436 : i32 to vector<16xi32>
      %parallel_loop3A_438 = arith.andi %parallel_loop3A_432, %parallel_loop3A_437 : vector<16xi32>
      %parallel_loop3A_439 = arith.constant 0 : i32
      %parallel_loop3A_440 = vector.broadcast %parallel_loop3A_439 : i32 to vector<16xi32>
      %parallel_loop3A_441 = arith.addi %parallel_loop3A_315, %parallel_loop3A_440 : vector<16xi32>
      tpu.vector_store_idx %arg11[%parallel_loop3A_307, %parallel_loop3A_435, %parallel_loop3A_438], %parallel_loop3A_441 : memref<16x4x64xi32, #tpu.memory_space<vmem>>[vector<16xi32>, vector<16xi32>, vector<16xi32>], vector<16xi32>,
      %parallel_loop3A_442 = arith.constant 8 : i32
      %parallel_loop3A_443 = vector.broadcast %parallel_loop3A_442 : i32 to vector<16xi32>
      %parallel_loop3A_444 = arith.muli %iota3A, %parallel_loop3A_443 : vector<16xi32>
      %parallel_loop3A_445 = arith.constant 6 : i32
      %parallel_loop3A_446 = arith.addi %parallel_loop3A_311, %parallel_loop3A_445 : i32
      %parallel_loop3A_447 = arith.constant 1 : i32
      %parallel_loop3A_448 = arith.addi %parallel_loop3A_446, %parallel_loop3A_447 : i32
      %parallel_loop3A_449 = vector.broadcast %parallel_loop3A_448 : i32 to vector<16xi32>
      %parallel_loop3A_450 = arith.addi %parallel_loop3A_444, %parallel_loop3A_449 : vector<16xi32>
      %parallel_loop3A_451 = arith.constant 6 : i32
      %parallel_loop3A_452 = vector.broadcast %parallel_loop3A_451 : i32 to vector<16xi32>
      %parallel_loop3A_453 = arith.shrsi %parallel_loop3A_450, %parallel_loop3A_452 : vector<16xi32>
      %parallel_loop3A_454 = arith.constant 63 : i32
      %parallel_loop3A_455 = vector.broadcast %parallel_loop3A_454 : i32 to vector<16xi32>
      %parallel_loop3A_456 = arith.andi %parallel_loop3A_450, %parallel_loop3A_455 : vector<16xi32>
      %parallel_loop3A_457 = arith.constant 8 : i32
      %parallel_loop3A_458 = vector.broadcast %parallel_loop3A_457 : i32 to vector<16xi32>
      %parallel_loop3A_459 = arith.addi %parallel_loop3A_315, %parallel_loop3A_458 : vector<16xi32>
      tpu.vector_store_idx %arg11[%parallel_loop3A_307, %parallel_loop3A_453, %parallel_loop3A_456], %parallel_loop3A_459 : memref<16x4x64xi32, #tpu.memory_space<vmem>>[vector<16xi32>, vector<16xi32>, vector<16xi32>], vector<16xi32>,
    } {sc.loop_unroll_factor = 1 : i64, sc.parallel_access}
    %dma_start3A = arith.constant 0 : i32
    %dma_start3A_67 = arith.constant 0 : i32
    %dma_start3A_68 = arith.constant 0 : i32
    %dma_start3A_69 = arith.constant 0 : i32
    %dma_start3A_70 = tpu.memref_slice %arg12[%dma_start3A_68, %dma_start3A_69] : memref<256x128xf32, #tpu.memory_space<vmem>> -> memref<64x128xf32, #tpu.memory_space<vmem>>
    %dma_start3A_71 = arith.constant 0 : i32
    %dma_start3A_72 = tpu.memref_slice %arg11[%dma_start3A, %dma_start3A_67, %dma_start3A_71] : memref<16x4x64xi32, #tpu.memory_space<vmem>> -> memref<1x1x64xi32, #tpu.memory_space<vmem>>
    %dma_start3A_73 = tpu.memref_squeeze %dma_start3A_72 : memref<1x1x64xi32, #tpu.memory_space<vmem>> -> memref<64xi32, #tpu.memory_space<vmem>>
    %dma_start3A_74 = arith.constant 0 : i32
    %dma_start3A_75 = arith.constant 0 : i32
    %dma_start3A_76 = tpu.memref_slice %arg2[%dma_start3A_74, %dma_start3A_75] : memref<281600x128xf32, #tpu.memory_space<hbm>> -> memref<281600x128xf32, #tpu.memory_space<hbm>>
    tpu.enqueue_indirect_dma source(%dma_start3A_76 : memref<281600x128xf32, #tpu.memory_space<hbm>>) target(%dma_start3A_70 : memref<64x128xf32, #tpu.memory_space<vmem>>) offsets(%dma_start3A_73 : memref<64xi32, #tpu.memory_space<vmem>>) semaphore(%arg16 : memref<!tpu.dma_semaphore, #tpu.memory_space<semaphore_mem>>)
    %dma_start3A_77 = arith.constant 0 : i32
    %dma_start3A_78 = arith.constant 1 : i32
    %dma_start3A_79 = arith.constant 64 : i32
    %dma_start3A_80 = arith.constant 0 : i32
    %dma_start3A_81 = tpu.memref_slice %arg12[%dma_start3A_79, %dma_start3A_80] : memref<256x128xf32, #tpu.memory_space<vmem>> -> memref<64x128xf32, #tpu.memory_space<vmem>>
    %dma_start3A_82 = arith.constant 0 : i32
    %dma_start3A_83 = tpu.memref_slice %arg11[%dma_start3A_77, %dma_start3A_78, %dma_start3A_82] : memref<16x4x64xi32, #tpu.memory_space<vmem>> -> memref<1x1x64xi32, #tpu.memory_space<vmem>>
    %dma_start3A_84 = tpu.memref_squeeze %dma_start3A_83 : memref<1x1x64xi32, #tpu.memory_space<vmem>> -> memref<64xi32, #tpu.memory_space<vmem>>
    %dma_start3A_85 = arith.constant 0 : i32
    %dma_start3A_86 = arith.constant 0 : i32
    %dma_start3A_87 = tpu.memref_slice %arg2[%dma_start3A_85, %dma_start3A_86] : memref<281600x128xf32, #tpu.memory_space<hbm>> -> memref<281600x128xf32, #tpu.memory_space<hbm>>
    tpu.enqueue_indirect_dma source(%dma_start3A_87 : memref<281600x128xf32, #tpu.memory_space<hbm>>) target(%dma_start3A_81 : memref<64x128xf32, #tpu.memory_space<vmem>>) offsets(%dma_start3A_84 : memref<64xi32, #tpu.memory_space<vmem>>) semaphore(%arg16 : memref<!tpu.dma_semaphore, #tpu.memory_space<semaphore_mem>>)
    %dma_start3A_88 = arith.constant 0 : i32
    %dma_start3A_89 = arith.constant 2 : i32
    %dma_start3A_90 = arith.constant 128 : i32
    %dma_start3A_91 = arith.constant 0 : i32
    %dma_start3A_92 = tpu.memref_slice %arg12[%dma_start3A_90, %dma_start3A_91] : memref<256x128xf32, #tpu.memory_space<vmem>> -> memref<64x128xf32, #tpu.memory_space<vmem>>
    %dma_start3A_93 = arith.constant 0 : i32
    %dma_start3A_94 = tpu.memref_slice %arg11[%dma_start3A_88, %dma_start3A_89, %dma_start3A_93] : memref<16x4x64xi32, #tpu.memory_space<vmem>> -> memref<1x1x64xi32, #tpu.memory_space<vmem>>
    %dma_start3A_95 = tpu.memref_squeeze %dma_start3A_94 : memref<1x1x64xi32, #tpu.memory_space<vmem>> -> memref<64xi32, #tpu.memory_space<vmem>>
    %dma_start3A_96 = arith.constant 0 : i32
    %dma_start3A_97 = arith.constant 0 : i32
    %dma_start3A_98 = tpu.memref_slice %arg2[%dma_start3A_96, %dma_start3A_97] : memref<281600x128xf32, #tpu.memory_space<hbm>> -> memref<281600x128xf32, #tpu.memory_space<hbm>>
    tpu.enqueue_indirect_dma source(%dma_start3A_98 : memref<281600x128xf32, #tpu.memory_space<hbm>>) target(%dma_start3A_92 : memref<64x128xf32, #tpu.memory_space<vmem>>) offsets(%dma_start3A_95 : memref<64xi32, #tpu.memory_space<vmem>>) semaphore(%arg16 : memref<!tpu.dma_semaphore, #tpu.memory_space<semaphore_mem>>)
    %dma_start3A_99 = arith.constant 0 : i32
    %dma_start3A_100 = arith.constant 3 : i32
    %dma_start3A_101 = arith.constant 192 : i32
    %dma_start3A_102 = arith.constant 0 : i32
    %dma_start3A_103 = tpu.memref_slice %arg12[%dma_start3A_101, %dma_start3A_102] : memref<256x128xf32, #tpu.memory_space<vmem>> -> memref<64x128xf32, #tpu.memory_space<vmem>>
    %dma_start3A_104 = arith.constant 0 : i32
    %dma_start3A_105 = tpu.memref_slice %arg11[%dma_start3A_99, %dma_start3A_100, %dma_start3A_104] : memref<16x4x64xi32, #tpu.memory_space<vmem>> -> memref<1x1x64xi32, #tpu.memory_space<vmem>>
    %dma_start3A_106 = tpu.memref_squeeze %dma_start3A_105 : memref<1x1x64xi32, #tpu.memory_space<vmem>> -> memref<64xi32, #tpu.memory_space<vmem>>
    %dma_start3A_107 = arith.constant 0 : i32
    %dma_start3A_108 = arith.constant 0 : i32
    %dma_start3A_109 = tpu.memref_slice %arg2[%dma_start3A_107, %dma_start3A_108] : memref<281600x128xf32, #tpu.memory_space<hbm>> -> memref<281600x128xf32, #tpu.memory_space<hbm>>
    tpu.enqueue_indirect_dma source(%dma_start3A_109 : memref<281600x128xf32, #tpu.memory_space<hbm>>) target(%dma_start3A_103 : memref<64x128xf32, #tpu.memory_space<vmem>>) offsets(%dma_start3A_106 : memref<64xi32, #tpu.memory_space<vmem>>) semaphore(%arg16 : memref<!tpu.dma_semaphore, #tpu.memory_space<semaphore_mem>>)
    %scan3A = arith.constant 0 : i32
    %scan3A_110 = arith.constant 8 : i32
    %scan3A_111 = arith.addi %scan3A, %scan3A_110 : i32
    %scan3A_112 = arith.constant 1 : i32
    scf.for %scan3A_153 = %scan3A to %scan3A_111 step %scan3A_112  : i32 {
      %mul3A_154 = arith.constant 1 : i32
      %mul3A_155 = arith.muli %scan3A_153, %mul3A_154 : i32
      %add3A_156 = arith.constant 0 : i32
      %add3A_157 = arith.addi %add3A_156, %mul3A_155 : i32
      %mul3A_158 = arith.constant 2 : i32
      %mul3A_159 = arith.muli %add3A_157, %mul3A_158 : i32
      %add3A_160 = arith.constant 0 : i32
      %add3A_161 = arith.addi %mul3A_159, %add3A_160 : i32
      %add3A_162 = arith.constant 1 : i32
      %add3A_163 = arith.addi %add3A_161, %add3A_162 : i32
      %lt3A_164 = arith.constant 16 : i32
      %lt3A_165 = arith.cmpi slt, %add3A_163, %lt3A_164 : i32
      %convert_element_type3A = arith.extui %lt3A_165 : i1 to i32
      %cond3A = arith.constant 0 : i32
      %cond3A_166 = arith.cmpi ne, %convert_element_type3A, %cond3A : i32
      scf.if %cond3A_166 {
        %add3A_327 = arith.constant 1 : i32
        %add3A_328 = arith.addi %add3A_161, %add3A_327 : i32
        %dma_start3A_329 = arith.constant 0 : i32
        %dma_start3A_330 = arith.constant 0 : i32
        %dma_start3A_331 = arith.constant 0 : i32
        %dma_start3A_332 = tpu.memref_slice %arg13[%dma_start3A_330, %dma_start3A_331] : memref<256x128xf32, #tpu.memory_space<vmem>> -> memref<64x128xf32, #tpu.memory_space<vmem>>
        %dma_start3A_333 = arith.constant 0 : i32
        %dma_start3A_334 = tpu.memref_slice %arg11[%add3A_328, %dma_start3A_329, %dma_start3A_333] : memref<16x4x64xi32, #tpu.memory_space<vmem>> -> memref<1x1x64xi32, #tpu.memory_space<vmem>>
        %dma_start3A_335 = tpu.memref_squeeze %dma_start3A_334 : memref<1x1x64xi32, #tpu.memory_space<vmem>> -> memref<64xi32, #tpu.memory_space<vmem>>
        %dma_start3A_336 = arith.constant 0 : i32
        %dma_start3A_337 = arith.constant 0 : i32
        %dma_start3A_338 = tpu.memref_slice %arg2[%dma_start3A_336, %dma_start3A_337] : memref<281600x128xf32, #tpu.memory_space<hbm>> -> memref<281600x128xf32, #tpu.memory_space<hbm>>
        tpu.enqueue_indirect_dma source(%dma_start3A_338 : memref<281600x128xf32, #tpu.memory_space<hbm>>) target(%dma_start3A_332 : memref<64x128xf32, #tpu.memory_space<vmem>>) offsets(%dma_start3A_335 : memref<64xi32, #tpu.memory_space<vmem>>) semaphore(%arg17 : memref<!tpu.dma_semaphore, #tpu.memory_space<semaphore_mem>>)
        %dma_start3A_339 = arith.constant 1 : i32
        %dma_start3A_340 = arith.constant 64 : i32
        %dma_start3A_341 = arith.constant 0 : i32
        %dma_start3A_342 = tpu.memref_slice %arg13[%dma_start3A_340, %dma_start3A_341] : memref<256x128xf32, #tpu.memory_space<vmem>> -> memref<64x128xf32, #tpu.memory_space<vmem>>
        %dma_start3A_343 = arith.constant 0 : i32
        %dma_start3A_344 = tpu.memref_slice %arg11[%add3A_328, %dma_start3A_339, %dma_start3A_343] : memref<16x4x64xi32, #tpu.memory_space<vmem>> -> memref<1x1x64xi32, #tpu.memory_space<vmem>>
        %dma_start3A_345 = tpu.memref_squeeze %dma_start3A_344 : memref<1x1x64xi32, #tpu.memory_space<vmem>> -> memref<64xi32, #tpu.memory_space<vmem>>
        %dma_start3A_346 = arith.constant 0 : i32
        %dma_start3A_347 = arith.constant 0 : i32
        %dma_start3A_348 = tpu.memref_slice %arg2[%dma_start3A_346, %dma_start3A_347] : memref<281600x128xf32, #tpu.memory_space<hbm>> -> memref<281600x128xf32, #tpu.memory_space<hbm>>
        tpu.enqueue_indirect_dma source(%dma_start3A_348 : memref<281600x128xf32, #tpu.memory_space<hbm>>) target(%dma_start3A_342 : memref<64x128xf32, #tpu.memory_space<vmem>>) offsets(%dma_start3A_345 : memref<64xi32, #tpu.memory_space<vmem>>) semaphore(%arg17 : memref<!tpu.dma_semaphore, #tpu.memory_space<semaphore_mem>>)
        %dma_start3A_349 = arith.constant 2 : i32
        %dma_start3A_350 = arith.constant 128 : i32
        %dma_start3A_351 = arith.constant 0 : i32
        %dma_start3A_352 = tpu.memref_slice %arg13[%dma_start3A_350, %dma_start3A_351] : memref<256x128xf32, #tpu.memory_space<vmem>> -> memref<64x128xf32, #tpu.memory_space<vmem>>
        %dma_start3A_353 = arith.constant 0 : i32
        %dma_start3A_354 = tpu.memref_slice %arg11[%add3A_328, %dma_start3A_349, %dma_start3A_353] : memref<16x4x64xi32, #tpu.memory_space<vmem>> -> memref<1x1x64xi32, #tpu.memory_space<vmem>>
        %dma_start3A_355 = tpu.memref_squeeze %dma_start3A_354 : memref<1x1x64xi32, #tpu.memory_space<vmem>> -> memref<64xi32, #tpu.memory_space<vmem>>
        %dma_start3A_356 = arith.constant 0 : i32
        %dma_start3A_357 = arith.constant 0 : i32
        %dma_start3A_358 = tpu.memref_slice %arg2[%dma_start3A_356, %dma_start3A_357] : memref<281600x128xf32, #tpu.memory_space<hbm>> -> memref<281600x128xf32, #tpu.memory_space<hbm>>
        tpu.enqueue_indirect_dma source(%dma_start3A_358 : memref<281600x128xf32, #tpu.memory_space<hbm>>) target(%dma_start3A_352 : memref<64x128xf32, #tpu.memory_space<vmem>>) offsets(%dma_start3A_355 : memref<64xi32, #tpu.memory_space<vmem>>) semaphore(%arg17 : memref<!tpu.dma_semaphore, #tpu.memory_space<semaphore_mem>>)
        %dma_start3A_359 = arith.constant 3 : i32
        %dma_start3A_360 = arith.constant 192 : i32
        %dma_start3A_361 = arith.constant 0 : i32
        %dma_start3A_362 = tpu.memref_slice %arg13[%dma_start3A_360, %dma_start3A_361] : memref<256x128xf32, #tpu.memory_space<vmem>> -> memref<64x128xf32, #tpu.memory_space<vmem>>
        %dma_start3A_363 = arith.constant 0 : i32
        %dma_start3A_364 = tpu.memref_slice %arg11[%add3A_328, %dma_start3A_359, %dma_start3A_363] : memref<16x4x64xi32, #tpu.memory_space<vmem>> -> memref<1x1x64xi32, #tpu.memory_space<vmem>>
        %dma_start3A_365 = tpu.memref_squeeze %dma_start3A_364 : memref<1x1x64xi32, #tpu.memory_space<vmem>> -> memref<64xi32, #tpu.memory_space<vmem>>
        %dma_start3A_366 = arith.constant 0 : i32
        %dma_start3A_367 = arith.constant 0 : i32
        %dma_start3A_368 = tpu.memref_slice %arg2[%dma_start3A_366, %dma_start3A_367] : memref<281600x128xf32, #tpu.memory_space<hbm>> -> memref<281600x128xf32, #tpu.memory_space<hbm>>
        tpu.enqueue_indirect_dma source(%dma_start3A_368 : memref<281600x128xf32, #tpu.memory_space<hbm>>) target(%dma_start3A_362 : memref<64x128xf32, #tpu.memory_space<vmem>>) offsets(%dma_start3A_365 : memref<64xi32, #tpu.memory_space<vmem>>) semaphore(%arg17 : memref<!tpu.dma_semaphore, #tpu.memory_space<semaphore_mem>>)
      } else {
      }
      %dma_wait3A_167 = arith.constant 0 : i32
      %dma_wait3A_168 = arith.constant 0 : i32
      %dma_wait3A_169 = arith.constant 0 : i32
      %dma_wait3A_170 = arith.constant 0 : i32
      %dma_wait3A_171 = tpu.memref_slice %arg12[%dma_wait3A_169, %dma_wait3A_170] : memref<256x128xf32, #tpu.memory_space<vmem>> -> memref<64x128xf32, #tpu.memory_space<vmem>>
      %dma_wait3A_172 = arith.constant 0 : i32
      %dma_wait3A_173 = tpu.memref_slice %arg11[%dma_wait3A_167, %dma_wait3A_168, %dma_wait3A_172] : memref<16x4x64xi32, #tpu.memory_space<vmem>> -> memref<1x1x64xi32, #tpu.memory_space<vmem>>
      %dma_wait3A_174 = tpu.memref_squeeze %dma_wait3A_173 : memref<1x1x64xi32, #tpu.memory_space<vmem>> -> memref<64xi32, #tpu.memory_space<vmem>>
      %dma_wait3A_175 = arith.constant 0 : i32
      %dma_wait3A_176 = arith.constant 0 : i32
      %dma_wait3A_177 = tpu.memref_slice %arg2[%dma_wait3A_175, %dma_wait3A_176] : memref<281600x128xf32, #tpu.memory_space<hbm>> -> memref<281600x128xf32, #tpu.memory_space<hbm>>
      tpu.wait_indirect_dma semaphore(%arg16 : memref<!tpu.dma_semaphore, #tpu.memory_space<semaphore_mem>>) src(%dma_wait3A_177 : memref<281600x128xf32, #tpu.memory_space<hbm>>) dst(%dma_wait3A_171 : memref<64x128xf32, #tpu.memory_space<vmem>>)
      %dma_wait3A_178 = arith.constant 0 : i32
      %dma_wait3A_179 = arith.constant 0 : i32
      %dma_wait3A_180 = arith.constant 0 : i32
      %dma_wait3A_181 = arith.constant 0 : i32
      %dma_wait3A_182 = tpu.memref_slice %arg12[%dma_wait3A_180, %dma_wait3A_181] : memref<256x128xf32, #tpu.memory_space<vmem>> -> memref<64x128xf32, #tpu.memory_space<vmem>>
      %dma_wait3A_183 = arith.constant 0 : i32
      %dma_wait3A_184 = tpu.memref_slice %arg11[%dma_wait3A_178, %dma_wait3A_179, %dma_wait3A_183] : memref<16x4x64xi32, #tpu.memory_space<vmem>> -> memref<1x1x64xi32, #tpu.memory_space<vmem>>
      %dma_wait3A_185 = tpu.memref_squeeze %dma_wait3A_184 : memref<1x1x64xi32, #tpu.memory_space<vmem>> -> memref<64xi32, #tpu.memory_space<vmem>>
      %dma_wait3A_186 = arith.constant 0 : i32
      %dma_wait3A_187 = arith.constant 0 : i32
      %dma_wait3A_188 = tpu.memref_slice %arg2[%dma_wait3A_186, %dma_wait3A_187] : memref<281600x128xf32, #tpu.memory_space<hbm>> -> memref<281600x128xf32, #tpu.memory_space<hbm>>
      tpu.wait_indirect_dma semaphore(%arg16 : memref<!tpu.dma_semaphore, #tpu.memory_space<semaphore_mem>>) src(%dma_wait3A_188 : memref<281600x128xf32, #tpu.memory_space<hbm>>) dst(%dma_wait3A_182 : memref<64x128xf32, #tpu.memory_space<vmem>>)
      %dma_wait3A_189 = arith.constant 0 : i32
      %dma_wait3A_190 = arith.constant 0 : i32
      %dma_wait3A_191 = arith.constant 0 : i32
      %dma_wait3A_192 = arith.constant 0 : i32
      %dma_wait3A_193 = tpu.memref_slice %arg12[%dma_wait3A_191, %dma_wait3A_192] : memref<256x128xf32, #tpu.memory_space<vmem>> -> memref<64x128xf32, #tpu.memory_space<vmem>>
      %dma_wait3A_194 = arith.constant 0 : i32
      %dma_wait3A_195 = tpu.memref_slice %arg11[%dma_wait3A_189, %dma_wait3A_190, %dma_wait3A_194] : memref<16x4x64xi32, #tpu.memory_space<vmem>> -> memref<1x1x64xi32, #tpu.memory_space<vmem>>
      %dma_wait3A_196 = tpu.memref_squeeze %dma_wait3A_195 : memref<1x1x64xi32, #tpu.memory_space<vmem>> -> memref<64xi32, #tpu.memory_space<vmem>>
      %dma_wait3A_197 = arith.constant 0 : i32
      %dma_wait3A_198 = arith.constant 0 : i32
      %dma_wait3A_199 = tpu.memref_slice %arg2[%dma_wait3A_197, %dma_wait3A_198] : memref<281600x128xf32, #tpu.memory_space<hbm>> -> memref<281600x128xf32, #tpu.memory_space<hbm>>
      tpu.wait_indirect_dma semaphore(%arg16 : memref<!tpu.dma_semaphore, #tpu.memory_space<semaphore_mem>>) src(%dma_wait3A_199 : memref<281600x128xf32, #tpu.memory_space<hbm>>) dst(%dma_wait3A_193 : memref<64x128xf32, #tpu.memory_space<vmem>>)
      %dma_wait3A_200 = arith.constant 0 : i32
      %dma_wait3A_201 = arith.constant 0 : i32
      %dma_wait3A_202 = arith.constant 0 : i32
      %dma_wait3A_203 = arith.constant 0 : i32
      %dma_wait3A_204 = tpu.memref_slice %arg12[%dma_wait3A_202, %dma_wait3A_203] : memref<256x128xf32, #tpu.memory_space<vmem>> -> memref<64x128xf32, #tpu.memory_space<vmem>>
      %dma_wait3A_205 = arith.constant 0 : i32
      %dma_wait3A_206 = tpu.memref_slice %arg11[%dma_wait3A_200, %dma_wait3A_201, %dma_wait3A_205] : memref<16x4x64xi32, #tpu.memory_space<vmem>> -> memref<1x1x64xi32, #tpu.memory_space<vmem>>
      %dma_wait3A_207 = tpu.memref_squeeze %dma_wait3A_206 : memref<1x1x64xi32, #tpu.memory_space<vmem>> -> memref<64xi32, #tpu.memory_space<vmem>>
      %dma_wait3A_208 = arith.constant 0 : i32
      %dma_wait3A_209 = arith.constant 0 : i32
      %dma_wait3A_210 = tpu.memref_slice %arg2[%dma_wait3A_208, %dma_wait3A_209] : memref<281600x128xf32, #tpu.memory_space<hbm>> -> memref<281600x128xf32, #tpu.memory_space<hbm>>
      tpu.wait_indirect_dma semaphore(%arg16 : memref<!tpu.dma_semaphore, #tpu.memory_space<semaphore_mem>>) src(%dma_wait3A_210 : memref<281600x128xf32, #tpu.memory_space<hbm>>) dst(%dma_wait3A_204 : memref<64x128xf32, #tpu.memory_space<vmem>>)
      %ge3A = arith.constant 2 : i32
      %ge3A_211 = arith.cmpi sge, %add3A_161, %ge3A : i32
      %convert_element_type3A_212 = arith.extui %ge3A_211 : i1 to i32
      %cond3A_213 = arith.constant 0 : i32
      %cond3A_214 = arith.cmpi ne, %convert_element_type3A_212, %cond3A_213 : i32
      scf.if %cond3A_214 {
        %dma_wait3A_327 = arith.constant 0 : i32
        %dma_wait3A_328 = arith.constant 0 : i32
        %dma_wait3A_329 = arith.constant 0 : i32
        %dma_wait3A_330 = arith.constant 0 : i32
        %dma_wait3A_331 = arith.constant 0 : i32
        %dma_wait3A_332 = tpu.memref_slice %arg14[%dma_wait3A_329, %dma_wait3A_330, %dma_wait3A_331] : memref<32x8x33xf32, #tpu.memory_space<vmem>> -> memref<32x8x32xf32, #tpu.memory_space<vmem>>
        %dma_wait3A_333 = arith.constant 0 : i32
        %dma_wait3A_334 = arith.constant 0 : i32
        %dma_wait3A_335 = arith.constant 0 : i32
        %dma_wait3A_336 = tpu.memref_slice %arg4[%dma_wait3A_327, %dma_wait3A_333, %dma_wait3A_328, %dma_wait3A_334, %dma_wait3A_335] : memref<4x32x32x8x128xf32, #tpu.memory_space<hbm>> -> memref<1x32x1x8x32xf32, #tpu.memory_space<hbm>>
        %dma_wait3A_337 = tpu.memref_squeeze %dma_wait3A_336 : memref<1x32x1x8x32xf32, #tpu.memory_space<hbm>> -> memref<32x8x32xf32, #tpu.memory_space<hbm>>
        %dma_wait3A_338 = arith.constant 0 : i32
        %dma_wait3A_339 = arith.constant 0 : i32
        %dma_wait3A_340 = arith.constant 0 : i32
        %dma_wait3A_341 = tpu.memref_slice %arg4[%dma_wait3A_327, %dma_wait3A_338, %dma_wait3A_328, %dma_wait3A_339, %dma_wait3A_340] : memref<4x32x32x8x128xf32, #tpu.memory_space<hbm>> -> memref<1x32x1x8x32xf32, #tpu.memory_space<hbm>>
        %dma_wait3A_342 = tpu.memref_squeeze %dma_wait3A_341 : memref<1x32x1x8x32xf32, #tpu.memory_space<hbm>> -> memref<32x8x32xf32, #tpu.memory_space<hbm>>
        %dma_wait3A_343 = arith.constant 0 : i32
        %dma_wait3A_344 = arith.constant 0 : i32
        %dma_wait3A_345 = arith.constant 0 : i32
        %dma_wait3A_346 = tpu.memref_slice %arg14[%dma_wait3A_343, %dma_wait3A_344, %dma_wait3A_345] : memref<32x8x33xf32, #tpu.memory_space<vmem>> -> memref<32x8x32xf32, #tpu.memory_space<vmem>>
        tpu.wait_dma2 semaphore(%arg18 : memref<!tpu.dma_semaphore, #tpu.memory_space<semaphore_mem>>) src(%dma_wait3A_346 : memref<32x8x32xf32, #tpu.memory_space<vmem>>) dst(%dma_wait3A_342 : memref<32x8x32xf32, #tpu.memory_space<hbm>>)
      } else {
      }
      %parallel_loop3A_215 = arith.constant 0 : i32
      %parallel_loop3A_216 = arith.constant 32 : i32
      %parallel_loop3A_217 = arith.constant 1 : i32
      scf.for %parallel_loop3A_327 = %parallel_loop3A_215 to %parallel_loop3A_216 step %parallel_loop3A_217  : i32 {
        %parallel_loop3A_328 = arith.constant 32 : i32
        %parallel_loop3A_329 = arith.muli %add3A_161, %parallel_loop3A_328 : i32
        %parallel_loop3A_330 = arith.constant -16 : i32
        %parallel_loop3A_331 = arith.andi %parallel_loop3A_327, %parallel_loop3A_330 : i32
        %parallel_loop3A_332 = arith.addi %parallel_loop3A_329, %parallel_loop3A_331 : i32
        %parallel_loop3A_333 = arith.constant 15 : i32
        %parallel_loop3A_334 = arith.andi %parallel_loop3A_327, %parallel_loop3A_333 : i32
        %parallel_loop3A_335 = vector.broadcast %parallel_loop3A_334 : i32 to vector<16xi32>
        %parallel_loop3A_336 = arith.addi %broadcast_in_dim3A_57, %parallel_loop3A_335 : vector<16xi32>
        %parallel_loop3A_337 = arith.index_cast %parallel_loop3A_332 : i32 to index
        %parallel_loop3A_338 = tpu.vector_load %arg7[%parallel_loop3A_337] {strides = array<i32>} : memref<512xf32, #tpu.memory_space<vmem>>, vector<16xf32>,
        %parallel_loop3A_339 = vector.shape_cast %parallel_loop3A_336 : vector<16xi32> to vector<16x1xi32>
        %parallel_loop3A_340 = vector.shape_cast %parallel_loop3A_339 : vector<16x1xi32> to vector<16xi32>
        %parallel_loop3A_341 = tpu.dynamic_gather %parallel_loop3A_338[%parallel_loop3A_340] in [0] : vector<16xf32>, vector<16xi32> -> vector<16xf32>
        %parallel_loop3A_342 = arith.index_cast %parallel_loop3A_332 : i32 to index
        %parallel_loop3A_343 = tpu.vector_load %arg8[%parallel_loop3A_342] {strides = array<i32>} : memref<512xf32, #tpu.memory_space<vmem>>, vector<16xf32>,
        %parallel_loop3A_344 = vector.shape_cast %parallel_loop3A_336 : vector<16xi32> to vector<16x1xi32>
        %parallel_loop3A_345 = vector.shape_cast %parallel_loop3A_344 : vector<16x1xi32> to vector<16xi32>
        %parallel_loop3A_346 = tpu.dynamic_gather %parallel_loop3A_343[%parallel_loop3A_345] in [0] : vector<16xf32>, vector<16xi32> -> vector<16xf32>
        %parallel_loop3A_347 = arith.index_cast %parallel_loop3A_332 : i32 to index
        %parallel_loop3A_348 = tpu.vector_load %arg9[%parallel_loop3A_347] {strides = array<i32>} : memref<512xf32, #tpu.memory_space<vmem>>, vector<16xf32>,
        %parallel_loop3A_349 = vector.shape_cast %parallel_loop3A_336 : vector<16xi32> to vector<16x1xi32>
        %parallel_loop3A_350 = vector.shape_cast %parallel_loop3A_349 : vector<16x1xi32> to vector<16xi32>
        %parallel_loop3A_351 = tpu.dynamic_gather %parallel_loop3A_348[%parallel_loop3A_350] in [0] : vector<16xf32>, vector<16xi32> -> vector<16xf32>
        %parallel_loop3A_352 = arith.index_cast %parallel_loop3A_332 : i32 to index
        %parallel_loop3A_353 = tpu.vector_load %arg10[%parallel_loop3A_352] {strides = array<i32>} : memref<512xf32, #tpu.memory_space<vmem>>, vector<16xf32>,
        %parallel_loop3A_354 = vector.shape_cast %parallel_loop3A_336 : vector<16xi32> to vector<16x1xi32>
        %parallel_loop3A_355 = vector.shape_cast %parallel_loop3A_354 : vector<16x1xi32> to vector<16xi32>
        %parallel_loop3A_356 = tpu.dynamic_gather %parallel_loop3A_353[%parallel_loop3A_355] in [0] : vector<16xf32>, vector<16xi32> -> vector<16xf32>
        %parallel_loop3A_357 = vector.broadcast %parallel_loop3A_327 : i32 to vector<16xi32>
        %parallel_loop3A_358 = arith.addi %broadcast_in_dim3A_57, %parallel_loop3A_357 : vector<16xi32>
        %parallel_loop3A_359 = arith.constant 8 : i32
        %parallel_loop3A_360 = arith.muli %parallel_loop3A_327, %parallel_loop3A_359 : i32
        %parallel_loop3A_361 = arith.constant 0 : i32
        %parallel_loop3A_362 = arith.addi %parallel_loop3A_360, %parallel_loop3A_361 : i32
        %parallel_loop3A_363 = arith.index_cast %parallel_loop3A_362 : i32 to index
        %parallel_loop3A_364 = arith.constant 0 : index
        %parallel_loop3A_365 = tpu.vector_load %arg12[%parallel_loop3A_363, %parallel_loop3A_364] {strides = array<i32>} : memref<256x128xf32, #tpu.memory_space<vmem>>, vector<16xf32>,
        %parallel_loop3A_366 = arith.mulf %parallel_loop3A_365, %parallel_loop3A_341 : vector<16xf32>
        %parallel_loop3A_367 = arith.constant 2 : i32
        %parallel_loop3A_368 = arith.addi %parallel_loop3A_360, %parallel_loop3A_367 : i32
        %parallel_loop3A_369 = arith.constant 0 : i32
        %parallel_loop3A_370 = arith.addi %parallel_loop3A_368, %parallel_loop3A_369 : i32
        %parallel_loop3A_371 = arith.index_cast %parallel_loop3A_370 : i32 to index
        %parallel_loop3A_372 = arith.constant 0 : index
        %parallel_loop3A_373 = tpu.vector_load %arg12[%parallel_loop3A_371, %parallel_loop3A_372] {strides = array<i32>} : memref<256x128xf32, #tpu.memory_space<vmem>>, vector<16xf32>,
        %parallel_loop3A_374 = arith.mulf %parallel_loop3A_373, %parallel_loop3A_346 : vector<16xf32>
        %parallel_loop3A_375 = arith.addf %parallel_loop3A_366, %parallel_loop3A_374 : vector<16xf32>
        %parallel_loop3A_376 = arith.constant 4 : i32
        %parallel_loop3A_377 = arith.addi %parallel_loop3A_360, %parallel_loop3A_376 : i32
        %parallel_loop3A_378 = arith.constant 0 : i32
        %parallel_loop3A_379 = arith.addi %parallel_loop3A_377, %parallel_loop3A_378 : i32
        %parallel_loop3A_380 = arith.index_cast %parallel_loop3A_379 : i32 to index
        %parallel_loop3A_381 = arith.constant 0 : index
        %parallel_loop3A_382 = tpu.vector_load %arg12[%parallel_loop3A_380, %parallel_loop3A_381] {strides = array<i32>} : memref<256x128xf32, #tpu.memory_space<vmem>>, vector<16xf32>,
        %parallel_loop3A_383 = arith.mulf %parallel_loop3A_382, %parallel_loop3A_351 : vector<16xf32>
        %parallel_loop3A_384 = arith.addf %parallel_loop3A_375, %parallel_loop3A_383 : vector<16xf32>
        %parallel_loop3A_385 = arith.constant 6 : i32
        %parallel_loop3A_386 = arith.addi %parallel_loop3A_360, %parallel_loop3A_385 : i32
        %parallel_loop3A_387 = arith.constant 0 : i32
        %parallel_loop3A_388 = arith.addi %parallel_loop3A_386, %parallel_loop3A_387 : i32
        %parallel_loop3A_389 = arith.index_cast %parallel_loop3A_388 : i32 to index
        %parallel_loop3A_390 = arith.constant 0 : index
        %parallel_loop3A_391 = tpu.vector_load %arg12[%parallel_loop3A_389, %parallel_loop3A_390] {strides = array<i32>} : memref<256x128xf32, #tpu.memory_space<vmem>>, vector<16xf32>,
        %parallel_loop3A_392 = arith.mulf %parallel_loop3A_391, %parallel_loop3A_356 : vector<16xf32>
        %parallel_loop3A_393 = arith.addf %parallel_loop3A_384, %parallel_loop3A_392 : vector<16xf32>
        %parallel_loop3A_394 = arith.constant 0 : i32
        %parallel_loop3A_395 = vector.broadcast %parallel_loop3A_394 : i32 to vector<16xi32>
        %parallel_loop3A_396 = arith.addi %iota3A, %parallel_loop3A_395 : vector<16xi32>
        %parallel_loop3A_397 = arith.constant 3 : i32
        %parallel_loop3A_398 = vector.broadcast %parallel_loop3A_397 : i32 to vector<16xi32>
        %parallel_loop3A_399 = arith.shrsi %parallel_loop3A_396, %parallel_loop3A_398 : vector<16xi32>
        %parallel_loop3A_400 = arith.constant 7 : i32
        %parallel_loop3A_401 = vector.broadcast %parallel_loop3A_400 : i32 to vector<16xi32>
        %parallel_loop3A_402 = arith.andi %parallel_loop3A_396, %parallel_loop3A_401 : vector<16xi32>
        tpu.vector_store_idx %arg14[%parallel_loop3A_399, %parallel_loop3A_402, %parallel_loop3A_358], %parallel_loop3A_393 : memref<32x8x33xf32, #tpu.memory_space<vmem>>[vector<16xi32>, vector<16xi32>, vector<16xi32>], vector<16xf32>,
        %parallel_loop3A_403 = arith.constant 0 : i32
        %parallel_loop3A_404 = arith.addi %parallel_loop3A_360, %parallel_loop3A_403 : i32
        %parallel_loop3A_405 = arith.index_cast %parallel_loop3A_404 : i32 to index
        %parallel_loop3A_406 = arith.constant 16 : index
        %parallel_loop3A_407 = tpu.vector_load %arg12[%parallel_loop3A_405, %parallel_loop3A_406] {strides = array<i32>} : memref<256x128xf32, #tpu.memory_space<vmem>>, vector<16xf32>,
        %parallel_loop3A_408 = arith.mulf %parallel_loop3A_407, %parallel_loop3A_341 : vector<16xf32>
        %parallel_loop3A_409 = arith.constant 2 : i32
        %parallel_loop3A_410 = arith.addi %parallel_loop3A_360, %parallel_loop3A_409 : i32
        %parallel_loop3A_411 = arith.constant 0 : i32
        %parallel_loop3A_412 = arith.addi %parallel_loop3A_410, %parallel_loop3A_411 : i32
        %parallel_loop3A_413 = arith.index_cast %parallel_loop3A_412 : i32 to index
        %parallel_loop3A_414 = arith.constant 16 : index
        %parallel_loop3A_415 = tpu.vector_load %arg12[%parallel_loop3A_413, %parallel_loop3A_414] {strides = array<i32>} : memref<256x128xf32, #tpu.memory_space<vmem>>, vector<16xf32>,
        %parallel_loop3A_416 = arith.mulf %parallel_loop3A_415, %parallel_loop3A_346 : vector<16xf32>
        %parallel_loop3A_417 = arith.addf %parallel_loop3A_408, %parallel_loop3A_416 : vector<16xf32>
        %parallel_loop3A_418 = arith.constant 4 : i32
        %parallel_loop3A_419 = arith.addi %parallel_loop3A_360, %parallel_loop3A_418 : i32
        %parallel_loop3A_420 = arith.constant 0 : i32
        %parallel_loop3A_421 = arith.addi %parallel_loop3A_419, %parallel_loop3A_420 : i32
        %parallel_loop3A_422 = arith.index_cast %parallel_loop3A_421 : i32 to index
        %parallel_loop3A_423 = arith.constant 16 : index
        %parallel_loop3A_424 = tpu.vector_load %arg12[%parallel_loop3A_422, %parallel_loop3A_423] {strides = array<i32>} : memref<256x128xf32, #tpu.memory_space<vmem>>, vector<16xf32>,
        %parallel_loop3A_425 = arith.mulf %parallel_loop3A_424, %parallel_loop3A_351 : vector<16xf32>
        %parallel_loop3A_426 = arith.addf %parallel_loop3A_417, %parallel_loop3A_425 : vector<16xf32>
        %parallel_loop3A_427 = arith.constant 6 : i32
        %parallel_loop3A_428 = arith.addi %parallel_loop3A_360, %parallel_loop3A_427 : i32
        %parallel_loop3A_429 = arith.constant 0 : i32
        %parallel_loop3A_430 = arith.addi %parallel_loop3A_428, %parallel_loop3A_429 : i32
        %parallel_loop3A_431 = arith.index_cast %parallel_loop3A_430 : i32 to index
        %parallel_loop3A_432 = arith.constant 16 : index
        %parallel_loop3A_433 = tpu.vector_load %arg12[%parallel_loop3A_431, %parallel_loop3A_432] {strides = array<i32>} : memref<256x128xf32, #tpu.memory_space<vmem>>, vector<16xf32>,
        %parallel_loop3A_434 = arith.mulf %parallel_loop3A_433, %parallel_loop3A_356 : vector<16xf32>
        %parallel_loop3A_435 = arith.addf %parallel_loop3A_426, %parallel_loop3A_434 : vector<16xf32>
        %parallel_loop3A_436 = arith.constant 16 : i32
        %parallel_loop3A_437 = vector.broadcast %parallel_loop3A_436 : i32 to vector<16xi32>
        %parallel_loop3A_438 = arith.addi %iota3A, %parallel_loop3A_437 : vector<16xi32>
        %parallel_loop3A_439 = arith.constant 3 : i32
        %parallel_loop3A_440 = vector.broadcast %parallel_loop3A_439 : i32 to vector<16xi32>
        %parallel_loop3A_441 = arith.shrsi %parallel_loop3A_438, %parallel_loop3A_440 : vector<16xi32>
        %parallel_loop3A_442 = arith.constant 7 : i32
        %parallel_loop3A_443 = vector.broadcast %parallel_loop3A_442 : i32 to vector<16xi32>
        %parallel_loop3A_444 = arith.andi %parallel_loop3A_438, %parallel_loop3A_443 : vector<16xi32>
        tpu.vector_store_idx %arg14[%parallel_loop3A_441, %parallel_loop3A_444, %parallel_loop3A_358], %parallel_loop3A_435 : memref<32x8x33xf32, #tpu.memory_space<vmem>>[vector<16xi32>, vector<16xi32>, vector<16xi32>], vector<16xf32>,
        %parallel_loop3A_445 = arith.constant 0 : i32
        %parallel_loop3A_446 = arith.addi %parallel_loop3A_360, %parallel_loop3A_445 : i32
        %parallel_loop3A_447 = arith.index_cast %parallel_loop3A_446 : i32 to index
        %parallel_loop3A_448 = arith.constant 32 : index
        %parallel_loop3A_449 = tpu.vector_load %arg12[%parallel_loop3A_447, %parallel_loop3A_448] {strides = array<i32>} : memref<256x128xf32, #tpu.memory_space<vmem>>, vector<16xf32>,
        %parallel_loop3A_450 = arith.mulf %parallel_loop3A_449, %parallel_loop3A_341 : vector<16xf32>
        %parallel_loop3A_451 = arith.constant 2 : i32
        %parallel_loop3A_452 = arith.addi %parallel_loop3A_360, %parallel_loop3A_451 : i32
        %parallel_loop3A_453 = arith.constant 0 : i32
        %parallel_loop3A_454 = arith.addi %parallel_loop3A_452, %parallel_loop3A_453 : i32
        %parallel_loop3A_455 = arith.index_cast %parallel_loop3A_454 : i32 to index
        %parallel_loop3A_456 = arith.constant 32 : index
        %parallel_loop3A_457 = tpu.vector_load %arg12[%parallel_loop3A_455, %parallel_loop3A_456] {strides = array<i32>} : memref<256x128xf32, #tpu.memory_space<vmem>>, vector<16xf32>,
        %parallel_loop3A_458 = arith.mulf %parallel_loop3A_457, %parallel_loop3A_346 : vector<16xf32>
        %parallel_loop3A_459 = arith.addf %parallel_loop3A_450, %parallel_loop3A_458 : vector<16xf32>
        %parallel_loop3A_460 = arith.constant 4 : i32
        %parallel_loop3A_461 = arith.addi %parallel_loop3A_360, %parallel_loop3A_460 : i32
        %parallel_loop3A_462 = arith.constant 0 : i32
        %parallel_loop3A_463 = arith.addi %parallel_loop3A_461, %parallel_loop3A_462 : i32
        %parallel_loop3A_464 = arith.index_cast %parallel_loop3A_463 : i32 to index
        %parallel_loop3A_465 = arith.constant 32 : index
        %parallel_loop3A_466 = tpu.vector_load %arg12[%parallel_loop3A_464, %parallel_loop3A_465] {strides = array<i32>} : memref<256x128xf32, #tpu.memory_space<vmem>>, vector<16xf32>,
        %parallel_loop3A_467 = arith.mulf %parallel_loop3A_466, %parallel_loop3A_351 : vector<16xf32>
        %parallel_loop3A_468 = arith.addf %parallel_loop3A_459, %parallel_loop3A_467 : vector<16xf32>
        %parallel_loop3A_469 = arith.constant 6 : i32
        %parallel_loop3A_470 = arith.addi %parallel_loop3A_360, %parallel_loop3A_469 : i32
        %parallel_loop3A_471 = arith.constant 0 : i32
        %parallel_loop3A_472 = arith.addi %parallel_loop3A_470, %parallel_loop3A_471 : i32
        %parallel_loop3A_473 = arith.index_cast %parallel_loop3A_472 : i32 to index
        %parallel_loop3A_474 = arith.constant 32 : index
        %parallel_loop3A_475 = tpu.vector_load %arg12[%parallel_loop3A_473, %parallel_loop3A_474] {strides = array<i32>} : memref<256x128xf32, #tpu.memory_space<vmem>>, vector<16xf32>,
        %parallel_loop3A_476 = arith.mulf %parallel_loop3A_475, %parallel_loop3A_356 : vector<16xf32>
        %parallel_loop3A_477 = arith.addf %parallel_loop3A_468, %parallel_loop3A_476 : vector<16xf32>
        %parallel_loop3A_478 = arith.constant 32 : i32
        %parallel_loop3A_479 = vector.broadcast %parallel_loop3A_478 : i32 to vector<16xi32>
        %parallel_loop3A_480 = arith.addi %iota3A, %parallel_loop3A_479 : vector<16xi32>
        %parallel_loop3A_481 = arith.constant 3 : i32
        %parallel_loop3A_482 = vector.broadcast %parallel_loop3A_481 : i32 to vector<16xi32>
        %parallel_loop3A_483 = arith.shrsi %parallel_loop3A_480, %parallel_loop3A_482 : vector<16xi32>
        %parallel_loop3A_484 = arith.constant 7 : i32
        %parallel_loop3A_485 = vector.broadcast %parallel_loop3A_484 : i32 to vector<16xi32>
        %parallel_loop3A_486 = arith.andi %parallel_loop3A_480, %parallel_loop3A_485 : vector<16xi32>
        tpu.vector_store_idx %arg14[%parallel_loop3A_483, %parallel_loop3A_486, %parallel_loop3A_358], %parallel_loop3A_477 : memref<32x8x33xf32, #tpu.memory_space<vmem>>[vector<16xi32>, vector<16xi32>, vector<16xi32>], vector<16xf32>,
        %parallel_loop3A_487 = arith.constant 0 : i32
        %parallel_loop3A_488 = arith.addi %parallel_loop3A_360, %parallel_loop3A_487 : i32
        %parallel_loop3A_489 = arith.index_cast %parallel_loop3A_488 : i32 to index
        %parallel_loop3A_490 = arith.constant 48 : index
        %parallel_loop3A_491 = tpu.vector_load %arg12[%parallel_loop3A_489, %parallel_loop3A_490] {strides = array<i32>} : memref<256x128xf32, #tpu.memory_space<vmem>>, vector<16xf32>,
        %parallel_loop3A_492 = arith.mulf %parallel_loop3A_491, %parallel_loop3A_341 : vector<16xf32>
        %parallel_loop3A_493 = arith.constant 2 : i32
        %parallel_loop3A_494 = arith.addi %parallel_loop3A_360, %parallel_loop3A_493 : i32
        %parallel_loop3A_495 = arith.constant 0 : i32
        %parallel_loop3A_496 = arith.addi %parallel_loop3A_494, %parallel_loop3A_495 : i32
        %parallel_loop3A_497 = arith.index_cast %parallel_loop3A_496 : i32 to index
        %parallel_loop3A_498 = arith.constant 48 : index
        %parallel_loop3A_499 = tpu.vector_load %arg12[%parallel_loop3A_497, %parallel_loop3A_498] {strides = array<i32>} : memref<256x128xf32, #tpu.memory_space<vmem>>, vector<16xf32>,
        %parallel_loop3A_500 = arith.mulf %parallel_loop3A_499, %parallel_loop3A_346 : vector<16xf32>
        %parallel_loop3A_501 = arith.addf %parallel_loop3A_492, %parallel_loop3A_500 : vector<16xf32>
        %parallel_loop3A_502 = arith.constant 4 : i32
        %parallel_loop3A_503 = arith.addi %parallel_loop3A_360, %parallel_loop3A_502 : i32
        %parallel_loop3A_504 = arith.constant 0 : i32
        %parallel_loop3A_505 = arith.addi %parallel_loop3A_503, %parallel_loop3A_504 : i32
        %parallel_loop3A_506 = arith.index_cast %parallel_loop3A_505 : i32 to index
        %parallel_loop3A_507 = arith.constant 48 : index
        %parallel_loop3A_508 = tpu.vector_load %arg12[%parallel_loop3A_506, %parallel_loop3A_507] {strides = array<i32>} : memref<256x128xf32, #tpu.memory_space<vmem>>, vector<16xf32>,
        %parallel_loop3A_509 = arith.mulf %parallel_loop3A_508, %parallel_loop3A_351 : vector<16xf32>
        %parallel_loop3A_510 = arith.addf %parallel_loop3A_501, %parallel_loop3A_509 : vector<16xf32>
        %parallel_loop3A_511 = arith.constant 6 : i32
        %parallel_loop3A_512 = arith.addi %parallel_loop3A_360, %parallel_loop3A_511 : i32
        %parallel_loop3A_513 = arith.constant 0 : i32
        %parallel_loop3A_514 = arith.addi %parallel_loop3A_512, %parallel_loop3A_513 : i32
        %parallel_loop3A_515 = arith.index_cast %parallel_loop3A_514 : i32 to index
        %parallel_loop3A_516 = arith.constant 48 : index
        %parallel_loop3A_517 = tpu.vector_load %arg12[%parallel_loop3A_515, %parallel_loop3A_516] {strides = array<i32>} : memref<256x128xf32, #tpu.memory_space<vmem>>, vector<16xf32>,
        %parallel_loop3A_518 = arith.mulf %parallel_loop3A_517, %parallel_loop3A_356 : vector<16xf32>
        %parallel_loop3A_519 = arith.addf %parallel_loop3A_510, %parallel_loop3A_518 : vector<16xf32>
        %parallel_loop3A_520 = arith.constant 48 : i32
        %parallel_loop3A_521 = vector.broadcast %parallel_loop3A_520 : i32 to vector<16xi32>
        %parallel_loop3A_522 = arith.addi %iota3A, %parallel_loop3A_521 : vector<16xi32>
        %parallel_loop3A_523 = arith.constant 3 : i32
        %parallel_loop3A_524 = vector.broadcast %parallel_loop3A_523 : i32 to vector<16xi32>
        %parallel_loop3A_525 = arith.shrsi %parallel_loop3A_522, %parallel_loop3A_524 : vector<16xi32>
        %parallel_loop3A_526 = arith.constant 7 : i32
        %parallel_loop3A_527 = vector.broadcast %parallel_loop3A_526 : i32 to vector<16xi32>
        %parallel_loop3A_528 = arith.andi %parallel_loop3A_522, %parallel_loop3A_527 : vector<16xi32>
        tpu.vector_store_idx %arg14[%parallel_loop3A_525, %parallel_loop3A_528, %parallel_loop3A_358], %parallel_loop3A_519 : memref<32x8x33xf32, #tpu.memory_space<vmem>>[vector<16xi32>, vector<16xi32>, vector<16xi32>], vector<16xf32>,
        %parallel_loop3A_529 = arith.constant 0 : i32
        %parallel_loop3A_530 = arith.addi %parallel_loop3A_360, %parallel_loop3A_529 : i32
        %parallel_loop3A_531 = arith.index_cast %parallel_loop3A_530 : i32 to index
        %parallel_loop3A_532 = arith.constant 64 : index
        %parallel_loop3A_533 = tpu.vector_load %arg12[%parallel_loop3A_531, %parallel_loop3A_532] {strides = array<i32>} : memref<256x128xf32, #tpu.memory_space<vmem>>, vector<16xf32>,
        %parallel_loop3A_534 = arith.mulf %parallel_loop3A_533, %parallel_loop3A_341 : vector<16xf32>
        %parallel_loop3A_535 = arith.constant 2 : i32
        %parallel_loop3A_536 = arith.addi %parallel_loop3A_360, %parallel_loop3A_535 : i32
        %parallel_loop3A_537 = arith.constant 0 : i32
        %parallel_loop3A_538 = arith.addi %parallel_loop3A_536, %parallel_loop3A_537 : i32
        %parallel_loop3A_539 = arith.index_cast %parallel_loop3A_538 : i32 to index
        %parallel_loop3A_540 = arith.constant 64 : index
        %parallel_loop3A_541 = tpu.vector_load %arg12[%parallel_loop3A_539, %parallel_loop3A_540] {strides = array<i32>} : memref<256x128xf32, #tpu.memory_space<vmem>>, vector<16xf32>,
        %parallel_loop3A_542 = arith.mulf %parallel_loop3A_541, %parallel_loop3A_346 : vector<16xf32>
        %parallel_loop3A_543 = arith.addf %parallel_loop3A_534, %parallel_loop3A_542 : vector<16xf32>
        %parallel_loop3A_544 = arith.constant 4 : i32
        %parallel_loop3A_545 = arith.addi %parallel_loop3A_360, %parallel_loop3A_544 : i32
        %parallel_loop3A_546 = arith.constant 0 : i32
        %parallel_loop3A_547 = arith.addi %parallel_loop3A_545, %parallel_loop3A_546 : i32
        %parallel_loop3A_548 = arith.index_cast %parallel_loop3A_547 : i32 to index
        %parallel_loop3A_549 = arith.constant 64 : index
        %parallel_loop3A_550 = tpu.vector_load %arg12[%parallel_loop3A_548, %parallel_loop3A_549] {strides = array<i32>} : memref<256x128xf32, #tpu.memory_space<vmem>>, vector<16xf32>,
        %parallel_loop3A_551 = arith.mulf %parallel_loop3A_550, %parallel_loop3A_351 : vector<16xf32>
        %parallel_loop3A_552 = arith.addf %parallel_loop3A_543, %parallel_loop3A_551 : vector<16xf32>
        %parallel_loop3A_553 = arith.constant 6 : i32
        %parallel_loop3A_554 = arith.addi %parallel_loop3A_360, %parallel_loop3A_553 : i32
        %parallel_loop3A_555 = arith.constant 0 : i32
        %parallel_loop3A_556 = arith.addi %parallel_loop3A_554, %parallel_loop3A_555 : i32
        %parallel_loop3A_557 = arith.index_cast %parallel_loop3A_556 : i32 to index
        %parallel_loop3A_558 = arith.constant 64 : index
        %parallel_loop3A_559 = tpu.vector_load %arg12[%parallel_loop3A_557, %parallel_loop3A_558] {strides = array<i32>} : memref<256x128xf32, #tpu.memory_space<vmem>>, vector<16xf32>,
        %parallel_loop3A_560 = arith.mulf %parallel_loop3A_559, %parallel_loop3A_356 : vector<16xf32>
        %parallel_loop3A_561 = arith.addf %parallel_loop3A_552, %parallel_loop3A_560 : vector<16xf32>
        %parallel_loop3A_562 = arith.constant 64 : i32
        %parallel_loop3A_563 = vector.broadcast %parallel_loop3A_562 : i32 to vector<16xi32>
        %parallel_loop3A_564 = arith.addi %iota3A, %parallel_loop3A_563 : vector<16xi32>
        %parallel_loop3A_565 = arith.constant 3 : i32
        %parallel_loop3A_566 = vector.broadcast %parallel_loop3A_565 : i32 to vector<16xi32>
        %parallel_loop3A_567 = arith.shrsi %parallel_loop3A_564, %parallel_loop3A_566 : vector<16xi32>
        %parallel_loop3A_568 = arith.constant 7 : i32
        %parallel_loop3A_569 = vector.broadcast %parallel_loop3A_568 : i32 to vector<16xi32>
        %parallel_loop3A_570 = arith.andi %parallel_loop3A_564, %parallel_loop3A_569 : vector<16xi32>
        tpu.vector_store_idx %arg14[%parallel_loop3A_567, %parallel_loop3A_570, %parallel_loop3A_358], %parallel_loop3A_561 : memref<32x8x33xf32, #tpu.memory_space<vmem>>[vector<16xi32>, vector<16xi32>, vector<16xi32>], vector<16xf32>,
        %parallel_loop3A_571 = arith.constant 0 : i32
        %parallel_loop3A_572 = arith.addi %parallel_loop3A_360, %parallel_loop3A_571 : i32
        %parallel_loop3A_573 = arith.index_cast %parallel_loop3A_572 : i32 to index
        %parallel_loop3A_574 = arith.constant 80 : index
        %parallel_loop3A_575 = tpu.vector_load %arg12[%parallel_loop3A_573, %parallel_loop3A_574] {strides = array<i32>} : memref<256x128xf32, #tpu.memory_space<vmem>>, vector<16xf32>,
        %parallel_loop3A_576 = arith.mulf %parallel_loop3A_575, %parallel_loop3A_341 : vector<16xf32>
        %parallel_loop3A_577 = arith.constant 2 : i32
        %parallel_loop3A_578 = arith.addi %parallel_loop3A_360, %parallel_loop3A_577 : i32
        %parallel_loop3A_579 = arith.constant 0 : i32
        %parallel_loop3A_580 = arith.addi %parallel_loop3A_578, %parallel_loop3A_579 : i32
        %parallel_loop3A_581 = arith.index_cast %parallel_loop3A_580 : i32 to index
        %parallel_loop3A_582 = arith.constant 80 : index
        %parallel_loop3A_583 = tpu.vector_load %arg12[%parallel_loop3A_581, %parallel_loop3A_582] {strides = array<i32>} : memref<256x128xf32, #tpu.memory_space<vmem>>, vector<16xf32>,
        %parallel_loop3A_584 = arith.mulf %parallel_loop3A_583, %parallel_loop3A_346 : vector<16xf32>
        %parallel_loop3A_585 = arith.addf %parallel_loop3A_576, %parallel_loop3A_584 : vector<16xf32>
        %parallel_loop3A_586 = arith.constant 4 : i32
        %parallel_loop3A_587 = arith.addi %parallel_loop3A_360, %parallel_loop3A_586 : i32
        %parallel_loop3A_588 = arith.constant 0 : i32
        %parallel_loop3A_589 = arith.addi %parallel_loop3A_587, %parallel_loop3A_588 : i32
        %parallel_loop3A_590 = arith.index_cast %parallel_loop3A_589 : i32 to index
        %parallel_loop3A_591 = arith.constant 80 : index
        %parallel_loop3A_592 = tpu.vector_load %arg12[%parallel_loop3A_590, %parallel_loop3A_591] {strides = array<i32>} : memref<256x128xf32, #tpu.memory_space<vmem>>, vector<16xf32>,
        %parallel_loop3A_593 = arith.mulf %parallel_loop3A_592, %parallel_loop3A_351 : vector<16xf32>
        %parallel_loop3A_594 = arith.addf %parallel_loop3A_585, %parallel_loop3A_593 : vector<16xf32>
        %parallel_loop3A_595 = arith.constant 6 : i32
        %parallel_loop3A_596 = arith.addi %parallel_loop3A_360, %parallel_loop3A_595 : i32
        %parallel_loop3A_597 = arith.constant 0 : i32
        %parallel_loop3A_598 = arith.addi %parallel_loop3A_596, %parallel_loop3A_597 : i32
        %parallel_loop3A_599 = arith.index_cast %parallel_loop3A_598 : i32 to index
        %parallel_loop3A_600 = arith.constant 80 : index
        %parallel_loop3A_601 = tpu.vector_load %arg12[%parallel_loop3A_599, %parallel_loop3A_600] {strides = array<i32>} : memref<256x128xf32, #tpu.memory_space<vmem>>, vector<16xf32>,
        %parallel_loop3A_602 = arith.mulf %parallel_loop3A_601, %parallel_loop3A_356 : vector<16xf32>
        %parallel_loop3A_603 = arith.addf %parallel_loop3A_594, %parallel_loop3A_602 : vector<16xf32>
        %parallel_loop3A_604 = arith.constant 80 : i32
        %parallel_loop3A_605 = vector.broadcast %parallel_loop3A_604 : i32 to vector<16xi32>
        %parallel_loop3A_606 = arith.addi %iota3A, %parallel_loop3A_605 : vector<16xi32>
        %parallel_loop3A_607 = arith.constant 3 : i32
        %parallel_loop3A_608 = vector.broadcast %parallel_loop3A_607 : i32 to vector<16xi32>
        %parallel_loop3A_609 = arith.shrsi %parallel_loop3A_606, %parallel_loop3A_608 : vector<16xi32>
        %parallel_loop3A_610 = arith.constant 7 : i32
        %parallel_loop3A_611 = vector.broadcast %parallel_loop3A_610 : i32 to vector<16xi32>
        %parallel_loop3A_612 = arith.andi %parallel_loop3A_606, %parallel_loop3A_611 : vector<16xi32>
        tpu.vector_store_idx %arg14[%parallel_loop3A_609, %parallel_loop3A_612, %parallel_loop3A_358], %parallel_loop3A_603 : memref<32x8x33xf32, #tpu.memory_space<vmem>>[vector<16xi32>, vector<16xi32>, vector<16xi32>], vector<16xf32>,
        %parallel_loop3A_613 = arith.constant 0 : i32
        %parallel_loop3A_614 = arith.addi %parallel_loop3A_360, %parallel_loop3A_613 : i32
        %parallel_loop3A_615 = arith.index_cast %parallel_loop3A_614 : i32 to index
        %parallel_loop3A_616 = arith.constant 96 : index
        %parallel_loop3A_617 = tpu.vector_load %arg12[%parallel_loop3A_615, %parallel_loop3A_616] {strides = array<i32>} : memref<256x128xf32, #tpu.memory_space<vmem>>, vector<16xf32>,
        %parallel_loop3A_618 = arith.mulf %parallel_loop3A_617, %parallel_loop3A_341 : vector<16xf32>
        %parallel_loop3A_619 = arith.constant 2 : i32
        %parallel_loop3A_620 = arith.addi %parallel_loop3A_360, %parallel_loop3A_619 : i32
        %parallel_loop3A_621 = arith.constant 0 : i32
        %parallel_loop3A_622 = arith.addi %parallel_loop3A_620, %parallel_loop3A_621 : i32
        %parallel_loop3A_623 = arith.index_cast %parallel_loop3A_622 : i32 to index
        %parallel_loop3A_624 = arith.constant 96 : index
        %parallel_loop3A_625 = tpu.vector_load %arg12[%parallel_loop3A_623, %parallel_loop3A_624] {strides = array<i32>} : memref<256x128xf32, #tpu.memory_space<vmem>>, vector<16xf32>,
        %parallel_loop3A_626 = arith.mulf %parallel_loop3A_625, %parallel_loop3A_346 : vector<16xf32>
        %parallel_loop3A_627 = arith.addf %parallel_loop3A_618, %parallel_loop3A_626 : vector<16xf32>
        %parallel_loop3A_628 = arith.constant 4 : i32
        %parallel_loop3A_629 = arith.addi %parallel_loop3A_360, %parallel_loop3A_628 : i32
        %parallel_loop3A_630 = arith.constant 0 : i32
        %parallel_loop3A_631 = arith.addi %parallel_loop3A_629, %parallel_loop3A_630 : i32
        %parallel_loop3A_632 = arith.index_cast %parallel_loop3A_631 : i32 to index
        %parallel_loop3A_633 = arith.constant 96 : index
        %parallel_loop3A_634 = tpu.vector_load %arg12[%parallel_loop3A_632, %parallel_loop3A_633] {strides = array<i32>} : memref<256x128xf32, #tpu.memory_space<vmem>>, vector<16xf32>,
        %parallel_loop3A_635 = arith.mulf %parallel_loop3A_634, %parallel_loop3A_351 : vector<16xf32>
        %parallel_loop3A_636 = arith.addf %parallel_loop3A_627, %parallel_loop3A_635 : vector<16xf32>
        %parallel_loop3A_637 = arith.constant 6 : i32
        %parallel_loop3A_638 = arith.addi %parallel_loop3A_360, %parallel_loop3A_637 : i32
        %parallel_loop3A_639 = arith.constant 0 : i32
        %parallel_loop3A_640 = arith.addi %parallel_loop3A_638, %parallel_loop3A_639 : i32
        %parallel_loop3A_641 = arith.index_cast %parallel_loop3A_640 : i32 to index
        %parallel_loop3A_642 = arith.constant 96 : index
        %parallel_loop3A_643 = tpu.vector_load %arg12[%parallel_loop3A_641, %parallel_loop3A_642] {strides = array<i32>} : memref<256x128xf32, #tpu.memory_space<vmem>>, vector<16xf32>,
        %parallel_loop3A_644 = arith.mulf %parallel_loop3A_643, %parallel_loop3A_356 : vector<16xf32>
        %parallel_loop3A_645 = arith.addf %parallel_loop3A_636, %parallel_loop3A_644 : vector<16xf32>
        %parallel_loop3A_646 = arith.constant 96 : i32
        %parallel_loop3A_647 = vector.broadcast %parallel_loop3A_646 : i32 to vector<16xi32>
        %parallel_loop3A_648 = arith.addi %iota3A, %parallel_loop3A_647 : vector<16xi32>
        %parallel_loop3A_649 = arith.constant 3 : i32
        %parallel_loop3A_650 = vector.broadcast %parallel_loop3A_649 : i32 to vector<16xi32>
        %parallel_loop3A_651 = arith.shrsi %parallel_loop3A_648, %parallel_loop3A_650 : vector<16xi32>
        %parallel_loop3A_652 = arith.constant 7 : i32
        %parallel_loop3A_653 = vector.broadcast %parallel_loop3A_652 : i32 to vector<16xi32>
        %parallel_loop3A_654 = arith.andi %parallel_loop3A_648, %parallel_loop3A_653 : vector<16xi32>
        tpu.vector_store_idx %arg14[%parallel_loop3A_651, %parallel_loop3A_654, %parallel_loop3A_358], %parallel_loop3A_645 : memref<32x8x33xf32, #tpu.memory_space<vmem>>[vector<16xi32>, vector<16xi32>, vector<16xi32>], vector<16xf32>,
        %parallel_loop3A_655 = arith.constant 0 : i32
        %parallel_loop3A_656 = arith.addi %parallel_loop3A_360, %parallel_loop3A_655 : i32
        %parallel_loop3A_657 = arith.index_cast %parallel_loop3A_656 : i32 to index
        %parallel_loop3A_658 = arith.constant 112 : index
        %parallel_loop3A_659 = tpu.vector_load %arg12[%parallel_loop3A_657, %parallel_loop3A_658] {strides = array<i32>} : memref<256x128xf32, #tpu.memory_space<vmem>>, vector<16xf32>,
        %parallel_loop3A_660 = arith.mulf %parallel_loop3A_659, %parallel_loop3A_341 : vector<16xf32>
        %parallel_loop3A_661 = arith.constant 2 : i32
        %parallel_loop3A_662 = arith.addi %parallel_loop3A_360, %parallel_loop3A_661 : i32
        %parallel_loop3A_663 = arith.constant 0 : i32
        %parallel_loop3A_664 = arith.addi %parallel_loop3A_662, %parallel_loop3A_663 : i32
        %parallel_loop3A_665 = arith.index_cast %parallel_loop3A_664 : i32 to index
        %parallel_loop3A_666 = arith.constant 112 : index
        %parallel_loop3A_667 = tpu.vector_load %arg12[%parallel_loop3A_665, %parallel_loop3A_666] {strides = array<i32>} : memref<256x128xf32, #tpu.memory_space<vmem>>, vector<16xf32>,
        %parallel_loop3A_668 = arith.mulf %parallel_loop3A_667, %parallel_loop3A_346 : vector<16xf32>
        %parallel_loop3A_669 = arith.addf %parallel_loop3A_660, %parallel_loop3A_668 : vector<16xf32>
        %parallel_loop3A_670 = arith.constant 4 : i32
        %parallel_loop3A_671 = arith.addi %parallel_loop3A_360, %parallel_loop3A_670 : i32
        %parallel_loop3A_672 = arith.constant 0 : i32
        %parallel_loop3A_673 = arith.addi %parallel_loop3A_671, %parallel_loop3A_672 : i32
        %parallel_loop3A_674 = arith.index_cast %parallel_loop3A_673 : i32 to index
        %parallel_loop3A_675 = arith.constant 112 : index
        %parallel_loop3A_676 = tpu.vector_load %arg12[%parallel_loop3A_674, %parallel_loop3A_675] {strides = array<i32>} : memref<256x128xf32, #tpu.memory_space<vmem>>, vector<16xf32>,
        %parallel_loop3A_677 = arith.mulf %parallel_loop3A_676, %parallel_loop3A_351 : vector<16xf32>
        %parallel_loop3A_678 = arith.addf %parallel_loop3A_669, %parallel_loop3A_677 : vector<16xf32>
        %parallel_loop3A_679 = arith.constant 6 : i32
        %parallel_loop3A_680 = arith.addi %parallel_loop3A_360, %parallel_loop3A_679 : i32
        %parallel_loop3A_681 = arith.constant 0 : i32
        %parallel_loop3A_682 = arith.addi %parallel_loop3A_680, %parallel_loop3A_681 : i32
        %parallel_loop3A_683 = arith.index_cast %parallel_loop3A_682 : i32 to index
        %parallel_loop3A_684 = arith.constant 112 : index
        %parallel_loop3A_685 = tpu.vector_load %arg12[%parallel_loop3A_683, %parallel_loop3A_684] {strides = array<i32>} : memref<256x128xf32, #tpu.memory_space<vmem>>, vector<16xf32>,
        %parallel_loop3A_686 = arith.mulf %parallel_loop3A_685, %parallel_loop3A_356 : vector<16xf32>
        %parallel_loop3A_687 = arith.addf %parallel_loop3A_678, %parallel_loop3A_686 : vector<16xf32>
        %parallel_loop3A_688 = arith.constant 112 : i32
        %parallel_loop3A_689 = vector.broadcast %parallel_loop3A_688 : i32 to vector<16xi32>
        %parallel_loop3A_690 = arith.addi %iota3A, %parallel_loop3A_689 : vector<16xi32>
        %parallel_loop3A_691 = arith.constant 3 : i32
        %parallel_loop3A_692 = vector.broadcast %parallel_loop3A_691 : i32 to vector<16xi32>
        %parallel_loop3A_693 = arith.shrsi %parallel_loop3A_690, %parallel_loop3A_692 : vector<16xi32>
        %parallel_loop3A_694 = arith.constant 7 : i32
        %parallel_loop3A_695 = vector.broadcast %parallel_loop3A_694 : i32 to vector<16xi32>
        %parallel_loop3A_696 = arith.andi %parallel_loop3A_690, %parallel_loop3A_695 : vector<16xi32>
        tpu.vector_store_idx %arg14[%parallel_loop3A_693, %parallel_loop3A_696, %parallel_loop3A_358], %parallel_loop3A_687 : memref<32x8x33xf32, #tpu.memory_space<vmem>>[vector<16xi32>, vector<16xi32>, vector<16xi32>], vector<16xf32>,
        %parallel_loop3A_697 = arith.constant 1 : i32
        %parallel_loop3A_698 = arith.addi %parallel_loop3A_360, %parallel_loop3A_697 : i32
        %parallel_loop3A_699 = arith.index_cast %parallel_loop3A_698 : i32 to index
        %parallel_loop3A_700 = arith.constant 0 : index
        %parallel_loop3A_701 = tpu.vector_load %arg12[%parallel_loop3A_699, %parallel_loop3A_700] {strides = array<i32>} : memref<256x128xf32, #tpu.memory_space<vmem>>, vector<16xf32>,
        %parallel_loop3A_702 = arith.mulf %parallel_loop3A_701, %parallel_loop3A_341 : vector<16xf32>
        %parallel_loop3A_703 = arith.constant 2 : i32
        %parallel_loop3A_704 = arith.addi %parallel_loop3A_360, %parallel_loop3A_703 : i32
        %parallel_loop3A_705 = arith.constant 1 : i32
        %parallel_loop3A_706 = arith.addi %parallel_loop3A_704, %parallel_loop3A_705 : i32
        %parallel_loop3A_707 = arith.index_cast %parallel_loop3A_706 : i32 to index
        %parallel_loop3A_708 = arith.constant 0 : index
        %parallel_loop3A_709 = tpu.vector_load %arg12[%parallel_loop3A_707, %parallel_loop3A_708] {strides = array<i32>} : memref<256x128xf32, #tpu.memory_space<vmem>>, vector<16xf32>,
        %parallel_loop3A_710 = arith.mulf %parallel_loop3A_709, %parallel_loop3A_346 : vector<16xf32>
        %parallel_loop3A_711 = arith.addf %parallel_loop3A_702, %parallel_loop3A_710 : vector<16xf32>
        %parallel_loop3A_712 = arith.constant 4 : i32
        %parallel_loop3A_713 = arith.addi %parallel_loop3A_360, %parallel_loop3A_712 : i32
        %parallel_loop3A_714 = arith.constant 1 : i32
        %parallel_loop3A_715 = arith.addi %parallel_loop3A_713, %parallel_loop3A_714 : i32
        %parallel_loop3A_716 = arith.index_cast %parallel_loop3A_715 : i32 to index
        %parallel_loop3A_717 = arith.constant 0 : index
        %parallel_loop3A_718 = tpu.vector_load %arg12[%parallel_loop3A_716, %parallel_loop3A_717] {strides = array<i32>} : memref<256x128xf32, #tpu.memory_space<vmem>>, vector<16xf32>,
        %parallel_loop3A_719 = arith.mulf %parallel_loop3A_718, %parallel_loop3A_351 : vector<16xf32>
        %parallel_loop3A_720 = arith.addf %parallel_loop3A_711, %parallel_loop3A_719 : vector<16xf32>
        %parallel_loop3A_721 = arith.constant 6 : i32
        %parallel_loop3A_722 = arith.addi %parallel_loop3A_360, %parallel_loop3A_721 : i32
        %parallel_loop3A_723 = arith.constant 1 : i32
        %parallel_loop3A_724 = arith.addi %parallel_loop3A_722, %parallel_loop3A_723 : i32
        %parallel_loop3A_725 = arith.index_cast %parallel_loop3A_724 : i32 to index
        %parallel_loop3A_726 = arith.constant 0 : index
        %parallel_loop3A_727 = tpu.vector_load %arg12[%parallel_loop3A_725, %parallel_loop3A_726] {strides = array<i32>} : memref<256x128xf32, #tpu.memory_space<vmem>>, vector<16xf32>,
        %parallel_loop3A_728 = arith.mulf %parallel_loop3A_727, %parallel_loop3A_356 : vector<16xf32>
        %parallel_loop3A_729 = arith.addf %parallel_loop3A_720, %parallel_loop3A_728 : vector<16xf32>
        %parallel_loop3A_730 = arith.constant 128 : i32
        %parallel_loop3A_731 = vector.broadcast %parallel_loop3A_730 : i32 to vector<16xi32>
        %parallel_loop3A_732 = arith.addi %iota3A, %parallel_loop3A_731 : vector<16xi32>
        %parallel_loop3A_733 = arith.constant 3 : i32
        %parallel_loop3A_734 = vector.broadcast %parallel_loop3A_733 : i32 to vector<16xi32>
        %parallel_loop3A_735 = arith.shrsi %parallel_loop3A_732, %parallel_loop3A_734 : vector<16xi32>
        %parallel_loop3A_736 = arith.constant 7 : i32
        %parallel_loop3A_737 = vector.broadcast %parallel_loop3A_736 : i32 to vector<16xi32>
        %parallel_loop3A_738 = arith.andi %parallel_loop3A_732, %parallel_loop3A_737 : vector<16xi32>
        tpu.vector_store_idx %arg14[%parallel_loop3A_735, %parallel_loop3A_738, %parallel_loop3A_358], %parallel_loop3A_729 : memref<32x8x33xf32, #tpu.memory_space<vmem>>[vector<16xi32>, vector<16xi32>, vector<16xi32>], vector<16xf32>,
        %parallel_loop3A_739 = arith.constant 1 : i32
        %parallel_loop3A_740 = arith.addi %parallel_loop3A_360, %parallel_loop3A_739 : i32
        %parallel_loop3A_741 = arith.index_cast %parallel_loop3A_740 : i32 to index
        %parallel_loop3A_742 = arith.constant 16 : index
        %parallel_loop3A_743 = tpu.vector_load %arg12[%parallel_loop3A_741, %parallel_loop3A_742] {strides = array<i32>} : memref<256x128xf32, #tpu.memory_space<vmem>>, vector<16xf32>,
        %parallel_loop3A_744 = arith.mulf %parallel_loop3A_743, %parallel_loop3A_341 : vector<16xf32>
        %parallel_loop3A_745 = arith.constant 2 : i32
        %parallel_loop3A_746 = arith.addi %parallel_loop3A_360, %parallel_loop3A_745 : i32
        %parallel_loop3A_747 = arith.constant 1 : i32
        %parallel_loop3A_748 = arith.addi %parallel_loop3A_746, %parallel_loop3A_747 : i32
        %parallel_loop3A_749 = arith.index_cast %parallel_loop3A_748 : i32 to index
        %parallel_loop3A_750 = arith.constant 16 : index
        %parallel_loop3A_751 = tpu.vector_load %arg12[%parallel_loop3A_749, %parallel_loop3A_750] {strides = array<i32>} : memref<256x128xf32, #tpu.memory_space<vmem>>, vector<16xf32>,
        %parallel_loop3A_752 = arith.mulf %parallel_loop3A_751, %parallel_loop3A_346 : vector<16xf32>
        %parallel_loop3A_753 = arith.addf %parallel_loop3A_744, %parallel_loop3A_752 : vector<16xf32>
        %parallel_loop3A_754 = arith.constant 4 : i32
        %parallel_loop3A_755 = arith.addi %parallel_loop3A_360, %parallel_loop3A_754 : i32
        %parallel_loop3A_756 = arith.constant 1 : i32
        %parallel_loop3A_757 = arith.addi %parallel_loop3A_755, %parallel_loop3A_756 : i32
        %parallel_loop3A_758 = arith.index_cast %parallel_loop3A_757 : i32 to index
        %parallel_loop3A_759 = arith.constant 16 : index
        %parallel_loop3A_760 = tpu.vector_load %arg12[%parallel_loop3A_758, %parallel_loop3A_759] {strides = array<i32>} : memref<256x128xf32, #tpu.memory_space<vmem>>, vector<16xf32>,
        %parallel_loop3A_761 = arith.mulf %parallel_loop3A_760, %parallel_loop3A_351 : vector<16xf32>
        %parallel_loop3A_762 = arith.addf %parallel_loop3A_753, %parallel_loop3A_761 : vector<16xf32>
        %parallel_loop3A_763 = arith.constant 6 : i32
        %parallel_loop3A_764 = arith.addi %parallel_loop3A_360, %parallel_loop3A_763 : i32
        %parallel_loop3A_765 = arith.constant 1 : i32
        %parallel_loop3A_766 = arith.addi %parallel_loop3A_764, %parallel_loop3A_765 : i32
        %parallel_loop3A_767 = arith.index_cast %parallel_loop3A_766 : i32 to index
        %parallel_loop3A_768 = arith.constant 16 : index
        %parallel_loop3A_769 = tpu.vector_load %arg12[%parallel_loop3A_767, %parallel_loop3A_768] {strides = array<i32>} : memref<256x128xf32, #tpu.memory_space<vmem>>, vector<16xf32>,
        %parallel_loop3A_770 = arith.mulf %parallel_loop3A_769, %parallel_loop3A_356 : vector<16xf32>
        %parallel_loop3A_771 = arith.addf %parallel_loop3A_762, %parallel_loop3A_770 : vector<16xf32>
        %parallel_loop3A_772 = arith.constant 144 : i32
        %parallel_loop3A_773 = vector.broadcast %parallel_loop3A_772 : i32 to vector<16xi32>
        %parallel_loop3A_774 = arith.addi %iota3A, %parallel_loop3A_773 : vector<16xi32>
        %parallel_loop3A_775 = arith.constant 3 : i32
        %parallel_loop3A_776 = vector.broadcast %parallel_loop3A_775 : i32 to vector<16xi32>
        %parallel_loop3A_777 = arith.shrsi %parallel_loop3A_774, %parallel_loop3A_776 : vector<16xi32>
        %parallel_loop3A_778 = arith.constant 7 : i32
        %parallel_loop3A_779 = vector.broadcast %parallel_loop3A_778 : i32 to vector<16xi32>
        %parallel_loop3A_780 = arith.andi %parallel_loop3A_774, %parallel_loop3A_779 : vector<16xi32>
        tpu.vector_store_idx %arg14[%parallel_loop3A_777, %parallel_loop3A_780, %parallel_loop3A_358], %parallel_loop3A_771 : memref<32x8x33xf32, #tpu.memory_space<vmem>>[vector<16xi32>, vector<16xi32>, vector<16xi32>], vector<16xf32>,
        %parallel_loop3A_781 = arith.constant 1 : i32
        %parallel_loop3A_782 = arith.addi %parallel_loop3A_360, %parallel_loop3A_781 : i32
        %parallel_loop3A_783 = arith.index_cast %parallel_loop3A_782 : i32 to index
        %parallel_loop3A_784 = arith.constant 32 : index
        %parallel_loop3A_785 = tpu.vector_load %arg12[%parallel_loop3A_783, %parallel_loop3A_784] {strides = array<i32>} : memref<256x128xf32, #tpu.memory_space<vmem>>, vector<16xf32>,
        %parallel_loop3A_786 = arith.mulf %parallel_loop3A_785, %parallel_loop3A_341 : vector<16xf32>
        %parallel_loop3A_787 = arith.constant 2 : i32
        %parallel_loop3A_788 = arith.addi %parallel_loop3A_360, %parallel_loop3A_787 : i32
        %parallel_loop3A_789 = arith.constant 1 : i32
        %parallel_loop3A_790 = arith.addi %parallel_loop3A_788, %parallel_loop3A_789 : i32
        %parallel_loop3A_791 = arith.index_cast %parallel_loop3A_790 : i32 to index
        %parallel_loop3A_792 = arith.constant 32 : index
        %parallel_loop3A_793 = tpu.vector_load %arg12[%parallel_loop3A_791, %parallel_loop3A_792] {strides = array<i32>} : memref<256x128xf32, #tpu.memory_space<vmem>>, vector<16xf32>,
        %parallel_loop3A_794 = arith.mulf %parallel_loop3A_793, %parallel_loop3A_346 : vector<16xf32>
        %parallel_loop3A_795 = arith.addf %parallel_loop3A_786, %parallel_loop3A_794 : vector<16xf32>
        %parallel_loop3A_796 = arith.constant 4 : i32
        %parallel_loop3A_797 = arith.addi %parallel_loop3A_360, %parallel_loop3A_796 : i32
        %parallel_loop3A_798 = arith.constant 1 : i32
        %parallel_loop3A_799 = arith.addi %parallel_loop3A_797, %parallel_loop3A_798 : i32
        %parallel_loop3A_800 = arith.index_cast %parallel_loop3A_799 : i32 to index
        %parallel_loop3A_801 = arith.constant 32 : index
        %parallel_loop3A_802 = tpu.vector_load %arg12[%parallel_loop3A_800, %parallel_loop3A_801] {strides = array<i32>} : memref<256x128xf32, #tpu.memory_space<vmem>>, vector<16xf32>,
        %parallel_loop3A_803 = arith.mulf %parallel_loop3A_802, %parallel_loop3A_351 : vector<16xf32>
        %parallel_loop3A_804 = arith.addf %parallel_loop3A_795, %parallel_loop3A_803 : vector<16xf32>
        %parallel_loop3A_805 = arith.constant 6 : i32
        %parallel_loop3A_806 = arith.addi %parallel_loop3A_360, %parallel_loop3A_805 : i32
        %parallel_loop3A_807 = arith.constant 1 : i32
        %parallel_loop3A_808 = arith.addi %parallel_loop3A_806, %parallel_loop3A_807 : i32
        %parallel_loop3A_809 = arith.index_cast %parallel_loop3A_808 : i32 to index
        %parallel_loop3A_810 = arith.constant 32 : index
        %parallel_loop3A_811 = tpu.vector_load %arg12[%parallel_loop3A_809, %parallel_loop3A_810] {strides = array<i32>} : memref<256x128xf32, #tpu.memory_space<vmem>>, vector<16xf32>,
        %parallel_loop3A_812 = arith.mulf %parallel_loop3A_811, %parallel_loop3A_356 : vector<16xf32>
        %parallel_loop3A_813 = arith.addf %parallel_loop3A_804, %parallel_loop3A_812 : vector<16xf32>
        %parallel_loop3A_814 = arith.constant 160 : i32
        %parallel_loop3A_815 = vector.broadcast %parallel_loop3A_814 : i32 to vector<16xi32>
        %parallel_loop3A_816 = arith.addi %iota3A, %parallel_loop3A_815 : vector<16xi32>
        %parallel_loop3A_817 = arith.constant 3 : i32
        %parallel_loop3A_818 = vector.broadcast %parallel_loop3A_817 : i32 to vector<16xi32>
        %parallel_loop3A_819 = arith.shrsi %parallel_loop3A_816, %parallel_loop3A_818 : vector<16xi32>
        %parallel_loop3A_820 = arith.constant 7 : i32
        %parallel_loop3A_821 = vector.broadcast %parallel_loop3A_820 : i32 to vector<16xi32>
        %parallel_loop3A_822 = arith.andi %parallel_loop3A_816, %parallel_loop3A_821 : vector<16xi32>
        tpu.vector_store_idx %arg14[%parallel_loop3A_819, %parallel_loop3A_822, %parallel_loop3A_358], %parallel_loop3A_813 : memref<32x8x33xf32, #tpu.memory_space<vmem>>[vector<16xi32>, vector<16xi32>, vector<16xi32>], vector<16xf32>,
        %parallel_loop3A_823 = arith.constant 1 : i32
        %parallel_loop3A_824 = arith.addi %parallel_loop3A_360, %parallel_loop3A_823 : i32
        %parallel_loop3A_825 = arith.index_cast %parallel_loop3A_824 : i32 to index
        %parallel_loop3A_826 = arith.constant 48 : index
        %parallel_loop3A_827 = tpu.vector_load %arg12[%parallel_loop3A_825, %parallel_loop3A_826] {strides = array<i32>} : memref<256x128xf32, #tpu.memory_space<vmem>>, vector<16xf32>,
        %parallel_loop3A_828 = arith.mulf %parallel_loop3A_827, %parallel_loop3A_341 : vector<16xf32>
        %parallel_loop3A_829 = arith.constant 2 : i32
        %parallel_loop3A_830 = arith.addi %parallel_loop3A_360, %parallel_loop3A_829 : i32
        %parallel_loop3A_831 = arith.constant 1 : i32
        %parallel_loop3A_832 = arith.addi %parallel_loop3A_830, %parallel_loop3A_831 : i32
        %parallel_loop3A_833 = arith.index_cast %parallel_loop3A_832 : i32 to index
        %parallel_loop3A_834 = arith.constant 48 : index
        %parallel_loop3A_835 = tpu.vector_load %arg12[%parallel_loop3A_833, %parallel_loop3A_834] {strides = array<i32>} : memref<256x128xf32, #tpu.memory_space<vmem>>, vector<16xf32>,
        %parallel_loop3A_836 = arith.mulf %parallel_loop3A_835, %parallel_loop3A_346 : vector<16xf32>
        %parallel_loop3A_837 = arith.addf %parallel_loop3A_828, %parallel_loop3A_836 : vector<16xf32>
        %parallel_loop3A_838 = arith.constant 4 : i32
        %parallel_loop3A_839 = arith.addi %parallel_loop3A_360, %parallel_loop3A_838 : i32
        %parallel_loop3A_840 = arith.constant 1 : i32
        %parallel_loop3A_841 = arith.addi %parallel_loop3A_839, %parallel_loop3A_840 : i32
        %parallel_loop3A_842 = arith.index_cast %parallel_loop3A_841 : i32 to index
        %parallel_loop3A_843 = arith.constant 48 : index
        %parallel_loop3A_844 = tpu.vector_load %arg12[%parallel_loop3A_842, %parallel_loop3A_843] {strides = array<i32>} : memref<256x128xf32, #tpu.memory_space<vmem>>, vector<16xf32>,
        %parallel_loop3A_845 = arith.mulf %parallel_loop3A_844, %parallel_loop3A_351 : vector<16xf32>
        %parallel_loop3A_846 = arith.addf %parallel_loop3A_837, %parallel_loop3A_845 : vector<16xf32>
        %parallel_loop3A_847 = arith.constant 6 : i32
        %parallel_loop3A_848 = arith.addi %parallel_loop3A_360, %parallel_loop3A_847 : i32
        %parallel_loop3A_849 = arith.constant 1 : i32
        %parallel_loop3A_850 = arith.addi %parallel_loop3A_848, %parallel_loop3A_849 : i32
        %parallel_loop3A_851 = arith.index_cast %parallel_loop3A_850 : i32 to index
        %parallel_loop3A_852 = arith.constant 48 : index
        %parallel_loop3A_853 = tpu.vector_load %arg12[%parallel_loop3A_851, %parallel_loop3A_852] {strides = array<i32>} : memref<256x128xf32, #tpu.memory_space<vmem>>, vector<16xf32>,
        %parallel_loop3A_854 = arith.mulf %parallel_loop3A_853, %parallel_loop3A_356 : vector<16xf32>
        %parallel_loop3A_855 = arith.addf %parallel_loop3A_846, %parallel_loop3A_854 : vector<16xf32>
        %parallel_loop3A_856 = arith.constant 176 : i32
        %parallel_loop3A_857 = vector.broadcast %parallel_loop3A_856 : i32 to vector<16xi32>
        %parallel_loop3A_858 = arith.addi %iota3A, %parallel_loop3A_857 : vector<16xi32>
        %parallel_loop3A_859 = arith.constant 3 : i32
        %parallel_loop3A_860 = vector.broadcast %parallel_loop3A_859 : i32 to vector<16xi32>
        %parallel_loop3A_861 = arith.shrsi %parallel_loop3A_858, %parallel_loop3A_860 : vector<16xi32>
        %parallel_loop3A_862 = arith.constant 7 : i32
        %parallel_loop3A_863 = vector.broadcast %parallel_loop3A_862 : i32 to vector<16xi32>
        %parallel_loop3A_864 = arith.andi %parallel_loop3A_858, %parallel_loop3A_863 : vector<16xi32>
        tpu.vector_store_idx %arg14[%parallel_loop3A_861, %parallel_loop3A_864, %parallel_loop3A_358], %parallel_loop3A_855 : memref<32x8x33xf32, #tpu.memory_space<vmem>>[vector<16xi32>, vector<16xi32>, vector<16xi32>], vector<16xf32>,
        %parallel_loop3A_865 = arith.constant 1 : i32
        %parallel_loop3A_866 = arith.addi %parallel_loop3A_360, %parallel_loop3A_865 : i32
        %parallel_loop3A_867 = arith.index_cast %parallel_loop3A_866 : i32 to index
        %parallel_loop3A_868 = arith.constant 64 : index
        %parallel_loop3A_869 = tpu.vector_load %arg12[%parallel_loop3A_867, %parallel_loop3A_868] {strides = array<i32>} : memref<256x128xf32, #tpu.memory_space<vmem>>, vector<16xf32>,
        %parallel_loop3A_870 = arith.mulf %parallel_loop3A_869, %parallel_loop3A_341 : vector<16xf32>
        %parallel_loop3A_871 = arith.constant 2 : i32
        %parallel_loop3A_872 = arith.addi %parallel_loop3A_360, %parallel_loop3A_871 : i32
        %parallel_loop3A_873 = arith.constant 1 : i32
        %parallel_loop3A_874 = arith.addi %parallel_loop3A_872, %parallel_loop3A_873 : i32
        %parallel_loop3A_875 = arith.index_cast %parallel_loop3A_874 : i32 to index
        %parallel_loop3A_876 = arith.constant 64 : index
        %parallel_loop3A_877 = tpu.vector_load %arg12[%parallel_loop3A_875, %parallel_loop3A_876] {strides = array<i32>} : memref<256x128xf32, #tpu.memory_space<vmem>>, vector<16xf32>,
        %parallel_loop3A_878 = arith.mulf %parallel_loop3A_877, %parallel_loop3A_346 : vector<16xf32>
        %parallel_loop3A_879 = arith.addf %parallel_loop3A_870, %parallel_loop3A_878 : vector<16xf32>
        %parallel_loop3A_880 = arith.constant 4 : i32
        %parallel_loop3A_881 = arith.addi %parallel_loop3A_360, %parallel_loop3A_880 : i32
        %parallel_loop3A_882 = arith.constant 1 : i32
        %parallel_loop3A_883 = arith.addi %parallel_loop3A_881, %parallel_loop3A_882 : i32
        %parallel_loop3A_884 = arith.index_cast %parallel_loop3A_883 : i32 to index
        %parallel_loop3A_885 = arith.constant 64 : index
        %parallel_loop3A_886 = tpu.vector_load %arg12[%parallel_loop3A_884, %parallel_loop3A_885] {strides = array<i32>} : memref<256x128xf32, #tpu.memory_space<vmem>>, vector<16xf32>,
        %parallel_loop3A_887 = arith.mulf %parallel_loop3A_886, %parallel_loop3A_351 : vector<16xf32>
        %parallel_loop3A_888 = arith.addf %parallel_loop3A_879, %parallel_loop3A_887 : vector<16xf32>
        %parallel_loop3A_889 = arith.constant 6 : i32
        %parallel_loop3A_890 = arith.addi %parallel_loop3A_360, %parallel_loop3A_889 : i32
        %parallel_loop3A_891 = arith.constant 1 : i32
        %parallel_loop3A_892 = arith.addi %parallel_loop3A_890, %parallel_loop3A_891 : i32
        %parallel_loop3A_893 = arith.index_cast %parallel_loop3A_892 : i32 to index
        %parallel_loop3A_894 = arith.constant 64 : index
        %parallel_loop3A_895 = tpu.vector_load %arg12[%parallel_loop3A_893, %parallel_loop3A_894] {strides = array<i32>} : memref<256x128xf32, #tpu.memory_space<vmem>>, vector<16xf32>,
        %parallel_loop3A_896 = arith.mulf %parallel_loop3A_895, %parallel_loop3A_356 : vector<16xf32>
        %parallel_loop3A_897 = arith.addf %parallel_loop3A_888, %parallel_loop3A_896 : vector<16xf32>
        %parallel_loop3A_898 = arith.constant 192 : i32
        %parallel_loop3A_899 = vector.broadcast %parallel_loop3A_898 : i32 to vector<16xi32>
        %parallel_loop3A_900 = arith.addi %iota3A, %parallel_loop3A_899 : vector<16xi32>
        %parallel_loop3A_901 = arith.constant 3 : i32
        %parallel_loop3A_902 = vector.broadcast %parallel_loop3A_901 : i32 to vector<16xi32>
        %parallel_loop3A_903 = arith.shrsi %parallel_loop3A_900, %parallel_loop3A_902 : vector<16xi32>
        %parallel_loop3A_904 = arith.constant 7 : i32
        %parallel_loop3A_905 = vector.broadcast %parallel_loop3A_904 : i32 to vector<16xi32>
        %parallel_loop3A_906 = arith.andi %parallel_loop3A_900, %parallel_loop3A_905 : vector<16xi32>
        tpu.vector_store_idx %arg14[%parallel_loop3A_903, %parallel_loop3A_906, %parallel_loop3A_358], %parallel_loop3A_897 : memref<32x8x33xf32, #tpu.memory_space<vmem>>[vector<16xi32>, vector<16xi32>, vector<16xi32>], vector<16xf32>,
        %parallel_loop3A_907 = arith.constant 1 : i32
        %parallel_loop3A_908 = arith.addi %parallel_loop3A_360, %parallel_loop3A_907 : i32
        %parallel_loop3A_909 = arith.index_cast %parallel_loop3A_908 : i32 to index
        %parallel_loop3A_910 = arith.constant 80 : index
        %parallel_loop3A_911 = tpu.vector_load %arg12[%parallel_loop3A_909, %parallel_loop3A_910] {strides = array<i32>} : memref<256x128xf32, #tpu.memory_space<vmem>>, vector<16xf32>,
        %parallel_loop3A_912 = arith.mulf %parallel_loop3A_911, %parallel_loop3A_341 : vector<16xf32>
        %parallel_loop3A_913 = arith.constant 2 : i32
        %parallel_loop3A_914 = arith.addi %parallel_loop3A_360, %parallel_loop3A_913 : i32
        %parallel_loop3A_915 = arith.constant 1 : i32
        %parallel_loop3A_916 = arith.addi %parallel_loop3A_914, %parallel_loop3A_915 : i32
        %parallel_loop3A_917 = arith.index_cast %parallel_loop3A_916 : i32 to index
        %parallel_loop3A_918 = arith.constant 80 : index
        %parallel_loop3A_919 = tpu.vector_load %arg12[%parallel_loop3A_917, %parallel_loop3A_918] {strides = array<i32>} : memref<256x128xf32, #tpu.memory_space<vmem>>, vector<16xf32>,
        %parallel_loop3A_920 = arith.mulf %parallel_loop3A_919, %parallel_loop3A_346 : vector<16xf32>
        %parallel_loop3A_921 = arith.addf %parallel_loop3A_912, %parallel_loop3A_920 : vector<16xf32>
        %parallel_loop3A_922 = arith.constant 4 : i32
        %parallel_loop3A_923 = arith.addi %parallel_loop3A_360, %parallel_loop3A_922 : i32
        %parallel_loop3A_924 = arith.constant 1 : i32
        %parallel_loop3A_925 = arith.addi %parallel_loop3A_923, %parallel_loop3A_924 : i32
        %parallel_loop3A_926 = arith.index_cast %parallel_loop3A_925 : i32 to index
        %parallel_loop3A_927 = arith.constant 80 : index
        %parallel_loop3A_928 = tpu.vector_load %arg12[%parallel_loop3A_926, %parallel_loop3A_927] {strides = array<i32>} : memref<256x128xf32, #tpu.memory_space<vmem>>, vector<16xf32>,
        %parallel_loop3A_929 = arith.mulf %parallel_loop3A_928, %parallel_loop3A_351 : vector<16xf32>
        %parallel_loop3A_930 = arith.addf %parallel_loop3A_921, %parallel_loop3A_929 : vector<16xf32>
        %parallel_loop3A_931 = arith.constant 6 : i32
        %parallel_loop3A_932 = arith.addi %parallel_loop3A_360, %parallel_loop3A_931 : i32
        %parallel_loop3A_933 = arith.constant 1 : i32
        %parallel_loop3A_934 = arith.addi %parallel_loop3A_932, %parallel_loop3A_933 : i32
        %parallel_loop3A_935 = arith.index_cast %parallel_loop3A_934 : i32 to index
        %parallel_loop3A_936 = arith.constant 80 : index
        %parallel_loop3A_937 = tpu.vector_load %arg12[%parallel_loop3A_935, %parallel_loop3A_936] {strides = array<i32>} : memref<256x128xf32, #tpu.memory_space<vmem>>, vector<16xf32>,
        %parallel_loop3A_938 = arith.mulf %parallel_loop3A_937, %parallel_loop3A_356 : vector<16xf32>
        %parallel_loop3A_939 = arith.addf %parallel_loop3A_930, %parallel_loop3A_938 : vector<16xf32>
        %parallel_loop3A_940 = arith.constant 208 : i32
        %parallel_loop3A_941 = vector.broadcast %parallel_loop3A_940 : i32 to vector<16xi32>
        %parallel_loop3A_942 = arith.addi %iota3A, %parallel_loop3A_941 : vector<16xi32>
        %parallel_loop3A_943 = arith.constant 3 : i32
        %parallel_loop3A_944 = vector.broadcast %parallel_loop3A_943 : i32 to vector<16xi32>
        %parallel_loop3A_945 = arith.shrsi %parallel_loop3A_942, %parallel_loop3A_944 : vector<16xi32>
        %parallel_loop3A_946 = arith.constant 7 : i32
        %parallel_loop3A_947 = vector.broadcast %parallel_loop3A_946 : i32 to vector<16xi32>
        %parallel_loop3A_948 = arith.andi %parallel_loop3A_942, %parallel_loop3A_947 : vector<16xi32>
        tpu.vector_store_idx %arg14[%parallel_loop3A_945, %parallel_loop3A_948, %parallel_loop3A_358], %parallel_loop3A_939 : memref<32x8x33xf32, #tpu.memory_space<vmem>>[vector<16xi32>, vector<16xi32>, vector<16xi32>], vector<16xf32>,
        %parallel_loop3A_949 = arith.constant 1 : i32
        %parallel_loop3A_950 = arith.addi %parallel_loop3A_360, %parallel_loop3A_949 : i32
        %parallel_loop3A_951 = arith.index_cast %parallel_loop3A_950 : i32 to index
        %parallel_loop3A_952 = arith.constant 96 : index
        %parallel_loop3A_953 = tpu.vector_load %arg12[%parallel_loop3A_951, %parallel_loop3A_952] {strides = array<i32>} : memref<256x128xf32, #tpu.memory_space<vmem>>, vector<16xf32>,
        %parallel_loop3A_954 = arith.mulf %parallel_loop3A_953, %parallel_loop3A_341 : vector<16xf32>
        %parallel_loop3A_955 = arith.constant 2 : i32
        %parallel_loop3A_956 = arith.addi %parallel_loop3A_360, %parallel_loop3A_955 : i32
        %parallel_loop3A_957 = arith.constant 1 : i32
        %parallel_loop3A_958 = arith.addi %parallel_loop3A_956, %parallel_loop3A_957 : i32
        %parallel_loop3A_959 = arith.index_cast %parallel_loop3A_958 : i32 to index
        %parallel_loop3A_960 = arith.constant 96 : index
        %parallel_loop3A_961 = tpu.vector_load %arg12[%parallel_loop3A_959, %parallel_loop3A_960] {strides = array<i32>} : memref<256x128xf32, #tpu.memory_space<vmem>>, vector<16xf32>,
        %parallel_loop3A_962 = arith.mulf %parallel_loop3A_961, %parallel_loop3A_346 : vector<16xf32>
        %parallel_loop3A_963 = arith.addf %parallel_loop3A_954, %parallel_loop3A_962 : vector<16xf32>
        %parallel_loop3A_964 = arith.constant 4 : i32
        %parallel_loop3A_965 = arith.addi %parallel_loop3A_360, %parallel_loop3A_964 : i32
        %parallel_loop3A_966 = arith.constant 1 : i32
        %parallel_loop3A_967 = arith.addi %parallel_loop3A_965, %parallel_loop3A_966 : i32
        %parallel_loop3A_968 = arith.index_cast %parallel_loop3A_967 : i32 to index
        %parallel_loop3A_969 = arith.constant 96 : index
        %parallel_loop3A_970 = tpu.vector_load %arg12[%parallel_loop3A_968, %parallel_loop3A_969] {strides = array<i32>} : memref<256x128xf32, #tpu.memory_space<vmem>>, vector<16xf32>,
        %parallel_loop3A_971 = arith.mulf %parallel_loop3A_970, %parallel_loop3A_351 : vector<16xf32>
        %parallel_loop3A_972 = arith.addf %parallel_loop3A_963, %parallel_loop3A_971 : vector<16xf32>
        %parallel_loop3A_973 = arith.constant 6 : i32
        %parallel_loop3A_974 = arith.addi %parallel_loop3A_360, %parallel_loop3A_973 : i32
        %parallel_loop3A_975 = arith.constant 1 : i32
        %parallel_loop3A_976 = arith.addi %parallel_loop3A_974, %parallel_loop3A_975 : i32
        %parallel_loop3A_977 = arith.index_cast %parallel_loop3A_976 : i32 to index
        %parallel_loop3A_978 = arith.constant 96 : index
        %parallel_loop3A_979 = tpu.vector_load %arg12[%parallel_loop3A_977, %parallel_loop3A_978] {strides = array<i32>} : memref<256x128xf32, #tpu.memory_space<vmem>>, vector<16xf32>,
        %parallel_loop3A_980 = arith.mulf %parallel_loop3A_979, %parallel_loop3A_356 : vector<16xf32>
        %parallel_loop3A_981 = arith.addf %parallel_loop3A_972, %parallel_loop3A_980 : vector<16xf32>
        %parallel_loop3A_982 = arith.constant 224 : i32
        %parallel_loop3A_983 = vector.broadcast %parallel_loop3A_982 : i32 to vector<16xi32>
        %parallel_loop3A_984 = arith.addi %iota3A, %parallel_loop3A_983 : vector<16xi32>
        %parallel_loop3A_985 = arith.constant 3 : i32
        %parallel_loop3A_986 = vector.broadcast %parallel_loop3A_985 : i32 to vector<16xi32>
        %parallel_loop3A_987 = arith.shrsi %parallel_loop3A_984, %parallel_loop3A_986 : vector<16xi32>
        %parallel_loop3A_988 = arith.constant 7 : i32
        %parallel_loop3A_989 = vector.broadcast %parallel_loop3A_988 : i32 to vector<16xi32>
        %parallel_loop3A_990 = arith.andi %parallel_loop3A_984, %parallel_loop3A_989 : vector<16xi32>
        tpu.vector_store_idx %arg14[%parallel_loop3A_987, %parallel_loop3A_990, %parallel_loop3A_358], %parallel_loop3A_981 : memref<32x8x33xf32, #tpu.memory_space<vmem>>[vector<16xi32>, vector<16xi32>, vector<16xi32>], vector<16xf32>,
        %parallel_loop3A_991 = arith.constant 1 : i32
        %parallel_loop3A_992 = arith.addi %parallel_loop3A_360, %parallel_loop3A_991 : i32
        %parallel_loop3A_993 = arith.index_cast %parallel_loop3A_992 : i32 to index
        %parallel_loop3A_994 = arith.constant 112 : index
        %parallel_loop3A_995 = tpu.vector_load %arg12[%parallel_loop3A_993, %parallel_loop3A_994] {strides = array<i32>} : memref<256x128xf32, #tpu.memory_space<vmem>>, vector<16xf32>,
        %parallel_loop3A_996 = arith.mulf %parallel_loop3A_995, %parallel_loop3A_341 : vector<16xf32>
        %parallel_loop3A_997 = arith.constant 2 : i32
        %parallel_loop3A_998 = arith.addi %parallel_loop3A_360, %parallel_loop3A_997 : i32
        %parallel_loop3A_999 = arith.constant 1 : i32
        %parallel_loop3A_1000 = arith.addi %parallel_loop3A_998, %parallel_loop3A_999 : i32
        %parallel_loop3A_1001 = arith.index_cast %parallel_loop3A_1000 : i32 to index
        %parallel_loop3A_1002 = arith.constant 112 : index
        %parallel_loop3A_1003 = tpu.vector_load %arg12[%parallel_loop3A_1001, %parallel_loop3A_1002] {strides = array<i32>} : memref<256x128xf32, #tpu.memory_space<vmem>>, vector<16xf32>,
        %parallel_loop3A_1004 = arith.mulf %parallel_loop3A_1003, %parallel_loop3A_346 : vector<16xf32>
        %parallel_loop3A_1005 = arith.addf %parallel_loop3A_996, %parallel_loop3A_1004 : vector<16xf32>
        %parallel_loop3A_1006 = arith.constant 4 : i32
        %parallel_loop3A_1007 = arith.addi %parallel_loop3A_360, %parallel_loop3A_1006 : i32
        %parallel_loop3A_1008 = arith.constant 1 : i32
        %parallel_loop3A_1009 = arith.addi %parallel_loop3A_1007, %parallel_loop3A_1008 : i32
        %parallel_loop3A_1010 = arith.index_cast %parallel_loop3A_1009 : i32 to index
        %parallel_loop3A_1011 = arith.constant 112 : index
        %parallel_loop3A_1012 = tpu.vector_load %arg12[%parallel_loop3A_1010, %parallel_loop3A_1011] {strides = array<i32>} : memref<256x128xf32, #tpu.memory_space<vmem>>, vector<16xf32>,
        %parallel_loop3A_1013 = arith.mulf %parallel_loop3A_1012, %parallel_loop3A_351 : vector<16xf32>
        %parallel_loop3A_1014 = arith.addf %parallel_loop3A_1005, %parallel_loop3A_1013 : vector<16xf32>
        %parallel_loop3A_1015 = arith.constant 6 : i32
        %parallel_loop3A_1016 = arith.addi %parallel_loop3A_360, %parallel_loop3A_1015 : i32
        %parallel_loop3A_1017 = arith.constant 1 : i32
        %parallel_loop3A_1018 = arith.addi %parallel_loop3A_1016, %parallel_loop3A_1017 : i32
        %parallel_loop3A_1019 = arith.index_cast %parallel_loop3A_1018 : i32 to index
        %parallel_loop3A_1020 = arith.constant 112 : index
        %parallel_loop3A_1021 = tpu.vector_load %arg12[%parallel_loop3A_1019, %parallel_loop3A_1020] {strides = array<i32>} : memref<256x128xf32, #tpu.memory_space<vmem>>, vector<16xf32>,
        %parallel_loop3A_1022 = arith.mulf %parallel_loop3A_1021, %parallel_loop3A_356 : vector<16xf32>
        %parallel_loop3A_1023 = arith.addf %parallel_loop3A_1014, %parallel_loop3A_1022 : vector<16xf32>
        %parallel_loop3A_1024 = arith.constant 240 : i32
        %parallel_loop3A_1025 = vector.broadcast %parallel_loop3A_1024 : i32 to vector<16xi32>
        %parallel_loop3A_1026 = arith.addi %iota3A, %parallel_loop3A_1025 : vector<16xi32>
        %parallel_loop3A_1027 = arith.constant 3 : i32
        %parallel_loop3A_1028 = vector.broadcast %parallel_loop3A_1027 : i32 to vector<16xi32>
        %parallel_loop3A_1029 = arith.shrsi %parallel_loop3A_1026, %parallel_loop3A_1028 : vector<16xi32>
        %parallel_loop3A_1030 = arith.constant 7 : i32
        %parallel_loop3A_1031 = vector.broadcast %parallel_loop3A_1030 : i32 to vector<16xi32>
        %parallel_loop3A_1032 = arith.andi %parallel_loop3A_1026, %parallel_loop3A_1031 : vector<16xi32>
        tpu.vector_store_idx %arg14[%parallel_loop3A_1029, %parallel_loop3A_1032, %parallel_loop3A_358], %parallel_loop3A_1023 : memref<32x8x33xf32, #tpu.memory_space<vmem>>[vector<16xi32>, vector<16xi32>, vector<16xi32>], vector<16xf32>,
      } {sc.loop_unroll_factor = 1 : i64, sc.parallel_access}
      %shift_right_arithmetic3A = arith.constant 2 : i32
      %shift_right_arithmetic3A_218 = arith.shrsi %add3A_161, %shift_right_arithmetic3A : i32
      %add3A_219 = arith.addi %select_n3A_56, %shift_right_arithmetic3A_218 : i32
      %mul3A_220 = arith.constant 32 : i32
      %mul3A_221 = arith.muli %add3A_161, %mul3A_220 : i32
      %and3A_222 = arith.constant 127 : i32
      %and3A_223 = arith.andi %mul3A_221, %and3A_222 : i32
      %multiple_of3A = tpu.assume_multiple %and3A_223, 32 : i32
      %dma_start3A_224 = arith.constant 0 : i32
      %dma_start3A_225 = arith.constant 0 : i32
      %dma_start3A_226 = arith.constant 0 : i32
      %dma_start3A_227 = tpu.memref_slice %arg14[%dma_start3A_224, %dma_start3A_225, %dma_start3A_226] : memref<32x8x33xf32, #tpu.memory_space<vmem>> -> memref<32x8x32xf32, #tpu.memory_space<vmem>>
      %dma_start3A_228 = arith.constant 0 : i32
      %dma_start3A_229 = arith.constant 0 : i32
      %dma_start3A_230 = tpu.memref_slice %arg4[%select_n3A, %dma_start3A_228, %add3A_219, %dma_start3A_229, %multiple_of3A] : memref<4x32x32x8x128xf32, #tpu.memory_space<hbm>> -> memref<1x32x1x8x32xf32, #tpu.memory_space<hbm>>
      %dma_start3A_231 = tpu.memref_squeeze %dma_start3A_230 : memref<1x32x1x8x32xf32, #tpu.memory_space<hbm>> -> memref<32x8x32xf32, #tpu.memory_space<hbm>>
      %dma_start3A_232 = arith.constant 0 : i32
      %dma_start3A_233 = arith.constant 0 : i32
      %dma_start3A_234 = tpu.memref_slice %arg4[%select_n3A, %dma_start3A_232, %add3A_219, %dma_start3A_233, %multiple_of3A] : memref<4x32x32x8x128xf32, #tpu.memory_space<hbm>> -> memref<1x32x1x8x32xf32, #tpu.memory_space<hbm>>
      %dma_start3A_235 = tpu.memref_squeeze %dma_start3A_234 : memref<1x32x1x8x32xf32, #tpu.memory_space<hbm>> -> memref<32x8x32xf32, #tpu.memory_space<hbm>>
      %dma_start3A_236 = arith.constant 0 : i32
      %dma_start3A_237 = arith.constant 0 : i32
      %dma_start3A_238 = arith.constant 0 : i32
      %dma_start3A_239 = tpu.memref_slice %arg14[%dma_start3A_236, %dma_start3A_237, %dma_start3A_238] : memref<32x8x33xf32, #tpu.memory_space<vmem>> -> memref<32x8x32xf32, #tpu.memory_space<vmem>>
      tpu.enqueue_dma source(%dma_start3A_239 : memref<32x8x32xf32, #tpu.memory_space<vmem>>) target(%dma_start3A_235 : memref<32x8x32xf32, #tpu.memory_space<hbm>>) target_semaphore(%arg18 : memref<!tpu.dma_semaphore, #tpu.memory_space<semaphore_mem>>)
      %mul3A_240 = arith.constant 2 : i32
      %mul3A_241 = arith.muli %add3A_157, %mul3A_240 : i32
      %add3A_242 = arith.constant 1 : i32
      %add3A_243 = arith.addi %mul3A_241, %add3A_242 : i32
      %add3A_244 = arith.constant 1 : i32
      %add3A_245 = arith.addi %add3A_243, %add3A_244 : i32
      %lt3A_246 = arith.constant 16 : i32
      %lt3A_247 = arith.cmpi slt, %add3A_245, %lt3A_246 : i32
      %convert_element_type3A_248 = arith.extui %lt3A_247 : i1 to i32
      %cond3A_249 = arith.constant 0 : i32
      %cond3A_250 = arith.cmpi ne, %convert_element_type3A_248, %cond3A_249 : i32
      scf.if %cond3A_250 {
        %add3A_327 = arith.constant 1 : i32
        %add3A_328 = arith.addi %add3A_243, %add3A_327 : i32
        %dma_start3A_329 = arith.constant 0 : i32
        %dma_start3A_330 = arith.constant 0 : i32
        %dma_start3A_331 = arith.constant 0 : i32
        %dma_start3A_332 = tpu.memref_slice %arg12[%dma_start3A_330, %dma_start3A_331] : memref<256x128xf32, #tpu.memory_space<vmem>> -> memref<64x128xf32, #tpu.memory_space<vmem>>
        %dma_start3A_333 = arith.constant 0 : i32
        %dma_start3A_334 = tpu.memref_slice %arg11[%add3A_328, %dma_start3A_329, %dma_start3A_333] : memref<16x4x64xi32, #tpu.memory_space<vmem>> -> memref<1x1x64xi32, #tpu.memory_space<vmem>>
        %dma_start3A_335 = tpu.memref_squeeze %dma_start3A_334 : memref<1x1x64xi32, #tpu.memory_space<vmem>> -> memref<64xi32, #tpu.memory_space<vmem>>
        %dma_start3A_336 = arith.constant 0 : i32
        %dma_start3A_337 = arith.constant 0 : i32
        %dma_start3A_338 = tpu.memref_slice %arg2[%dma_start3A_336, %dma_start3A_337] : memref<281600x128xf32, #tpu.memory_space<hbm>> -> memref<281600x128xf32, #tpu.memory_space<hbm>>
        tpu.enqueue_indirect_dma source(%dma_start3A_338 : memref<281600x128xf32, #tpu.memory_space<hbm>>) target(%dma_start3A_332 : memref<64x128xf32, #tpu.memory_space<vmem>>) offsets(%dma_start3A_335 : memref<64xi32, #tpu.memory_space<vmem>>) semaphore(%arg16 : memref<!tpu.dma_semaphore, #tpu.memory_space<semaphore_mem>>)
        %dma_start3A_339 = arith.constant 1 : i32
        %dma_start3A_340 = arith.constant 64 : i32
        %dma_start3A_341 = arith.constant 0 : i32
        %dma_start3A_342 = tpu.memref_slice %arg12[%dma_start3A_340, %dma_start3A_341] : memref<256x128xf32, #tpu.memory_space<vmem>> -> memref<64x128xf32, #tpu.memory_space<vmem>>
        %dma_start3A_343 = arith.constant 0 : i32
        %dma_start3A_344 = tpu.memref_slice %arg11[%add3A_328, %dma_start3A_339, %dma_start3A_343] : memref<16x4x64xi32, #tpu.memory_space<vmem>> -> memref<1x1x64xi32, #tpu.memory_space<vmem>>
        %dma_start3A_345 = tpu.memref_squeeze %dma_start3A_344 : memref<1x1x64xi32, #tpu.memory_space<vmem>> -> memref<64xi32, #tpu.memory_space<vmem>>
        %dma_start3A_346 = arith.constant 0 : i32
        %dma_start3A_347 = arith.constant 0 : i32
        %dma_start3A_348 = tpu.memref_slice %arg2[%dma_start3A_346, %dma_start3A_347] : memref<281600x128xf32, #tpu.memory_space<hbm>> -> memref<281600x128xf32, #tpu.memory_space<hbm>>
        tpu.enqueue_indirect_dma source(%dma_start3A_348 : memref<281600x128xf32, #tpu.memory_space<hbm>>) target(%dma_start3A_342 : memref<64x128xf32, #tpu.memory_space<vmem>>) offsets(%dma_start3A_345 : memref<64xi32, #tpu.memory_space<vmem>>) semaphore(%arg16 : memref<!tpu.dma_semaphore, #tpu.memory_space<semaphore_mem>>)
        %dma_start3A_349 = arith.constant 2 : i32
        %dma_start3A_350 = arith.constant 128 : i32
        %dma_start3A_351 = arith.constant 0 : i32
        %dma_start3A_352 = tpu.memref_slice %arg12[%dma_start3A_350, %dma_start3A_351] : memref<256x128xf32, #tpu.memory_space<vmem>> -> memref<64x128xf32, #tpu.memory_space<vmem>>
        %dma_start3A_353 = arith.constant 0 : i32
        %dma_start3A_354 = tpu.memref_slice %arg11[%add3A_328, %dma_start3A_349, %dma_start3A_353] : memref<16x4x64xi32, #tpu.memory_space<vmem>> -> memref<1x1x64xi32, #tpu.memory_space<vmem>>
        %dma_start3A_355 = tpu.memref_squeeze %dma_start3A_354 : memref<1x1x64xi32, #tpu.memory_space<vmem>> -> memref<64xi32, #tpu.memory_space<vmem>>
        %dma_start3A_356 = arith.constant 0 : i32
        %dma_start3A_357 = arith.constant 0 : i32
        %dma_start3A_358 = tpu.memref_slice %arg2[%dma_start3A_356, %dma_start3A_357] : memref<281600x128xf32, #tpu.memory_space<hbm>> -> memref<281600x128xf32, #tpu.memory_space<hbm>>
        tpu.enqueue_indirect_dma source(%dma_start3A_358 : memref<281600x128xf32, #tpu.memory_space<hbm>>) target(%dma_start3A_352 : memref<64x128xf32, #tpu.memory_space<vmem>>) offsets(%dma_start3A_355 : memref<64xi32, #tpu.memory_space<vmem>>) semaphore(%arg16 : memref<!tpu.dma_semaphore, #tpu.memory_space<semaphore_mem>>)
        %dma_start3A_359 = arith.constant 3 : i32
        %dma_start3A_360 = arith.constant 192 : i32
        %dma_start3A_361 = arith.constant 0 : i32
        %dma_start3A_362 = tpu.memref_slice %arg12[%dma_start3A_360, %dma_start3A_361] : memref<256x128xf32, #tpu.memory_space<vmem>> -> memref<64x128xf32, #tpu.memory_space<vmem>>
        %dma_start3A_363 = arith.constant 0 : i32
        %dma_start3A_364 = tpu.memref_slice %arg11[%add3A_328, %dma_start3A_359, %dma_start3A_363] : memref<16x4x64xi32, #tpu.memory_space<vmem>> -> memref<1x1x64xi32, #tpu.memory_space<vmem>>
        %dma_start3A_365 = tpu.memref_squeeze %dma_start3A_364 : memref<1x1x64xi32, #tpu.memory_space<vmem>> -> memref<64xi32, #tpu.memory_space<vmem>>
        %dma_start3A_366 = arith.constant 0 : i32
        %dma_start3A_367 = arith.constant 0 : i32
        %dma_start3A_368 = tpu.memref_slice %arg2[%dma_start3A_366, %dma_start3A_367] : memref<281600x128xf32, #tpu.memory_space<hbm>> -> memref<281600x128xf32, #tpu.memory_space<hbm>>
        tpu.enqueue_indirect_dma source(%dma_start3A_368 : memref<281600x128xf32, #tpu.memory_space<hbm>>) target(%dma_start3A_362 : memref<64x128xf32, #tpu.memory_space<vmem>>) offsets(%dma_start3A_365 : memref<64xi32, #tpu.memory_space<vmem>>) semaphore(%arg16 : memref<!tpu.dma_semaphore, #tpu.memory_space<semaphore_mem>>)
      } else {
      }
      %dma_wait3A_251 = arith.constant 0 : i32
      %dma_wait3A_252 = arith.constant 0 : i32
      %dma_wait3A_253 = arith.constant 0 : i32
      %dma_wait3A_254 = arith.constant 0 : i32
      %dma_wait3A_255 = tpu.memref_slice %arg13[%dma_wait3A_253, %dma_wait3A_254] : memref<256x128xf32, #tpu.memory_space<vmem>> -> memref<64x128xf32, #tpu.memory_space<vmem>>
      %dma_wait3A_256 = arith.constant 0 : i32
      %dma_wait3A_257 = tpu.memref_slice %arg11[%dma_wait3A_251, %dma_wait3A_252, %dma_wait3A_256] : memref<16x4x64xi32, #tpu.memory_space<vmem>> -> memref<1x1x64xi32, #tpu.memory_space<vmem>>
      %dma_wait3A_258 = tpu.memref_squeeze %dma_wait3A_257 : memref<1x1x64xi32, #tpu.memory_space<vmem>> -> memref<64xi32, #tpu.memory_space<vmem>>
      %dma_wait3A_259 = arith.constant 0 : i32
      %dma_wait3A_260 = arith.constant 0 : i32
      %dma_wait3A_261 = tpu.memref_slice %arg2[%dma_wait3A_259, %dma_wait3A_260] : memref<281600x128xf32, #tpu.memory_space<hbm>> -> memref<281600x128xf32, #tpu.memory_space<hbm>>
      tpu.wait_indirect_dma semaphore(%arg17 : memref<!tpu.dma_semaphore, #tpu.memory_space<semaphore_mem>>) src(%dma_wait3A_261 : memref<281600x128xf32, #tpu.memory_space<hbm>>) dst(%dma_wait3A_255 : memref<64x128xf32, #tpu.memory_space<vmem>>)
      %dma_wait3A_262 = arith.constant 0 : i32
      %dma_wait3A_263 = arith.constant 0 : i32
      %dma_wait3A_264 = arith.constant 0 : i32
      %dma_wait3A_265 = arith.constant 0 : i32
      %dma_wait3A_266 = tpu.memref_slice %arg13[%dma_wait3A_264, %dma_wait3A_265] : memref<256x128xf32, #tpu.memory_space<vmem>> -> memref<64x128xf32, #tpu.memory_space<vmem>>
      %dma_wait3A_267 = arith.constant 0 : i32
      %dma_wait3A_268 = tpu.memref_slice %arg11[%dma_wait3A_262, %dma_wait3A_263, %dma_wait3A_267] : memref<16x4x64xi32, #tpu.memory_space<vmem>> -> memref<1x1x64xi32, #tpu.memory_space<vmem>>
      %dma_wait3A_269 = tpu.memref_squeeze %dma_wait3A_268 : memref<1x1x64xi32, #tpu.memory_space<vmem>> -> memref<64xi32, #tpu.memory_space<vmem>>
      %dma_wait3A_270 = arith.constant 0 : i32
      %dma_wait3A_271 = arith.constant 0 : i32
      %dma_wait3A_272 = tpu.memref_slice %arg2[%dma_wait3A_270, %dma_wait3A_271] : memref<281600x128xf32, #tpu.memory_space<hbm>> -> memref<281600x128xf32, #tpu.memory_space<hbm>>
      tpu.wait_indirect_dma semaphore(%arg17 : memref<!tpu.dma_semaphore, #tpu.memory_space<semaphore_mem>>) src(%dma_wait3A_272 : memref<281600x128xf32, #tpu.memory_space<hbm>>) dst(%dma_wait3A_266 : memref<64x128xf32, #tpu.memory_space<vmem>>)
      %dma_wait3A_273 = arith.constant 0 : i32
      %dma_wait3A_274 = arith.constant 0 : i32
      %dma_wait3A_275 = arith.constant 0 : i32
      %dma_wait3A_276 = arith.constant 0 : i32
      %dma_wait3A_277 = tpu.memref_slice %arg13[%dma_wait3A_275, %dma_wait3A_276] : memref<256x128xf32, #tpu.memory_space<vmem>> -> memref<64x128xf32, #tpu.memory_space<vmem>>
      %dma_wait3A_278 = arith.constant 0 : i32
      %dma_wait3A_279 = tpu.memref_slice %arg11[%dma_wait3A_273, %dma_wait3A_274, %dma_wait3A_278] : memref<16x4x64xi32, #tpu.memory_space<vmem>> -> memref<1x1x64xi32, #tpu.memory_space<vmem>>
      %dma_wait3A_280 = tpu.memref_squeeze %dma_wait3A_279 : memref<1x1x64xi32, #tpu.memory_space<vmem>> -> memref<64xi32, #tpu.memory_space<vmem>>
      %dma_wait3A_281 = arith.constant 0 : i32
      %dma_wait3A_282 = arith.constant 0 : i32
      %dma_wait3A_283 = tpu.memref_slice %arg2[%dma_wait3A_281, %dma_wait3A_282] : memref<281600x128xf32, #tpu.memory_space<hbm>> -> memref<281600x128xf32, #tpu.memory_space<hbm>>
      tpu.wait_indirect_dma semaphore(%arg17 : memref<!tpu.dma_semaphore, #tpu.memory_space<semaphore_mem>>) src(%dma_wait3A_283 : memref<281600x128xf32, #tpu.memory_space<hbm>>) dst(%dma_wait3A_277 : memref<64x128xf32, #tpu.memory_space<vmem>>)
      %dma_wait3A_284 = arith.constant 0 : i32
      %dma_wait3A_285 = arith.constant 0 : i32
      %dma_wait3A_286 = arith.constant 0 : i32
      %dma_wait3A_287 = arith.constant 0 : i32
      %dma_wait3A_288 = tpu.memref_slice %arg13[%dma_wait3A_286, %dma_wait3A_287] : memref<256x128xf32, #tpu.memory_space<vmem>> -> memref<64x128xf32, #tpu.memory_space<vmem>>
      %dma_wait3A_289 = arith.constant 0 : i32
      %dma_wait3A_290 = tpu.memref_slice %arg11[%dma_wait3A_284, %dma_wait3A_285, %dma_wait3A_289] : memref<16x4x64xi32, #tpu.memory_space<vmem>> -> memref<1x1x64xi32, #tpu.memory_space<vmem>>
      %dma_wait3A_291 = tpu.memref_squeeze %dma_wait3A_290 : memref<1x1x64xi32, #tpu.memory_space<vmem>> -> memref<64xi32, #tpu.memory_space<vmem>>
      %dma_wait3A_292 = arith.constant 0 : i32
      %dma_wait3A_293 = arith.constant 0 : i32
      %dma_wait3A_294 = tpu.memref_slice %arg2[%dma_wait3A_292, %dma_wait3A_293] : memref<281600x128xf32, #tpu.memory_space<hbm>> -> memref<281600x128xf32, #tpu.memory_space<hbm>>
      tpu.wait_indirect_dma semaphore(%arg17 : memref<!tpu.dma_semaphore, #tpu.memory_space<semaphore_mem>>) src(%dma_wait3A_294 : memref<281600x128xf32, #tpu.memory_space<hbm>>) dst(%dma_wait3A_288 : memref<64x128xf32, #tpu.memory_space<vmem>>)
      %ge3A_295 = arith.constant 2 : i32
      %ge3A_296 = arith.cmpi sge, %add3A_243, %ge3A_295 : i32
      %convert_element_type3A_297 = arith.extui %ge3A_296 : i1 to i32
      %cond3A_298 = arith.constant 0 : i32
      %cond3A_299 = arith.cmpi ne, %convert_element_type3A_297, %cond3A_298 : i32
      scf.if %cond3A_299 {
        %dma_wait3A_327 = arith.constant 0 : i32
        %dma_wait3A_328 = arith.constant 0 : i32
        %dma_wait3A_329 = arith.constant 0 : i32
        %dma_wait3A_330 = arith.constant 0 : i32
        %dma_wait3A_331 = arith.constant 0 : i32
        %dma_wait3A_332 = tpu.memref_slice %arg15[%dma_wait3A_329, %dma_wait3A_330, %dma_wait3A_331] : memref<32x8x33xf32, #tpu.memory_space<vmem>> -> memref<32x8x32xf32, #tpu.memory_space<vmem>>
        %dma_wait3A_333 = arith.constant 0 : i32
        %dma_wait3A_334 = arith.constant 0 : i32
        %dma_wait3A_335 = arith.constant 0 : i32
        %dma_wait3A_336 = tpu.memref_slice %arg4[%dma_wait3A_327, %dma_wait3A_333, %dma_wait3A_328, %dma_wait3A_334, %dma_wait3A_335] : memref<4x32x32x8x128xf32, #tpu.memory_space<hbm>> -> memref<1x32x1x8x32xf32, #tpu.memory_space<hbm>>
        %dma_wait3A_337 = tpu.memref_squeeze %dma_wait3A_336 : memref<1x32x1x8x32xf32, #tpu.memory_space<hbm>> -> memref<32x8x32xf32, #tpu.memory_space<hbm>>
        %dma_wait3A_338 = arith.constant 0 : i32
        %dma_wait3A_339 = arith.constant 0 : i32
        %dma_wait3A_340 = arith.constant 0 : i32
        %dma_wait3A_341 = tpu.memref_slice %arg4[%dma_wait3A_327, %dma_wait3A_338, %dma_wait3A_328, %dma_wait3A_339, %dma_wait3A_340] : memref<4x32x32x8x128xf32, #tpu.memory_space<hbm>> -> memref<1x32x1x8x32xf32, #tpu.memory_space<hbm>>
        %dma_wait3A_342 = tpu.memref_squeeze %dma_wait3A_341 : memref<1x32x1x8x32xf32, #tpu.memory_space<hbm>> -> memref<32x8x32xf32, #tpu.memory_space<hbm>>
        %dma_wait3A_343 = arith.constant 0 : i32
        %dma_wait3A_344 = arith.constant 0 : i32
        %dma_wait3A_345 = arith.constant 0 : i32
        %dma_wait3A_346 = tpu.memref_slice %arg15[%dma_wait3A_343, %dma_wait3A_344, %dma_wait3A_345] : memref<32x8x33xf32, #tpu.memory_space<vmem>> -> memref<32x8x32xf32, #tpu.memory_space<vmem>>
        tpu.wait_dma2 semaphore(%arg19 : memref<!tpu.dma_semaphore, #tpu.memory_space<semaphore_mem>>) src(%dma_wait3A_346 : memref<32x8x32xf32, #tpu.memory_space<vmem>>) dst(%dma_wait3A_342 : memref<32x8x32xf32, #tpu.memory_space<hbm>>)
      } else {
      }
      %parallel_loop3A_300 = arith.constant 0 : i32
      %parallel_loop3A_301 = arith.constant 32 : i32
      %parallel_loop3A_302 = arith.constant 1 : i32
      scf.for %parallel_loop3A_327 = %parallel_loop3A_300 to %parallel_loop3A_301 step %parallel_loop3A_302  : i32 {
        %parallel_loop3A_328 = arith.constant 32 : i32
        %parallel_loop3A_329 = arith.muli %add3A_243, %parallel_loop3A_328 : i32
        %parallel_loop3A_330 = arith.constant -16 : i32
        %parallel_loop3A_331 = arith.andi %parallel_loop3A_327, %parallel_loop3A_330 : i32
        %parallel_loop3A_332 = arith.addi %parallel_loop3A_329, %parallel_loop3A_331 : i32
        %parallel_loop3A_333 = arith.constant 15 : i32
        %parallel_loop3A_334 = arith.andi %parallel_loop3A_327, %parallel_loop3A_333 : i32
        %parallel_loop3A_335 = vector.broadcast %parallel_loop3A_334 : i32 to vector<16xi32>
        %parallel_loop3A_336 = arith.addi %broadcast_in_dim3A_57, %parallel_loop3A_335 : vector<16xi32>
        %parallel_loop3A_337 = arith.index_cast %parallel_loop3A_332 : i32 to index
        %parallel_loop3A_338 = tpu.vector_load %arg7[%parallel_loop3A_337] {strides = array<i32>} : memref<512xf32, #tpu.memory_space<vmem>>, vector<16xf32>,
        %parallel_loop3A_339 = vector.shape_cast %parallel_loop3A_336 : vector<16xi32> to vector<16x1xi32>
        %parallel_loop3A_340 = vector.shape_cast %parallel_loop3A_339 : vector<16x1xi32> to vector<16xi32>
        %parallel_loop3A_341 = tpu.dynamic_gather %parallel_loop3A_338[%parallel_loop3A_340] in [0] : vector<16xf32>, vector<16xi32> -> vector<16xf32>
        %parallel_loop3A_342 = arith.index_cast %parallel_loop3A_332 : i32 to index
        %parallel_loop3A_343 = tpu.vector_load %arg8[%parallel_loop3A_342] {strides = array<i32>} : memref<512xf32, #tpu.memory_space<vmem>>, vector<16xf32>,
        %parallel_loop3A_344 = vector.shape_cast %parallel_loop3A_336 : vector<16xi32> to vector<16x1xi32>
        %parallel_loop3A_345 = vector.shape_cast %parallel_loop3A_344 : vector<16x1xi32> to vector<16xi32>
        %parallel_loop3A_346 = tpu.dynamic_gather %parallel_loop3A_343[%parallel_loop3A_345] in [0] : vector<16xf32>, vector<16xi32> -> vector<16xf32>
        %parallel_loop3A_347 = arith.index_cast %parallel_loop3A_332 : i32 to index
        %parallel_loop3A_348 = tpu.vector_load %arg9[%parallel_loop3A_347] {strides = array<i32>} : memref<512xf32, #tpu.memory_space<vmem>>, vector<16xf32>,
        %parallel_loop3A_349 = vector.shape_cast %parallel_loop3A_336 : vector<16xi32> to vector<16x1xi32>
        %parallel_loop3A_350 = vector.shape_cast %parallel_loop3A_349 : vector<16x1xi32> to vector<16xi32>
        %parallel_loop3A_351 = tpu.dynamic_gather %parallel_loop3A_348[%parallel_loop3A_350] in [0] : vector<16xf32>, vector<16xi32> -> vector<16xf32>
        %parallel_loop3A_352 = arith.index_cast %parallel_loop3A_332 : i32 to index
        %parallel_loop3A_353 = tpu.vector_load %arg10[%parallel_loop3A_352] {strides = array<i32>} : memref<512xf32, #tpu.memory_space<vmem>>, vector<16xf32>,
        %parallel_loop3A_354 = vector.shape_cast %parallel_loop3A_336 : vector<16xi32> to vector<16x1xi32>
        %parallel_loop3A_355 = vector.shape_cast %parallel_loop3A_354 : vector<16x1xi32> to vector<16xi32>
        %parallel_loop3A_356 = tpu.dynamic_gather %parallel_loop3A_353[%parallel_loop3A_355] in [0] : vector<16xf32>, vector<16xi32> -> vector<16xf32>
        %parallel_loop3A_357 = vector.broadcast %parallel_loop3A_327 : i32 to vector<16xi32>
        %parallel_loop3A_358 = arith.addi %broadcast_in_dim3A_57, %parallel_loop3A_357 : vector<16xi32>
        %parallel_loop3A_359 = arith.constant 8 : i32
        %parallel_loop3A_360 = arith.muli %parallel_loop3A_327, %parallel_loop3A_359 : i32
        %parallel_loop3A_361 = arith.constant 0 : i32
        %parallel_loop3A_362 = arith.addi %parallel_loop3A_360, %parallel_loop3A_361 : i32
        %parallel_loop3A_363 = arith.index_cast %parallel_loop3A_362 : i32 to index
        %parallel_loop3A_364 = arith.constant 0 : index
        %parallel_loop3A_365 = tpu.vector_load %arg13[%parallel_loop3A_363, %parallel_loop3A_364] {strides = array<i32>} : memref<256x128xf32, #tpu.memory_space<vmem>>, vector<16xf32>,
        %parallel_loop3A_366 = arith.mulf %parallel_loop3A_365, %parallel_loop3A_341 : vector<16xf32>
        %parallel_loop3A_367 = arith.constant 2 : i32
        %parallel_loop3A_368 = arith.addi %parallel_loop3A_360, %parallel_loop3A_367 : i32
        %parallel_loop3A_369 = arith.constant 0 : i32
        %parallel_loop3A_370 = arith.addi %parallel_loop3A_368, %parallel_loop3A_369 : i32
        %parallel_loop3A_371 = arith.index_cast %parallel_loop3A_370 : i32 to index
        %parallel_loop3A_372 = arith.constant 0 : index
        %parallel_loop3A_373 = tpu.vector_load %arg13[%parallel_loop3A_371, %parallel_loop3A_372] {strides = array<i32>} : memref<256x128xf32, #tpu.memory_space<vmem>>, vector<16xf32>,
        %parallel_loop3A_374 = arith.mulf %parallel_loop3A_373, %parallel_loop3A_346 : vector<16xf32>
        %parallel_loop3A_375 = arith.addf %parallel_loop3A_366, %parallel_loop3A_374 : vector<16xf32>
        %parallel_loop3A_376 = arith.constant 4 : i32
        %parallel_loop3A_377 = arith.addi %parallel_loop3A_360, %parallel_loop3A_376 : i32
        %parallel_loop3A_378 = arith.constant 0 : i32
        %parallel_loop3A_379 = arith.addi %parallel_loop3A_377, %parallel_loop3A_378 : i32
        %parallel_loop3A_380 = arith.index_cast %parallel_loop3A_379 : i32 to index
        %parallel_loop3A_381 = arith.constant 0 : index
        %parallel_loop3A_382 = tpu.vector_load %arg13[%parallel_loop3A_380, %parallel_loop3A_381] {strides = array<i32>} : memref<256x128xf32, #tpu.memory_space<vmem>>, vector<16xf32>,
        %parallel_loop3A_383 = arith.mulf %parallel_loop3A_382, %parallel_loop3A_351 : vector<16xf32>
        %parallel_loop3A_384 = arith.addf %parallel_loop3A_375, %parallel_loop3A_383 : vector<16xf32>
        %parallel_loop3A_385 = arith.constant 6 : i32
        %parallel_loop3A_386 = arith.addi %parallel_loop3A_360, %parallel_loop3A_385 : i32
        %parallel_loop3A_387 = arith.constant 0 : i32
        %parallel_loop3A_388 = arith.addi %parallel_loop3A_386, %parallel_loop3A_387 : i32
        %parallel_loop3A_389 = arith.index_cast %parallel_loop3A_388 : i32 to index
        %parallel_loop3A_390 = arith.constant 0 : index
        %parallel_loop3A_391 = tpu.vector_load %arg13[%parallel_loop3A_389, %parallel_loop3A_390] {strides = array<i32>} : memref<256x128xf32, #tpu.memory_space<vmem>>, vector<16xf32>,
        %parallel_loop3A_392 = arith.mulf %parallel_loop3A_391, %parallel_loop3A_356 : vector<16xf32>
        %parallel_loop3A_393 = arith.addf %parallel_loop3A_384, %parallel_loop3A_392 : vector<16xf32>
        %parallel_loop3A_394 = arith.constant 0 : i32
        %parallel_loop3A_395 = vector.broadcast %parallel_loop3A_394 : i32 to vector<16xi32>
        %parallel_loop3A_396 = arith.addi %iota3A, %parallel_loop3A_395 : vector<16xi32>
        %parallel_loop3A_397 = arith.constant 3 : i32
        %parallel_loop3A_398 = vector.broadcast %parallel_loop3A_397 : i32 to vector<16xi32>
        %parallel_loop3A_399 = arith.shrsi %parallel_loop3A_396, %parallel_loop3A_398 : vector<16xi32>
        %parallel_loop3A_400 = arith.constant 7 : i32
        %parallel_loop3A_401 = vector.broadcast %parallel_loop3A_400 : i32 to vector<16xi32>
        %parallel_loop3A_402 = arith.andi %parallel_loop3A_396, %parallel_loop3A_401 : vector<16xi32>
        tpu.vector_store_idx %arg15[%parallel_loop3A_399, %parallel_loop3A_402, %parallel_loop3A_358], %parallel_loop3A_393 : memref<32x8x33xf32, #tpu.memory_space<vmem>>[vector<16xi32>, vector<16xi32>, vector<16xi32>], vector<16xf32>,
        %parallel_loop3A_403 = arith.constant 0 : i32
        %parallel_loop3A_404 = arith.addi %parallel_loop3A_360, %parallel_loop3A_403 : i32
        %parallel_loop3A_405 = arith.index_cast %parallel_loop3A_404 : i32 to index
        %parallel_loop3A_406 = arith.constant 16 : index
        %parallel_loop3A_407 = tpu.vector_load %arg13[%parallel_loop3A_405, %parallel_loop3A_406] {strides = array<i32>} : memref<256x128xf32, #tpu.memory_space<vmem>>, vector<16xf32>,
        %parallel_loop3A_408 = arith.mulf %parallel_loop3A_407, %parallel_loop3A_341 : vector<16xf32>
        %parallel_loop3A_409 = arith.constant 2 : i32
        %parallel_loop3A_410 = arith.addi %parallel_loop3A_360, %parallel_loop3A_409 : i32
        %parallel_loop3A_411 = arith.constant 0 : i32
        %parallel_loop3A_412 = arith.addi %parallel_loop3A_410, %parallel_loop3A_411 : i32
        %parallel_loop3A_413 = arith.index_cast %parallel_loop3A_412 : i32 to index
        %parallel_loop3A_414 = arith.constant 16 : index
        %parallel_loop3A_415 = tpu.vector_load %arg13[%parallel_loop3A_413, %parallel_loop3A_414] {strides = array<i32>} : memref<256x128xf32, #tpu.memory_space<vmem>>, vector<16xf32>,
        %parallel_loop3A_416 = arith.mulf %parallel_loop3A_415, %parallel_loop3A_346 : vector<16xf32>
        %parallel_loop3A_417 = arith.addf %parallel_loop3A_408, %parallel_loop3A_416 : vector<16xf32>
        %parallel_loop3A_418 = arith.constant 4 : i32
        %parallel_loop3A_419 = arith.addi %parallel_loop3A_360, %parallel_loop3A_418 : i32
        %parallel_loop3A_420 = arith.constant 0 : i32
        %parallel_loop3A_421 = arith.addi %parallel_loop3A_419, %parallel_loop3A_420 : i32
        %parallel_loop3A_422 = arith.index_cast %parallel_loop3A_421 : i32 to index
        %parallel_loop3A_423 = arith.constant 16 : index
        %parallel_loop3A_424 = tpu.vector_load %arg13[%parallel_loop3A_422, %parallel_loop3A_423] {strides = array<i32>} : memref<256x128xf32, #tpu.memory_space<vmem>>, vector<16xf32>,
        %parallel_loop3A_425 = arith.mulf %parallel_loop3A_424, %parallel_loop3A_351 : vector<16xf32>
        %parallel_loop3A_426 = arith.addf %parallel_loop3A_417, %parallel_loop3A_425 : vector<16xf32>
        %parallel_loop3A_427 = arith.constant 6 : i32
        %parallel_loop3A_428 = arith.addi %parallel_loop3A_360, %parallel_loop3A_427 : i32
        %parallel_loop3A_429 = arith.constant 0 : i32
        %parallel_loop3A_430 = arith.addi %parallel_loop3A_428, %parallel_loop3A_429 : i32
        %parallel_loop3A_431 = arith.index_cast %parallel_loop3A_430 : i32 to index
        %parallel_loop3A_432 = arith.constant 16 : index
        %parallel_loop3A_433 = tpu.vector_load %arg13[%parallel_loop3A_431, %parallel_loop3A_432] {strides = array<i32>} : memref<256x128xf32, #tpu.memory_space<vmem>>, vector<16xf32>,
        %parallel_loop3A_434 = arith.mulf %parallel_loop3A_433, %parallel_loop3A_356 : vector<16xf32>
        %parallel_loop3A_435 = arith.addf %parallel_loop3A_426, %parallel_loop3A_434 : vector<16xf32>
        %parallel_loop3A_436 = arith.constant 16 : i32
        %parallel_loop3A_437 = vector.broadcast %parallel_loop3A_436 : i32 to vector<16xi32>
        %parallel_loop3A_438 = arith.addi %iota3A, %parallel_loop3A_437 : vector<16xi32>
        %parallel_loop3A_439 = arith.constant 3 : i32
        %parallel_loop3A_440 = vector.broadcast %parallel_loop3A_439 : i32 to vector<16xi32>
        %parallel_loop3A_441 = arith.shrsi %parallel_loop3A_438, %parallel_loop3A_440 : vector<16xi32>
        %parallel_loop3A_442 = arith.constant 7 : i32
        %parallel_loop3A_443 = vector.broadcast %parallel_loop3A_442 : i32 to vector<16xi32>
        %parallel_loop3A_444 = arith.andi %parallel_loop3A_438, %parallel_loop3A_443 : vector<16xi32>
        tpu.vector_store_idx %arg15[%parallel_loop3A_441, %parallel_loop3A_444, %parallel_loop3A_358], %parallel_loop3A_435 : memref<32x8x33xf32, #tpu.memory_space<vmem>>[vector<16xi32>, vector<16xi32>, vector<16xi32>], vector<16xf32>,
        %parallel_loop3A_445 = arith.constant 0 : i32
        %parallel_loop3A_446 = arith.addi %parallel_loop3A_360, %parallel_loop3A_445 : i32
        %parallel_loop3A_447 = arith.index_cast %parallel_loop3A_446 : i32 to index
        %parallel_loop3A_448 = arith.constant 32 : index
        %parallel_loop3A_449 = tpu.vector_load %arg13[%parallel_loop3A_447, %parallel_loop3A_448] {strides = array<i32>} : memref<256x128xf32, #tpu.memory_space<vmem>>, vector<16xf32>,
        %parallel_loop3A_450 = arith.mulf %parallel_loop3A_449, %parallel_loop3A_341 : vector<16xf32>
        %parallel_loop3A_451 = arith.constant 2 : i32
        %parallel_loop3A_452 = arith.addi %parallel_loop3A_360, %parallel_loop3A_451 : i32
        %parallel_loop3A_453 = arith.constant 0 : i32
        %parallel_loop3A_454 = arith.addi %parallel_loop3A_452, %parallel_loop3A_453 : i32
        %parallel_loop3A_455 = arith.index_cast %parallel_loop3A_454 : i32 to index
        %parallel_loop3A_456 = arith.constant 32 : index
        %parallel_loop3A_457 = tpu.vector_load %arg13[%parallel_loop3A_455, %parallel_loop3A_456] {strides = array<i32>} : memref<256x128xf32, #tpu.memory_space<vmem>>, vector<16xf32>,
        %parallel_loop3A_458 = arith.mulf %parallel_loop3A_457, %parallel_loop3A_346 : vector<16xf32>
        %parallel_loop3A_459 = arith.addf %parallel_loop3A_450, %parallel_loop3A_458 : vector<16xf32>
        %parallel_loop3A_460 = arith.constant 4 : i32
        %parallel_loop3A_461 = arith.addi %parallel_loop3A_360, %parallel_loop3A_460 : i32
        %parallel_loop3A_462 = arith.constant 0 : i32
        %parallel_loop3A_463 = arith.addi %parallel_loop3A_461, %parallel_loop3A_462 : i32
        %parallel_loop3A_464 = arith.index_cast %parallel_loop3A_463 : i32 to index
        %parallel_loop3A_465 = arith.constant 32 : index
        %parallel_loop3A_466 = tpu.vector_load %arg13[%parallel_loop3A_464, %parallel_loop3A_465] {strides = array<i32>} : memref<256x128xf32, #tpu.memory_space<vmem>>, vector<16xf32>,
        %parallel_loop3A_467 = arith.mulf %parallel_loop3A_466, %parallel_loop3A_351 : vector<16xf32>
        %parallel_loop3A_468 = arith.addf %parallel_loop3A_459, %parallel_loop3A_467 : vector<16xf32>
        %parallel_loop3A_469 = arith.constant 6 : i32
        %parallel_loop3A_470 = arith.addi %parallel_loop3A_360, %parallel_loop3A_469 : i32
        %parallel_loop3A_471 = arith.constant 0 : i32
        %parallel_loop3A_472 = arith.addi %parallel_loop3A_470, %parallel_loop3A_471 : i32
        %parallel_loop3A_473 = arith.index_cast %parallel_loop3A_472 : i32 to index
        %parallel_loop3A_474 = arith.constant 32 : index
        %parallel_loop3A_475 = tpu.vector_load %arg13[%parallel_loop3A_473, %parallel_loop3A_474] {strides = array<i32>} : memref<256x128xf32, #tpu.memory_space<vmem>>, vector<16xf32>,
        %parallel_loop3A_476 = arith.mulf %parallel_loop3A_475, %parallel_loop3A_356 : vector<16xf32>
        %parallel_loop3A_477 = arith.addf %parallel_loop3A_468, %parallel_loop3A_476 : vector<16xf32>
        %parallel_loop3A_478 = arith.constant 32 : i32
        %parallel_loop3A_479 = vector.broadcast %parallel_loop3A_478 : i32 to vector<16xi32>
        %parallel_loop3A_480 = arith.addi %iota3A, %parallel_loop3A_479 : vector<16xi32>
        %parallel_loop3A_481 = arith.constant 3 : i32
        %parallel_loop3A_482 = vector.broadcast %parallel_loop3A_481 : i32 to vector<16xi32>
        %parallel_loop3A_483 = arith.shrsi %parallel_loop3A_480, %parallel_loop3A_482 : vector<16xi32>
        %parallel_loop3A_484 = arith.constant 7 : i32
        %parallel_loop3A_485 = vector.broadcast %parallel_loop3A_484 : i32 to vector<16xi32>
        %parallel_loop3A_486 = arith.andi %parallel_loop3A_480, %parallel_loop3A_485 : vector<16xi32>
        tpu.vector_store_idx %arg15[%parallel_loop3A_483, %parallel_loop3A_486, %parallel_loop3A_358], %parallel_loop3A_477 : memref<32x8x33xf32, #tpu.memory_space<vmem>>[vector<16xi32>, vector<16xi32>, vector<16xi32>], vector<16xf32>,
        %parallel_loop3A_487 = arith.constant 0 : i32
        %parallel_loop3A_488 = arith.addi %parallel_loop3A_360, %parallel_loop3A_487 : i32
        %parallel_loop3A_489 = arith.index_cast %parallel_loop3A_488 : i32 to index
        %parallel_loop3A_490 = arith.constant 48 : index
        %parallel_loop3A_491 = tpu.vector_load %arg13[%parallel_loop3A_489, %parallel_loop3A_490] {strides = array<i32>} : memref<256x128xf32, #tpu.memory_space<vmem>>, vector<16xf32>,
        %parallel_loop3A_492 = arith.mulf %parallel_loop3A_491, %parallel_loop3A_341 : vector<16xf32>
        %parallel_loop3A_493 = arith.constant 2 : i32
        %parallel_loop3A_494 = arith.addi %parallel_loop3A_360, %parallel_loop3A_493 : i32
        %parallel_loop3A_495 = arith.constant 0 : i32
        %parallel_loop3A_496 = arith.addi %parallel_loop3A_494, %parallel_loop3A_495 : i32
        %parallel_loop3A_497 = arith.index_cast %parallel_loop3A_496 : i32 to index
        %parallel_loop3A_498 = arith.constant 48 : index
        %parallel_loop3A_499 = tpu.vector_load %arg13[%parallel_loop3A_497, %parallel_loop3A_498] {strides = array<i32>} : memref<256x128xf32, #tpu.memory_space<vmem>>, vector<16xf32>,
        %parallel_loop3A_500 = arith.mulf %parallel_loop3A_499, %parallel_loop3A_346 : vector<16xf32>
        %parallel_loop3A_501 = arith.addf %parallel_loop3A_492, %parallel_loop3A_500 : vector<16xf32>
        %parallel_loop3A_502 = arith.constant 4 : i32
        %parallel_loop3A_503 = arith.addi %parallel_loop3A_360, %parallel_loop3A_502 : i32
        %parallel_loop3A_504 = arith.constant 0 : i32
        %parallel_loop3A_505 = arith.addi %parallel_loop3A_503, %parallel_loop3A_504 : i32
        %parallel_loop3A_506 = arith.index_cast %parallel_loop3A_505 : i32 to index
        %parallel_loop3A_507 = arith.constant 48 : index
        %parallel_loop3A_508 = tpu.vector_load %arg13[%parallel_loop3A_506, %parallel_loop3A_507] {strides = array<i32>} : memref<256x128xf32, #tpu.memory_space<vmem>>, vector<16xf32>,
        %parallel_loop3A_509 = arith.mulf %parallel_loop3A_508, %parallel_loop3A_351 : vector<16xf32>
        %parallel_loop3A_510 = arith.addf %parallel_loop3A_501, %parallel_loop3A_509 : vector<16xf32>
        %parallel_loop3A_511 = arith.constant 6 : i32
        %parallel_loop3A_512 = arith.addi %parallel_loop3A_360, %parallel_loop3A_511 : i32
        %parallel_loop3A_513 = arith.constant 0 : i32
        %parallel_loop3A_514 = arith.addi %parallel_loop3A_512, %parallel_loop3A_513 : i32
        %parallel_loop3A_515 = arith.index_cast %parallel_loop3A_514 : i32 to index
        %parallel_loop3A_516 = arith.constant 48 : index
        %parallel_loop3A_517 = tpu.vector_load %arg13[%parallel_loop3A_515, %parallel_loop3A_516] {strides = array<i32>} : memref<256x128xf32, #tpu.memory_space<vmem>>, vector<16xf32>,
        %parallel_loop3A_518 = arith.mulf %parallel_loop3A_517, %parallel_loop3A_356 : vector<16xf32>
        %parallel_loop3A_519 = arith.addf %parallel_loop3A_510, %parallel_loop3A_518 : vector<16xf32>
        %parallel_loop3A_520 = arith.constant 48 : i32
        %parallel_loop3A_521 = vector.broadcast %parallel_loop3A_520 : i32 to vector<16xi32>
        %parallel_loop3A_522 = arith.addi %iota3A, %parallel_loop3A_521 : vector<16xi32>
        %parallel_loop3A_523 = arith.constant 3 : i32
        %parallel_loop3A_524 = vector.broadcast %parallel_loop3A_523 : i32 to vector<16xi32>
        %parallel_loop3A_525 = arith.shrsi %parallel_loop3A_522, %parallel_loop3A_524 : vector<16xi32>
        %parallel_loop3A_526 = arith.constant 7 : i32
        %parallel_loop3A_527 = vector.broadcast %parallel_loop3A_526 : i32 to vector<16xi32>
        %parallel_loop3A_528 = arith.andi %parallel_loop3A_522, %parallel_loop3A_527 : vector<16xi32>
        tpu.vector_store_idx %arg15[%parallel_loop3A_525, %parallel_loop3A_528, %parallel_loop3A_358], %parallel_loop3A_519 : memref<32x8x33xf32, #tpu.memory_space<vmem>>[vector<16xi32>, vector<16xi32>, vector<16xi32>], vector<16xf32>,
        %parallel_loop3A_529 = arith.constant 0 : i32
        %parallel_loop3A_530 = arith.addi %parallel_loop3A_360, %parallel_loop3A_529 : i32
        %parallel_loop3A_531 = arith.index_cast %parallel_loop3A_530 : i32 to index
        %parallel_loop3A_532 = arith.constant 64 : index
        %parallel_loop3A_533 = tpu.vector_load %arg13[%parallel_loop3A_531, %parallel_loop3A_532] {strides = array<i32>} : memref<256x128xf32, #tpu.memory_space<vmem>>, vector<16xf32>,
        %parallel_loop3A_534 = arith.mulf %parallel_loop3A_533, %parallel_loop3A_341 : vector<16xf32>
        %parallel_loop3A_535 = arith.constant 2 : i32
        %parallel_loop3A_536 = arith.addi %parallel_loop3A_360, %parallel_loop3A_535 : i32
        %parallel_loop3A_537 = arith.constant 0 : i32
        %parallel_loop3A_538 = arith.addi %parallel_loop3A_536, %parallel_loop3A_537 : i32
        %parallel_loop3A_539 = arith.index_cast %parallel_loop3A_538 : i32 to index
        %parallel_loop3A_540 = arith.constant 64 : index
        %parallel_loop3A_541 = tpu.vector_load %arg13[%parallel_loop3A_539, %parallel_loop3A_540] {strides = array<i32>} : memref<256x128xf32, #tpu.memory_space<vmem>>, vector<16xf32>,
        %parallel_loop3A_542 = arith.mulf %parallel_loop3A_541, %parallel_loop3A_346 : vector<16xf32>
        %parallel_loop3A_543 = arith.addf %parallel_loop3A_534, %parallel_loop3A_542 : vector<16xf32>
        %parallel_loop3A_544 = arith.constant 4 : i32
        %parallel_loop3A_545 = arith.addi %parallel_loop3A_360, %parallel_loop3A_544 : i32
        %parallel_loop3A_546 = arith.constant 0 : i32
        %parallel_loop3A_547 = arith.addi %parallel_loop3A_545, %parallel_loop3A_546 : i32
        %parallel_loop3A_548 = arith.index_cast %parallel_loop3A_547 : i32 to index
        %parallel_loop3A_549 = arith.constant 64 : index
        %parallel_loop3A_550 = tpu.vector_load %arg13[%parallel_loop3A_548, %parallel_loop3A_549] {strides = array<i32>} : memref<256x128xf32, #tpu.memory_space<vmem>>, vector<16xf32>,
        %parallel_loop3A_551 = arith.mulf %parallel_loop3A_550, %parallel_loop3A_351 : vector<16xf32>
        %parallel_loop3A_552 = arith.addf %parallel_loop3A_543, %parallel_loop3A_551 : vector<16xf32>
        %parallel_loop3A_553 = arith.constant 6 : i32
        %parallel_loop3A_554 = arith.addi %parallel_loop3A_360, %parallel_loop3A_553 : i32
        %parallel_loop3A_555 = arith.constant 0 : i32
        %parallel_loop3A_556 = arith.addi %parallel_loop3A_554, %parallel_loop3A_555 : i32
        %parallel_loop3A_557 = arith.index_cast %parallel_loop3A_556 : i32 to index
        %parallel_loop3A_558 = arith.constant 64 : index
        %parallel_loop3A_559 = tpu.vector_load %arg13[%parallel_loop3A_557, %parallel_loop3A_558] {strides = array<i32>} : memref<256x128xf32, #tpu.memory_space<vmem>>, vector<16xf32>,
        %parallel_loop3A_560 = arith.mulf %parallel_loop3A_559, %parallel_loop3A_356 : vector<16xf32>
        %parallel_loop3A_561 = arith.addf %parallel_loop3A_552, %parallel_loop3A_560 : vector<16xf32>
        %parallel_loop3A_562 = arith.constant 64 : i32
        %parallel_loop3A_563 = vector.broadcast %parallel_loop3A_562 : i32 to vector<16xi32>
        %parallel_loop3A_564 = arith.addi %iota3A, %parallel_loop3A_563 : vector<16xi32>
        %parallel_loop3A_565 = arith.constant 3 : i32
        %parallel_loop3A_566 = vector.broadcast %parallel_loop3A_565 : i32 to vector<16xi32>
        %parallel_loop3A_567 = arith.shrsi %parallel_loop3A_564, %parallel_loop3A_566 : vector<16xi32>
        %parallel_loop3A_568 = arith.constant 7 : i32
        %parallel_loop3A_569 = vector.broadcast %parallel_loop3A_568 : i32 to vector<16xi32>
        %parallel_loop3A_570 = arith.andi %parallel_loop3A_564, %parallel_loop3A_569 : vector<16xi32>
        tpu.vector_store_idx %arg15[%parallel_loop3A_567, %parallel_loop3A_570, %parallel_loop3A_358], %parallel_loop3A_561 : memref<32x8x33xf32, #tpu.memory_space<vmem>>[vector<16xi32>, vector<16xi32>, vector<16xi32>], vector<16xf32>,
        %parallel_loop3A_571 = arith.constant 0 : i32
        %parallel_loop3A_572 = arith.addi %parallel_loop3A_360, %parallel_loop3A_571 : i32
        %parallel_loop3A_573 = arith.index_cast %parallel_loop3A_572 : i32 to index
        %parallel_loop3A_574 = arith.constant 80 : index
        %parallel_loop3A_575 = tpu.vector_load %arg13[%parallel_loop3A_573, %parallel_loop3A_574] {strides = array<i32>} : memref<256x128xf32, #tpu.memory_space<vmem>>, vector<16xf32>,
        %parallel_loop3A_576 = arith.mulf %parallel_loop3A_575, %parallel_loop3A_341 : vector<16xf32>
        %parallel_loop3A_577 = arith.constant 2 : i32
        %parallel_loop3A_578 = arith.addi %parallel_loop3A_360, %parallel_loop3A_577 : i32
        %parallel_loop3A_579 = arith.constant 0 : i32
        %parallel_loop3A_580 = arith.addi %parallel_loop3A_578, %parallel_loop3A_579 : i32
        %parallel_loop3A_581 = arith.index_cast %parallel_loop3A_580 : i32 to index
        %parallel_loop3A_582 = arith.constant 80 : index
        %parallel_loop3A_583 = tpu.vector_load %arg13[%parallel_loop3A_581, %parallel_loop3A_582] {strides = array<i32>} : memref<256x128xf32, #tpu.memory_space<vmem>>, vector<16xf32>,
        %parallel_loop3A_584 = arith.mulf %parallel_loop3A_583, %parallel_loop3A_346 : vector<16xf32>
        %parallel_loop3A_585 = arith.addf %parallel_loop3A_576, %parallel_loop3A_584 : vector<16xf32>
        %parallel_loop3A_586 = arith.constant 4 : i32
        %parallel_loop3A_587 = arith.addi %parallel_loop3A_360, %parallel_loop3A_586 : i32
        %parallel_loop3A_588 = arith.constant 0 : i32
        %parallel_loop3A_589 = arith.addi %parallel_loop3A_587, %parallel_loop3A_588 : i32
        %parallel_loop3A_590 = arith.index_cast %parallel_loop3A_589 : i32 to index
        %parallel_loop3A_591 = arith.constant 80 : index
        %parallel_loop3A_592 = tpu.vector_load %arg13[%parallel_loop3A_590, %parallel_loop3A_591] {strides = array<i32>} : memref<256x128xf32, #tpu.memory_space<vmem>>, vector<16xf32>,
        %parallel_loop3A_593 = arith.mulf %parallel_loop3A_592, %parallel_loop3A_351 : vector<16xf32>
        %parallel_loop3A_594 = arith.addf %parallel_loop3A_585, %parallel_loop3A_593 : vector<16xf32>
        %parallel_loop3A_595 = arith.constant 6 : i32
        %parallel_loop3A_596 = arith.addi %parallel_loop3A_360, %parallel_loop3A_595 : i32
        %parallel_loop3A_597 = arith.constant 0 : i32
        %parallel_loop3A_598 = arith.addi %parallel_loop3A_596, %parallel_loop3A_597 : i32
        %parallel_loop3A_599 = arith.index_cast %parallel_loop3A_598 : i32 to index
        %parallel_loop3A_600 = arith.constant 80 : index
        %parallel_loop3A_601 = tpu.vector_load %arg13[%parallel_loop3A_599, %parallel_loop3A_600] {strides = array<i32>} : memref<256x128xf32, #tpu.memory_space<vmem>>, vector<16xf32>,
        %parallel_loop3A_602 = arith.mulf %parallel_loop3A_601, %parallel_loop3A_356 : vector<16xf32>
        %parallel_loop3A_603 = arith.addf %parallel_loop3A_594, %parallel_loop3A_602 : vector<16xf32>
        %parallel_loop3A_604 = arith.constant 80 : i32
        %parallel_loop3A_605 = vector.broadcast %parallel_loop3A_604 : i32 to vector<16xi32>
        %parallel_loop3A_606 = arith.addi %iota3A, %parallel_loop3A_605 : vector<16xi32>
        %parallel_loop3A_607 = arith.constant 3 : i32
        %parallel_loop3A_608 = vector.broadcast %parallel_loop3A_607 : i32 to vector<16xi32>
        %parallel_loop3A_609 = arith.shrsi %parallel_loop3A_606, %parallel_loop3A_608 : vector<16xi32>
        %parallel_loop3A_610 = arith.constant 7 : i32
        %parallel_loop3A_611 = vector.broadcast %parallel_loop3A_610 : i32 to vector<16xi32>
        %parallel_loop3A_612 = arith.andi %parallel_loop3A_606, %parallel_loop3A_611 : vector<16xi32>
        tpu.vector_store_idx %arg15[%parallel_loop3A_609, %parallel_loop3A_612, %parallel_loop3A_358], %parallel_loop3A_603 : memref<32x8x33xf32, #tpu.memory_space<vmem>>[vector<16xi32>, vector<16xi32>, vector<16xi32>], vector<16xf32>,
        %parallel_loop3A_613 = arith.constant 0 : i32
        %parallel_loop3A_614 = arith.addi %parallel_loop3A_360, %parallel_loop3A_613 : i32
        %parallel_loop3A_615 = arith.index_cast %parallel_loop3A_614 : i32 to index
        %parallel_loop3A_616 = arith.constant 96 : index
        %parallel_loop3A_617 = tpu.vector_load %arg13[%parallel_loop3A_615, %parallel_loop3A_616] {strides = array<i32>} : memref<256x128xf32, #tpu.memory_space<vmem>>, vector<16xf32>,
        %parallel_loop3A_618 = arith.mulf %parallel_loop3A_617, %parallel_loop3A_341 : vector<16xf32>
        %parallel_loop3A_619 = arith.constant 2 : i32
        %parallel_loop3A_620 = arith.addi %parallel_loop3A_360, %parallel_loop3A_619 : i32
        %parallel_loop3A_621 = arith.constant 0 : i32
        %parallel_loop3A_622 = arith.addi %parallel_loop3A_620, %parallel_loop3A_621 : i32
        %parallel_loop3A_623 = arith.index_cast %parallel_loop3A_622 : i32 to index
        %parallel_loop3A_624 = arith.constant 96 : index
        %parallel_loop3A_625 = tpu.vector_load %arg13[%parallel_loop3A_623, %parallel_loop3A_624] {strides = array<i32>} : memref<256x128xf32, #tpu.memory_space<vmem>>, vector<16xf32>,
        %parallel_loop3A_626 = arith.mulf %parallel_loop3A_625, %parallel_loop3A_346 : vector<16xf32>
        %parallel_loop3A_627 = arith.addf %parallel_loop3A_618, %parallel_loop3A_626 : vector<16xf32>
        %parallel_loop3A_628 = arith.constant 4 : i32
        %parallel_loop3A_629 = arith.addi %parallel_loop3A_360, %parallel_loop3A_628 : i32
        %parallel_loop3A_630 = arith.constant 0 : i32
        %parallel_loop3A_631 = arith.addi %parallel_loop3A_629, %parallel_loop3A_630 : i32
        %parallel_loop3A_632 = arith.index_cast %parallel_loop3A_631 : i32 to index
        %parallel_loop3A_633 = arith.constant 96 : index
        %parallel_loop3A_634 = tpu.vector_load %arg13[%parallel_loop3A_632, %parallel_loop3A_633] {strides = array<i32>} : memref<256x128xf32, #tpu.memory_space<vmem>>, vector<16xf32>,
        %parallel_loop3A_635 = arith.mulf %parallel_loop3A_634, %parallel_loop3A_351 : vector<16xf32>
        %parallel_loop3A_636 = arith.addf %parallel_loop3A_627, %parallel_loop3A_635 : vector<16xf32>
        %parallel_loop3A_637 = arith.constant 6 : i32
        %parallel_loop3A_638 = arith.addi %parallel_loop3A_360, %parallel_loop3A_637 : i32
        %parallel_loop3A_639 = arith.constant 0 : i32
        %parallel_loop3A_640 = arith.addi %parallel_loop3A_638, %parallel_loop3A_639 : i32
        %parallel_loop3A_641 = arith.index_cast %parallel_loop3A_640 : i32 to index
        %parallel_loop3A_642 = arith.constant 96 : index
        %parallel_loop3A_643 = tpu.vector_load %arg13[%parallel_loop3A_641, %parallel_loop3A_642] {strides = array<i32>} : memref<256x128xf32, #tpu.memory_space<vmem>>, vector<16xf32>,
        %parallel_loop3A_644 = arith.mulf %parallel_loop3A_643, %parallel_loop3A_356 : vector<16xf32>
        %parallel_loop3A_645 = arith.addf %parallel_loop3A_636, %parallel_loop3A_644 : vector<16xf32>
        %parallel_loop3A_646 = arith.constant 96 : i32
        %parallel_loop3A_647 = vector.broadcast %parallel_loop3A_646 : i32 to vector<16xi32>
        %parallel_loop3A_648 = arith.addi %iota3A, %parallel_loop3A_647 : vector<16xi32>
        %parallel_loop3A_649 = arith.constant 3 : i32
        %parallel_loop3A_650 = vector.broadcast %parallel_loop3A_649 : i32 to vector<16xi32>
        %parallel_loop3A_651 = arith.shrsi %parallel_loop3A_648, %parallel_loop3A_650 : vector<16xi32>
        %parallel_loop3A_652 = arith.constant 7 : i32
        %parallel_loop3A_653 = vector.broadcast %parallel_loop3A_652 : i32 to vector<16xi32>
        %parallel_loop3A_654 = arith.andi %parallel_loop3A_648, %parallel_loop3A_653 : vector<16xi32>
        tpu.vector_store_idx %arg15[%parallel_loop3A_651, %parallel_loop3A_654, %parallel_loop3A_358], %parallel_loop3A_645 : memref<32x8x33xf32, #tpu.memory_space<vmem>>[vector<16xi32>, vector<16xi32>, vector<16xi32>], vector<16xf32>,
        %parallel_loop3A_655 = arith.constant 0 : i32
        %parallel_loop3A_656 = arith.addi %parallel_loop3A_360, %parallel_loop3A_655 : i32
        %parallel_loop3A_657 = arith.index_cast %parallel_loop3A_656 : i32 to index
        %parallel_loop3A_658 = arith.constant 112 : index
        %parallel_loop3A_659 = tpu.vector_load %arg13[%parallel_loop3A_657, %parallel_loop3A_658] {strides = array<i32>} : memref<256x128xf32, #tpu.memory_space<vmem>>, vector<16xf32>,
        %parallel_loop3A_660 = arith.mulf %parallel_loop3A_659, %parallel_loop3A_341 : vector<16xf32>
        %parallel_loop3A_661 = arith.constant 2 : i32
        %parallel_loop3A_662 = arith.addi %parallel_loop3A_360, %parallel_loop3A_661 : i32
        %parallel_loop3A_663 = arith.constant 0 : i32
        %parallel_loop3A_664 = arith.addi %parallel_loop3A_662, %parallel_loop3A_663 : i32
        %parallel_loop3A_665 = arith.index_cast %parallel_loop3A_664 : i32 to index
        %parallel_loop3A_666 = arith.constant 112 : index
        %parallel_loop3A_667 = tpu.vector_load %arg13[%parallel_loop3A_665, %parallel_loop3A_666] {strides = array<i32>} : memref<256x128xf32, #tpu.memory_space<vmem>>, vector<16xf32>,
        %parallel_loop3A_668 = arith.mulf %parallel_loop3A_667, %parallel_loop3A_346 : vector<16xf32>
        %parallel_loop3A_669 = arith.addf %parallel_loop3A_660, %parallel_loop3A_668 : vector<16xf32>
        %parallel_loop3A_670 = arith.constant 4 : i32
        %parallel_loop3A_671 = arith.addi %parallel_loop3A_360, %parallel_loop3A_670 : i32
        %parallel_loop3A_672 = arith.constant 0 : i32
        %parallel_loop3A_673 = arith.addi %parallel_loop3A_671, %parallel_loop3A_672 : i32
        %parallel_loop3A_674 = arith.index_cast %parallel_loop3A_673 : i32 to index
        %parallel_loop3A_675 = arith.constant 112 : index
        %parallel_loop3A_676 = tpu.vector_load %arg13[%parallel_loop3A_674, %parallel_loop3A_675] {strides = array<i32>} : memref<256x128xf32, #tpu.memory_space<vmem>>, vector<16xf32>,
        %parallel_loop3A_677 = arith.mulf %parallel_loop3A_676, %parallel_loop3A_351 : vector<16xf32>
        %parallel_loop3A_678 = arith.addf %parallel_loop3A_669, %parallel_loop3A_677 : vector<16xf32>
        %parallel_loop3A_679 = arith.constant 6 : i32
        %parallel_loop3A_680 = arith.addi %parallel_loop3A_360, %parallel_loop3A_679 : i32
        %parallel_loop3A_681 = arith.constant 0 : i32
        %parallel_loop3A_682 = arith.addi %parallel_loop3A_680, %parallel_loop3A_681 : i32
        %parallel_loop3A_683 = arith.index_cast %parallel_loop3A_682 : i32 to index
        %parallel_loop3A_684 = arith.constant 112 : index
        %parallel_loop3A_685 = tpu.vector_load %arg13[%parallel_loop3A_683, %parallel_loop3A_684] {strides = array<i32>} : memref<256x128xf32, #tpu.memory_space<vmem>>, vector<16xf32>,
        %parallel_loop3A_686 = arith.mulf %parallel_loop3A_685, %parallel_loop3A_356 : vector<16xf32>
        %parallel_loop3A_687 = arith.addf %parallel_loop3A_678, %parallel_loop3A_686 : vector<16xf32>
        %parallel_loop3A_688 = arith.constant 112 : i32
        %parallel_loop3A_689 = vector.broadcast %parallel_loop3A_688 : i32 to vector<16xi32>
        %parallel_loop3A_690 = arith.addi %iota3A, %parallel_loop3A_689 : vector<16xi32>
        %parallel_loop3A_691 = arith.constant 3 : i32
        %parallel_loop3A_692 = vector.broadcast %parallel_loop3A_691 : i32 to vector<16xi32>
        %parallel_loop3A_693 = arith.shrsi %parallel_loop3A_690, %parallel_loop3A_692 : vector<16xi32>
        %parallel_loop3A_694 = arith.constant 7 : i32
        %parallel_loop3A_695 = vector.broadcast %parallel_loop3A_694 : i32 to vector<16xi32>
        %parallel_loop3A_696 = arith.andi %parallel_loop3A_690, %parallel_loop3A_695 : vector<16xi32>
        tpu.vector_store_idx %arg15[%parallel_loop3A_693, %parallel_loop3A_696, %parallel_loop3A_358], %parallel_loop3A_687 : memref<32x8x33xf32, #tpu.memory_space<vmem>>[vector<16xi32>, vector<16xi32>, vector<16xi32>], vector<16xf32>,
        %parallel_loop3A_697 = arith.constant 1 : i32
        %parallel_loop3A_698 = arith.addi %parallel_loop3A_360, %parallel_loop3A_697 : i32
        %parallel_loop3A_699 = arith.index_cast %parallel_loop3A_698 : i32 to index
        %parallel_loop3A_700 = arith.constant 0 : index
        %parallel_loop3A_701 = tpu.vector_load %arg13[%parallel_loop3A_699, %parallel_loop3A_700] {strides = array<i32>} : memref<256x128xf32, #tpu.memory_space<vmem>>, vector<16xf32>,
        %parallel_loop3A_702 = arith.mulf %parallel_loop3A_701, %parallel_loop3A_341 : vector<16xf32>
        %parallel_loop3A_703 = arith.constant 2 : i32
        %parallel_loop3A_704 = arith.addi %parallel_loop3A_360, %parallel_loop3A_703 : i32
        %parallel_loop3A_705 = arith.constant 1 : i32
        %parallel_loop3A_706 = arith.addi %parallel_loop3A_704, %parallel_loop3A_705 : i32
        %parallel_loop3A_707 = arith.index_cast %parallel_loop3A_706 : i32 to index
        %parallel_loop3A_708 = arith.constant 0 : index
        %parallel_loop3A_709 = tpu.vector_load %arg13[%parallel_loop3A_707, %parallel_loop3A_708] {strides = array<i32>} : memref<256x128xf32, #tpu.memory_space<vmem>>, vector<16xf32>,
        %parallel_loop3A_710 = arith.mulf %parallel_loop3A_709, %parallel_loop3A_346 : vector<16xf32>
        %parallel_loop3A_711 = arith.addf %parallel_loop3A_702, %parallel_loop3A_710 : vector<16xf32>
        %parallel_loop3A_712 = arith.constant 4 : i32
        %parallel_loop3A_713 = arith.addi %parallel_loop3A_360, %parallel_loop3A_712 : i32
        %parallel_loop3A_714 = arith.constant 1 : i32
        %parallel_loop3A_715 = arith.addi %parallel_loop3A_713, %parallel_loop3A_714 : i32
        %parallel_loop3A_716 = arith.index_cast %parallel_loop3A_715 : i32 to index
        %parallel_loop3A_717 = arith.constant 0 : index
        %parallel_loop3A_718 = tpu.vector_load %arg13[%parallel_loop3A_716, %parallel_loop3A_717] {strides = array<i32>} : memref<256x128xf32, #tpu.memory_space<vmem>>, vector<16xf32>,
        %parallel_loop3A_719 = arith.mulf %parallel_loop3A_718, %parallel_loop3A_351 : vector<16xf32>
        %parallel_loop3A_720 = arith.addf %parallel_loop3A_711, %parallel_loop3A_719 : vector<16xf32>
        %parallel_loop3A_721 = arith.constant 6 : i32
        %parallel_loop3A_722 = arith.addi %parallel_loop3A_360, %parallel_loop3A_721 : i32
        %parallel_loop3A_723 = arith.constant 1 : i32
        %parallel_loop3A_724 = arith.addi %parallel_loop3A_722, %parallel_loop3A_723 : i32
        %parallel_loop3A_725 = arith.index_cast %parallel_loop3A_724 : i32 to index
        %parallel_loop3A_726 = arith.constant 0 : index
        %parallel_loop3A_727 = tpu.vector_load %arg13[%parallel_loop3A_725, %parallel_loop3A_726] {strides = array<i32>} : memref<256x128xf32, #tpu.memory_space<vmem>>, vector<16xf32>,
        %parallel_loop3A_728 = arith.mulf %parallel_loop3A_727, %parallel_loop3A_356 : vector<16xf32>
        %parallel_loop3A_729 = arith.addf %parallel_loop3A_720, %parallel_loop3A_728 : vector<16xf32>
        %parallel_loop3A_730 = arith.constant 128 : i32
        %parallel_loop3A_731 = vector.broadcast %parallel_loop3A_730 : i32 to vector<16xi32>
        %parallel_loop3A_732 = arith.addi %iota3A, %parallel_loop3A_731 : vector<16xi32>
        %parallel_loop3A_733 = arith.constant 3 : i32
        %parallel_loop3A_734 = vector.broadcast %parallel_loop3A_733 : i32 to vector<16xi32>
        %parallel_loop3A_735 = arith.shrsi %parallel_loop3A_732, %parallel_loop3A_734 : vector<16xi32>
        %parallel_loop3A_736 = arith.constant 7 : i32
        %parallel_loop3A_737 = vector.broadcast %parallel_loop3A_736 : i32 to vector<16xi32>
        %parallel_loop3A_738 = arith.andi %parallel_loop3A_732, %parallel_loop3A_737 : vector<16xi32>
        tpu.vector_store_idx %arg15[%parallel_loop3A_735, %parallel_loop3A_738, %parallel_loop3A_358], %parallel_loop3A_729 : memref<32x8x33xf32, #tpu.memory_space<vmem>>[vector<16xi32>, vector<16xi32>, vector<16xi32>], vector<16xf32>,
        %parallel_loop3A_739 = arith.constant 1 : i32
        %parallel_loop3A_740 = arith.addi %parallel_loop3A_360, %parallel_loop3A_739 : i32
        %parallel_loop3A_741 = arith.index_cast %parallel_loop3A_740 : i32 to index
        %parallel_loop3A_742 = arith.constant 16 : index
        %parallel_loop3A_743 = tpu.vector_load %arg13[%parallel_loop3A_741, %parallel_loop3A_742] {strides = array<i32>} : memref<256x128xf32, #tpu.memory_space<vmem>>, vector<16xf32>,
        %parallel_loop3A_744 = arith.mulf %parallel_loop3A_743, %parallel_loop3A_341 : vector<16xf32>
        %parallel_loop3A_745 = arith.constant 2 : i32
        %parallel_loop3A_746 = arith.addi %parallel_loop3A_360, %parallel_loop3A_745 : i32
        %parallel_loop3A_747 = arith.constant 1 : i32
        %parallel_loop3A_748 = arith.addi %parallel_loop3A_746, %parallel_loop3A_747 : i32
        %parallel_loop3A_749 = arith.index_cast %parallel_loop3A_748 : i32 to index
        %parallel_loop3A_750 = arith.constant 16 : index
        %parallel_loop3A_751 = tpu.vector_load %arg13[%parallel_loop3A_749, %parallel_loop3A_750] {strides = array<i32>} : memref<256x128xf32, #tpu.memory_space<vmem>>, vector<16xf32>,
        %parallel_loop3A_752 = arith.mulf %parallel_loop3A_751, %parallel_loop3A_346 : vector<16xf32>
        %parallel_loop3A_753 = arith.addf %parallel_loop3A_744, %parallel_loop3A_752 : vector<16xf32>
        %parallel_loop3A_754 = arith.constant 4 : i32
        %parallel_loop3A_755 = arith.addi %parallel_loop3A_360, %parallel_loop3A_754 : i32
        %parallel_loop3A_756 = arith.constant 1 : i32
        %parallel_loop3A_757 = arith.addi %parallel_loop3A_755, %parallel_loop3A_756 : i32
        %parallel_loop3A_758 = arith.index_cast %parallel_loop3A_757 : i32 to index
        %parallel_loop3A_759 = arith.constant 16 : index
        %parallel_loop3A_760 = tpu.vector_load %arg13[%parallel_loop3A_758, %parallel_loop3A_759] {strides = array<i32>} : memref<256x128xf32, #tpu.memory_space<vmem>>, vector<16xf32>,
        %parallel_loop3A_761 = arith.mulf %parallel_loop3A_760, %parallel_loop3A_351 : vector<16xf32>
        %parallel_loop3A_762 = arith.addf %parallel_loop3A_753, %parallel_loop3A_761 : vector<16xf32>
        %parallel_loop3A_763 = arith.constant 6 : i32
        %parallel_loop3A_764 = arith.addi %parallel_loop3A_360, %parallel_loop3A_763 : i32
        %parallel_loop3A_765 = arith.constant 1 : i32
        %parallel_loop3A_766 = arith.addi %parallel_loop3A_764, %parallel_loop3A_765 : i32
        %parallel_loop3A_767 = arith.index_cast %parallel_loop3A_766 : i32 to index
        %parallel_loop3A_768 = arith.constant 16 : index
        %parallel_loop3A_769 = tpu.vector_load %arg13[%parallel_loop3A_767, %parallel_loop3A_768] {strides = array<i32>} : memref<256x128xf32, #tpu.memory_space<vmem>>, vector<16xf32>,
        %parallel_loop3A_770 = arith.mulf %parallel_loop3A_769, %parallel_loop3A_356 : vector<16xf32>
        %parallel_loop3A_771 = arith.addf %parallel_loop3A_762, %parallel_loop3A_770 : vector<16xf32>
        %parallel_loop3A_772 = arith.constant 144 : i32
        %parallel_loop3A_773 = vector.broadcast %parallel_loop3A_772 : i32 to vector<16xi32>
        %parallel_loop3A_774 = arith.addi %iota3A, %parallel_loop3A_773 : vector<16xi32>
        %parallel_loop3A_775 = arith.constant 3 : i32
        %parallel_loop3A_776 = vector.broadcast %parallel_loop3A_775 : i32 to vector<16xi32>
        %parallel_loop3A_777 = arith.shrsi %parallel_loop3A_774, %parallel_loop3A_776 : vector<16xi32>
        %parallel_loop3A_778 = arith.constant 7 : i32
        %parallel_loop3A_779 = vector.broadcast %parallel_loop3A_778 : i32 to vector<16xi32>
        %parallel_loop3A_780 = arith.andi %parallel_loop3A_774, %parallel_loop3A_779 : vector<16xi32>
        tpu.vector_store_idx %arg15[%parallel_loop3A_777, %parallel_loop3A_780, %parallel_loop3A_358], %parallel_loop3A_771 : memref<32x8x33xf32, #tpu.memory_space<vmem>>[vector<16xi32>, vector<16xi32>, vector<16xi32>], vector<16xf32>,
        %parallel_loop3A_781 = arith.constant 1 : i32
        %parallel_loop3A_782 = arith.addi %parallel_loop3A_360, %parallel_loop3A_781 : i32
        %parallel_loop3A_783 = arith.index_cast %parallel_loop3A_782 : i32 to index
        %parallel_loop3A_784 = arith.constant 32 : index
        %parallel_loop3A_785 = tpu.vector_load %arg13[%parallel_loop3A_783, %parallel_loop3A_784] {strides = array<i32>} : memref<256x128xf32, #tpu.memory_space<vmem>>, vector<16xf32>,
        %parallel_loop3A_786 = arith.mulf %parallel_loop3A_785, %parallel_loop3A_341 : vector<16xf32>
        %parallel_loop3A_787 = arith.constant 2 : i32
        %parallel_loop3A_788 = arith.addi %parallel_loop3A_360, %parallel_loop3A_787 : i32
        %parallel_loop3A_789 = arith.constant 1 : i32
        %parallel_loop3A_790 = arith.addi %parallel_loop3A_788, %parallel_loop3A_789 : i32
        %parallel_loop3A_791 = arith.index_cast %parallel_loop3A_790 : i32 to index
        %parallel_loop3A_792 = arith.constant 32 : index
        %parallel_loop3A_793 = tpu.vector_load %arg13[%parallel_loop3A_791, %parallel_loop3A_792] {strides = array<i32>} : memref<256x128xf32, #tpu.memory_space<vmem>>, vector<16xf32>,
        %parallel_loop3A_794 = arith.mulf %parallel_loop3A_793, %parallel_loop3A_346 : vector<16xf32>
        %parallel_loop3A_795 = arith.addf %parallel_loop3A_786, %parallel_loop3A_794 : vector<16xf32>
        %parallel_loop3A_796 = arith.constant 4 : i32
        %parallel_loop3A_797 = arith.addi %parallel_loop3A_360, %parallel_loop3A_796 : i32
        %parallel_loop3A_798 = arith.constant 1 : i32
        %parallel_loop3A_799 = arith.addi %parallel_loop3A_797, %parallel_loop3A_798 : i32
        %parallel_loop3A_800 = arith.index_cast %parallel_loop3A_799 : i32 to index
        %parallel_loop3A_801 = arith.constant 32 : index
        %parallel_loop3A_802 = tpu.vector_load %arg13[%parallel_loop3A_800, %parallel_loop3A_801] {strides = array<i32>} : memref<256x128xf32, #tpu.memory_space<vmem>>, vector<16xf32>,
        %parallel_loop3A_803 = arith.mulf %parallel_loop3A_802, %parallel_loop3A_351 : vector<16xf32>
        %parallel_loop3A_804 = arith.addf %parallel_loop3A_795, %parallel_loop3A_803 : vector<16xf32>
        %parallel_loop3A_805 = arith.constant 6 : i32
        %parallel_loop3A_806 = arith.addi %parallel_loop3A_360, %parallel_loop3A_805 : i32
        %parallel_loop3A_807 = arith.constant 1 : i32
        %parallel_loop3A_808 = arith.addi %parallel_loop3A_806, %parallel_loop3A_807 : i32
        %parallel_loop3A_809 = arith.index_cast %parallel_loop3A_808 : i32 to index
        %parallel_loop3A_810 = arith.constant 32 : index
        %parallel_loop3A_811 = tpu.vector_load %arg13[%parallel_loop3A_809, %parallel_loop3A_810] {strides = array<i32>} : memref<256x128xf32, #tpu.memory_space<vmem>>, vector<16xf32>,
        %parallel_loop3A_812 = arith.mulf %parallel_loop3A_811, %parallel_loop3A_356 : vector<16xf32>
        %parallel_loop3A_813 = arith.addf %parallel_loop3A_804, %parallel_loop3A_812 : vector<16xf32>
        %parallel_loop3A_814 = arith.constant 160 : i32
        %parallel_loop3A_815 = vector.broadcast %parallel_loop3A_814 : i32 to vector<16xi32>
        %parallel_loop3A_816 = arith.addi %iota3A, %parallel_loop3A_815 : vector<16xi32>
        %parallel_loop3A_817 = arith.constant 3 : i32
        %parallel_loop3A_818 = vector.broadcast %parallel_loop3A_817 : i32 to vector<16xi32>
        %parallel_loop3A_819 = arith.shrsi %parallel_loop3A_816, %parallel_loop3A_818 : vector<16xi32>
        %parallel_loop3A_820 = arith.constant 7 : i32
        %parallel_loop3A_821 = vector.broadcast %parallel_loop3A_820 : i32 to vector<16xi32>
        %parallel_loop3A_822 = arith.andi %parallel_loop3A_816, %parallel_loop3A_821 : vector<16xi32>
        tpu.vector_store_idx %arg15[%parallel_loop3A_819, %parallel_loop3A_822, %parallel_loop3A_358], %parallel_loop3A_813 : memref<32x8x33xf32, #tpu.memory_space<vmem>>[vector<16xi32>, vector<16xi32>, vector<16xi32>], vector<16xf32>,
        %parallel_loop3A_823 = arith.constant 1 : i32
        %parallel_loop3A_824 = arith.addi %parallel_loop3A_360, %parallel_loop3A_823 : i32
        %parallel_loop3A_825 = arith.index_cast %parallel_loop3A_824 : i32 to index
        %parallel_loop3A_826 = arith.constant 48 : index
        %parallel_loop3A_827 = tpu.vector_load %arg13[%parallel_loop3A_825, %parallel_loop3A_826] {strides = array<i32>} : memref<256x128xf32, #tpu.memory_space<vmem>>, vector<16xf32>,
        %parallel_loop3A_828 = arith.mulf %parallel_loop3A_827, %parallel_loop3A_341 : vector<16xf32>
        %parallel_loop3A_829 = arith.constant 2 : i32
        %parallel_loop3A_830 = arith.addi %parallel_loop3A_360, %parallel_loop3A_829 : i32
        %parallel_loop3A_831 = arith.constant 1 : i32
        %parallel_loop3A_832 = arith.addi %parallel_loop3A_830, %parallel_loop3A_831 : i32
        %parallel_loop3A_833 = arith.index_cast %parallel_loop3A_832 : i32 to index
        %parallel_loop3A_834 = arith.constant 48 : index
        %parallel_loop3A_835 = tpu.vector_load %arg13[%parallel_loop3A_833, %parallel_loop3A_834] {strides = array<i32>} : memref<256x128xf32, #tpu.memory_space<vmem>>, vector<16xf32>,
        %parallel_loop3A_836 = arith.mulf %parallel_loop3A_835, %parallel_loop3A_346 : vector<16xf32>
        %parallel_loop3A_837 = arith.addf %parallel_loop3A_828, %parallel_loop3A_836 : vector<16xf32>
        %parallel_loop3A_838 = arith.constant 4 : i32
        %parallel_loop3A_839 = arith.addi %parallel_loop3A_360, %parallel_loop3A_838 : i32
        %parallel_loop3A_840 = arith.constant 1 : i32
        %parallel_loop3A_841 = arith.addi %parallel_loop3A_839, %parallel_loop3A_840 : i32
        %parallel_loop3A_842 = arith.index_cast %parallel_loop3A_841 : i32 to index
        %parallel_loop3A_843 = arith.constant 48 : index
        %parallel_loop3A_844 = tpu.vector_load %arg13[%parallel_loop3A_842, %parallel_loop3A_843] {strides = array<i32>} : memref<256x128xf32, #tpu.memory_space<vmem>>, vector<16xf32>,
        %parallel_loop3A_845 = arith.mulf %parallel_loop3A_844, %parallel_loop3A_351 : vector<16xf32>
        %parallel_loop3A_846 = arith.addf %parallel_loop3A_837, %parallel_loop3A_845 : vector<16xf32>
        %parallel_loop3A_847 = arith.constant 6 : i32
        %parallel_loop3A_848 = arith.addi %parallel_loop3A_360, %parallel_loop3A_847 : i32
        %parallel_loop3A_849 = arith.constant 1 : i32
        %parallel_loop3A_850 = arith.addi %parallel_loop3A_848, %parallel_loop3A_849 : i32
        %parallel_loop3A_851 = arith.index_cast %parallel_loop3A_850 : i32 to index
        %parallel_loop3A_852 = arith.constant 48 : index
        %parallel_loop3A_853 = tpu.vector_load %arg13[%parallel_loop3A_851, %parallel_loop3A_852] {strides = array<i32>} : memref<256x128xf32, #tpu.memory_space<vmem>>, vector<16xf32>,
        %parallel_loop3A_854 = arith.mulf %parallel_loop3A_853, %parallel_loop3A_356 : vector<16xf32>
        %parallel_loop3A_855 = arith.addf %parallel_loop3A_846, %parallel_loop3A_854 : vector<16xf32>
        %parallel_loop3A_856 = arith.constant 176 : i32
        %parallel_loop3A_857 = vector.broadcast %parallel_loop3A_856 : i32 to vector<16xi32>
        %parallel_loop3A_858 = arith.addi %iota3A, %parallel_loop3A_857 : vector<16xi32>
        %parallel_loop3A_859 = arith.constant 3 : i32
        %parallel_loop3A_860 = vector.broadcast %parallel_loop3A_859 : i32 to vector<16xi32>
        %parallel_loop3A_861 = arith.shrsi %parallel_loop3A_858, %parallel_loop3A_860 : vector<16xi32>
        %parallel_loop3A_862 = arith.constant 7 : i32
        %parallel_loop3A_863 = vector.broadcast %parallel_loop3A_862 : i32 to vector<16xi32>
        %parallel_loop3A_864 = arith.andi %parallel_loop3A_858, %parallel_loop3A_863 : vector<16xi32>
        tpu.vector_store_idx %arg15[%parallel_loop3A_861, %parallel_loop3A_864, %parallel_loop3A_358], %parallel_loop3A_855 : memref<32x8x33xf32, #tpu.memory_space<vmem>>[vector<16xi32>, vector<16xi32>, vector<16xi32>], vector<16xf32>,
        %parallel_loop3A_865 = arith.constant 1 : i32
        %parallel_loop3A_866 = arith.addi %parallel_loop3A_360, %parallel_loop3A_865 : i32
        %parallel_loop3A_867 = arith.index_cast %parallel_loop3A_866 : i32 to index
        %parallel_loop3A_868 = arith.constant 64 : index
        %parallel_loop3A_869 = tpu.vector_load %arg13[%parallel_loop3A_867, %parallel_loop3A_868] {strides = array<i32>} : memref<256x128xf32, #tpu.memory_space<vmem>>, vector<16xf32>,
        %parallel_loop3A_870 = arith.mulf %parallel_loop3A_869, %parallel_loop3A_341 : vector<16xf32>
        %parallel_loop3A_871 = arith.constant 2 : i32
        %parallel_loop3A_872 = arith.addi %parallel_loop3A_360, %parallel_loop3A_871 : i32
        %parallel_loop3A_873 = arith.constant 1 : i32
        %parallel_loop3A_874 = arith.addi %parallel_loop3A_872, %parallel_loop3A_873 : i32
        %parallel_loop3A_875 = arith.index_cast %parallel_loop3A_874 : i32 to index
        %parallel_loop3A_876 = arith.constant 64 : index
        %parallel_loop3A_877 = tpu.vector_load %arg13[%parallel_loop3A_875, %parallel_loop3A_876] {strides = array<i32>} : memref<256x128xf32, #tpu.memory_space<vmem>>, vector<16xf32>,
        %parallel_loop3A_878 = arith.mulf %parallel_loop3A_877, %parallel_loop3A_346 : vector<16xf32>
        %parallel_loop3A_879 = arith.addf %parallel_loop3A_870, %parallel_loop3A_878 : vector<16xf32>
        %parallel_loop3A_880 = arith.constant 4 : i32
        %parallel_loop3A_881 = arith.addi %parallel_loop3A_360, %parallel_loop3A_880 : i32
        %parallel_loop3A_882 = arith.constant 1 : i32
        %parallel_loop3A_883 = arith.addi %parallel_loop3A_881, %parallel_loop3A_882 : i32
        %parallel_loop3A_884 = arith.index_cast %parallel_loop3A_883 : i32 to index
        %parallel_loop3A_885 = arith.constant 64 : index
        %parallel_loop3A_886 = tpu.vector_load %arg13[%parallel_loop3A_884, %parallel_loop3A_885] {strides = array<i32>} : memref<256x128xf32, #tpu.memory_space<vmem>>, vector<16xf32>,
        %parallel_loop3A_887 = arith.mulf %parallel_loop3A_886, %parallel_loop3A_351 : vector<16xf32>
        %parallel_loop3A_888 = arith.addf %parallel_loop3A_879, %parallel_loop3A_887 : vector<16xf32>
        %parallel_loop3A_889 = arith.constant 6 : i32
        %parallel_loop3A_890 = arith.addi %parallel_loop3A_360, %parallel_loop3A_889 : i32
        %parallel_loop3A_891 = arith.constant 1 : i32
        %parallel_loop3A_892 = arith.addi %parallel_loop3A_890, %parallel_loop3A_891 : i32
        %parallel_loop3A_893 = arith.index_cast %parallel_loop3A_892 : i32 to index
        %parallel_loop3A_894 = arith.constant 64 : index
        %parallel_loop3A_895 = tpu.vector_load %arg13[%parallel_loop3A_893, %parallel_loop3A_894] {strides = array<i32>} : memref<256x128xf32, #tpu.memory_space<vmem>>, vector<16xf32>,
        %parallel_loop3A_896 = arith.mulf %parallel_loop3A_895, %parallel_loop3A_356 : vector<16xf32>
        %parallel_loop3A_897 = arith.addf %parallel_loop3A_888, %parallel_loop3A_896 : vector<16xf32>
        %parallel_loop3A_898 = arith.constant 192 : i32
        %parallel_loop3A_899 = vector.broadcast %parallel_loop3A_898 : i32 to vector<16xi32>
        %parallel_loop3A_900 = arith.addi %iota3A, %parallel_loop3A_899 : vector<16xi32>
        %parallel_loop3A_901 = arith.constant 3 : i32
        %parallel_loop3A_902 = vector.broadcast %parallel_loop3A_901 : i32 to vector<16xi32>
        %parallel_loop3A_903 = arith.shrsi %parallel_loop3A_900, %parallel_loop3A_902 : vector<16xi32>
        %parallel_loop3A_904 = arith.constant 7 : i32
        %parallel_loop3A_905 = vector.broadcast %parallel_loop3A_904 : i32 to vector<16xi32>
        %parallel_loop3A_906 = arith.andi %parallel_loop3A_900, %parallel_loop3A_905 : vector<16xi32>
        tpu.vector_store_idx %arg15[%parallel_loop3A_903, %parallel_loop3A_906, %parallel_loop3A_358], %parallel_loop3A_897 : memref<32x8x33xf32, #tpu.memory_space<vmem>>[vector<16xi32>, vector<16xi32>, vector<16xi32>], vector<16xf32>,
        %parallel_loop3A_907 = arith.constant 1 : i32
        %parallel_loop3A_908 = arith.addi %parallel_loop3A_360, %parallel_loop3A_907 : i32
        %parallel_loop3A_909 = arith.index_cast %parallel_loop3A_908 : i32 to index
        %parallel_loop3A_910 = arith.constant 80 : index
        %parallel_loop3A_911 = tpu.vector_load %arg13[%parallel_loop3A_909, %parallel_loop3A_910] {strides = array<i32>} : memref<256x128xf32, #tpu.memory_space<vmem>>, vector<16xf32>,
        %parallel_loop3A_912 = arith.mulf %parallel_loop3A_911, %parallel_loop3A_341 : vector<16xf32>
        %parallel_loop3A_913 = arith.constant 2 : i32
        %parallel_loop3A_914 = arith.addi %parallel_loop3A_360, %parallel_loop3A_913 : i32
        %parallel_loop3A_915 = arith.constant 1 : i32
        %parallel_loop3A_916 = arith.addi %parallel_loop3A_914, %parallel_loop3A_915 : i32
        %parallel_loop3A_917 = arith.index_cast %parallel_loop3A_916 : i32 to index
        %parallel_loop3A_918 = arith.constant 80 : index
        %parallel_loop3A_919 = tpu.vector_load %arg13[%parallel_loop3A_917, %parallel_loop3A_918] {strides = array<i32>} : memref<256x128xf32, #tpu.memory_space<vmem>>, vector<16xf32>,
        %parallel_loop3A_920 = arith.mulf %parallel_loop3A_919, %parallel_loop3A_346 : vector<16xf32>
        %parallel_loop3A_921 = arith.addf %parallel_loop3A_912, %parallel_loop3A_920 : vector<16xf32>
        %parallel_loop3A_922 = arith.constant 4 : i32
        %parallel_loop3A_923 = arith.addi %parallel_loop3A_360, %parallel_loop3A_922 : i32
        %parallel_loop3A_924 = arith.constant 1 : i32
        %parallel_loop3A_925 = arith.addi %parallel_loop3A_923, %parallel_loop3A_924 : i32
        %parallel_loop3A_926 = arith.index_cast %parallel_loop3A_925 : i32 to index
        %parallel_loop3A_927 = arith.constant 80 : index
        %parallel_loop3A_928 = tpu.vector_load %arg13[%parallel_loop3A_926, %parallel_loop3A_927] {strides = array<i32>} : memref<256x128xf32, #tpu.memory_space<vmem>>, vector<16xf32>,
        %parallel_loop3A_929 = arith.mulf %parallel_loop3A_928, %parallel_loop3A_351 : vector<16xf32>
        %parallel_loop3A_930 = arith.addf %parallel_loop3A_921, %parallel_loop3A_929 : vector<16xf32>
        %parallel_loop3A_931 = arith.constant 6 : i32
        %parallel_loop3A_932 = arith.addi %parallel_loop3A_360, %parallel_loop3A_931 : i32
        %parallel_loop3A_933 = arith.constant 1 : i32
        %parallel_loop3A_934 = arith.addi %parallel_loop3A_932, %parallel_loop3A_933 : i32
        %parallel_loop3A_935 = arith.index_cast %parallel_loop3A_934 : i32 to index
        %parallel_loop3A_936 = arith.constant 80 : index
        %parallel_loop3A_937 = tpu.vector_load %arg13[%parallel_loop3A_935, %parallel_loop3A_936] {strides = array<i32>} : memref<256x128xf32, #tpu.memory_space<vmem>>, vector<16xf32>,
        %parallel_loop3A_938 = arith.mulf %parallel_loop3A_937, %parallel_loop3A_356 : vector<16xf32>
        %parallel_loop3A_939 = arith.addf %parallel_loop3A_930, %parallel_loop3A_938 : vector<16xf32>
        %parallel_loop3A_940 = arith.constant 208 : i32
        %parallel_loop3A_941 = vector.broadcast %parallel_loop3A_940 : i32 to vector<16xi32>
        %parallel_loop3A_942 = arith.addi %iota3A, %parallel_loop3A_941 : vector<16xi32>
        %parallel_loop3A_943 = arith.constant 3 : i32
        %parallel_loop3A_944 = vector.broadcast %parallel_loop3A_943 : i32 to vector<16xi32>
        %parallel_loop3A_945 = arith.shrsi %parallel_loop3A_942, %parallel_loop3A_944 : vector<16xi32>
        %parallel_loop3A_946 = arith.constant 7 : i32
        %parallel_loop3A_947 = vector.broadcast %parallel_loop3A_946 : i32 to vector<16xi32>
        %parallel_loop3A_948 = arith.andi %parallel_loop3A_942, %parallel_loop3A_947 : vector<16xi32>
        tpu.vector_store_idx %arg15[%parallel_loop3A_945, %parallel_loop3A_948, %parallel_loop3A_358], %parallel_loop3A_939 : memref<32x8x33xf32, #tpu.memory_space<vmem>>[vector<16xi32>, vector<16xi32>, vector<16xi32>], vector<16xf32>,
        %parallel_loop3A_949 = arith.constant 1 : i32
        %parallel_loop3A_950 = arith.addi %parallel_loop3A_360, %parallel_loop3A_949 : i32
        %parallel_loop3A_951 = arith.index_cast %parallel_loop3A_950 : i32 to index
        %parallel_loop3A_952 = arith.constant 96 : index
        %parallel_loop3A_953 = tpu.vector_load %arg13[%parallel_loop3A_951, %parallel_loop3A_952] {strides = array<i32>} : memref<256x128xf32, #tpu.memory_space<vmem>>, vector<16xf32>,
        %parallel_loop3A_954 = arith.mulf %parallel_loop3A_953, %parallel_loop3A_341 : vector<16xf32>
        %parallel_loop3A_955 = arith.constant 2 : i32
        %parallel_loop3A_956 = arith.addi %parallel_loop3A_360, %parallel_loop3A_955 : i32
        %parallel_loop3A_957 = arith.constant 1 : i32
        %parallel_loop3A_958 = arith.addi %parallel_loop3A_956, %parallel_loop3A_957 : i32
        %parallel_loop3A_959 = arith.index_cast %parallel_loop3A_958 : i32 to index
        %parallel_loop3A_960 = arith.constant 96 : index
        %parallel_loop3A_961 = tpu.vector_load %arg13[%parallel_loop3A_959, %parallel_loop3A_960] {strides = array<i32>} : memref<256x128xf32, #tpu.memory_space<vmem>>, vector<16xf32>,
        %parallel_loop3A_962 = arith.mulf %parallel_loop3A_961, %parallel_loop3A_346 : vector<16xf32>
        %parallel_loop3A_963 = arith.addf %parallel_loop3A_954, %parallel_loop3A_962 : vector<16xf32>
        %parallel_loop3A_964 = arith.constant 4 : i32
        %parallel_loop3A_965 = arith.addi %parallel_loop3A_360, %parallel_loop3A_964 : i32
        %parallel_loop3A_966 = arith.constant 1 : i32
        %parallel_loop3A_967 = arith.addi %parallel_loop3A_965, %parallel_loop3A_966 : i32
        %parallel_loop3A_968 = arith.index_cast %parallel_loop3A_967 : i32 to index
        %parallel_loop3A_969 = arith.constant 96 : index
        %parallel_loop3A_970 = tpu.vector_load %arg13[%parallel_loop3A_968, %parallel_loop3A_969] {strides = array<i32>} : memref<256x128xf32, #tpu.memory_space<vmem>>, vector<16xf32>,
        %parallel_loop3A_971 = arith.mulf %parallel_loop3A_970, %parallel_loop3A_351 : vector<16xf32>
        %parallel_loop3A_972 = arith.addf %parallel_loop3A_963, %parallel_loop3A_971 : vector<16xf32>
        %parallel_loop3A_973 = arith.constant 6 : i32
        %parallel_loop3A_974 = arith.addi %parallel_loop3A_360, %parallel_loop3A_973 : i32
        %parallel_loop3A_975 = arith.constant 1 : i32
        %parallel_loop3A_976 = arith.addi %parallel_loop3A_974, %parallel_loop3A_975 : i32
        %parallel_loop3A_977 = arith.index_cast %parallel_loop3A_976 : i32 to index
        %parallel_loop3A_978 = arith.constant 96 : index
        %parallel_loop3A_979 = tpu.vector_load %arg13[%parallel_loop3A_977, %parallel_loop3A_978] {strides = array<i32>} : memref<256x128xf32, #tpu.memory_space<vmem>>, vector<16xf32>,
        %parallel_loop3A_980 = arith.mulf %parallel_loop3A_979, %parallel_loop3A_356 : vector<16xf32>
        %parallel_loop3A_981 = arith.addf %parallel_loop3A_972, %parallel_loop3A_980 : vector<16xf32>
        %parallel_loop3A_982 = arith.constant 224 : i32
        %parallel_loop3A_983 = vector.broadcast %parallel_loop3A_982 : i32 to vector<16xi32>
        %parallel_loop3A_984 = arith.addi %iota3A, %parallel_loop3A_983 : vector<16xi32>
        %parallel_loop3A_985 = arith.constant 3 : i32
        %parallel_loop3A_986 = vector.broadcast %parallel_loop3A_985 : i32 to vector<16xi32>
        %parallel_loop3A_987 = arith.shrsi %parallel_loop3A_984, %parallel_loop3A_986 : vector<16xi32>
        %parallel_loop3A_988 = arith.constant 7 : i32
        %parallel_loop3A_989 = vector.broadcast %parallel_loop3A_988 : i32 to vector<16xi32>
        %parallel_loop3A_990 = arith.andi %parallel_loop3A_984, %parallel_loop3A_989 : vector<16xi32>
        tpu.vector_store_idx %arg15[%parallel_loop3A_987, %parallel_loop3A_990, %parallel_loop3A_358], %parallel_loop3A_981 : memref<32x8x33xf32, #tpu.memory_space<vmem>>[vector<16xi32>, vector<16xi32>, vector<16xi32>], vector<16xf32>,
        %parallel_loop3A_991 = arith.constant 1 : i32
        %parallel_loop3A_992 = arith.addi %parallel_loop3A_360, %parallel_loop3A_991 : i32
        %parallel_loop3A_993 = arith.index_cast %parallel_loop3A_992 : i32 to index
        %parallel_loop3A_994 = arith.constant 112 : index
        %parallel_loop3A_995 = tpu.vector_load %arg13[%parallel_loop3A_993, %parallel_loop3A_994] {strides = array<i32>} : memref<256x128xf32, #tpu.memory_space<vmem>>, vector<16xf32>,
        %parallel_loop3A_996 = arith.mulf %parallel_loop3A_995, %parallel_loop3A_341 : vector<16xf32>
        %parallel_loop3A_997 = arith.constant 2 : i32
        %parallel_loop3A_998 = arith.addi %parallel_loop3A_360, %parallel_loop3A_997 : i32
        %parallel_loop3A_999 = arith.constant 1 : i32
        %parallel_loop3A_1000 = arith.addi %parallel_loop3A_998, %parallel_loop3A_999 : i32
        %parallel_loop3A_1001 = arith.index_cast %parallel_loop3A_1000 : i32 to index
        %parallel_loop3A_1002 = arith.constant 112 : index
        %parallel_loop3A_1003 = tpu.vector_load %arg13[%parallel_loop3A_1001, %parallel_loop3A_1002] {strides = array<i32>} : memref<256x128xf32, #tpu.memory_space<vmem>>, vector<16xf32>,
        %parallel_loop3A_1004 = arith.mulf %parallel_loop3A_1003, %parallel_loop3A_346 : vector<16xf32>
        %parallel_loop3A_1005 = arith.addf %parallel_loop3A_996, %parallel_loop3A_1004 : vector<16xf32>
        %parallel_loop3A_1006 = arith.constant 4 : i32
        %parallel_loop3A_1007 = arith.addi %parallel_loop3A_360, %parallel_loop3A_1006 : i32
        %parallel_loop3A_1008 = arith.constant 1 : i32
        %parallel_loop3A_1009 = arith.addi %parallel_loop3A_1007, %parallel_loop3A_1008 : i32
        %parallel_loop3A_1010 = arith.index_cast %parallel_loop3A_1009 : i32 to index
        %parallel_loop3A_1011 = arith.constant 112 : index
        %parallel_loop3A_1012 = tpu.vector_load %arg13[%parallel_loop3A_1010, %parallel_loop3A_1011] {strides = array<i32>} : memref<256x128xf32, #tpu.memory_space<vmem>>, vector<16xf32>,
        %parallel_loop3A_1013 = arith.mulf %parallel_loop3A_1012, %parallel_loop3A_351 : vector<16xf32>
        %parallel_loop3A_1014 = arith.addf %parallel_loop3A_1005, %parallel_loop3A_1013 : vector<16xf32>
        %parallel_loop3A_1015 = arith.constant 6 : i32
        %parallel_loop3A_1016 = arith.addi %parallel_loop3A_360, %parallel_loop3A_1015 : i32
        %parallel_loop3A_1017 = arith.constant 1 : i32
        %parallel_loop3A_1018 = arith.addi %parallel_loop3A_1016, %parallel_loop3A_1017 : i32
        %parallel_loop3A_1019 = arith.index_cast %parallel_loop3A_1018 : i32 to index
        %parallel_loop3A_1020 = arith.constant 112 : index
        %parallel_loop3A_1021 = tpu.vector_load %arg13[%parallel_loop3A_1019, %parallel_loop3A_1020] {strides = array<i32>} : memref<256x128xf32, #tpu.memory_space<vmem>>, vector<16xf32>,
        %parallel_loop3A_1022 = arith.mulf %parallel_loop3A_1021, %parallel_loop3A_356 : vector<16xf32>
        %parallel_loop3A_1023 = arith.addf %parallel_loop3A_1014, %parallel_loop3A_1022 : vector<16xf32>
        %parallel_loop3A_1024 = arith.constant 240 : i32
        %parallel_loop3A_1025 = vector.broadcast %parallel_loop3A_1024 : i32 to vector<16xi32>
        %parallel_loop3A_1026 = arith.addi %iota3A, %parallel_loop3A_1025 : vector<16xi32>
        %parallel_loop3A_1027 = arith.constant 3 : i32
        %parallel_loop3A_1028 = vector.broadcast %parallel_loop3A_1027 : i32 to vector<16xi32>
        %parallel_loop3A_1029 = arith.shrsi %parallel_loop3A_1026, %parallel_loop3A_1028 : vector<16xi32>
        %parallel_loop3A_1030 = arith.constant 7 : i32
        %parallel_loop3A_1031 = vector.broadcast %parallel_loop3A_1030 : i32 to vector<16xi32>
        %parallel_loop3A_1032 = arith.andi %parallel_loop3A_1026, %parallel_loop3A_1031 : vector<16xi32>
        tpu.vector_store_idx %arg15[%parallel_loop3A_1029, %parallel_loop3A_1032, %parallel_loop3A_358], %parallel_loop3A_1023 : memref<32x8x33xf32, #tpu.memory_space<vmem>>[vector<16xi32>, vector<16xi32>, vector<16xi32>], vector<16xf32>,
      } {sc.loop_unroll_factor = 1 : i64, sc.parallel_access}
      %shift_right_arithmetic3A_303 = arith.constant 2 : i32
      %shift_right_arithmetic3A_304 = arith.shrsi %add3A_243, %shift_right_arithmetic3A_303 : i32
      %add3A_305 = arith.addi %select_n3A_56, %shift_right_arithmetic3A_304 : i32
      %mul3A_306 = arith.constant 32 : i32
      %mul3A_307 = arith.muli %add3A_243, %mul3A_306 : i32
      %and3A_308 = arith.constant 127 : i32
      %and3A_309 = arith.andi %mul3A_307, %and3A_308 : i32
      %multiple_of3A_310 = tpu.assume_multiple %and3A_309, 32 : i32
      %dma_start3A_311 = arith.constant 0 : i32
      %dma_start3A_312 = arith.constant 0 : i32
      %dma_start3A_313 = arith.constant 0 : i32
      %dma_start3A_314 = tpu.memref_slice %arg15[%dma_start3A_311, %dma_start3A_312, %dma_start3A_313] : memref<32x8x33xf32, #tpu.memory_space<vmem>> -> memref<32x8x32xf32, #tpu.memory_space<vmem>>
      %dma_start3A_315 = arith.constant 0 : i32
      %dma_start3A_316 = arith.constant 0 : i32
      %dma_start3A_317 = tpu.memref_slice %arg4[%select_n3A, %dma_start3A_315, %add3A_305, %dma_start3A_316, %multiple_of3A_310] : memref<4x32x32x8x128xf32, #tpu.memory_space<hbm>> -> memref<1x32x1x8x32xf32, #tpu.memory_space<hbm>>
      %dma_start3A_318 = tpu.memref_squeeze %dma_start3A_317 : memref<1x32x1x8x32xf32, #tpu.memory_space<hbm>> -> memref<32x8x32xf32, #tpu.memory_space<hbm>>
      %dma_start3A_319 = arith.constant 0 : i32
      %dma_start3A_320 = arith.constant 0 : i32
      %dma_start3A_321 = tpu.memref_slice %arg4[%select_n3A, %dma_start3A_319, %add3A_305, %dma_start3A_320, %multiple_of3A_310] : memref<4x32x32x8x128xf32, #tpu.memory_space<hbm>> -> memref<1x32x1x8x32xf32, #tpu.memory_space<hbm>>
      %dma_start3A_322 = tpu.memref_squeeze %dma_start3A_321 : memref<1x32x1x8x32xf32, #tpu.memory_space<hbm>> -> memref<32x8x32xf32, #tpu.memory_space<hbm>>
      %dma_start3A_323 = arith.constant 0 : i32
      %dma_start3A_324 = arith.constant 0 : i32
      %dma_start3A_325 = arith.constant 0 : i32
      %dma_start3A_326 = tpu.memref_slice %arg15[%dma_start3A_323, %dma_start3A_324, %dma_start3A_325] : memref<32x8x33xf32, #tpu.memory_space<vmem>> -> memref<32x8x32xf32, #tpu.memory_space<vmem>>
      tpu.enqueue_dma source(%dma_start3A_326 : memref<32x8x32xf32, #tpu.memory_space<vmem>>) target(%dma_start3A_322 : memref<32x8x32xf32, #tpu.memory_space<hbm>>) target_semaphore(%arg19 : memref<!tpu.dma_semaphore, #tpu.memory_space<semaphore_mem>>)
    }
    %scan3A_113 = arith.constant 8 : i32
    %dma_wait3A = arith.constant 0 : i32
    %dma_wait3A_114 = arith.constant 0 : i32
    %dma_wait3A_115 = arith.constant 0 : i32
    %dma_wait3A_116 = arith.constant 0 : i32
    %dma_wait3A_117 = arith.constant 0 : i32
    %dma_wait3A_118 = tpu.memref_slice %arg14[%dma_wait3A_115, %dma_wait3A_116, %dma_wait3A_117] : memref<32x8x33xf32, #tpu.memory_space<vmem>> -> memref<32x8x32xf32, #tpu.memory_space<vmem>>
    %dma_wait3A_119 = arith.constant 0 : i32
    %dma_wait3A_120 = arith.constant 0 : i32
    %dma_wait3A_121 = arith.constant 0 : i32
    %dma_wait3A_122 = tpu.memref_slice %arg4[%dma_wait3A, %dma_wait3A_119, %dma_wait3A_114, %dma_wait3A_120, %dma_wait3A_121] : memref<4x32x32x8x128xf32, #tpu.memory_space<hbm>> -> memref<1x32x1x8x32xf32, #tpu.memory_space<hbm>>
    %dma_wait3A_123 = tpu.memref_squeeze %dma_wait3A_122 : memref<1x32x1x8x32xf32, #tpu.memory_space<hbm>> -> memref<32x8x32xf32, #tpu.memory_space<hbm>>
    %dma_wait3A_124 = arith.constant 0 : i32
    %dma_wait3A_125 = arith.constant 0 : i32
    %dma_wait3A_126 = arith.constant 0 : i32
    %dma_wait3A_127 = tpu.memref_slice %arg4[%dma_wait3A, %dma_wait3A_124, %dma_wait3A_114, %dma_wait3A_125, %dma_wait3A_126] : memref<4x32x32x8x128xf32, #tpu.memory_space<hbm>> -> memref<1x32x1x8x32xf32, #tpu.memory_space<hbm>>
    %dma_wait3A_128 = tpu.memref_squeeze %dma_wait3A_127 : memref<1x32x1x8x32xf32, #tpu.memory_space<hbm>> -> memref<32x8x32xf32, #tpu.memory_space<hbm>>
    %dma_wait3A_129 = arith.constant 0 : i32
    %dma_wait3A_130 = arith.constant 0 : i32
    %dma_wait3A_131 = arith.constant 0 : i32
    %dma_wait3A_132 = tpu.memref_slice %arg14[%dma_wait3A_129, %dma_wait3A_130, %dma_wait3A_131] : memref<32x8x33xf32, #tpu.memory_space<vmem>> -> memref<32x8x32xf32, #tpu.memory_space<vmem>>
    tpu.wait_dma2 semaphore(%arg18 : memref<!tpu.dma_semaphore, #tpu.memory_space<semaphore_mem>>) src(%dma_wait3A_132 : memref<32x8x32xf32, #tpu.memory_space<vmem>>) dst(%dma_wait3A_128 : memref<32x8x32xf32, #tpu.memory_space<hbm>>)
    %dma_wait3A_133 = arith.constant 0 : i32
    %dma_wait3A_134 = arith.constant 0 : i32
    %dma_wait3A_135 = arith.constant 0 : i32
    %dma_wait3A_136 = arith.constant 0 : i32
    %dma_wait3A_137 = arith.constant 0 : i32
    %dma_wait3A_138 = tpu.memref_slice %arg15[%dma_wait3A_135, %dma_wait3A_136, %dma_wait3A_137] : memref<32x8x33xf32, #tpu.memory_space<vmem>> -> memref<32x8x32xf32, #tpu.memory_space<vmem>>
    %dma_wait3A_139 = arith.constant 0 : i32
    %dma_wait3A_140 = arith.constant 0 : i32
    %dma_wait3A_141 = arith.constant 0 : i32
    %dma_wait3A_142 = tpu.memref_slice %arg4[%dma_wait3A_133, %dma_wait3A_139, %dma_wait3A_134, %dma_wait3A_140, %dma_wait3A_141] : memref<4x32x32x8x128xf32, #tpu.memory_space<hbm>> -> memref<1x32x1x8x32xf32, #tpu.memory_space<hbm>>
    %dma_wait3A_143 = tpu.memref_squeeze %dma_wait3A_142 : memref<1x32x1x8x32xf32, #tpu.memory_space<hbm>> -> memref<32x8x32xf32, #tpu.memory_space<hbm>>
    %dma_wait3A_144 = arith.constant 0 : i32
    %dma_wait3A_145 = arith.constant 0 : i32
    %dma_wait3A_146 = arith.constant 0 : i32
    %dma_wait3A_147 = tpu.memref_slice %arg4[%dma_wait3A_133, %dma_wait3A_144, %dma_wait3A_134, %dma_wait3A_145, %dma_wait3A_146] : memref<4x32x32x8x128xf32, #tpu.memory_space<hbm>> -> memref<1x32x1x8x32xf32, #tpu.memory_space<hbm>>
    %dma_wait3A_148 = tpu.memref_squeeze %dma_wait3A_147 : memref<1x32x1x8x32xf32, #tpu.memory_space<hbm>> -> memref<32x8x32xf32, #tpu.memory_space<hbm>>
    %dma_wait3A_149 = arith.constant 0 : i32
    %dma_wait3A_150 = arith.constant 0 : i32
    %dma_wait3A_151 = arith.constant 0 : i32
    %dma_wait3A_152 = tpu.memref_slice %arg15[%dma_wait3A_149, %dma_wait3A_150, %dma_wait3A_151] : memref<32x8x33xf32, #tpu.memory_space<vmem>> -> memref<32x8x32xf32, #tpu.memory_space<vmem>>
    tpu.wait_dma2 semaphore(%arg19 : memref<!tpu.dma_semaphore, #tpu.memory_space<semaphore_mem>>) src(%dma_wait3A_152 : memref<32x8x32xf32, #tpu.memory_space<vmem>>) dst(%dma_wait3A_148 : memref<32x8x32xf32, #tpu.memory_space<hbm>>)
    return
  }
}

</mosaic_0001>

<sc_bundles>
// kernel: kernel.3.cloned.1.call-start
scs
__scs_entry_jumppad:
0x0: {  	(pc) =	sbr.rel $0x88, $3  }
0x1: {  	(tag) =	ssettag $0x0;
	lr =	simm.s32 $0x1  }
0x2: {  	[smem:$0x3F9F] =	sst lr;
	_ =	strace $0xD0000000  }
0x3: {  	_ = 	snop  }
0x4: {  	_ = 	snop  }
0x5: {  	_ = 	snop  }
0x6: {  	_ = 	snop  }
0x7: {  	_ = 	snop  }
__scs_overlays_trampoline_lowered:
0x8: {  	[smem:$0x3FAE] =	sst s0  }
0x9: {  	[smem:$0x3FAF] =	sst s1  }
0xa: {  	[smem:$0x3FB0] =	sst s2  }
0xb: {  	[smem:$0x3FB1] =	sst s3  }
0xc: {  	[smem:$0x3FB2] =	sst s4  }
0xd: {  	[smem:$0x3FB3] =	sst s5  }
0xe: {  	[smem:$0x3FB4] =	sst s6  }
0xf: {  	[smem:$0x3FB5] =	sst s7  }
0x10: {  	[smem:$0x3FB6] =	sst s8  }
0x11: {  	[smem:$0x3FB7] =	sst s9;
	s0 =	simm.s32 @!p0 $0x0  }
0x12: {  	s1 =	sld [smem:$0x3F9D];
	s0 =	simm.s32 @p0 $0x1  }
0x13: {  	[smem:$0x3FB8] =	sst s0;
	s0 =	simm.s32 @!p1 $0x0  }
0x14: {  	s2 =	sld [smem:$0x3F9C];
	s0 =	simm.s32 @p1 $0x1  }
0x15: {  	[smem:$0x3FB9] =	sst s0;
	s0 =	simm.s32 @!p2 $0x0  }
0x16: {  	s3 =	sld [smem:$0x3FDB];
	s0 =	simm.s32 @p2 $0x1  }
0x17: {  	s4 =	simm.s32 $0x1BF5;
	[smem:$0x3FBB] =	sst s0  }
0x18: {  	s0 =	sld [smem:$0x3F9E];
	_ =	swait.ge [sflag:s4], $0x0  }
0x19: {  	s7 =	sld [smem:$0x3F9F]  }
0x1a: {  	s8 =	sadd.s32 $0xFFFFE003, lr  }
0x1b: {  	s9 =	sadd.s32 $0xFFFFFEF7, lr;
	s5 =	simm.s32 $0xFFFFFFFF;
	p2 =	slt.u32 s8, $0xFFFFF086  }
0x1c: {  	p1 =	slt.u32 s9, $0xF7A;
	s5 =	simm.s32 @!p2 $0x0  }
0x1d: {  	s5 =	simm.s32 @p1 $0x1;
	p0 =	seq.s32 s7, s2  }
0x1e: {  	s7 =	smul.u32 @!p0 $0xF7A, s2;
	p2 =	seq.s32 @!p0 s5, $0x0  }
0x1f: {  	s9 =	smul.u32 $0xF7A, s1;
	s8 =	simm.s32 @!p0 $0x1BF5;
	p2 =	por !p2, p0  }
0x20: {  	[sflag:s8] =	ssyncset.s32 @!p0 $0xFFFFF086;
	s6 =	sadd.s32 @!p0 s3, s7;
	s7 =	simm.s32 @!p0 $0x108  }
0x21: {  	s3 =	sadd.s32 s3, s9;
	s6 =	sadd.s32 @!p0 $0x88, s6;
	s7 =	simm.s32 @p2 $0x1082  }
0x22: {  	[simem:s7], [sflag:s8] =	dma.local @!p0 [hbm:s6], $0xF7A  }
0x23: {  	s9 =	sor.u32 $0xD0000000, s2;
	s6 =	simm.s32 $0x108;
	_ =	swait.ge @!p0 [sflag:s8], $0x0  }
0x24: {  	s3 =	sadd.s32 $0x88, s3;
	s6 =	simm.s32 @!p1 $0x1082;
	[sflag:s4] =	ssyncset.s32 $0xFFFFF086  }
0x25: {  	[simem:s6], [sflag:s4] =	dma.local [hbm:s3], $0xF7A  }
0x26: {  	[smem:$0x3F9F] =	sst s1;
	(tag) =	ssettag s2;
	_ =	strace s9  }
0x27: {  	s1 =	sld [smem:$0x3FAF]  }
0x28: {  	s2 =	sld [smem:$0x3FB0]  }
0x29: {  	s4 =	sld [smem:$0x3FB2]  }
0x2a: {  	p0 =	seq.s32 s5, $0x0;
	s5 =	sld [smem:$0x3FB3]  }
0x2b: {  	s6 =	sld [smem:$0x3FB4]  }
0x2c: {  	s7 =	sld [smem:$0x3FB5]  }
0x2d: {  	s3 =	simm.s32 $0x108;
	s8 =	sld [smem:$0x3FB6]  }
0x2e: {  	s3 =	simm.s32 @!p0 $0x1082;
	s9 =	sld [smem:$0x3FB7]  }
0x2f: {  	lr =	sadd.s32 s0, s3;
	s0 =	sld [smem:$0x3FAE]  }
0x30: {  	s3 =	sld [smem:$0x3FB1]  }
0x31: {  	[smem:$0x3FBA] =	sst s10  }
0x32: {  	s10 =	sld [smem:$0x3FB8];
	_ =	sdelay $0x3  }
0x33: {  	p0 =	seq.s32 s10, $0x1;
	s10 =	sld [smem:$0x3FBA];
	_ =	sdelay $0x3  }
0x34: {  	[smem:$0x3FBA] =	sst s10  }
0x35: {  	s10 =	sld [smem:$0x3FB9];
	_ =	sdelay $0x3  }
0x36: {  	p1 =	seq.s32 s10, $0x1;
	s10 =	sld [smem:$0x3FBA];
	_ =	sdelay $0x3  }
0x37: {  	[smem:$0x3FBA] =	sst s10  }
0x38: {  	s10 =	sld [smem:$0x3FBB]  }
0x39: {  	_ = 	snop;
	(pc) =	sbr.ind lr, $3  }
0x3a: {  	_ = 	snop  }
0x3b: {  	_ = 	snop  }
0x3c: {  	p2 =	seq.s32 s10, $0x1;
	s10 =	sld [smem:$0x3FBA]  }
0x3d: {  	_ =	shalt  }
0x3e: {  	_ =	shalt  }
0x3f: {  	_ =	shalt  }
0x40: {  	_ =	shalt  }
0x41: {  	_ =	shalt  }
0x42: {  	_ =	shalt  }
0x43: {  	_ =	shalt  }
0x44: {  	_ =	shalt  }
0x45: {  	_ =	shalt  }
0x46: {  	_ =	shalt  }
0x47: {  	_ =	shalt  }
0x48: {  	_ =	shalt  }
0x49: {  	_ =	shalt  }
0x4a: {  	_ =	shalt  }
0x4b: {  	_ =	shalt  }
0x4c: {  	_ =	shalt  }
0x4d: {  	_ =	shalt  }
0x4e: {  	_ =	shalt  }
0x4f: {  	_ =	shalt  }
0x50: {  	_ =	shalt  }
0x51: {  	_ =	shalt  }
0x52: {  	_ =	shalt  }
0x53: {  	_ =	shalt  }
0x54: {  	_ =	shalt  }
0x55: {  	_ =	shalt  }
0x56: {  	_ =	shalt  }
0x57: {  	_ =	shalt  }
0x58: {  	_ =	shalt  }
0x59: {  	_ =	shalt  }
0x5a: {  	_ =	shalt  }
0x5b: {  	_ =	shalt  }
0x5c: {  	_ =	shalt  }
0x5d: {  	_ =	shalt  }
0x5e: {  	_ =	shalt  }
0x5f: {  	_ =	shalt  }
0x60: {  	_ =	shalt  }
0x61: {  	_ =	shalt  }
0x62: {  	_ =	shalt  }
0x63: {  	_ =	shalt  }
0x64: {  	_ =	shalt  }
0x65: {  	_ =	shalt  }
0x66: {  	_ =	shalt  }
0x67: {  	_ =	shalt  }
0x68: {  	_ =	shalt  }
0x69: {  	_ =	shalt  }
0x6a: {  	_ =	shalt  }
0x6b: {  	_ =	shalt  }
0x6c: {  	_ =	shalt  }
0x6d: {  	_ =	shalt  }
0x6e: {  	_ =	shalt  }
0x6f: {  	_ =	shalt  }
0x70: {  	_ =	shalt  }
0x71: {  	_ =	shalt  }
0x72: {  	_ =	shalt  }
0x73: {  	_ =	shalt  }
0x74: {  	_ =	shalt  }
0x75: {  	_ =	shalt  }
0x76: {  	_ =	shalt  }
0x77: {  	_ =	shalt  }
0x78: {  	_ =	shalt  }
0x79: {  	_ =	shalt  }
0x7a: {  	_ =	shalt  }
0x7b: {  	_ =	shalt  }
0x7c: {  	_ =	shalt  }
0x7d: {  	_ =	shalt  }
0x7e: {  	_ =	shalt  }
0x7f: {  	_ =	shalt  }
0x80: {  	_ =	shalt  }
0x81: {  	_ =	shalt  }
0x82: {  	_ =	shalt  }
0x83: {  	_ =	shalt  }
0x84: {  	_ =	shalt  }
0x85: {  	_ =	shalt  }
0x86: {  	_ =	shalt  }
0x87: {  	_ =	shalt  }
.Lfunc_end0:
.L_simem_size_0:
called_computation_lowered:
.L_overlay_start_0:
0x88: {  	s2 =	sld [smem:$0x3FD9]  }
0x89: {  	s3 =	sld [smem:$0x3FFE];
	_ =	sdelay $0x1  }
0x8a: {  	s1 =	srdreg.scid  }
0x8b: {  	s0 =	sand.u32 $0x1, s1  }
0x8c: {  	s17 =	sshll.u32 s0, $0xA;
	s2 =	sadd.s32 s3, s2  }
0x8d: {  	s2 =	sadd.s32 s2, s17  }
0x8e: {  	[smem:$0x3FC6] =	sst s2  }
0x8f: {  	_ = 	snop  }
0x90: {  	s2 =	sld [smem:$0x3FC9]  }
0x91: {  	s18 =	sld [smem:$0x3FD0];
	(tm) =	ssettm $0x1  }
0x92: {  	s4 =	sld [smem:$0x3FFB];
	_ =	sdelay $0x3  }
0x93: {  	_ =	strace s4  }
0x94: {  	s4 =	sld [smem:$0x3FFC];
	_ =	sdelay $0x3  }
0x95: {  	_ =	strace s4  }
0x96: {  	s4 =	sld [smem:$0x3FFD];
	_ =	sdelay $0x3  }
0x97: {  	_ =	strace s4  }
0x98: {  	_ =	strace $0x8FFFFFFF  }
0x99: {  	s19 =	sld [smem:$0x3FDB];
	_ =	sdelay $0x1  }
0x9a: {  	s5 =	simm.s32 $_scs_section_size  }
0x9b: {  	s6 =	simm.s32 $_size__tile_overlayer_lowered;
	s7 =	simm.s32 $_tile_overlayer_lowered  }
0x9c: {  	s22 =	simm.s32 $0x1BFF;
	s21 =	sshll.u32 s7, $0x1;
	s4 =	sadd.s32 s5, s19  }
0x9d: {  	s8 =	simm.s32 $0x0;
	s20 =	sshll.u32 s6, $0x1;
	s6 =	sadd.s32 s21, s4  }
0x9e: {  	[timem:s8], [sflag:s22] =	dma.local [hbm:s6], s20  }
0x9f: {  	_ =	swait.ge [sflag:s22], s20  }
0xa0: {  	s5 =	ssub.s32 $0x0, s20;
	[sflag:s22] =	ssyncset.done $0x0  }
0xa1: {  	[sflag:s22] =	ssyncadd.s32 s5;
	_ =	sdelay $0x1  }
0xa2: {  	s23 =	simm.s32 $0x1B8B  }
0xa3: {  	_ =	swait.ge [sflag:s23], $0x1  }
0xa4: {  	[sflag:s23] =	ssyncset.done $0x0  }
0xa5: {  	s25 =	simm.s32 $0x1B8E;
	s24 =	sld [smem:$0x3FFE];
	[sflag:s23] =	ssyncadd.s32 $0xFFFFFFFF  }
0xa6: {  	s26 =	simm.s32 $execute0_lowered;
	[smem:$0x3FD2] =	sst s25  }
0xa7: {  	s6 =	sshll.u32 s26, $0x1;
	_ =	strace $0x80000046;
	[dreg:$0x1] =	wrdreg $0xFFFFFFFF  }
0xa8: {  	s28 =	simm.s32 $_size_execute0_lowered;
	s4 =	sadd.s32 s4, s6;
	[dreg:$0x0] =	wrdreg $0x0  }
0xa9: {  	s6 =	sshll.u32 s28, $0x1;
	[dreg:$0x2] =	wrdreg s4  }
0xaa: {  	[dreg:$0x3] =	wrdreg s6  }
0xab: {  	[dreg:$0x4] =	wrdreg $0xC0  }
0xac: {  	_ =	task [dreg:s8], $0x5FFFF  }
0xad: {  	[dreg:$0x1] =	wrdreg $0xFFFFFFFF  }
0xae: {  	[dreg:$0x0] =	wrdreg $0x60  }
0xaf: {  	[dreg:$0x2] =	wrdreg s2  }
0xb0: {  	[dreg:$0x3] =	wrdreg s24  }
0xb1: {  	[dreg:$0x4] =	wrdreg s18  }
0xb2: {  	[dreg:$0x5] =	wrdreg $0x9  }
0xb3: {  	_ =	task.clear_ibuf [dreg:s8], $0x6FFFF;
	_ =	strace $0x90000046  }
0xb4: {  	s29 =	simm.s32 $0x9;
	_ =	strace $0x80000048  }
0xb5: {  	_ =	swait.ge [sflag:s29], $0x1  }
0xb6: {  	[sflag:s29] =	ssyncadd.s32 $0xFFFFFFFF  }
0xb7: {  	_ =	strace $0x90000048  }
0xb8: {  	_ =	sfence  }
0xb9: {  	s30 =	sld [smem:$0x0];
	_ =	sdelay $0x2  }
0xba: {  	s31 =	sshll.u32 s1, $0xD;
	s1 =	sshrl.u32 s1, $0x2  }
0xbb: {  	s3 =	sand.u32 $0x4000, s31;
	s1 =	sadd.s32 s1, s30  }
0xbc: {  	s0 =	sor.u32 s3, s0;
	s1 =	sshll.u32 s1, $0x11  }
0xbd: {  	s0 =	sor.u32 s1, s0  }
0xbe: {  	s0 =	sadd.s32 $0x8F2B, s0  }
0xbf: {  	[sflag:s0] =	ssyncadd.remote.s32 $0x1  }
0xc0: {  	_ =	sfence.sel $0xFFFF  }
0xc1: {  	[dreg:$0x0] =	wrdreg $0xFFFFFFFF;
	(pc) =	sbr.abs _section_cstart, $3  }
0xc2: {  	[dreg:$0x1] =	wrdreg $0xFFFFFFFF  }
0xc3: {  	_ =	task.clear_ibuf [dreg:s8], $0x2FFFF;
	_ =	strace $0x9FFFFFFF  }
0xc4: {  	(tm) =	ssettm $0x7FFFFFFF  }
0xc5: {  	_ =	shalt  }
tec
execute0_lowered:
.L_overlay_start_1:
0x0: {  	(tag) =	ssettag $0x1  }
0x1: {  	s1 =	rddreg [dreg:$0x0]  }
0x2: {  	s0 =	rddreg [dreg:$0x1];
	s4 =	simm.s32 $0x0  }
0x3: {  	[smem:$0x7FF] =	sst s4  }
0x4: {  	s3 =	rddreg [dreg:$0x2];
	v0 =	vimm.f32 $4.999999890e-03;
	_ =	strace $0x80000047  }
0x5: {  	(erf) = vrcp.f32 v0;
	v0 =	vimm.f32 $1.740000000e+02  }
0x6: {  	s6 =	stileid.u32;
	s2 =	srdreg.scid;
	s10 =	simm.s32 $0x5;
	(erf) = vrcp.f32 v0;
	v0 =	vimm.f32 $1.980000000e+02  }
0x7: {  	v6 =	vlaneseq.u32;
	s11 =	simm.s32 $0xC00;
	s12 =	simm.s32 $0x40;
	s7 =	sshrl.u32 s6, $0x2;
	(erf) = vrcp.f32 v0;
	v0 =	vimm.f32 $2.000000000e+00  }
0x8: {  	s20 =	simm.s32 $0x9C00;
	s21 =	simm.s32 $0xBC00;
	s25 =	smul.u32 $0xC8, s7;
	(erf) = vrcp.f32 v0;
	v0 =	vmul.u32 $0x8, v6  }
0x9: {  	s22 =	simm.s32 $0xDC00;
	s28 =	simm.s32 $0x14400;
	s5 =	sshll.u32 s6, $0x1  }
0xa: {  	s29 =	simm.s32 $0x3;
	s2 =	sand.u32 $0x1, s2;
	s5 =	sand.u32 $0x6, s5;
	v1 =	vmov s25;
	v6 =	vmul.u32 $0x28, v6;
	v2 =	vor.u32 $0x1, v0  }
0xb: {  	s30 =	simm.s32 $0x4;
	s31 =	simm.s32 $0x0;
	s5 =	sor.u32 s2, s5;
	v3 =	vor.u32 $0x2, v0;
	v4 =	vor.u32 $0x3, v0;
	v5 =	vor.u32 $0x4, v0  }
0xc: {  	s8 =	sshll.u32 s7, $0xA;
	s2 =	ssub.s32 $0x2, s2;
	s23 =	sshll.u32 s5, $0x6;
	v7 =	vor.u32 $0x5, v0;
	v8 =	vor.u32 $0x6, v0;
	v9 =	vor.u32 $0x7, v0  }
0xd: {  	s7 =	sshll.u32 s7, $0x14;
	s24 =	sshrl.u32 s2, $0x1;
	s6 =	sor.u32 s8, s23;
	v10 =	vadd.s32 $0x280, v6;
	v11 =	vadd.s32 $0x500, v6;
	v12 =	vadd.s32 $0x780, v6  }
0xe: {  	s25 =	simm.s32 $0x11C00;
	s2 =	ssub.s32 s2, s24;
	s0 =	sadd.s32 s6, s0;
	v14 =	vadd.s32 $0xA00, v6;
	v15 =	vadd.s32 $0xC80, v6;
	v16 =	vadd.s32 $0xF00, v6;
	v13 =	vpop (erf)  }
0xf: {  	s8 =	sshll.u32 s5, $0xC;
	s23 =	simm.s32 $0xFC00;
	s26 =	sadd.s32 $0x400, s0;
	v18 =	vadd.s32 $0x1180, v6;
	v19 =	vor.u32 $0x1400, v6;
	v20 =	vadd.s32 $0x1680, v6;
	v17 =	vpop (erf)  }
0x10: {  	s24 =	simm.s32 $0x1;
	s0 =	sadd.s32 $0x600, s0;
	[dreg:$0x4] =	wrdreg s26;
	v22 =	vadd.s32 $0x1900, v6;
	v23 =	vadd.s32 $0x1B80, v6;
	v24 =	vadd.s32 $0x1E00, v6;
	v21 =	vpop (erf)  }
0x11: {  	s9 =	smax.u32 s2, $0x1;
	[dreg:$0x5] =	wrdreg s0;
	s26 =	simm.s32 $0x2;
	v26 =	vadd.s32 $0x2080, v6;
	v27 =	vadd.s32 $0x2300, v6;
	v28 =	vadd.s32 $0x2580, v6;
	v25 =	vpop (erf)  }
.LBB2_1:
0x12: {  	s0 =	rddreg [dreg:$0x4]  }
0x13: {  	[tilespmem:s4], [sflag:$0x5] =	stream.linear.gather [hbm4b:s0+s4], $0x200, $0x38;
	[tilespmem:$0x16C00] =	vst v63  }
0x14: {  	_ =	swait.ge [sflag:s10], $0x200  }
0x15: {  	[sflag:s10] =	ssyncset.done $0x0  }
0x16: {  	s17 =	simm.s32 $0x200;
	s2 =	rddreg [dreg:$0x5];
	[sflag:s10] =	ssyncadd.s32 $0xFFFFFE00  }
0x17: {  	[tilespmem:s17], [sflag:$0x5] =	stream.linear.gather [hbm4b:s2+s4], $0x200, $0x38;
	[tilespmem:$0x16C00] =	vst v63  }
0x18: {  	_ =	swait.ge [sflag:s10], $0x200  }
0x19: {  	[sflag:s10] =	ssyncset.done $0x0  }
0x1a: {  	[sflag:s10] =	ssyncadd.s32 $0xFFFFFE00  }
0x1b: {  	v29 =	vld [tilespmem:s4+$0x0]  }
0x1c: {  	v30 =	vld [tilespmem:s17+$0x0];
	_ =	sdelay $0x3  }
0x1d: {  	v29 =	vmul.f32 v29, v13  }
0x1e: {  	v30 =	vmul.f32 v30, v13  }
0x1f: {  	v29 =	vmax.f32 v29, $0.0e+00  }
0x20: {  	v30 =	vmax.f32 v30, $0.0e+00;
	v29 =	vmin.f32 v29, $1.750000000e+02  }
0x21: {  	v30 =	vmin.f32 v30, $1.990000000e+02;
	v29 =	vmul.f32 v29, v17  }
0x22: {  	v30 =	vmul.f32 v30, v21  }
0x23: {  	s16 =	simm.s32 $0x10;
	v29 =	vadd.f32 v29, v29  }
0x24: {  	v34 =	vld [tilespmem:s16+$0x0];
	v30 =	vadd.f32 v30, v30  }
0x25: {  	s15 =	simm.s32 $0x210;
	v29 =	vadd.f32 $-1.000000000e+00, v29  }
0x26: {  	s18 =	simm.s32 $0x0;
	v31 =	vld [tilespmem:s15+$0x0];
	v30 =	vadd.f32 $-1.000000000e+00, v30  }
0x27: {  	s19 =	sand.u32 $0x80, s4;
	s0 =	sand.u32 $0xFFFFFF00, s18;
	v29 =	vadd.f32 $1.000000000e+00, v29  }
0x28: {  	s17 =	sor.u32 s19, s0;
	v30 =	vadd.f32 $1.000000000e+00, v30  }
0x29: {  	v40 =	vor.u32 s17, v0;
	v34 =	vmul.f32 v34, v13;
	v29 =	vmul.f32 $1.990000000e+02, v29  }
0x2a: {  	v33 =	vor.u32 s17, v2;
	v32 =	vor.u32 s17, v3;
	v30 =	vmul.f32 $1.750000000e+02, v30  }
0x2b: {  	v35 =	vmul.f32 v31, v13;
	v34 =	vmax.f32 v34, $0.0e+00;
	v37 =	vmul.f32 v29, v25  }
0x2c: {  	v31 =	vor.u32 s17, v4;
	v34 =	vmin.f32 v34, $1.750000000e+02;
	v38 =	vmul.f32 v30, v25  }
0x2d: {  	v35 =	vmax.f32 v35, $0.0e+00;
	v42 =	vmul.f32 v34, v17;
	v36 =	vtrunc.f32 v37  }
0x2e: {  	v35 =	vmin.f32 v35, $1.990000000e+02;
	v39 =	vtrunc.f32 v38;
	v41 =	vcvt.f32.s32 v36  }
0x2f: {  	v34 =	vor.u32 s17, v8;
	v30 =	vor.u32 s17, v5;
	v39 =	vcvt.f32.s32 v39  }
0x30: {  	v29 =	vor.u32 s17, v7;
	v36 =	vmul.f32 v35, v21;
	v43 =	vcvt.s32.f32 v41  }
0x31: {  	v35 =	vadd.f32 v42, v42;
	v56 =	vcvt.s32.f32 v39;
	vm0 =	vlt.s32 v41, $0xC8  }
0x32: {  	vm1 =	vlt.s32 v39, $0xAF;
	vm2 =	vlt.s32 v41, $0xC7;
	v37 =	vsub.f32 v37, v43  }
0x33: {  	v57 =	vadd.s32 $0x1, v39;
	v58 =	vadd.s32 $0x1, v41;
	v38 =	vsub.f32 v38, v56  }
0x34: {  	vm3 =	vlt.s32 v57, $0xB0;
	vm4 =	vlt.s32 v58, $0xC8;
	v44 =	vsub.f32 $1.000000000e+00, v37  }
0x35: {  	v39 =	vnsel vm1, $0xAF, v39;
	v41 =	vnsel vm2, $0xC7, v41;
	v45 =	vsub.f32 $1.000000000e+00, v38  }
0x36: {  	vm14 =	vlt.s32 v57, $0xAF;
	vm15 =	vlt.s32 v58, $0xC7;
	v44 =	vnsel vm0, $0x0, v44  }
0x37: {  	v47 =	vand.u32 $0x7, v39;
	v38 =	vnsel vm3, $0x0, v38;
	v46 =	vmul.f32 v44, v45  }
0x38: {  	s14 =	simm.s32 $0x400;
	v39 =	vshll.u32 v39, $0x1;
	v37 =	vnsel vm4, $0x0, v37;
	v44 =	vmul.f32 v44, v38  }
0x39: {  	s0 =	simm.s32 $0x600;
	v42 =	vnsel vm14, $0xAF, v57;
	v41 =	vadd.s32 v1, v41;
	v45 =	vmul.f32 v45, v37;
	[tilespmem:s14+$0x0] =	vst v46  }
0x3a: {  	s2 =	simm.s32 $0x800;
	v59 =	vand.u32 $0xFFFFFFF0, v39;
	v39 =	vmul.u32 $0x160, v41;
	v37 =	vmul.f32 v38, v37;
	[tilespmem:s0+$0x0] =	vst v44  }
0x3b: {  	s13 =	simm.s32 $0xA00;
	v60 =	vnsel vm15, $0xC7, v58;
	v61 =	vshll.u32 v42, $0x1;
	v38 =	vor.u32 v47, v59;
	[tilespmem:s2+$0x0] =	vst v45  }
0x3c: {  	v42 =	vand.u32 $0x7, v42;
	v62 =	vand.u32 $0xFFFFFFF0, v61;
	v63 =	vadd.s32 v39, v38;
	[tilespmem:s13+$0x0] =	vst v37  }
0x3d: {  	s5 =	simm.s32 $0x1;
	s18 =	simm.s32 $0x0;
	s19 =	simm.s32 $0x2;
	v41 =	vadd.s32 v1, v60;
	v37 =	vor.u32 v42, v62;
	[tilespmem:v40+s11+$0x0] =	vst.idx.msk $0xffff, v63;
	v40 =	vor.u32 $0x8, v63  }
.LBB2_2:
0x3e: {  	p0 =	sne.s32 s19, $0x1F;
	v36 =	vadd.f32 v36, v36;
	s15 =	sadd.s32 $0x10, s15;
	v41 =	vmul.u32 $0x160, v41;
	v39 =	vadd.s32 v39, v37;
	[tilespmem:v33+s11+$0x0] =	vst.idx.msk $0xffff, v40  }
0x3f: {  	v33 =	vadd.f32 $-1.000000000e+00, v35;
	s5 =	sshll.u32 s5, $0x7;
	s16 =	sadd.s32 $0x10, s16;
	v35 =	vor.u32 s17, v9;
	s18 =	sadd.s32 $0x80, s18;
	v40 =	vld [tilespmem:s15+$0x0];
	[tilespmem:v32+s11+$0x0] =	vst.idx.msk $0xffff, v39;
	v32 =	vor.u32 $0x8, v39  }
0x40: {  	s17 =	sand.u32 $0x80, s18;
	s6 =	sand.u32 $0xFFFFFF00, s5;
	s5 =	smov.u32 s19;
	v39 =	vld [tilespmem:s16+$0x0];
	v36 =	vadd.f32 $-1.000000000e+00, v36;
	v38 =	vadd.s32 v41, v38;
	[tilespmem:v31+s11+$0x0] =	vst.idx.msk $0xffff, v32  }
0x41: {  	v31 =	vadd.f32 $1.000000000e+00, v33;
	s17 =	sor.u32 s17, s6;
	[tilespmem:v30+s11+$0x0] =	vst.idx.msk $0xffff, v38;
	v30 =	vor.u32 $0x8, v38  }
0x42: {  	v42 =	vor.u32 s17, v0;
	v32 =	vadd.f32 $1.000000000e+00, v36;
	v36 =	vadd.s32 v41, v37;
	[tilespmem:v29+s11+$0x0] =	vst.idx.msk $0xffff, v30  }
0x43: {  	v33 =	vor.u32 s17, v2;
	v29 =	vmul.f32 $1.990000000e+02, v31;
	[tilespmem:v34+s11+$0x0] =	vst.idx.msk $0xffff, v36;
	v30 =	vor.u32 $0x8, v36  }
0x44: {  	v34 =	vmul.f32 v40, v13;
	v36 =	vmul.f32 $1.750000000e+02, v32;
	v32 =	vor.u32 s17, v3;
	[tilespmem:v35+s11+$0x0] =	vst.idx.msk $0xffff, v30  }
0x45: {  	v31 =	vor.u32 s17, v4;
	v37 =	vmul.f32 v29, v25;
	v35 =	vmul.f32 v39, v13  }
0x46: {  	v30 =	vor.u32 s17, v5;
	v29 =	vor.u32 s17, v7;
	v38 =	vmul.f32 v36, v25  }
0x47: {  	v34 =	vmax.f32 v34, $0.0e+00;
	v36 =	vtrunc.f32 v37;
	v35 =	vmax.f32 v35, $0.0e+00  }
0x48: {  	v40 =	vcvt.f32.s32 v36;
	v35 =	vmin.f32 v35, $1.750000000e+02;
	v39 =	vtrunc.f32 v38  }
0x49: {  	v34 =	vmin.f32 v34, $1.990000000e+02;
	v35 =	vmul.f32 v35, v17;
	v39 =	vcvt.f32.s32 v39  }
0x4a: {  	v36 =	vmul.f32 v34, v21;
	v34 =	vor.u32 s17, v8;
	v41 =	vcvt.s32.f32 v40  }
0x4b: {  	vm0 =	vlt.s32 v40, $0xC8;
	v35 =	vadd.f32 v35, v35;
	v43 =	vcvt.s32.f32 v39  }
0x4c: {  	vm2 =	vlt.s32 v40, $0xC7;
	v37 =	vsub.f32 v37, v41;
	vm1 =	vlt.s32 v39, $0xAF  }
0x4d: {  	v41 =	vadd.s32 $0x1, v39;
	v38 =	vsub.f32 v38, v43;
	v43 =	vadd.s32 $0x1, v40  }
0x4e: {  	vm3 =	vlt.s32 v41, $0xB0;
	v44 =	vsub.f32 $1.000000000e+00, v37;
	vm4 =	vlt.s32 v43, $0xC8  }
0x4f: {  	v39 =	vnsel vm1, $0xAF, v39;
	v40 =	vnsel vm2, $0xC7, v40;
	v45 =	vsub.f32 $1.000000000e+00, v38  }
0x50: {  	vm1 =	vlt.s32 v43, $0xC7;
	v44 =	vnsel vm0, $0x0, v44;
	vm0 =	vlt.s32 v41, $0xAF  }
0x51: {  	v47 =	vand.u32 $0x7, v39;
	v38 =	vnsel vm3, $0x0, v38;
	v46 =	vmul.f32 v44, v45  }
0x52: {  	s14 =	sadd.s32 $0x10, s14;
	v39 =	vshll.u32 v39, $0x1;
	v37 =	vnsel vm4, $0x0, v37;
	v44 =	vmul.f32 v44, v38  }
.Ltmp0:
0x53: {  	s0 =	sadd.s32 $0x10, s0;
	v40 =	vadd.s32 v1, v40;
	v41 =	vnsel vm0, $0xAF, v41;
	v45 =	vmul.f32 v45, v37;
	[tilespmem:s14+$0x0] =	vst v46;
	(pc) =	sbr.rel @p0 .LBB2_2-.Ltmp0, $4  }
0x54: {  	s2 =	sadd.s32 $0x10, s2;
	v37 =	vmul.f32 v38, v37;
	v38 =	vand.u32 $0xFFFFFFF0, v39;
	v39 =	vmul.u32 $0x160, v40;
	[tilespmem:s0+$0x0] =	vst v44  }
0x55: {  	s13 =	sadd.s32 $0x10, s13;
	v40 =	vnsel vm1, $0xC7, v43;
	v43 =	vshll.u32 v41, $0x1;
	v38 =	vor.u32 v47, v38;
	[tilespmem:s2+$0x0] =	vst v45  }
0x56: {  	v41 =	vand.u32 $0x7, v41;
	[tilespmem:s13+$0x0] =	vst v37;
	v37 =	vand.u32 $0xFFFFFFF0, v43;
	v43 =	vadd.s32 v39, v38  }
0x57: {  	s19 =	sadd.s32 $0x1, s19;
	v37 =	vor.u32 v41, v37;
	v41 =	vadd.s32 v1, v40;
	[tilespmem:v42+s11+$0x0] =	vst.idx.msk $0xffff, v43;
	v40 =	vor.u32 $0x8, v43  }
0x58: {  	v36 =	vadd.f32 v36, v36  }
0x59: {  	v35 =	vadd.f32 $-1.000000000e+00, v35  }
0x5a: {  	v36 =	vadd.f32 $-1.000000000e+00, v36  }
0x5b: {  	v35 =	vadd.f32 $1.000000000e+00, v35  }
0x5c: {  	v36 =	vadd.f32 $1.000000000e+00, v36  }
0x5d: {  	v35 =	vmul.f32 $1.990000000e+02, v35  }
0x5e: {  	v41 =	vmul.u32 $0x160, v41;
	v39 =	vadd.s32 v39, v37;
	s5 =	sshll.u32 s5, $0x7;
	s6 =	sadd.s32 $0x80, s18;
	v36 =	vmul.f32 $1.750000000e+02, v36  }
0x5f: {  	v43 =	vor.u32 s17, v9;
	v42 =	vor.u32 $0x8, v39;
	s6 =	sand.u32 $0x80, s6;
	s5 =	sand.u32 $0xFFFFFF00, s5;
	v35 =	vmul.f32 v35, v25  }
0x60: {  	v38 =	vadd.s32 v41, v38;
	s5 =	sor.u32 s6, s5;
	v59 =	vadd.s32 v41, v37;
	v36 =	vmul.f32 v36, v25  }
0x61: {  	v45 =	vor.u32 $0x8, v38;
	v46 =	vor.u32 s5, v0;
	v44 =	vtrunc.f32 v35  }
0x62: {  	v41 =	vor.u32 s5, v2;
	v44 =	vcvt.f32.s32 v44;
	v47 =	vtrunc.f32 v36  }
0x63: {  	v48 =	vor.u32 $0x8, v59;
	v50 =	vor.u32 s5, v3;
	v47 =	vcvt.f32.s32 v47  }
0x64: {  	[tilespmem:v33+s11+$0x0] =	vst.idx.msk $0xffff, v40;
	v51 =	vor.u32 s5, v4;
	v52 =	vor.u32 s5, v5;
	v49 =	vcvt.s32.f32 v44  }
0x65: {  	[tilespmem:v32+s11+$0x0] =	vst.idx.msk $0xffff, v39;
	v53 =	vor.u32 s5, v7;
	vm0 =	vlt.s32 v44, $0xC8;
	v60 =	vcvt.s32.f32 v47  }
0x66: {  	[tilespmem:v31+s11+$0x0] =	vst.idx.msk $0xffff, v42;
	vm2 =	vlt.s32 v44, $0xC7;
	v63 =	vadd.s32 $0x1, v44;
	v35 =	vsub.f32 v35, v49  }
0x67: {  	[tilespmem:v30+s11+$0x0] =	vst.idx.msk $0xffff, v38;
	vm13 =	vlt.s32 v63, $0xC8;
	v30 =	vnsel vm2, $0xC7, v44;
	v61 =	vsub.f32 v36, v60  }
0x68: {  	vm15 =	vlt.s32 v63, $0xC7;
	vm1 =	vlt.s32 v47, $0xAF;
	v49 =	vsub.f32 $1.000000000e+00, v35  }
0x69: {  	v62 =	vadd.s32 $0x1, v47;
	v30 =	vadd.s32 v1, v30;
	v54 =	vsub.f32 $1.000000000e+00, v61  }
0x6a: {  	[tilespmem:v29+s11+$0x0] =	vst.idx.msk $0xffff, v45;
	vm3 =	vlt.s32 v62, $0xB0;
	v31 =	vnsel vm1, $0xAF, v47;
	v29 =	vnsel vm0, $0x0, v49  }
0x6b: {  	[tilespmem:v34+s11+$0x0] =	vst.idx.msk $0xffff, v59;
	vm14 =	vlt.s32 v62, $0xAF;
	v32 =	vnsel vm3, $0x0, v61;
	v55 =	vmul.f32 v29, v54  }
0x6c: {  	s19 =	sadd.s32 $0x10, s14;
	[tilespmem:v43+s11+$0x0] =	vst.idx.msk $0xffff, v48;
	v30 =	vmul.u32 $0x160, v30;
	v35 =	vnsel vm13, $0x0, v35;
	v29 =	vmul.f32 v29, v32  }
0x6d: {  	s0 =	sadd.s32 $0x10, s0;
	v56 =	vand.u32 $0x7, v31;
	v31 =	vshll.u32 v31, $0x1;
	v57 =	vmul.f32 v54, v35;
	[tilespmem:s19+$0x0] =	vst v55  }
0x6e: {  	s2 =	sadd.s32 $0x10, s2;
	v33 =	vnsel vm14, $0xAF, v62;
	v31 =	vand.u32 $0xFFFFFFF0, v31;
	[tilespmem:s0+$0x0] =	vst v29;
	v29 =	vmul.f32 v32, v35  }
0x6f: {  	s6 =	sadd.s32 $0x10, s13;
	v58 =	vnsel vm15, $0xC7, v63;
	v59 =	vshll.u32 v33, $0x1;
	v31 =	vor.u32 v56, v31;
	[tilespmem:s2+$0x0] =	vst v57  }
0x70: {  	v33 =	vand.u32 $0x7, v33;
	v60 =	vadd.s32 v30, v31;
	[tilespmem:s6+$0x0] =	vst v29;
	v29 =	vand.u32 $0xFFFFFFF0, v59  }
0x71: {  	v61 =	vor.u32 $0x8, v60;
	v32 =	vadd.s32 v1, v58;
	v29 =	vor.u32 v33, v29;
	[tilespmem:v46+s11+$0x0] =	vst.idx.msk $0xffff, v60  }
0x72: {  	v62 =	vor.u32 s5, v8;
	v32 =	vmul.u32 $0x160, v32;
	v30 =	vadd.s32 v30, v29;
	[tilespmem:v41+s11+$0x0] =	vst.idx.msk $0xffff, v61  }
0x73: {  	v63 =	vor.u32 s5, v9;
	[tilespmem:v50+s11+$0x0] =	vst.idx.msk $0xffff, v30;
	v30 =	vor.u32 $0x8, v30  }
0x74: {  	v31 =	vadd.s32 v32, v31;
	[tilespmem:v51+s11+$0x0] =	vst.idx.msk $0xffff, v30  }
0x75: {  	v30 =	vor.u32 $0x8, v31;
	[tilespmem:v52+s11+$0x0] =	vst.idx.msk $0xffff, v31  }
0x76: {  	v29 =	vadd.s32 v32, v29;
	[tilespmem:v53+s11+$0x0] =	vst.idx.msk $0xffff, v30  }
0x77: {  	[tilespmem:v62+s11+$0x0] =	vst.idx.msk $0xffff, v29;
	v29 =	vor.u32 $0x8, v29  }
0x78: {  	s13 =	simm.s32 $0x1C00;
	[tilespmem:v63+s11+$0x0] =	vst.idx.msk $0xffff, v29  }
0x79: {  	[tilespmem:s13], [sflag:$0x1] =	stream.indirect.gather [hbm4b:s1+s12], $0x80, s11, s12, $0xb8;
	[tilespmem:$0x16C00] =	vst v63  }
0x7a: {  	s14 =	simm.s32 $0xC40;
	s15 =	simm.s32 $0x3C00  }
0x7b: {  	[tilespmem:s15], [sflag:$0x1] =	stream.indirect.gather [hbm4b:s1+s12], $0x80, s14, s12, $0xb8;
	[tilespmem:$0x16C00] =	vst v63  }
0x7c: {  	s16 =	simm.s32 $0xC80;
	s17 =	simm.s32 $0x5C00;
	s18 =	simm.s32 $0xCC0  }
0x7d: {  	[tilespmem:s17], [sflag:$0x1] =	stream.indirect.gather [hbm4b:s1+s12], $0x80, s16, s12, $0xb8;
	[tilespmem:$0x16C00] =	vst v63  }
0x7e: {  	s19 =	simm.s32 $0x7C00;
	s0 =	simm.s32 $0x0;
	s2 =	simm.s32 $0x0  }
0x7f: {  	[tilespmem:s19], [sflag:$0x1] =	stream.indirect.gather [hbm4b:s1+s12], $0x80, s18, s12, $0xb8;
	[tilespmem:$0x16C00] =	vst v63  }
.LBB2_4:
0x80: {  	s13 =	sshllo.u32 s2, $0x1  }
0x81: {  	s5 =	sshll.u32 s13, $0x8  }
0x82: {  	s5 =	sand.u32 $0x3FFFFF00, s5  }
0x83: {  	s6 =	sadd.s32 $0xC00, s5  }
0x84: {  	[tilespmem:s20], [sflag:$0x2] =	stream.indirect.gather [hbm4b:s1+s12], $0x80, s6, s12, $0xb8;
	[tilespmem:$0x16C00] =	vst v63  }
0x85: {  	s15 =	sadd.s32 $0xC40, s5  }
0x86: {  	[tilespmem:s21], [sflag:$0x2] =	stream.indirect.gather [hbm4b:s1+s12], $0x80, s15, s12, $0xb8;
	[tilespmem:$0x16C00] =	vst v63  }
0x87: {  	s16 =	sadd.s32 $0xC80, s5  }
0x88: {  	[tilespmem:s22], [sflag:$0x2] =	stream.indirect.gather [hbm4b:s1+s12], $0x80, s16, s12, $0xb8;
	[tilespmem:$0x16C00] =	vst v63  }
0x89: {  	s5 =	sadd.s32 $0xCC0, s5  }
0x8a: {  	[tilespmem:s23], [sflag:$0x2] =	stream.indirect.gather [hbm4b:s1+s12], $0x80, s5, s12, $0xb8;
	[tilespmem:$0x16C00] =	vst v63  }
0x8b: {  	_ =	swait.ge [sflag:s24], $0x2000  }
0x8c: {  	[sflag:s24] =	ssyncset.done $0x0  }
0x8d: {  	[sflag:s24] =	ssyncadd.s32 $0xFFFFE000  }
0x8e: {  	_ =	swait.ge [sflag:s24], $0x2000  }
0x8f: {  	[sflag:s24] =	ssyncset.done $0x0  }
0x90: {  	[sflag:s24] =	ssyncadd.s32 $0xFFFFE000  }
0x91: {  	_ =	swait.ge [sflag:s24], $0x2000  }
0x92: {  	[sflag:s24] =	ssyncset.done $0x0  }
0x93: {  	[sflag:s24] =	ssyncadd.s32 $0xFFFFE000  }
0x94: {  	_ =	swait.ge [sflag:s24], $0x2000  }
0x95: {  	p0 =	seq.s32 s2, $0x0;
	[sflag:s24] =	ssyncset.done $0x0  }
0x96: {  	s5 =	simm.s32 @!p0 $0x3;
	[sflag:s24] =	ssyncadd.s32 $0xFFFFE000  }
0x97: {  	_ =	swait.ge @!p0 [sflag:s5], $0x2000  }
0x98: {  	s14 =	sshll.u32 s2, $0x6;
	[sflag:s5] =	ssyncset.done @!p0 $0x0  }
0x99: {  	s17 =	sand.u32 $0x10, s0;
	s15 =	simm.s32 $0x1E00;
	[sflag:s5] =	ssyncadd.s32 @!p0 $0xFFFFE000  }
0x9a: {  	s5 =	sor.u32 s14, s17;
	v29 =	vld [tilespmem:s15+$0xFFFFFE00]  }
0x9b: {  	v30 =	vld [tilespmem:s5+$0x400]  }
0x9c: {  	v31 =	vld [tilespmem:s5+$0x600]  }
0x9d: {  	v32 =	vld [tilespmem:s5+$0x800]  }
0x9e: {  	v34 =	vld [tilespmem:s15+$0xFFFFFF00]  }
0x9f: {  	s18 =	sand.u32 $0xF, s0;
	v37 =	vld [tilespmem:s5+$0xA00]  }
0xa0: {  	v36 =	vmov s18;
	v35 =	vld [tilespmem:s15+$0x0]  }
0xa1: {  	v30 =	vperm.xlane v30, v36;
	v31 =	vperm.xlane v31, v36  }
0xa2: {  	v38 =	vld [tilespmem:s15+$0x100];
	v33 =	vperm.xlane v32, v36  }
0xa3: {  	v39 =	vmul.f32 v29, v30;
	v34 =	vmul.f32 v34, v31  }
0xa4: {  	v45 =	vmov s0;
	v32 =	vperm.xlane v37, v36  }
0xa5: {  	v29 =	vand.u32 $0x1F, v45;
	v35 =	vmul.f32 v35, v33;
	v34 =	vadd.f32 v34, v39  }
0xa6: {  	v46 =	vadd.s32 v6, v29  }
0xa7: {  	v47 =	vmul.f32 v38, v32;
	v34 =	vadd.f32 v35, v34;
	_ =	sdelay $0x1  }
0xa8: {  	v34 =	vadd.f32 v47, v34;
	_ =	sdelay $0x1  }
0xa9: {  	[tilespmem:v46+s25+$0x0] =	vst.idx.msk $0xffff, v34  }
0xaa: {  	v34 =	vld [tilespmem:s15+$0xFFFFFE10]  }
0xab: {  	v48 =	vld [tilespmem:s15+$0xFFFFFF10];
	_ =	sdelay $0x1  }
0xac: {  	v36 =	vld [tilespmem:s15+$0x10];
	_ =	sdelay $0x1  }
0xad: {  	v49 =	vld [tilespmem:s15+$0x110]  }
0xae: {  	v34 =	vmul.f32 v34, v30;
	v35 =	vmul.f32 v48, v31;
	_ =	sdelay $0x1  }
0xaf: {  	v50 =	vmul.f32 v36, v33;
	v34 =	vadd.f32 v35, v34  }
0xb0: {  	v51 =	vadd.s32 v10, v29  }
0xb1: {  	v52 =	vmul.f32 v49, v32;
	v34 =	vadd.f32 v50, v34;
	_ =	sdelay $0x1  }
0xb2: {  	v34 =	vadd.f32 v52, v34;
	_ =	sdelay $0x1  }
0xb3: {  	[tilespmem:v51+s25+$0x0] =	vst.idx.msk $0xffff, v34  }
0xb4: {  	v34 =	vld [tilespmem:s15+$0xFFFFFE20]  }
0xb5: {  	v53 =	vld [tilespmem:s15+$0xFFFFFF20];
	_ =	sdelay $0x1  }
0xb6: {  	v36 =	vld [tilespmem:s15+$0x20];
	_ =	sdelay $0x1  }
0xb7: {  	v54 =	vld [tilespmem:s15+$0x120]  }
0xb8: {  	v34 =	vmul.f32 v34, v30;
	v35 =	vmul.f32 v53, v31;
	_ =	sdelay $0x1  }
0xb9: {  	v36 =	vmul.f32 v36, v33;
	v34 =	vadd.f32 v35, v34  }
0xba: {  	v55 =	vadd.s32 v11, v29  }
0xbb: {  	v37 =	vmul.f32 v54, v32;
	v34 =	vadd.f32 v36, v34;
	_ =	sdelay $0x1  }
0xbc: {  	v34 =	vadd.f32 v37, v34;
	_ =	sdelay $0x1  }
0xbd: {  	[tilespmem:v55+s25+$0x0] =	vst.idx.msk $0xffff, v34  }
0xbe: {  	v34 =	vld [tilespmem:s15+$0xFFFFFE30]  }
0xbf: {  	v35 =	vld [tilespmem:s15+$0xFFFFFF30];
	_ =	sdelay $0x1  }
0xc0: {  	v56 =	vld [tilespmem:s15+$0x30];
	_ =	sdelay $0x1  }
0xc1: {  	v57 =	vld [tilespmem:s15+$0x130]  }
0xc2: {  	v34 =	vmul.f32 v34, v30;
	v35 =	vmul.f32 v35, v31;
	_ =	sdelay $0x1  }
0xc3: {  	v36 =	vmul.f32 v56, v33;
	v34 =	vadd.f32 v35, v34  }
0xc4: {  	v58 =	vadd.s32 v12, v29  }
0xc5: {  	v59 =	vmul.f32 v57, v32;
	v34 =	vadd.f32 v36, v34;
	_ =	sdelay $0x1  }
0xc6: {  	v34 =	vadd.f32 v59, v34;
	_ =	sdelay $0x1  }
0xc7: {  	[tilespmem:v58+s25+$0x0] =	vst.idx.msk $0xffff, v34  }
0xc8: {  	v34 =	vld [tilespmem:s15+$0xFFFFFE40]  }
0xc9: {  	v35 =	vld [tilespmem:s15+$0xFFFFFF40];
	_ =	sdelay $0x1  }
0xca: {  	s19 =	simm.s32 $0x1;
	s16 =	simm.s32 $0x2200;
	v60 =	vld [tilespmem:s15+$0x40]  }
0xcb: {  	s18 =	sand.u32 $0x10, s19;
	v61 =	vld [tilespmem:s16+$0xFFFFFE00]  }
0xcc: {  	s6 =	sor.u32 s14, s18;
	v62 =	vld [tilespmem:s15+$0x140]  }
0xcd: {  	v40 =	vld [tilespmem:s6+$0x600];
	v34 =	vmul.f32 v34, v30;
	v35 =	vmul.f32 v35, v31  }
0xce: {  	v63 =	vld [tilespmem:s6+$0x400]  }
0xcf: {  	v42 =	vld [tilespmem:s16+$0xFFFFFF00];
	v48 =	vmul.f32 v60, v33;
	v34 =	vadd.f32 v35, v34  }
0xd0: {  	s17 =	sand.u32 $0xF, s19;
	v41 =	vld [tilespmem:s6+$0x800];
	v43 =	vadd.s32 v14, v29  }
0xd1: {  	v44 =	vld [tilespmem:s16+$0x0];
	v45 =	vmov s17;
	v49 =	vmul.f32 v62, v32;
	v34 =	vadd.f32 v48, v34  }
0xd2: {  	v38 =	vperm.xlane v40, v45;
	v46 =	vld [tilespmem:s6+$0xA00]  }
0xd3: {  	v36 =	vperm.xlane v63, v45;
	v34 =	vadd.f32 v49, v34  }
0xd4: {  	v42 =	vmul.f32 v42, v38;
	v50 =	vld [tilespmem:s16+$0x100]  }
0xd5: {  	v51 =	vmov s19;
	v52 =	vmul.f32 v61, v36;
	v35 =	vperm.xlane v41, v45;
	[tilespmem:v43+s25+$0x0] =	vst.idx.msk $0xffff, v34  }
0xd6: {  	v37 =	vand.u32 $0x1F, v51;
	v53 =	vld [tilespmem:s15+$0xFFFFFE50]  }
0xd7: {  	v41 =	vadd.f32 v42, v52;
	v54 =	vmul.f32 v44, v35;
	v34 =	vperm.xlane v46, v45;
	v43 =	vld [tilespmem:s15+$0xFFFFFF50]  }
0xd8: {  	v55 =	vadd.s32 v6, v37  }
0xd9: {  	v41 =	vadd.f32 v54, v41;
	v56 =	vld [tilespmem:s15+$0x50];
	v39 =	vmul.f32 v50, v34;
	_ =	sdelay $0x1  }
0xda: {  	v57 =	vld [tilespmem:s15+$0x150];
	v39 =	vadd.f32 v39, v41  }
0xdb: {  	v40 =	vmul.f32 v53, v30;
	v43 =	vmul.f32 v43, v31  }
0xdc: {  	[tilespmem:v55+s25+$0x0] =	vst.idx.msk $0xffff, v39  }
0xdd: {  	v42 =	vmul.f32 v56, v33;
	v39 =	vld [tilespmem:s16+$0xFFFFFE10];
	v40 =	vadd.f32 v43, v40  }
0xde: {  	v59 =	vadd.s32 v15, v29;
	v58 =	vld [tilespmem:s16+$0xFFFFFF10]  }
0xdf: {  	v41 =	vmul.f32 v57, v32;
	v40 =	vadd.f32 v42, v40  }
0xe0: {  	v60 =	vld [tilespmem:s16+$0x10]  }
0xe1: {  	v40 =	vadd.f32 v41, v40  }
0xe2: {  	v61 =	vld [tilespmem:s16+$0x110]  }
0xe3: {  	v39 =	vmul.f32 v39, v36;
	v43 =	vmul.f32 v58, v38;
	[tilespmem:v59+s25+$0x0] =	vst.idx.msk $0xffff, v40  }
0xe4: {  	v40 =	vld [tilespmem:s15+$0xFFFFFE60]  }
0xe5: {  	v42 =	vmul.f32 v60, v35;
	v39 =	vadd.f32 v43, v39;
	v62 =	vld [tilespmem:s15+$0xFFFFFF60]  }
0xe6: {  	v63 =	vadd.s32 v10, v37  }
0xe7: {  	v41 =	vmul.f32 v61, v34;
	v47 =	vld [tilespmem:s15+$0x60];
	v39 =	vadd.f32 v42, v39;
	_ =	sdelay $0x1  }
0xe8: {  	v48 =	vld [tilespmem:s15+$0x160];
	v39 =	vadd.f32 v41, v39  }
0xe9: {  	v40 =	vmul.f32 v40, v30;
	v43 =	vmul.f32 v62, v31  }
0xea: {  	[tilespmem:v63+s25+$0x0] =	vst.idx.msk $0xffff, v39  }
0xeb: {  	v42 =	vmul.f32 v47, v33;
	v39 =	vld [tilespmem:s16+$0xFFFFFE20];
	v40 =	vadd.f32 v43, v40  }
0xec: {  	v50 =	vadd.s32 v16, v29;
	v49 =	vld [tilespmem:s16+$0xFFFFFF20]  }
0xed: {  	v41 =	vmul.f32 v48, v32;
	v40 =	vadd.f32 v42, v40  }
0xee: {  	v51 =	vld [tilespmem:s16+$0x20]  }
0xef: {  	v40 =	vadd.f32 v41, v40  }
0xf0: {  	v52 =	vld [tilespmem:s16+$0x120]  }
0xf1: {  	v39 =	vmul.f32 v39, v36;
	v43 =	vmul.f32 v49, v38;
	[tilespmem:v50+s25+$0x0] =	vst.idx.msk $0xffff, v40  }
0xf2: {  	v40 =	vld [tilespmem:s15+$0xFFFFFE70]  }
0xf3: {  	v42 =	vmul.f32 v51, v35;
	v39 =	vadd.f32 v43, v39;
	v53 =	vld [tilespmem:s15+$0xFFFFFF70]  }
0xf4: {  	v54 =	vadd.s32 v11, v37  }
0xf5: {  	v41 =	vmul.f32 v52, v34;
	v55 =	vld [tilespmem:s15+$0x70];
	v39 =	vadd.f32 v42, v39;
	_ =	sdelay $0x1  }
0xf6: {  	v56 =	vld [tilespmem:s15+$0x170];
	v39 =	vadd.f32 v41, v39  }
0xf7: {  	v40 =	vmul.f32 v40, v30;
	v43 =	vmul.f32 v53, v31  }
0xf8: {  	[tilespmem:v54+s25+$0x0] =	vst.idx.msk $0xffff, v39  }
0xf9: {  	v42 =	vmul.f32 v55, v33;
	v39 =	vld [tilespmem:s16+$0xFFFFFE30];
	v40 =	vadd.f32 v43, v40  }
0xfa: {  	s17 =	simm.s32 $0x2600;
	s19 =	simm.s32 $0x2;
	v58 =	vadd.s32 v18, v29;
	v57 =	vld [tilespmem:s16+$0xFFFFFF30]  }
0xfb: {  	s18 =	sand.u32 $0x10, s19;
	v59 =	vld [tilespmem:s17+$0xFFFFFE00];
	v41 =	vmul.f32 v56, v32;
	v40 =	vadd.f32 v42, v40  }
0xfc: {  	s6 =	sor.u32 s14, s18;
	v60 =	vld [tilespmem:s16+$0x30]  }
0xfd: {  	v47 =	vld [tilespmem:s6+$0x800];
	v40 =	vadd.f32 v41, v40  }
0xfe: {  	v61 =	vld [tilespmem:s16+$0x130]  }
0xff: {  	v48 =	vld [tilespmem:s6+$0x400];
	v39 =	vmul.f32 v39, v36;
	v43 =	vmul.f32 v57, v38;
	[tilespmem:v58+s25+$0x0] =	vst.idx.msk $0xffff, v40  }
0x100: {  	v40 =	vld [tilespmem:s15+$0xFFFFFE80]  }
0x101: {  	v42 =	vmul.f32 v60, v35;
	v39 =	vadd.f32 v43, v39;
	v62 =	vld [tilespmem:s15+$0xFFFFFF80]  }
0x102: {  	v63 =	vld [tilespmem:s6+$0x600];
	v49 =	vadd.s32 v12, v37  }
0x103: {  	v41 =	vmul.f32 v61, v34;
	v50 =	vld [tilespmem:s15+$0x80];
	v39 =	vadd.f32 v42, v39  }
0x104: {  	v51 =	vld [tilespmem:s17+$0xFFFFFF00]  }
0x105: {  	s18 =	sand.u32 $0xF, s19;
	v52 =	vld [tilespmem:s15+$0x180];
	v39 =	vadd.f32 v41, v39  }
0x106: {  	v45 =	vld [tilespmem:s17+$0x0];
	v53 =	vmov s18;
	v40 =	vmul.f32 v40, v30;
	v43 =	vmul.f32 v62, v31  }
0x107: {  	v54 =	vld [tilespmem:s6+$0xA00];
	v42 =	vperm.xlane v63, v53;
	v41 =	vperm.xlane v48, v53;
	[tilespmem:v49+s25+$0x0] =	vst.idx.msk $0xffff, v39  }
0x108: {  	v39 =	vperm.xlane v47, v53;
	v57 =	vmul.f32 v50, v33;
	v47 =	vld [tilespmem:s16+$0xFFFFFE40];
	v40 =	vadd.f32 v43, v40  }
0x109: {  	v46 =	vmul.f32 v59, v41;
	v59 =	vadd.s32 v19, v29;
	v49 =	vld [tilespmem:s16+$0xFFFFFF40]  }
0x10a: {  	v44 =	vld [tilespmem:s17+$0x100];
	v58 =	vmul.f32 v51, v42;
	v52 =	vmul.f32 v52, v32;
	v55 =	vadd.f32 v57, v40  }
0x10b: {  	v60 =	vmov s19;
	v61 =	vld [tilespmem:s16+$0x40]  }
0x10c: {  	v46 =	vadd.f32 v58, v46;
	v43 =	vand.u32 $0x1F, v60;
	v62 =	vadd.f32 v52, v55  }
0x10d: {  	v45 =	vmul.f32 v45, v39;
	v63 =	vadd.s32 v6, v43;
	v40 =	vperm.xlane v54, v53;
	v54 =	vld [tilespmem:s16+$0x140]  }
0x10e: {  	v47 =	vmul.f32 v47, v36;
	v49 =	vmul.f32 v49, v38;
	[tilespmem:v59+s25+$0x0] =	vst.idx.msk $0xffff, v62  }
0x10f: {  	v45 =	vadd.f32 v45, v46;
	v44 =	vmul.f32 v44, v40;
	v50 =	vld [tilespmem:s15+$0xFFFFFE90]  }
0x110: {  	v56 =	vmul.f32 v61, v35;
	v55 =	vadd.f32 v49, v47;
	v57 =	vld [tilespmem:s15+$0xFFFFFF90]  }
0x111: {  	v58 =	vadd.s32 v14, v37;
	v44 =	vadd.f32 v44, v45  }
0x112: {  	v60 =	vmul.f32 v54, v34;
	v61 =	vld [tilespmem:s15+$0x90];
	v59 =	vadd.f32 v56, v55  }
0x113: {  	[tilespmem:v63+s25+$0x0] =	vst.idx.msk $0xffff, v44;
	v63 =	vld [tilespmem:s15+$0x190]  }
0x114: {  	v62 =	vld [tilespmem:s17+$0xFFFFFE10];
	v44 =	vadd.f32 v60, v59  }
0x115: {  	v56 =	vld [tilespmem:s17+$0xFFFFFF10];
	v50 =	vmul.f32 v50, v30;
	v48 =	vmul.f32 v57, v31  }
0x116: {  	v52 =	vld [tilespmem:s17+$0x10];
	[tilespmem:v58+s25+$0x0] =	vst.idx.msk $0xffff, v44  }
0x117: {  	v46 =	vmul.f32 v61, v33;
	v44 =	vld [tilespmem:s16+$0xFFFFFE50];
	v48 =	vadd.f32 v48, v50  }
0x118: {  	v57 =	vadd.s32 v20, v29;
	v49 =	vld [tilespmem:s16+$0xFFFFFF50]  }
0x119: {  	v58 =	vld [tilespmem:s17+$0x110];
	v45 =	vmul.f32 v63, v32;
	v46 =	vadd.f32 v46, v48  }
0x11a: {  	v60 =	vld [tilespmem:s16+$0x50];
	v47 =	vmul.f32 v62, v41;
	v59 =	vmul.f32 v56, v42  }
0x11b: {  	v45 =	vadd.f32 v45, v46  }
0x11c: {  	v63 =	vld [tilespmem:s16+$0x150];
	v62 =	vmul.f32 v52, v39;
	v56 =	vadd.s32 v10, v43;
	v61 =	vadd.f32 v59, v47  }
0x11d: {  	v44 =	vmul.f32 v44, v36;
	v49 =	vmul.f32 v49, v38;
	[tilespmem:v57+s25+$0x0] =	vst.idx.msk $0xffff, v45  }
0x11e: {  	v58 =	vmul.f32 v58, v40;
	v46 =	vadd.f32 v62, v61;
	v57 =	vld [tilespmem:s15+$0xFFFFFEA0]  }
0x11f: {  	v59 =	vmul.f32 v60, v35;
	v44 =	vadd.f32 v49, v44;
	v60 =	vld [tilespmem:s15+$0xFFFFFFA0]  }
0x120: {  	v61 =	vadd.s32 v15, v37;
	v46 =	vadd.f32 v58, v46  }
0x121: {  	v48 =	vmul.f32 v63, v34;
	v62 =	vld [tilespmem:s15+$0xA0];
	v44 =	vadd.f32 v59, v44  }
0x122: {  	v63 =	vld [tilespmem:s15+$0x1A0];
	[tilespmem:v56+s25+$0x0] =	vst.idx.msk $0xffff, v46  }
0x123: {  	v46 =	vld [tilespmem:s17+$0xFFFFFE20];
	v44 =	vadd.f32 v48, v44  }
0x124: {  	v56 =	vld [tilespmem:s17+$0xFFFFFF20];
	v47 =	vmul.f32 v57, v30;
	v55 =	vmul.f32 v60, v31  }
0x125: {  	[tilespmem:v61+s25+$0x0] =	vst.idx.msk $0xffff, v44;
	v60 =	vld [tilespmem:s17+$0x20]  }
0x126: {  	v57 =	vmul.f32 v62, v33;
	v44 =	vld [tilespmem:s16+$0xFFFFFE60];
	v47 =	vadd.f32 v55, v47  }
0x127: {  	v59 =	vadd.s32 v22, v29;
	v58 =	vld [tilespmem:s16+$0xFFFFFF60]  }
0x128: {  	v45 =	vmul.f32 v63, v32;
	v62 =	vld [tilespmem:s17+$0x120];
	v47 =	vadd.f32 v57, v47  }
0x129: {  	v61 =	vld [tilespmem:s16+$0x60];
	v46 =	vmul.f32 v46, v41;
	v63 =	vmul.f32 v56, v42  }
0x12a: {  	v45 =	vadd.f32 v45, v47  }
0x12b: {  	s18 =	simm.s32 $0x2A00;
	v57 =	vld [tilespmem:s16+$0x160];
	v46 =	vadd.f32 v63, v46;
	v44 =	vmul.f32 v44, v36  }
0x12c: {  	v53 =	vld [tilespmem:s18+$0xFFFFFE00];
	v49 =	vmul.f32 v58, v38;
	v58 =	vmul.f32 v60, v39;
	[tilespmem:v59+s25+$0x0] =	vst.idx.msk $0xffff, v45  }
0x12d: {  	v62 =	vmul.f32 v62, v40;
	v60 =	vadd.s32 v11, v43;
	v59 =	vld [tilespmem:s15+$0xFFFFFEB0]  }
0x12e: {  	v48 =	vmul.f32 v61, v35;
	v44 =	vadd.f32 v49, v44;
	v45 =	vadd.f32 v58, v46;
	v61 =	vld [tilespmem:s15+$0xFFFFFFB0]  }
0x12f: {  	s5 =	simm.s32 $0x3;
	v54 =	vld [tilespmem:s18+$0x0];
	v63 =	vadd.s32 v16, v37  }
0x130: {  	s19 =	sand.u32 $0x10, s5;
	v56 =	vmul.f32 v57, v34;
	v57 =	vld [tilespmem:s15+$0xB0];
	v44 =	vadd.f32 v48, v44;
	v45 =	vadd.f32 v62, v45  }
0x131: {  	s6 =	sor.u32 s14, s19;
	v58 =	vld [tilespmem:s15+$0x1B0]  }
0x132: {  	v44 =	vadd.f32 v56, v44;
	[tilespmem:v60+s25+$0x0] =	vst.idx.msk $0xffff, v45;
	v45 =	vld [tilespmem:s6+$0x400]  }
0x133: {  	v51 =	vld [tilespmem:s17+$0xFFFFFE30];
	v47 =	vmul.f32 v59, v30;
	v49 =	vmul.f32 v61, v31  }
0x134: {  	v55 =	vld [tilespmem:s17+$0xFFFFFF30];
	[tilespmem:v63+s25+$0x0] =	vst.idx.msk $0xffff, v44  }
0x135: {  	v60 =	vmul.f32 v57, v33;
	v44 =	vld [tilespmem:s16+$0xFFFFFE70];
	v59 =	vadd.f32 v49, v47  }
0x136: {  	v61 =	vadd.s32 v23, v29;
	v49 =	vld [tilespmem:s16+$0xFFFFFF70]  }
0x137: {  	v56 =	vld [tilespmem:s17+$0x30];
	v62 =	vmul.f32 v58, v32;
	v46 =	vadd.f32 v60, v59  }
0x138: {  	v63 =	vld [tilespmem:s16+$0x70]  }
0x139: {  	v57 =	vld [tilespmem:s17+$0x130];
	v46 =	vadd.f32 v62, v46  }
0x13a: {  	v60 =	vld [tilespmem:s16+$0x170]  }
0x13b: {  	v58 =	vld [tilespmem:s6+$0x600];
	v44 =	vmul.f32 v44, v36;
	v49 =	vmul.f32 v49, v38;
	[tilespmem:v61+s25+$0x0] =	vst.idx.msk $0xffff, v46  }
0x13c: {  	v62 =	vmul.f32 v55, v42;
	v61 =	vmul.f32 v51, v41;
	v50 =	vld [tilespmem:s15+$0xFFFFFEC0]  }
0x13d: {  	v48 =	vmul.f32 v63, v35;
	v44 =	vadd.f32 v49, v44;
	v49 =	vld [tilespmem:s15+$0xFFFFFFC0]  }
0x13e: {  	s19 =	sand.u32 $0xF, s5;
	v52 =	vld [tilespmem:s6+$0x800];
	v56 =	vmul.f32 v56, v39;
	v59 =	vadd.s32 v18, v37;
	v46 =	vadd.f32 v62, v61  }
0x13f: {  	v55 =	vmov s19;
	v47 =	vmul.f32 v60, v34;
	v51 =	vld [tilespmem:s15+$0xC0];
	v48 =	vadd.f32 v48, v44  }
0x140: {  	v60 =	vld [tilespmem:s18+$0xFFFFFF00];
	v61 =	vadd.s32 v12, v43;
	v44 =	vperm.xlane v45, v55;
	v45 =	vadd.f32 v56, v46  }
0x141: {  	v56 =	vmul.f32 v57, v40;
	v57 =	vld [tilespmem:s15+$0x1C0];
	v46 =	vperm.xlane v58, v55;
	v47 =	vadd.f32 v47, v48  }
0x142: {  	v62 =	vld [tilespmem:s6+$0xA00];
	v63 =	vmul.f32 v50, v30;
	v49 =	vmul.f32 v49, v31  }
0x143: {  	v58 =	vld [tilespmem:s18+$0x100];
	v50 =	vadd.s32 v24, v29;
	v56 =	vadd.f32 v56, v45;
	[tilespmem:v59+s25+$0x0] =	vst.idx.msk $0xffff, v47  }
0x144: {  	v45 =	vperm.xlane v52, v55;
	v52 =	vld [tilespmem:s16+$0xFFFFFE80];
	v47 =	vadd.f32 v49, v63;
	v49 =	vmul.f32 v51, v33  }
0x145: {  	v48 =	vmov s5;
	v60 =	vmul.f32 v60, v46;
	v63 =	vmul.f32 v53, v44;
	[tilespmem:v61+s25+$0x0] =	vst.idx.msk $0xffff, v56;
	v56 =	vld [tilespmem:s16+$0xFFFFFF80]  }
0x146: {  	v53 =	vmul.f32 v54, v45;
	v54 =	vld [tilespmem:s16+$0x80];
	v57 =	vmul.f32 v57, v32;
	v49 =	vadd.f32 v49, v47  }
0x147: {  	v48 =	vand.u32 $0x1F, v48;
	v59 =	vld [tilespmem:s17+$0xFFFFFE40];
	v47 =	vperm.xlane v62, v55;
	v51 =	vadd.f32 v60, v63  }
0x148: {  	v55 =	vadd.s32 v6, v48;
	v60 =	vld [tilespmem:s17+$0xFFFFFF40];
	v49 =	vadd.f32 v57, v49  }
0x149: {  	v51 =	vadd.f32 v53, v51;
	v62 =	vmul.f32 v58, v47;
	v57 =	vld [tilespmem:s16+$0x180]  }
0x14a: {  	v58 =	vld [tilespmem:s17+$0x40];
	v52 =	vmul.f32 v52, v36;
	v56 =	vmul.f32 v56, v38;
	[tilespmem:v50+s25+$0x0] =	vst.idx.msk $0xffff, v49  }
0x14b: {  	v63 =	vadd.f32 v62, v51;
	v50 =	vld [tilespmem:s15+$0xFFFFFED0]  }
0x14c: {  	v62 =	vmul.f32 v54, v35;
	v61 =	vadd.f32 v56, v52;
	v53 =	vld [tilespmem:s15+$0xFFFFFFD0]  }
0x14d: {  	v54 =	vld [tilespmem:s17+$0x140];
	v60 =	vmul.f32 v60, v42;
	[tilespmem:v55+s25+$0x0] =	vst.idx.msk $0xffff, v63;
	v55 =	vadd.s32 v19, v37  }
0x14e: {  	v63 =	vmul.f32 v59, v41;
	v51 =	vadd.f32 v62, v61;
	v61 =	vmul.f32 v57, v34;
	v57 =	vld [tilespmem:s15+$0xD0]  }
0x14f: {  	v52 =	vld [tilespmem:s15+$0x1D0]  }
0x150: {  	v59 =	vld [tilespmem:s18+$0xFFFFFE10];
	v56 =	vmul.f32 v58, v39;
	v49 =	vadd.f32 v60, v63;
	v51 =	vadd.f32 v61, v51  }
0x151: {  	v58 =	vld [tilespmem:s18+$0xFFFFFF10];
	v60 =	vadd.s32 v14, v43;
	v50 =	vmul.f32 v50, v30;
	v53 =	vmul.f32 v53, v31  }
0x152: {  	v61 =	vld [tilespmem:s18+$0x10];
	v54 =	vmul.f32 v54, v40;
	v49 =	vadd.f32 v56, v49;
	[tilespmem:v55+s25+$0x0] =	vst.idx.msk $0xffff, v51  }
0x153: {  	v51 =	vld [tilespmem:s16+$0xFFFFFE90];
	v50 =	vadd.f32 v53, v50;
	v62 =	vmul.f32 v57, v33  }
0x154: {  	v63 =	vadd.s32 v26, v29;
	v49 =	vadd.f32 v54, v49;
	v54 =	vld [tilespmem:s16+$0xFFFFFF90]  }
0x155: {  	v56 =	vld [tilespmem:s18+$0x110];
	v52 =	vmul.f32 v52, v32;
	v50 =	vadd.f32 v62, v50  }
0x156: {  	[tilespmem:v60+s25+$0x0] =	vst.idx.msk $0xffff, v49;
	v49 =	vld [tilespmem:s16+$0x90];
	v60 =	vmul.f32 v59, v44;
	v62 =	vmul.f32 v58, v46  }
0x157: {  	v58 =	vld [tilespmem:s17+$0xFFFFFE50];
	v50 =	vadd.f32 v52, v50  }
0x158: {  	v57 =	vmul.f32 v61, v45;
	v52 =	vld [tilespmem:s16+$0x190];
	v53 =	vadd.f32 v62, v60  }
0x159: {  	v59 =	vld [tilespmem:s17+$0xFFFFFF50];
	v51 =	vmul.f32 v51, v36;
	v54 =	vmul.f32 v54, v38;
	[tilespmem:v63+s25+$0x0] =	vst.idx.msk $0xffff, v50  }
0x15a: {  	v55 =	vmul.f32 v56, v47;
	v50 =	vadd.s32 v10, v48;
	v53 =	vadd.f32 v57, v53;
	v60 =	vld [tilespmem:s15+$0xFFFFFEE0]  }
0x15b: {  	v61 =	vld [tilespmem:s15+$0xFFFFFFE0];
	v51 =	vadd.f32 v54, v51;
	v63 =	vmul.f32 v49, v35  }
0x15c: {  	v57 =	vld [tilespmem:s17+$0x50];
	v55 =	vadd.f32 v55, v53;
	v53 =	vadd.s32 v20, v37  }
0x15d: {  	v49 =	vld [tilespmem:s15+$0xE0];
	v51 =	vadd.f32 v63, v51;
	v52 =	vmul.f32 v52, v34  }
0x15e: {  	v56 =	vld [tilespmem:s17+$0x150];
	v58 =	vmul.f32 v58, v41  }
0x15f: {  	v59 =	vmul.f32 v59, v42;
	[tilespmem:v50+s25+$0x0] =	vst.idx.msk $0xffff, v55;
	v50 =	vld [tilespmem:s15+$0x1E0];
	v54 =	vadd.f32 v52, v51  }
0x160: {  	s19 =	simm.s32 $0x4;
	v55 =	vld [tilespmem:s18+$0x120];
	v51 =	vmul.f32 v60, v30;
	v52 =	vmul.f32 v61, v31  }
.LBB2_5:
0x161: {  	p1 =	sne.s32 s19, $0x1F;
	v60 =	vld [tilespmem:s18+$0x20];
	v58 =	vadd.f32 v59, v58;
	v57 =	vmul.f32 v57, v39;
	[tilespmem:v53+s25+$0x0] =	vst.idx.msk $0xffff, v54  }
0x162: {  	v53 =	vadd.s32 v15, v43;
	v54 =	vld [tilespmem:s16+$0xFFFFFEA0];
	v51 =	vadd.f32 v52, v51;
	v49 =	vmul.f32 v49, v33  }
0x163: {  	v52 =	vadd.f32 v57, v58;
	v56 =	vmul.f32 v56, v40;
	v57 =	vld [tilespmem:s16+$0xFFFFFFA0];
	v58 =	vadd.s32 v27, v29  }
0x164: {  	v59 =	vld [tilespmem:s18+$0xFFFFFE20];
	v49 =	vadd.f32 v49, v51;
	v50 =	vmul.f32 v50, v32  }
0x165: {  	v51 =	vadd.f32 v56, v52;
	v52 =	vld [tilespmem:s16+$0xA0]  }
0x166: {  	v56 =	vld [tilespmem:s18+$0xFFFFFF20];
	v49 =	vadd.f32 v50, v49  }
0x167: {  	[tilespmem:v53+s25+$0x0] =	vst.idx.msk $0xffff, v51;
	v50 =	vld [tilespmem:s16+$0x1A0]  }
0x168: {  	v53 =	vmul.f32 v54, v36;
	v51 =	vld [tilespmem:s17+$0xFFFFFE60];
	v54 =	vmul.f32 v57, v38;
	[tilespmem:v58+s25+$0x0] =	vst.idx.msk $0xffff, v49  }
0x169: {  	v49 =	vld [tilespmem:s15+$0xFFFFFEF0]  }
0x16a: {  	v53 =	vadd.f32 v54, v53;
	v54 =	vld [tilespmem:s15+$0xFFFFFFF0]  }
0x16b: {  	v52 =	vmul.f32 v52, v35  }
0x16c: {  	v58 =	vadd.s32 v22, v37;
	v57 =	vld [tilespmem:s17+$0xFFFFFF60]  }
0x16d: {  	v62 =	vadd.s32 v28, v29;
	v52 =	vadd.f32 v52, v53;
	v50 =	vmul.f32 v50, v34;
	v53 =	vld [tilespmem:s15+$0xF0]  }
0x16e: {  	v63 =	vadd.s32 v11, v48;
	v29 =	vmovc v37;
	v59 =	vmul.f32 v59, v44;
	v56 =	vmul.f32 v56, v46;
	v61 =	vld [tilespmem:s17+$0x60]  }
0x16f: {  	v60 =	vmul.f32 v60, v45;
	v37 =	vmovc v43;
	v50 =	vadd.f32 v50, v52;
	v52 =	vld [tilespmem:s15+$0x1F0];
	s15 =	smov.u32 s16;
	s16 =	smov.u32 s17;
	s17 =	smov.u32 s18;
	v31 =	vmul.f32 v54, v31  }
0x170: {  	v43 =	vadd.f32 v56, v59;
	s18 =	sadd.s32 $0x400, s18;
	v59 =	vmul.f32 v49, v30;
	v30 =	vmov v36;
	v56 =	vld [tilespmem:s16+$0x160]  }
0x171: {  	v51 =	vmul.f32 v51, v41;
	v36 =	vmov v41;
	v49 =	vld [tilespmem:s18+$0x0];
	v54 =	vmul.f32 v57, v42;
	[tilespmem:v58+s25+$0x0] =	vst.idx.msk $0xffff, v50  }
0x172: {  	v41 =	vmovc v44;
	v50 =	vmul.f32 v55, v47;
	v55 =	vld [tilespmem:s15+$0xFFFFFEB0];
	v57 =	vadd.f32 v31, v59;
	v33 =	vmul.f32 v53, v33  }
0x173: {  	v59 =	vadd.f32 v60, v43;
	v44 =	vadd.f32 v54, v51;
	v51 =	vmul.f32 v61, v39;
	v53 =	vld [tilespmem:s15+$0xFFFFFFB0];
	v31 =	vmovc v38  }
0x174: {  	s5 =	sand.u32 $0x10, s19;
	v58 =	vadd.s32 v16, v37;
	v57 =	vadd.f32 v33, v57;
	v60 =	vmul.f32 v52, v32;
	v38 =	vmovc v42;
	v54 =	vld [tilespmem:s18+$0xFFFFFE00]  }
0x175: {  	s5 =	sor.u32 s14, s5;
	v50 =	vadd.f32 v50, v59;
	v42 =	vmovc v46;
	v44 =	vadd.f32 v51, v44;
	v51 =	vmul.f32 v56, v40;
	v52 =	vld [tilespmem:s15+$0xB0]  }
0x176: {  	v43 =	vmovc v48;
	v46 =	vadd.f32 v60, v57;
	v33 =	vmovc v35;
	v35 =	vmov v39;
	v39 =	vmov v45;
	v56 =	vld [tilespmem:s5+$0x800]  }
0x177: {  	v32 =	vmovc v34;
	v34 =	vmov v40;
	v40 =	vmov v47;
	v44 =	vadd.f32 v51, v44;
	[tilespmem:v63+s25+$0x0] =	vst.idx.msk $0xffff, v50;
	v45 =	vld [tilespmem:s15+$0x1B0]  }
0x178: {  	v48 =	vmul.f32 v55, v30;
	v50 =	vmul.f32 v53, v31;
	v47 =	vld [tilespmem:s5+$0x400];
	[tilespmem:v62+s25+$0x0] =	vst.idx.msk $0xffff, v46  }
0x179: {  	v46 =	vld [tilespmem:s17+$0xFFFFFE30];
	[tilespmem:v58+s25+$0x0] =	vst.idx.msk $0xffff, v44  }
0x17a: {  	v48 =	vadd.f32 v50, v48;
	v44 =	vld [tilespmem:s16+$0xFFFFFE70];
	v50 =	vmul.f32 v52, v33  }
0x17b: {  	v52 =	vadd.s32 v23, v29;
	v51 =	vld [tilespmem:s16+$0xFFFFFF70]  }
0x17c: {  	v53 =	vld [tilespmem:s17+$0xFFFFFF30];
	v48 =	vadd.f32 v50, v48;
	v45 =	vmul.f32 v45, v32  }
0x17d: {  	v50 =	vld [tilespmem:s16+$0x70]  }
0x17e: {  	v55 =	vld [tilespmem:s17+$0x30];
	v45 =	vadd.f32 v45, v48  }
0x17f: {  	v48 =	vld [tilespmem:s16+$0x170]  }
0x180: {  	v44 =	vmul.f32 v44, v36;
	v57 =	vld [tilespmem:s17+$0x130];
	v51 =	vmul.f32 v51, v38;
	[tilespmem:v52+s25+$0x0] =	vst.idx.msk $0xffff, v45  }
0x181: {  	v45 =	vmul.f32 v46, v41;
	v46 =	vld [tilespmem:s15+$0xFFFFFEC0]  }
0x182: {  	s6 =	sand.u32 $0xF, s19;
	v52 =	vmul.f32 v53, v42;
	v44 =	vadd.f32 v51, v44;
	v50 =	vmul.f32 v50, v35;
	v51 =	vld [tilespmem:s15+$0xFFFFFFC0]  }
0x183: {  	v59 =	vadd.s32 v18, v37;
	v53 =	vmov s6;
	v58 =	vld [tilespmem:s5+$0x600];
	v55 =	vmul.f32 v55, v39  }
0x184: {  	v45 =	vadd.f32 v52, v45;
	v50 =	vadd.f32 v50, v44;
	v48 =	vmul.f32 v48, v34;
	v52 =	vld [tilespmem:s15+$0xC0]  }
0x185: {  	v60 =	vadd.s32 v12, v43;
	v44 =	vperm.xlane v47, v53;
	v47 =	vld [tilespmem:s18+$0xFFFFFF00]  }
0x186: {  	v45 =	vadd.f32 v55, v45;
	v55 =	vmul.f32 v57, v40;
	v48 =	vadd.f32 v48, v50;
	v50 =	vld [tilespmem:s15+$0x1C0]  }
0x187: {  	v62 =	vadd.s32 v24, v29;
	v61 =	vmul.f32 v46, v30;
	v57 =	vld [tilespmem:s5+$0xA00];
	v51 =	vmul.f32 v51, v31  }
0x188: {  	v55 =	vadd.f32 v55, v45;
	v46 =	vperm.xlane v58, v53;
	v58 =	vld [tilespmem:s18+$0x100];
	[tilespmem:v59+s25+$0x0] =	vst.idx.msk $0xffff, v48  }
0x189: {  	v45 =	vperm.xlane v56, v53;
	v56 =	vld [tilespmem:s16+$0xFFFFFE80];
	v51 =	vadd.f32 v51, v61;
	v52 =	vmul.f32 v52, v33  }
0x18a: {  	v54 =	vmul.f32 v54, v44;
	v48 =	vmov s19;
	v59 =	vmul.f32 v47, v46;
	[tilespmem:v60+s25+$0x0] =	vst.idx.msk $0xffff, v55;
	v55 =	vld [tilespmem:s16+$0xFFFFFF80]  }
0x18b: {  	v48 =	vand.u32 $0x1F, v48;
	v60 =	vld [tilespmem:s17+$0xFFFFFE40];
	v51 =	vadd.f32 v52, v51;
	v50 =	vmul.f32 v50, v32  }
0x18c: {  	v49 =	vmul.f32 v49, v45;
	v47 =	vperm.xlane v57, v53;
	v52 =	vadd.f32 v59, v54;
	v53 =	vld [tilespmem:s16+$0x80]  }
0x18d: {  	v54 =	vadd.s32 v6, v48;
	v57 =	vld [tilespmem:s17+$0xFFFFFF40];
	v50 =	vadd.f32 v50, v51  }
0x18e: {  	v49 =	vadd.f32 v49, v52;
	v51 =	vmul.f32 v58, v47;
	v52 =	vld [tilespmem:s16+$0x180]  }
0x18f: {  	v56 =	vmul.f32 v56, v36;
	v58 =	vld [tilespmem:s17+$0x40];
	v55 =	vmul.f32 v55, v38;
	[tilespmem:v62+s25+$0x0] =	vst.idx.msk $0xffff, v50  }
0x190: {  	v49 =	vadd.f32 v51, v49;
	v50 =	vld [tilespmem:s15+$0xFFFFFED0]  }
0x191: {  	v51 =	vadd.f32 v55, v56;
	v53 =	vmul.f32 v53, v35;
	v55 =	vld [tilespmem:s15+$0xFFFFFFD0]  }
0x192: {  	v56 =	vadd.s32 v19, v37;
	[tilespmem:v54+s25+$0x0] =	vst.idx.msk $0xffff, v49;
	v49 =	vmul.f32 v60, v41;
	v54 =	vld [tilespmem:s17+$0x140]  }
0x193: {  	v57 =	vmul.f32 v57, v42;
	v51 =	vadd.f32 v53, v51;
	v52 =	vmul.f32 v52, v34;
	v53 =	vld [tilespmem:s15+$0xD0]  }
0x194: {  	v59 =	vld [tilespmem:s18+$0xFFFFFE10]  }
0x195: {  	v49 =	vadd.f32 v57, v49;
	v57 =	vmul.f32 v58, v39;
	v51 =	vadd.f32 v52, v51;
	v52 =	vld [tilespmem:s15+$0x1D0]  }
0x196: {  	v60 =	vadd.s32 v14, v43;
	v50 =	vmul.f32 v50, v30;
	v58 =	vld [tilespmem:s18+$0xFFFFFF10];
	v55 =	vmul.f32 v55, v31  }
0x197: {  	v49 =	vadd.f32 v57, v49;
	v61 =	vld [tilespmem:s18+$0x10];
	v54 =	vmul.f32 v54, v40;
	[tilespmem:v56+s25+$0x0] =	vst.idx.msk $0xffff, v51  }
0x198: {  	v51 =	vld [tilespmem:s16+$0xFFFFFE90];
	v50 =	vadd.f32 v55, v50;
	v53 =	vmul.f32 v53, v33  }
0x199: {  	v55 =	vadd.s32 v26, v29;
	v49 =	vadd.f32 v54, v49;
	v54 =	vld [tilespmem:s16+$0xFFFFFF90]  }
0x19a: {  	v56 =	vld [tilespmem:s18+$0x110];
	v50 =	vadd.f32 v53, v50;
	v52 =	vmul.f32 v52, v32  }
0x19b: {  	v53 =	vmul.f32 v59, v44;
	v57 =	vmul.f32 v58, v46;
	[tilespmem:v60+s25+$0x0] =	vst.idx.msk $0xffff, v49;
	v49 =	vld [tilespmem:s16+$0x90]  }
0x19c: {  	v58 =	vld [tilespmem:s17+$0xFFFFFE50];
	v50 =	vadd.f32 v52, v50  }
0x19d: {  	v59 =	vadd.s32 v10, v48;
	v52 =	vadd.f32 v57, v53;
	v53 =	vmul.f32 v61, v45;
	v60 =	vld [tilespmem:s16+$0x190]  }
0x19e: {  	v51 =	vmul.f32 v51, v36;
	v61 =	vld [tilespmem:s17+$0xFFFFFF50];
	v54 =	vmul.f32 v54, v38;
	[tilespmem:v55+s25+$0x0] =	vst.idx.msk $0xffff, v50  }
0x19f: {  	v50 =	vadd.f32 v53, v52;
	v52 =	vmul.f32 v56, v47;
	v62 =	vld [tilespmem:s15+$0xFFFFFEE0]  }
0x1a0: {  	v51 =	vadd.f32 v54, v51;
	v49 =	vmul.f32 v49, v35;
	v63 =	vld [tilespmem:s15+$0xFFFFFFE0]  }
.Ltmp1:
0x1a1: {  	v53 =	vadd.s32 v20, v37;
	v50 =	vadd.f32 v52, v50;
	v57 =	vld [tilespmem:s17+$0x50];
	(pc) =	sbr.rel @p1 .LBB2_5-.Ltmp1, $4  }
0x1a2: {  	v51 =	vadd.f32 v49, v51;
	v52 =	vmul.f32 v60, v34;
	v49 =	vld [tilespmem:s15+$0xE0]  }
0x1a3: {  	[tilespmem:v59+s25+$0x0] =	vst.idx.msk $0xffff, v50;
	v56 =	vld [tilespmem:s17+$0x150]  }
0x1a4: {  	v58 =	vmul.f32 v58, v41;
	v59 =	vmul.f32 v61, v42;
	v54 =	vadd.f32 v52, v51;
	v50 =	vld [tilespmem:s15+$0x1E0]  }
0x1a5: {  	s19 =	sadd.s32 $0x1, s19;
	v51 =	vmul.f32 v62, v30;
	v55 =	vld [tilespmem:s18+$0x120];
	v52 =	vmul.f32 v63, v31  }
0x1a6: {  	v60 =	vld [tilespmem:s18+$0xFFFFFE20]  }
0x1a7: {  	v61 =	vld [tilespmem:s18+$0xFFFFFF20];
	_ =	sdelay $0x1  }
0x1a8: {  	v62 =	vld [tilespmem:s18+$0x20];
	_ =	sdelay $0x2  }
0x1a9: {  	v60 =	vmul.f32 v60, v44;
	v61 =	vmul.f32 v61, v46;
	_ =	sdelay $0x1  }
0x1aa: {  	v62 =	vmul.f32 v62, v45;
	v60 =	vadd.f32 v61, v60  }
0x1ab: {  	v61 =	vadd.s32 v11, v48  }
0x1ac: {  	v55 =	vmul.f32 v55, v47;
	v60 =	vadd.f32 v62, v60;
	_ =	sdelay $0x1  }
0x1ad: {  	v55 =	vadd.f32 v55, v60;
	_ =	sdelay $0x1  }
0x1ae: {  	[tilespmem:v61+s25+$0x0] =	vst.idx.msk $0xffff, v55  }
0x1af: {  	v55 =	vld [tilespmem:s18+$0xFFFFFE30]  }
0x1b0: {  	v60 =	vld [tilespmem:s18+$0xFFFFFF30];
	_ =	sdelay $0x1  }
0x1b1: {  	v61 =	vld [tilespmem:s18+$0x30];
	_ =	sdelay $0x1  }
0x1b2: {  	v62 =	vld [tilespmem:s18+$0x130]  }
0x1b3: {  	v55 =	vmul.f32 v55, v44;
	v60 =	vmul.f32 v60, v46;
	_ =	sdelay $0x1  }
0x1b4: {  	v61 =	vmul.f32 v61, v45;
	v55 =	vadd.f32 v60, v55  }
0x1b5: {  	v60 =	vadd.s32 v12, v48  }
0x1b6: {  	v55 =	vadd.f32 v61, v55;
	v61 =	vmul.f32 v62, v47;
	_ =	sdelay $0x1  }
0x1b7: {  	v55 =	vadd.f32 v61, v55;
	_ =	sdelay $0x1  }
0x1b8: {  	[tilespmem:v60+s25+$0x0] =	vst.idx.msk $0xffff, v55  }
0x1b9: {  	v55 =	vld [tilespmem:s18+$0xFFFFFE40]  }
0x1ba: {  	v60 =	vld [tilespmem:s18+$0xFFFFFF40];
	_ =	sdelay $0x1  }
0x1bb: {  	v61 =	vld [tilespmem:s18+$0x40];
	_ =	sdelay $0x1  }
0x1bc: {  	v62 =	vld [tilespmem:s18+$0x140]  }
0x1bd: {  	v55 =	vmul.f32 v55, v44;
	v60 =	vmul.f32 v60, v46;
	_ =	sdelay $0x1  }
0x1be: {  	v55 =	vadd.f32 v60, v55;
	v60 =	vmul.f32 v61, v45  }
0x1bf: {  	v61 =	vadd.s32 v14, v48  }
0x1c0: {  	v55 =	vadd.f32 v60, v55;
	v60 =	vmul.f32 v62, v47;
	_ =	sdelay $0x1  }
0x1c1: {  	v55 =	vadd.f32 v60, v55;
	_ =	sdelay $0x1  }
0x1c2: {  	[tilespmem:v61+s25+$0x0] =	vst.idx.msk $0xffff, v55  }
0x1c3: {  	v55 =	vld [tilespmem:s18+$0xFFFFFE50]  }
0x1c4: {  	v60 =	vld [tilespmem:s18+$0xFFFFFF50];
	_ =	sdelay $0x1  }
0x1c5: {  	v61 =	vld [tilespmem:s18+$0x50];
	_ =	sdelay $0x1  }
0x1c6: {  	v58 =	vadd.f32 v59, v58;
	v57 =	vmul.f32 v57, v39;
	v59 =	vld [tilespmem:s18+$0x150]  }
0x1c7: {  	v62 =	vadd.s32 v15, v43;
	v55 =	vmul.f32 v55, v44;
	v60 =	vmul.f32 v60, v46  }
0x1c8: {  	v57 =	vadd.f32 v57, v58;
	v56 =	vmul.f32 v56, v40  }
0x1c9: {  	v55 =	vadd.f32 v60, v55;
	v60 =	vmul.f32 v61, v45  }
0x1ca: {  	v56 =	vadd.f32 v56, v57;
	v61 =	vadd.s32 v15, v48  }
0x1cb: {  	v63 =	vmul.f32 v59, v47;
	v55 =	vadd.f32 v60, v55  }
0x1cc: {  	[tilespmem:v62+s25+$0x0] =	vst.idx.msk $0xffff, v56  }
0x1cd: {  	v56 =	vld [tilespmem:s17+$0xFFFFFE60];
	v55 =	vadd.f32 v63, v55  }
0x1ce: {  	v58 =	vld [tilespmem:s17+$0xFFFFFF60]  }
0x1cf: {  	v59 =	vld [tilespmem:s17+$0x60];
	[tilespmem:v61+s25+$0x0] =	vst.idx.msk $0xffff, v55  }
0x1d0: {  	v55 =	vld [tilespmem:s18+$0xFFFFFE60]  }
0x1d1: {  	v57 =	vld [tilespmem:s18+$0xFFFFFF60]  }
0x1d2: {  	v60 =	vld [tilespmem:s17+$0x160]  }
0x1d3: {  	v56 =	vmul.f32 v56, v41;
	v58 =	vmul.f32 v58, v42;
	v61 =	vld [tilespmem:s18+$0x60];
	_ =	sdelay $0x1  }
0x1d4: {  	v56 =	vadd.f32 v58, v56;
	v58 =	vmul.f32 v59, v39;
	v59 =	vld [tilespmem:s18+$0x160]  }
0x1d5: {  	v62 =	vadd.s32 v16, v43;
	v55 =	vmul.f32 v55, v44;
	v57 =	vmul.f32 v57, v46  }
0x1d6: {  	v56 =	vadd.f32 v58, v56;
	v60 =	vmul.f32 v60, v40  }
0x1d7: {  	v63 =	vmul.f32 v61, v45;
	v55 =	vadd.f32 v57, v55  }
0x1d8: {  	v56 =	vadd.f32 v60, v56;
	v60 =	vadd.s32 v16, v48  }
0x1d9: {  	v61 =	vmul.f32 v59, v47;
	v55 =	vadd.f32 v63, v55  }
0x1da: {  	[tilespmem:v62+s25+$0x0] =	vst.idx.msk $0xffff, v56  }
0x1db: {  	v56 =	vld [tilespmem:s17+$0xFFFFFE70];
	v55 =	vadd.f32 v61, v55  }
0x1dc: {  	v57 =	vld [tilespmem:s17+$0xFFFFFF70]  }
0x1dd: {  	v59 =	vld [tilespmem:s17+$0x70];
	[tilespmem:v60+s25+$0x0] =	vst.idx.msk $0xffff, v55  }
0x1de: {  	v55 =	vld [tilespmem:s18+$0xFFFFFE70]  }
0x1df: {  	v58 =	vld [tilespmem:s18+$0xFFFFFF70]  }
0x1e0: {  	v60 =	vld [tilespmem:s17+$0x170]  }
0x1e1: {  	v56 =	vmul.f32 v56, v41;
	v57 =	vmul.f32 v57, v42;
	v61 =	vld [tilespmem:s18+$0x70];
	_ =	sdelay $0x1  }
0x1e2: {  	v56 =	vadd.f32 v57, v56;
	v57 =	vmul.f32 v59, v39;
	v59 =	vld [tilespmem:s18+$0x170]  }
0x1e3: {  	v62 =	vadd.s32 v18, v43;
	v55 =	vmul.f32 v55, v44;
	v58 =	vmul.f32 v58, v46  }
0x1e4: {  	v56 =	vadd.f32 v57, v56;
	v63 =	vmul.f32 v60, v40  }
0x1e5: {  	v60 =	vmul.f32 v61, v45;
	v55 =	vadd.f32 v58, v55  }
0x1e6: {  	v61 =	vadd.s32 v18, v48;
	v56 =	vadd.f32 v63, v56  }
0x1e7: {  	v63 =	vmul.f32 v59, v47;
	v55 =	vadd.f32 v60, v55  }
0x1e8: {  	[tilespmem:v62+s25+$0x0] =	vst.idx.msk $0xffff, v56  }
0x1e9: {  	v56 =	vld [tilespmem:s17+$0xFFFFFE80];
	v55 =	vadd.f32 v63, v55  }
0x1ea: {  	v58 =	vld [tilespmem:s17+$0xFFFFFF80]  }
0x1eb: {  	v59 =	vld [tilespmem:s17+$0x80];
	[tilespmem:v61+s25+$0x0] =	vst.idx.msk $0xffff, v55  }
0x1ec: {  	v55 =	vld [tilespmem:s18+$0xFFFFFE80]  }
0x1ed: {  	v57 =	vld [tilespmem:s18+$0xFFFFFF80]  }
0x1ee: {  	v60 =	vld [tilespmem:s17+$0x180]  }
0x1ef: {  	v56 =	vmul.f32 v56, v41;
	v58 =	vmul.f32 v58, v42;
	v61 =	vld [tilespmem:s18+$0x80];
	_ =	sdelay $0x1  }
0x1f0: {  	v56 =	vadd.f32 v58, v56;
	v58 =	vmul.f32 v59, v39;
	v59 =	vld [tilespmem:s18+$0x180]  }
0x1f1: {  	v62 =	vadd.s32 v19, v43;
	v55 =	vmul.f32 v55, v44;
	v57 =	vmul.f32 v57, v46  }
0x1f2: {  	v60 =	vmul.f32 v60, v40;
	v56 =	vadd.f32 v58, v56  }
0x1f3: {  	v63 =	vmul.f32 v61, v45;
	v55 =	vadd.f32 v57, v55  }
0x1f4: {  	v56 =	vadd.f32 v60, v56;
	v60 =	vadd.s32 v19, v48  }
0x1f5: {  	v61 =	vmul.f32 v59, v47;
	v55 =	vadd.f32 v63, v55  }
0x1f6: {  	[tilespmem:v62+s25+$0x0] =	vst.idx.msk $0xffff, v56  }
0x1f7: {  	v56 =	vld [tilespmem:s17+$0xFFFFFE90];
	v55 =	vadd.f32 v61, v55  }
0x1f8: {  	v57 =	vld [tilespmem:s17+$0xFFFFFF90]  }
0x1f9: {  	v59 =	vld [tilespmem:s17+$0x90];
	[tilespmem:v60+s25+$0x0] =	vst.idx.msk $0xffff, v55  }
0x1fa: {  	v55 =	vld [tilespmem:s18+$0xFFFFFE90]  }
0x1fb: {  	v58 =	vld [tilespmem:s18+$0xFFFFFF90]  }
0x1fc: {  	v60 =	vld [tilespmem:s17+$0x190]  }
0x1fd: {  	v56 =	vmul.f32 v56, v41;
	v57 =	vmul.f32 v57, v42;
	v61 =	vld [tilespmem:s18+$0x90];
	_ =	sdelay $0x1  }
0x1fe: {  	v56 =	vadd.f32 v57, v56;
	v57 =	vmul.f32 v59, v39;
	v59 =	vld [tilespmem:s18+$0x190]  }
0x1ff: {  	v62 =	vadd.s32 v20, v43;
	v55 =	vmul.f32 v55, v44;
	v58 =	vmul.f32 v58, v46  }
0x200: {  	[tilespmem:v53+s25+$0x0] =	vst.idx.msk $0xffff, v54;
	v63 =	vadd.f32 v57, v56;
	v60 =	vmul.f32 v60, v40  }
0x201: {  	v56 =	vld [tilespmem:s16+$0xFFFFFEA0];
	v57 =	vmul.f32 v61, v45;
	v55 =	vadd.f32 v58, v55  }
0x202: {  	v54 =	vadd.s32 v20, v48;
	v53 =	vadd.f32 v60, v63;
	v58 =	vld [tilespmem:s16+$0xFFFFFFA0]  }
0x203: {  	v60 =	vld [tilespmem:s16+$0xA0];
	v61 =	vmul.f32 v59, v47;
	v55 =	vadd.f32 v57, v55  }
0x204: {  	v59 =	vld [tilespmem:s16+$0x1A0];
	[tilespmem:v62+s25+$0x0] =	vst.idx.msk $0xffff, v53  }
0x205: {  	v53 =	vld [tilespmem:s17+$0xFFFFFEA0];
	v55 =	vadd.f32 v61, v55  }
0x206: {  	v57 =	vld [tilespmem:s17+$0xFFFFFFA0]  }
0x207: {  	v56 =	vmul.f32 v56, v36;
	v61 =	vld [tilespmem:s17+$0xA0];
	v58 =	vmul.f32 v58, v38;
	[tilespmem:v54+s25+$0x0] =	vst.idx.msk $0xffff, v55  }
0x208: {  	v54 =	vld [tilespmem:s18+$0xFFFFFEA0]  }
0x209: {  	v55 =	vadd.f32 v58, v56;
	v56 =	vmul.f32 v60, v35;
	v58 =	vld [tilespmem:s18+$0xFFFFFFA0]  }
0x20a: {  	v62 =	vld [tilespmem:s17+$0x1A0];
	v59 =	vmul.f32 v59, v34;
	v60 =	vadd.s32 v22, v37  }
0x20b: {  	v53 =	vmul.f32 v53, v41;
	v63 =	vmul.f32 v57, v42;
	v57 =	vld [tilespmem:s18+$0xA0];
	v55 =	vadd.f32 v56, v55;
	_ =	sdelay $0x1  }
0x20c: {  	v53 =	vadd.f32 v63, v53;
	v56 =	vmul.f32 v61, v39;
	v55 =	vadd.f32 v59, v55;
	v59 =	vld [tilespmem:s18+$0x1A0]  }
0x20d: {  	v61 =	vadd.s32 v22, v43;
	v54 =	vmul.f32 v54, v44;
	v58 =	vmul.f32 v58, v46  }
0x20e: {  	v53 =	vadd.f32 v56, v53;
	[tilespmem:v60+s25+$0x0] =	vst.idx.msk $0xffff, v55;
	v60 =	vmul.f32 v62, v40  }
0x20f: {  	v57 =	vmul.f32 v57, v45;
	v56 =	vld [tilespmem:s16+$0xFFFFFEB0];
	v54 =	vadd.f32 v58, v54  }
0x210: {  	v55 =	vadd.s32 v22, v48;
	v58 =	vld [tilespmem:s16+$0xFFFFFFB0];
	v53 =	vadd.f32 v60, v53  }
0x211: {  	v60 =	vld [tilespmem:s16+$0xB0];
	v54 =	vadd.f32 v57, v54;
	v62 =	vmul.f32 v59, v47  }
0x212: {  	v59 =	vld [tilespmem:s16+$0x1B0];
	[tilespmem:v61+s25+$0x0] =	vst.idx.msk $0xffff, v53  }
0x213: {  	v53 =	vld [tilespmem:s17+$0xFFFFFEB0];
	v54 =	vadd.f32 v62, v54  }
0x214: {  	v57 =	vld [tilespmem:s17+$0xFFFFFFB0]  }
0x215: {  	v61 =	vld [tilespmem:s17+$0xB0];
	v56 =	vmul.f32 v56, v36;
	v58 =	vmul.f32 v58, v38;
	[tilespmem:v55+s25+$0x0] =	vst.idx.msk $0xffff, v54  }
0x216: {  	v54 =	vld [tilespmem:s18+$0xFFFFFEB0]  }
0x217: {  	v55 =	vadd.f32 v58, v56;
	v56 =	vmul.f32 v60, v35;
	v58 =	vld [tilespmem:s18+$0xFFFFFFB0]  }
0x218: {  	v62 =	vld [tilespmem:s17+$0x1B0];
	v60 =	vadd.s32 v23, v37;
	v59 =	vmul.f32 v59, v34  }
0x219: {  	v55 =	vadd.f32 v56, v55;
	v53 =	vmul.f32 v53, v41;
	v63 =	vmul.f32 v57, v42;
	v57 =	vld [tilespmem:s18+$0xB0];
	_ =	sdelay $0x1  }
0x21a: {  	v56 =	vmul.f32 v61, v39;
	v55 =	vadd.f32 v59, v55;
	v53 =	vadd.f32 v63, v53;
	v59 =	vld [tilespmem:s18+$0x1B0]  }
0x21b: {  	v61 =	vadd.s32 v23, v43;
	v54 =	vmul.f32 v54, v44;
	v58 =	vmul.f32 v58, v46  }
0x21c: {  	[tilespmem:v60+s25+$0x0] =	vst.idx.msk $0xffff, v55;
	v53 =	vadd.f32 v56, v53;
	v60 =	vmul.f32 v62, v40  }
0x21d: {  	v56 =	vld [tilespmem:s16+$0xFFFFFEC0];
	v54 =	vadd.f32 v58, v54;
	v57 =	vmul.f32 v57, v45  }
0x21e: {  	v55 =	vadd.s32 v23, v48;
	v58 =	vld [tilespmem:s16+$0xFFFFFFC0];
	v53 =	vadd.f32 v60, v53  }
0x21f: {  	v60 =	vld [tilespmem:s16+$0xC0];
	v54 =	vadd.f32 v57, v54;
	v62 =	vmul.f32 v59, v47  }
0x220: {  	v59 =	vld [tilespmem:s16+$0x1C0];
	[tilespmem:v61+s25+$0x0] =	vst.idx.msk $0xffff, v53  }
0x221: {  	v53 =	vld [tilespmem:s17+$0xFFFFFEC0];
	v54 =	vadd.f32 v62, v54  }
0x222: {  	v57 =	vld [tilespmem:s17+$0xFFFFFFC0]  }
0x223: {  	v61 =	vld [tilespmem:s17+$0xC0];
	v56 =	vmul.f32 v56, v36;
	v58 =	vmul.f32 v58, v38;
	[tilespmem:v55+s25+$0x0] =	vst.idx.msk $0xffff, v54  }
0x224: {  	v54 =	vld [tilespmem:s18+$0xFFFFFEC0]  }
0x225: {  	v55 =	vadd.f32 v58, v56;
	v56 =	vmul.f32 v60, v35;
	v58 =	vld [tilespmem:s18+$0xFFFFFFC0]  }
0x226: {  	v62 =	vld [tilespmem:s17+$0x1C0];
	v60 =	vadd.s32 v24, v37;
	v59 =	vmul.f32 v59, v34  }
0x227: {  	v55 =	vadd.f32 v56, v55;
	v53 =	vmul.f32 v53, v41;
	v63 =	vmul.f32 v57, v42;
	v57 =	vld [tilespmem:s18+$0xC0];
	_ =	sdelay $0x1  }
0x228: {  	v56 =	vmul.f32 v61, v39;
	v55 =	vadd.f32 v59, v55;
	v53 =	vadd.f32 v63, v53;
	v59 =	vld [tilespmem:s18+$0x1C0]  }
0x229: {  	v61 =	vadd.s32 v24, v43;
	v54 =	vmul.f32 v54, v44;
	v58 =	vmul.f32 v58, v46  }
0x22a: {  	[tilespmem:v60+s25+$0x0] =	vst.idx.msk $0xffff, v55;
	v53 =	vadd.f32 v56, v53;
	v60 =	vmul.f32 v62, v40  }
0x22b: {  	v56 =	vld [tilespmem:s16+$0xFFFFFED0];
	v54 =	vadd.f32 v58, v54;
	v57 =	vmul.f32 v57, v45  }
0x22c: {  	v55 =	vadd.s32 v24, v48;
	v58 =	vld [tilespmem:s16+$0xFFFFFFD0];
	v53 =	vadd.f32 v60, v53  }
0x22d: {  	v60 =	vld [tilespmem:s16+$0xD0];
	v54 =	vadd.f32 v57, v54;
	v62 =	vmul.f32 v59, v47  }
0x22e: {  	v59 =	vld [tilespmem:s16+$0x1D0];
	[tilespmem:v61+s25+$0x0] =	vst.idx.msk $0xffff, v53  }
0x22f: {  	v53 =	vld [tilespmem:s17+$0xFFFFFED0];
	v54 =	vadd.f32 v62, v54  }
0x230: {  	v57 =	vld [tilespmem:s17+$0xFFFFFFD0]  }
0x231: {  	v61 =	vld [tilespmem:s17+$0xD0];
	v56 =	vmul.f32 v56, v36;
	v58 =	vmul.f32 v58, v38;
	[tilespmem:v55+s25+$0x0] =	vst.idx.msk $0xffff, v54  }
0x232: {  	v54 =	vld [tilespmem:s18+$0xFFFFFED0]  }
0x233: {  	v55 =	vadd.f32 v58, v56;
	v56 =	vmul.f32 v60, v35;
	v58 =	vld [tilespmem:s18+$0xFFFFFFD0]  }
0x234: {  	v62 =	vld [tilespmem:s17+$0x1D0];
	v60 =	vadd.s32 v26, v37;
	v59 =	vmul.f32 v59, v34  }
0x235: {  	v55 =	vadd.f32 v56, v55;
	v53 =	vmul.f32 v53, v41;
	v63 =	vmul.f32 v57, v42;
	v57 =	vld [tilespmem:s18+$0xD0];
	_ =	sdelay $0x1  }
0x236: {  	v56 =	vmul.f32 v61, v39;
	v55 =	vadd.f32 v59, v55;
	v53 =	vadd.f32 v63, v53;
	v59 =	vld [tilespmem:s18+$0x1D0]  }
0x237: {  	v61 =	vadd.s32 v26, v43;
	v54 =	vmul.f32 v54, v44;
	v58 =	vmul.f32 v58, v46  }
0x238: {  	v62 =	vmul.f32 v62, v40;
	[tilespmem:v60+s25+$0x0] =	vst.idx.msk $0xffff, v55;
	v53 =	vadd.f32 v56, v53  }
0x239: {  	v56 =	vld [tilespmem:s16+$0xFFFFFEE0];
	v54 =	vadd.f32 v58, v54;
	v57 =	vmul.f32 v57, v45  }
0x23a: {  	v55 =	vadd.s32 v26, v48;
	v58 =	vld [tilespmem:s16+$0xFFFFFFE0];
	v53 =	vadd.f32 v62, v53  }
0x23b: {  	v60 =	vld [tilespmem:s16+$0xE0];
	v54 =	vadd.f32 v57, v54;
	v63 =	vmul.f32 v59, v47  }
0x23c: {  	v51 =	vadd.f32 v52, v51;
	v49 =	vmul.f32 v49, v33;
	v52 =	vld [tilespmem:s16+$0x1E0];
	[tilespmem:v61+s25+$0x0] =	vst.idx.msk $0xffff, v53  }
0x23d: {  	v53 =	vadd.s32 v27, v29;
	v59 =	vld [tilespmem:s17+$0xFFFFFEE0];
	v54 =	vadd.f32 v63, v54  }
0x23e: {  	v49 =	vadd.f32 v49, v51;
	v50 =	vmul.f32 v50, v32;
	v51 =	vld [tilespmem:s17+$0xFFFFFFE0]  }
0x23f: {  	v56 =	vmul.f32 v56, v36;
	v62 =	vmul.f32 v58, v38;
	v58 =	vld [tilespmem:s17+$0xE0];
	[tilespmem:v55+s25+$0x0] =	vst.idx.msk $0xffff, v54  }
0x240: {  	v49 =	vadd.f32 v50, v49;
	v50 =	vld [tilespmem:s18+$0xFFFFFEE0]  }
0x241: {  	v60 =	vmul.f32 v60, v35;
	v63 =	vadd.f32 v62, v56;
	v61 =	vld [tilespmem:s18+$0xFFFFFFE0]  }
0x242: {  	v52 =	vmul.f32 v52, v34;
	v57 =	vld [tilespmem:s18+$0xE0];
	[tilespmem:v53+s25+$0x0] =	vst.idx.msk $0xffff, v49;
	v49 =	vadd.s32 v27, v37  }
0x243: {  	v53 =	vld [tilespmem:s17+$0x1E0];
	v54 =	vadd.f32 v60, v63;
	v62 =	vmul.f32 v59, v41;
	v51 =	vmul.f32 v51, v42  }
0x244: {  	v55 =	vld [tilespmem:s18+$0x1E0]  }
0x245: {  	v59 =	vld [tilespmem:s15+$0xFFFFFEF0];
	v52 =	vadd.f32 v52, v54;
	v51 =	vadd.f32 v51, v62;
	v54 =	vmul.f32 v58, v39  }
0x246: {  	v60 =	vld [tilespmem:s15+$0xF0];
	v50 =	vmul.f32 v50, v44;
	v56 =	vmul.f32 v61, v46  }
0x247: {  	v58 =	vld [tilespmem:s15+$0xFFFFFFF0];
	[tilespmem:v49+s25+$0x0] =	vst.idx.msk $0xffff, v52;
	v49 =	vadd.s32 v27, v43;
	v51 =	vadd.f32 v54, v51  }
0x248: {  	v52 =	vld [tilespmem:s15+$0x1F0];
	v53 =	vmul.f32 v53, v40;
	v54 =	vmul.f32 v57, v45;
	v50 =	vadd.f32 v56, v50  }
0x249: {  	v57 =	vadd.s32 v27, v48;
	v56 =	vld [tilespmem:s16+$0xFFFFFEF0]  }
0x24a: {  	v63 =	vmul.f32 v55, v47;
	v61 =	vld [tilespmem:s16+$0xFFFFFFF0];
	v51 =	vadd.f32 v53, v51;
	v50 =	vadd.f32 v54, v50  }
0x24b: {  	v62 =	vld [tilespmem:s16+$0xF0]  }
0x24c: {  	v55 =	vld [tilespmem:s16+$0x1F0];
	[tilespmem:v49+s25+$0x0] =	vst.idx.msk $0xffff, v51;
	v63 =	vadd.f32 v63, v50  }
0x24d: {  	v30 =	vmul.f32 v59, v30;
	v31 =	vmul.f32 v58, v31;
	v50 =	vld [tilespmem:s17+$0xFFFFFEF0]  }
0x24e: {  	v51 =	vld [tilespmem:s17+$0xFFFFFFF0];
	[tilespmem:v57+s25+$0x0] =	vst.idx.msk $0xffff, v63  }
0x24f: {  	v30 =	vadd.f32 v31, v30;
	v31 =	vmul.f32 v60, v33;
	v57 =	vld [tilespmem:s18+$0xFFFFFEF0]  }
0x250: {  	v49 =	vld [tilespmem:s18+$0xFFFFFFF0]  }
0x251: {  	v59 =	vmul.f32 v61, v38;
	v60 =	vld [tilespmem:s17+$0xF0];
	v30 =	vadd.f32 v31, v30;
	v31 =	vmul.f32 v56, v36  }
0x252: {  	v29 =	vadd.s32 v28, v29;
	v58 =	vmul.f32 v52, v32;
	v61 =	vld [tilespmem:s18+$0xF0]  }
0x253: {  	v62 =	vmul.f32 v62, v35;
	v63 =	vld [tilespmem:s17+$0x1F0];
	v31 =	vadd.f32 v59, v31;
	v59 =	vmul.f32 v55, v34  }
0x254: {  	v36 =	vadd.s32 v28, v37;
	v56 =	vld [tilespmem:s18+$0x1F0];
	v53 =	vmul.f32 v50, v41;
	v54 =	vmul.f32 v51, v42  }
0x255: {  	v30 =	vadd.f32 v58, v30;
	v57 =	vmul.f32 v57, v44;
	v58 =	vmul.f32 v49, v46  }
0x256: {  	v31 =	vadd.f32 v62, v31;
	v38 =	vmul.f32 v60, v39;
	v37 =	vadd.f32 v54, v53  }
0x257: {  	v60 =	vadd.s32 v28, v43;
	v61 =	vmul.f32 v61, v45;
	v32 =	vadd.f32 v58, v57  }
0x258: {  	s5 =	sshll.u32 s2, $0x9;
	v62 =	vadd.s32 v28, v48;
	v35 =	vmul.f32 v63, v40;
	v37 =	vadd.f32 v38, v37  }
0x259: {  	s6 =	sand.u32 $0x40, s14;
	s5 =	sand.u32 $0xC00, s5;
	v31 =	vadd.f32 v59, v31;
	v63 =	vmul.f32 v56, v47;
	v32 =	vadd.f32 v61, v32  }
0x25a: {  	s6 =	sor.u32 s7, s6;
	s14 =	sor.u32 s8, s5;
	[tilespmem:v29+s25+$0x0] =	vst.idx.msk $0xffff, v30;
	v29 =	vadd.f32 v35, v37  }
0x25b: {  	s5 =	sor.u32 s14, s6;
	[tilespmem:v36+s25+$0x0] =	vst.idx.msk $0xffff, v31;
	v30 =	vadd.f32 v63, v32  }
0x25c: {  	s5 =	sshrl.u32 s5, $0x3;
	[tilespmem:v60+s25+$0x0] =	vst.idx.msk $0xffff, v29  }
0x25d: {  	s6 =	sadd.s32 s3, s5;
	s15 =	simm.s32 $0x11C00;
	[tilespmem:v62+s25+$0x0] =	vst.idx.msk $0xffff, v30  }
0x25e: {  	[hbm4b:s6+s4] =	stream.linear.scatter [tilespmem:s15], [sflag:$0x3], $0x20, $0x38;
	[tilespmem:$0x16C00] =	vst v63  }
0x25f: {  	s16 =	simm.s32 $0x11C28;
	s17 =	sadd.s32 $0x10, s6  }
0x260: {  	[hbm4b:s17+s4] =	stream.linear.scatter [tilespmem:s16], [sflag:$0x3], $0x20, $0x38;
	[tilespmem:$0x16C00] =	vst v63  }
0x261: {  	s19 =	sadd.s32 $0x20, s6;
	s18 =	simm.s32 $0x11C50  }
0x262: {  	[hbm4b:s19+s4] =	stream.linear.scatter [tilespmem:s18], [sflag:$0x3], $0x20, $0x38;
	[tilespmem:$0x16C00] =	vst v63  }
0x263: {  	s16 =	simm.s32 $0x11C78;
	s17 =	sadd.s32 $0x30, s6  }
0x264: {  	[hbm4b:s17+s4] =	stream.linear.scatter [tilespmem:s16], [sflag:$0x3], $0x20, $0x38;
	[tilespmem:$0x16C00] =	vst v63  }
0x265: {  	s18 =	simm.s32 $0x11CA0;
	s19 =	sadd.s32 $0x40, s6  }
0x266: {  	[hbm4b:s19+s4] =	stream.linear.scatter [tilespmem:s18], [sflag:$0x3], $0x20, $0x38;
	[tilespmem:$0x16C00] =	vst v63  }
0x267: {  	s5 =	simm.s32 $0x140;
	s16 =	simm.s32 $0x11CC8;
	s17 =	sadd.s32 $0x50, s6  }
0x268: {  	[hbm4b:s17+s4] =	stream.linear.scatter [tilespmem:s16], [sflag:$0x3], $0x20, $0x38;
	[tilespmem:$0x16C00] =	vst v63  }
0x269: {  	s15 =	sadd.s32 $0x1000, s6;
	s18 =	simm.s32 $0x11CF0;
	s19 =	sadd.s32 $0x60, s6  }
0x26a: {  	[hbm4b:s19+s4] =	stream.linear.scatter [tilespmem:s18], [sflag:$0x3], $0x20, $0x38;
	[tilespmem:$0x16C00] =	vst v63  }
0x26b: {  	s16 =	simm.s32 $0xA00;
	s17 =	simm.s32 $0x11D18;
	s18 =	sadd.s32 $0x70, s6  }
.LBB2_7:
0x26c: {  	[hbm4b:s18+s4] =	stream.linear.scatter [tilespmem:s17], [sflag:$0x3], $0x20, $0x38;
	[tilespmem:$0x16C00] =	vst v63  }
0x26d: {  	s6 =	smov.u32 s5;
	s5 =	smov.u32 s16  }
0x26e: {  	s19 =	sadd.s32 $0x500, s16;
	s5 =	sshra.s32 s5, $0x2;
	s17 =	sadd.s32 $0x11C00, s6  }
0x26f: {  	[hbm4b:s15+s4] =	stream.linear.scatter [tilespmem:s17], [sflag:$0x3], $0x20, $0x38;
	[tilespmem:$0x16C00] =	vst v63  }
0x270: {  	p1 =	sne.s32 s16, $0x9B00;
	s16 =	sadd.s32 $0x11C28, s6;
	s17 =	sadd.s32 $0x10, s15  }
0x271: {  	[hbm4b:s17+s4] =	stream.linear.scatter [tilespmem:s16], [sflag:$0x3], $0x20, $0x38;
	[tilespmem:$0x16C00] =	vst v63  }
0x272: {  	s16 =	sadd.s32 $0x11C50, s6;
	s17 =	sadd.s32 $0x20, s15  }
0x273: {  	[hbm4b:s17+s4] =	stream.linear.scatter [tilespmem:s16], [sflag:$0x3], $0x20, $0x38;
	[tilespmem:$0x16C00] =	vst v63  }
0x274: {  	s16 =	sadd.s32 $0x11C78, s6;
	s17 =	sadd.s32 $0x30, s15  }
0x275: {  	[hbm4b:s17+s4] =	stream.linear.scatter [tilespmem:s16], [sflag:$0x3], $0x20, $0x38;
	[tilespmem:$0x16C00] =	vst v63  }
0x276: {  	s16 =	sadd.s32 $0x11CA0, s6;
	s17 =	sadd.s32 $0x40, s15  }
0x277: {  	[hbm4b:s17+s4] =	stream.linear.scatter [tilespmem:s16], [sflag:$0x3], $0x20, $0x38;
	[tilespmem:$0x16C00] =	vst v63  }
.Ltmp2:
0x278: {  	s16 =	sadd.s32 $0x11CC8, s6;
	s17 =	sadd.s32 $0x50, s15;
	(pc) =	sbr.rel @p1 .LBB2_7-.Ltmp2, $4  }
0x279: {  	[hbm4b:s17+s4] =	stream.linear.scatter [tilespmem:s16], [sflag:$0x3], $0x20, $0x38;
	[tilespmem:$0x16C00] =	vst v63  }
0x27a: {  	s18 =	sadd.s32 $0x70, s15;
	s16 =	sadd.s32 $0x11CF0, s6;
	s17 =	sadd.s32 $0x60, s15  }
0x27b: {  	[hbm4b:s17+s4] =	stream.linear.scatter [tilespmem:s16], [sflag:$0x3], $0x20, $0x38;
	[tilespmem:$0x16C00] =	vst v63  }
0x27c: {  	s15 =	sadd.s32 $0x1000, s15;
	s17 =	sadd.s32 $0x11D18, s6;
	s16 =	smov.u32 s19  }
0x27d: {  	[hbm4b:s18+s4] =	stream.linear.scatter [tilespmem:s17], [sflag:$0x3], $0x20, $0x38;
	[tilespmem:$0x16C00] =	vst v63  }
0x27e: {  	s6 =	sadd.s32 $0x11C00, s5  }
0x27f: {  	[hbm4b:s15+s4] =	stream.linear.scatter [tilespmem:s6], [sflag:$0x3], $0x20, $0x38;
	[tilespmem:$0x16C00] =	vst v63  }
0x280: {  	s17 =	sadd.s32 $0x11C28, s5;
	s16 =	sadd.s32 $0x10, s15  }
0x281: {  	[hbm4b:s16+s4] =	stream.linear.scatter [tilespmem:s17], [sflag:$0x3], $0x20, $0x38;
	[tilespmem:$0x16C00] =	vst v63  }
0x282: {  	s18 =	sadd.s32 $0x11C50, s5;
	s19 =	sadd.s32 $0x20, s15  }
0x283: {  	[hbm4b:s19+s4] =	stream.linear.scatter [tilespmem:s18], [sflag:$0x3], $0x20, $0x38;
	[tilespmem:$0x16C00] =	vst v63  }
0x284: {  	s16 =	sadd.s32 $0x11C78, s5;
	s17 =	sadd.s32 $0x30, s15  }
0x285: {  	[hbm4b:s17+s4] =	stream.linear.scatter [tilespmem:s16], [sflag:$0x3], $0x20, $0x38;
	[tilespmem:$0x16C00] =	vst v63  }
0x286: {  	p1 =	seq.s32 s2, $0x7;
	s18 =	sadd.s32 $0x11CA0, s5;
	s19 =	sadd.s32 $0x40, s15  }
0x287: {  	[hbm4b:s19+s4] =	stream.linear.scatter [tilespmem:s18], [sflag:$0x3], $0x20, $0x38;
	[tilespmem:$0x16C00] =	vst v63  }
0x288: {  	s16 =	sadd.s32 $0x11CC8, s5;
	s17 =	sadd.s32 $0x50, s15;
	s18 =	sadd.s32 $0x11CF0, s5  }
0x289: {  	[hbm4b:s17+s4] =	stream.linear.scatter [tilespmem:s16], [sflag:$0x3], $0x20, $0x38;
	[tilespmem:$0x16C00] =	vst v63  }
0x28a: {  	s19 =	sadd.s32 $0x60, s15;
	s17 =	sadd.s32 $0x11D18, s5;
	s5 =	sshll.u32 @!p1 s2, $0x9  }
0x28b: {  	[hbm4b:s19+s4] =	stream.linear.scatter [tilespmem:s18], [sflag:$0x3], $0x20, $0x38;
	[tilespmem:$0x16C00] =	vst v63  }
0x28c: {  	s5 =	sand.u32 @!p1 $0x3FFFFE00, s5;
	s18 =	sadd.s32 $0x70, s15  }
0x28d: {  	[hbm4b:s18+s4] =	stream.linear.scatter [tilespmem:s17], [sflag:$0x3], $0x20, $0x38;
	[tilespmem:$0x16C00] =	vst v63  }
0x28e: {  	s16 =	simm.s32 @!p1 $0x1C00;
	s6 =	sadd.s32 @!p1 $0xE00, s5;
	s15 =	simm.s32 @!p1 $0x40  }
0x28f: {  	[tilespmem:s16], [sflag:$0x1] =	stream.indirect.gather @!p1 [hbm4b:s1+s15], $0x80, s6, s15, $0xb8;
	[tilespmem:$0x16C00] =	vst v63  }
0x290: {  	s6 =	sadd.s32 @!p1 $0xE40, s5;
	s16 =	simm.s32 @!p1 $0x3C00  }
0x291: {  	[tilespmem:s16], [sflag:$0x1] =	stream.indirect.gather @!p1 [hbm4b:s1+s15], $0x80, s6, s15, $0xb8;
	[tilespmem:$0x16C00] =	vst v63  }
0x292: {  	s6 =	sadd.s32 @!p1 $0xE80, s5;
	s16 =	simm.s32 @!p1 $0x5C00  }
0x293: {  	[tilespmem:s16], [sflag:$0x1] =	stream.indirect.gather @!p1 [hbm4b:s1+s15], $0x80, s6, s15, $0xb8;
	[tilespmem:$0x16C00] =	vst v63  }
0x294: {  	s5 =	sadd.s32 @!p1 $0xEC0, s5;
	s6 =	simm.s32 @!p1 $0x7C00  }
0x295: {  	[tilespmem:s6], [sflag:$0x1] =	stream.indirect.gather @!p1 [hbm4b:s1+s15], $0x80, s5, s15, $0xb8;
	[tilespmem:$0x16C00] =	vst v63  }
0x296: {  	_ =	swait.ge [sflag:s26], $0x2000  }
0x297: {  	[sflag:s26] =	ssyncset.done $0x0  }
0x298: {  	[sflag:s26] =	ssyncadd.s32 $0xFFFFE000  }
0x299: {  	_ =	swait.ge [sflag:s26], $0x2000  }
0x29a: {  	[sflag:s26] =	ssyncset.done $0x0  }
0x29b: {  	[sflag:s26] =	ssyncadd.s32 $0xFFFFE000  }
0x29c: {  	_ =	swait.ge [sflag:s26], $0x2000  }
0x29d: {  	[sflag:s26] =	ssyncset.done $0x0  }
0x29e: {  	[sflag:s26] =	ssyncadd.s32 $0xFFFFE000  }
0x29f: {  	_ =	swait.ge [sflag:s26], $0x2000  }
0x2a0: {  	[sflag:s26] =	ssyncset.done $0x0  }
0x2a1: {  	s5 =	simm.s32 @!p0 $0x4;
	[sflag:s26] =	ssyncadd.s32 $0xFFFFE000  }
0x2a2: {  	_ =	swait.ge @!p0 [sflag:s5], $0x2000  }
0x2a3: {  	s13 =	sshll.u32 s13, $0x5;
	s19 =	simm.s32 $0x0;
	[sflag:s5] =	ssyncset.done @!p0 $0x0  }
0x2a4: {  	s16 =	sand.u32 $0x10, s19;
	s15 =	simm.s32 $0x9E00;
	[sflag:s5] =	ssyncadd.s32 @!p0 $0xFFFFE000  }
0x2a5: {  	s6 =	sor.u32 s13, s16;
	v29 =	vld [tilespmem:s15+$0xFFFFFE00]  }
0x2a6: {  	v30 =	vld [tilespmem:s6+$0x400]  }
0x2a7: {  	v31 =	vld [tilespmem:s6+$0x600]  }
0x2a8: {  	v32 =	vld [tilespmem:s6+$0x800]  }
0x2a9: {  	v34 =	vld [tilespmem:s15+$0xFFFFFF00]  }
0x2aa: {  	s17 =	sand.u32 $0xF, s19;
	v37 =	vld [tilespmem:s6+$0xA00]  }
0x2ab: {  	v36 =	vmov s17;
	v35 =	vld [tilespmem:s15+$0x0]  }
0x2ac: {  	v30 =	vperm.xlane v30, v36;
	v31 =	vperm.xlane v31, v36  }
0x2ad: {  	v38 =	vld [tilespmem:s15+$0x100];
	v33 =	vperm.xlane v32, v36  }
0x2ae: {  	v39 =	vmul.f32 v29, v30;
	v34 =	vmul.f32 v34, v31  }
0x2af: {  	v45 =	vmov s19;
	v32 =	vperm.xlane v37, v36  }
0x2b0: {  	v29 =	vand.u32 $0x1F, v45;
	v35 =	vmul.f32 v35, v33;
	v34 =	vadd.f32 v34, v39  }
0x2b1: {  	v46 =	vadd.s32 v6, v29  }
0x2b2: {  	v47 =	vmul.f32 v38, v32;
	v34 =	vadd.f32 v35, v34;
	_ =	sdelay $0x1  }
0x2b3: {  	v34 =	vadd.f32 v47, v34;
	_ =	sdelay $0x1  }
0x2b4: {  	[tilespmem:v46+s28+$0x0] =	vst.idx.msk $0xffff, v34  }
0x2b5: {  	v34 =	vld [tilespmem:s15+$0xFFFFFE10]  }
0x2b6: {  	v48 =	vld [tilespmem:s15+$0xFFFFFF10];
	_ =	sdelay $0x1  }
0x2b7: {  	v36 =	vld [tilespmem:s15+$0x10];
	_ =	sdelay $0x1  }
0x2b8: {  	v49 =	vld [tilespmem:s15+$0x110]  }
0x2b9: {  	v34 =	vmul.f32 v34, v30;
	v35 =	vmul.f32 v48, v31;
	_ =	sdelay $0x1  }
0x2ba: {  	v50 =	vmul.f32 v36, v33;
	v34 =	vadd.f32 v35, v34  }
0x2bb: {  	v51 =	vadd.s32 v10, v29  }
0x2bc: {  	v52 =	vmul.f32 v49, v32;
	v34 =	vadd.f32 v50, v34;
	_ =	sdelay $0x1  }
0x2bd: {  	v34 =	vadd.f32 v52, v34;
	_ =	sdelay $0x1  }
0x2be: {  	[tilespmem:v51+s28+$0x0] =	vst.idx.msk $0xffff, v34  }
0x2bf: {  	v34 =	vld [tilespmem:s15+$0xFFFFFE20]  }
0x2c0: {  	v53 =	vld [tilespmem:s15+$0xFFFFFF20];
	_ =	sdelay $0x1  }
0x2c1: {  	v36 =	vld [tilespmem:s15+$0x20];
	_ =	sdelay $0x1  }
0x2c2: {  	v54 =	vld [tilespmem:s15+$0x120]  }
0x2c3: {  	v34 =	vmul.f32 v34, v30;
	v35 =	vmul.f32 v53, v31;
	_ =	sdelay $0x1  }
0x2c4: {  	v36 =	vmul.f32 v36, v33;
	v34 =	vadd.f32 v35, v34  }
0x2c5: {  	v55 =	vadd.s32 v11, v29  }
0x2c6: {  	v37 =	vmul.f32 v54, v32;
	v34 =	vadd.f32 v36, v34;
	_ =	sdelay $0x1  }
0x2c7: {  	v34 =	vadd.f32 v37, v34;
	_ =	sdelay $0x1  }
0x2c8: {  	[tilespmem:v55+s28+$0x0] =	vst.idx.msk $0xffff, v34  }
0x2c9: {  	v34 =	vld [tilespmem:s15+$0xFFFFFE30]  }
0x2ca: {  	v35 =	vld [tilespmem:s15+$0xFFFFFF30];
	_ =	sdelay $0x1  }
0x2cb: {  	v56 =	vld [tilespmem:s15+$0x30];
	_ =	sdelay $0x1  }
0x2cc: {  	v57 =	vld [tilespmem:s15+$0x130]  }
0x2cd: {  	v34 =	vmul.f32 v34, v30;
	v35 =	vmul.f32 v35, v31;
	_ =	sdelay $0x1  }
0x2ce: {  	v36 =	vmul.f32 v56, v33;
	v34 =	vadd.f32 v35, v34  }
0x2cf: {  	v58 =	vadd.s32 v12, v29  }
0x2d0: {  	v59 =	vmul.f32 v57, v32;
	v34 =	vadd.f32 v36, v34;
	_ =	sdelay $0x1  }
0x2d1: {  	v34 =	vadd.f32 v59, v34;
	_ =	sdelay $0x1  }
0x2d2: {  	[tilespmem:v58+s28+$0x0] =	vst.idx.msk $0xffff, v34  }
0x2d3: {  	v34 =	vld [tilespmem:s15+$0xFFFFFE40]  }
0x2d4: {  	v35 =	vld [tilespmem:s15+$0xFFFFFF40];
	_ =	sdelay $0x1  }
0x2d5: {  	s16 =	simm.s32 $0xA200;
	s5 =	simm.s32 $0x1;
	v60 =	vld [tilespmem:s15+$0x40]  }
0x2d6: {  	s18 =	sand.u32 $0x10, s5;
	v61 =	vld [tilespmem:s16+$0xFFFFFE00]  }
0x2d7: {  	s6 =	sor.u32 s13, s18;
	v62 =	vld [tilespmem:s15+$0x140]  }
0x2d8: {  	v40 =	vld [tilespmem:s6+$0x600];
	v34 =	vmul.f32 v34, v30;
	v35 =	vmul.f32 v35, v31  }
0x2d9: {  	v63 =	vld [tilespmem:s6+$0x400]  }
0x2da: {  	v42 =	vld [tilespmem:s16+$0xFFFFFF00];
	v48 =	vmul.f32 v60, v33;
	v34 =	vadd.f32 v35, v34  }
0x2db: {  	s19 =	sand.u32 $0xF, s5;
	v41 =	vld [tilespmem:s6+$0x800];
	v43 =	vadd.s32 v14, v29  }
0x2dc: {  	v44 =	vld [tilespmem:s16+$0x0];
	v45 =	vmov s19;
	v49 =	vmul.f32 v62, v32;
	v34 =	vadd.f32 v48, v34  }
0x2dd: {  	v38 =	vperm.xlane v40, v45;
	v46 =	vld [tilespmem:s6+$0xA00]  }
0x2de: {  	v36 =	vperm.xlane v63, v45;
	v34 =	vadd.f32 v49, v34  }
0x2df: {  	v42 =	vmul.f32 v42, v38;
	v50 =	vld [tilespmem:s16+$0x100]  }
0x2e0: {  	v51 =	vmov s5;
	v52 =	vmul.f32 v61, v36;
	v35 =	vperm.xlane v41, v45;
	[tilespmem:v43+s28+$0x0] =	vst.idx.msk $0xffff, v34  }
0x2e1: {  	v37 =	vand.u32 $0x1F, v51;
	v53 =	vld [tilespmem:s15+$0xFFFFFE50]  }
0x2e2: {  	v41 =	vadd.f32 v42, v52;
	v54 =	vmul.f32 v44, v35;
	v34 =	vperm.xlane v46, v45;
	v43 =	vld [tilespmem:s15+$0xFFFFFF50]  }
0x2e3: {  	v55 =	vadd.s32 v6, v37  }
0x2e4: {  	v41 =	vadd.f32 v54, v41;
	v56 =	vld [tilespmem:s15+$0x50];
	v39 =	vmul.f32 v50, v34;
	_ =	sdelay $0x1  }
0x2e5: {  	v57 =	vld [tilespmem:s15+$0x150];
	v39 =	vadd.f32 v39, v41  }
0x2e6: {  	v40 =	vmul.f32 v53, v30;
	v43 =	vmul.f32 v43, v31  }
0x2e7: {  	[tilespmem:v55+s28+$0x0] =	vst.idx.msk $0xffff, v39  }
0x2e8: {  	v42 =	vmul.f32 v56, v33;
	v39 =	vld [tilespmem:s16+$0xFFFFFE10];
	v40 =	vadd.f32 v43, v40  }
0x2e9: {  	v59 =	vadd.s32 v15, v29;
	v58 =	vld [tilespmem:s16+$0xFFFFFF10]  }
0x2ea: {  	v41 =	vmul.f32 v57, v32;
	v40 =	vadd.f32 v42, v40  }
0x2eb: {  	v60 =	vld [tilespmem:s16+$0x10]  }
0x2ec: {  	v40 =	vadd.f32 v41, v40  }
0x2ed: {  	v61 =	vld [tilespmem:s16+$0x110]  }
0x2ee: {  	v39 =	vmul.f32 v39, v36;
	v43 =	vmul.f32 v58, v38;
	[tilespmem:v59+s28+$0x0] =	vst.idx.msk $0xffff, v40  }
0x2ef: {  	v40 =	vld [tilespmem:s15+$0xFFFFFE60]  }
0x2f0: {  	v42 =	vmul.f32 v60, v35;
	v39 =	vadd.f32 v43, v39;
	v62 =	vld [tilespmem:s15+$0xFFFFFF60]  }
0x2f1: {  	v63 =	vadd.s32 v10, v37  }
0x2f2: {  	v41 =	vmul.f32 v61, v34;
	v47 =	vld [tilespmem:s15+$0x60];
	v39 =	vadd.f32 v42, v39;
	_ =	sdelay $0x1  }
0x2f3: {  	v48 =	vld [tilespmem:s15+$0x160];
	v39 =	vadd.f32 v41, v39  }
0x2f4: {  	v40 =	vmul.f32 v40, v30;
	v43 =	vmul.f32 v62, v31  }
0x2f5: {  	[tilespmem:v63+s28+$0x0] =	vst.idx.msk $0xffff, v39  }
0x2f6: {  	v42 =	vmul.f32 v47, v33;
	v39 =	vld [tilespmem:s16+$0xFFFFFE20];
	v40 =	vadd.f32 v43, v40  }
0x2f7: {  	v50 =	vadd.s32 v16, v29;
	v49 =	vld [tilespmem:s16+$0xFFFFFF20]  }
0x2f8: {  	v41 =	vmul.f32 v48, v32;
	v40 =	vadd.f32 v42, v40  }
0x2f9: {  	v51 =	vld [tilespmem:s16+$0x20]  }
0x2fa: {  	v40 =	vadd.f32 v41, v40  }
0x2fb: {  	v52 =	vld [tilespmem:s16+$0x120]  }
0x2fc: {  	v39 =	vmul.f32 v39, v36;
	v43 =	vmul.f32 v49, v38;
	[tilespmem:v50+s28+$0x0] =	vst.idx.msk $0xffff, v40  }
0x2fd: {  	v40 =	vld [tilespmem:s15+$0xFFFFFE70]  }
0x2fe: {  	v42 =	vmul.f32 v51, v35;
	v39 =	vadd.f32 v43, v39;
	v53 =	vld [tilespmem:s15+$0xFFFFFF70]  }
0x2ff: {  	v54 =	vadd.s32 v11, v37  }
0x300: {  	v41 =	vmul.f32 v52, v34;
	v55 =	vld [tilespmem:s15+$0x70];
	v39 =	vadd.f32 v42, v39;
	_ =	sdelay $0x1  }
0x301: {  	v56 =	vld [tilespmem:s15+$0x170];
	v39 =	vadd.f32 v41, v39  }
0x302: {  	v40 =	vmul.f32 v40, v30;
	v43 =	vmul.f32 v53, v31  }
0x303: {  	[tilespmem:v54+s28+$0x0] =	vst.idx.msk $0xffff, v39  }
0x304: {  	v42 =	vmul.f32 v55, v33;
	v39 =	vld [tilespmem:s16+$0xFFFFFE30];
	v40 =	vadd.f32 v43, v40  }
0x305: {  	s17 =	simm.s32 $0xA600;
	s5 =	simm.s32 $0x2;
	v58 =	vadd.s32 v18, v29;
	v57 =	vld [tilespmem:s16+$0xFFFFFF30]  }
0x306: {  	s18 =	sand.u32 $0x10, s5;
	v59 =	vld [tilespmem:s17+$0xFFFFFE00];
	v41 =	vmul.f32 v56, v32;
	v40 =	vadd.f32 v42, v40  }
0x307: {  	s6 =	sor.u32 s13, s18;
	v60 =	vld [tilespmem:s16+$0x30]  }
0x308: {  	v47 =	vld [tilespmem:s6+$0x800];
	v40 =	vadd.f32 v41, v40  }
0x309: {  	v61 =	vld [tilespmem:s16+$0x130]  }
0x30a: {  	v48 =	vld [tilespmem:s6+$0x400];
	v39 =	vmul.f32 v39, v36;
	v43 =	vmul.f32 v57, v38;
	[tilespmem:v58+s28+$0x0] =	vst.idx.msk $0xffff, v40  }
0x30b: {  	v40 =	vld [tilespmem:s15+$0xFFFFFE80]  }
0x30c: {  	v42 =	vmul.f32 v60, v35;
	v39 =	vadd.f32 v43, v39;
	v62 =	vld [tilespmem:s15+$0xFFFFFF80]  }
0x30d: {  	v63 =	vld [tilespmem:s6+$0x600];
	v49 =	vadd.s32 v12, v37  }
0x30e: {  	v41 =	vmul.f32 v61, v34;
	v50 =	vld [tilespmem:s15+$0x80];
	v39 =	vadd.f32 v42, v39  }
0x30f: {  	v51 =	vld [tilespmem:s17+$0xFFFFFF00]  }
0x310: {  	s19 =	sand.u32 $0xF, s5;
	v52 =	vld [tilespmem:s15+$0x180];
	v39 =	vadd.f32 v41, v39  }
0x311: {  	v45 =	vld [tilespmem:s17+$0x0];
	v53 =	vmov s19;
	v40 =	vmul.f32 v40, v30;
	v43 =	vmul.f32 v62, v31  }
0x312: {  	v54 =	vld [tilespmem:s6+$0xA00];
	v42 =	vperm.xlane v63, v53;
	v41 =	vperm.xlane v48, v53;
	[tilespmem:v49+s28+$0x0] =	vst.idx.msk $0xffff, v39  }
0x313: {  	v39 =	vperm.xlane v47, v53;
	v57 =	vmul.f32 v50, v33;
	v47 =	vld [tilespmem:s16+$0xFFFFFE40];
	v40 =	vadd.f32 v43, v40  }
0x314: {  	v46 =	vmul.f32 v59, v41;
	v59 =	vadd.s32 v19, v29;
	v49 =	vld [tilespmem:s16+$0xFFFFFF40]  }
0x315: {  	v44 =	vld [tilespmem:s17+$0x100];
	v58 =	vmul.f32 v51, v42;
	v52 =	vmul.f32 v52, v32;
	v55 =	vadd.f32 v57, v40  }
0x316: {  	v60 =	vmov s5;
	v61 =	vld [tilespmem:s16+$0x40]  }
0x317: {  	v46 =	vadd.f32 v58, v46;
	v43 =	vand.u32 $0x1F, v60;
	v62 =	vadd.f32 v52, v55  }
0x318: {  	v45 =	vmul.f32 v45, v39;
	v63 =	vadd.s32 v6, v43;
	v40 =	vperm.xlane v54, v53;
	v54 =	vld [tilespmem:s16+$0x140]  }
0x319: {  	v47 =	vmul.f32 v47, v36;
	v49 =	vmul.f32 v49, v38;
	[tilespmem:v59+s28+$0x0] =	vst.idx.msk $0xffff, v62  }
0x31a: {  	v45 =	vadd.f32 v45, v46;
	v44 =	vmul.f32 v44, v40;
	v50 =	vld [tilespmem:s15+$0xFFFFFE90]  }
0x31b: {  	v56 =	vmul.f32 v61, v35;
	v55 =	vadd.f32 v49, v47;
	v57 =	vld [tilespmem:s15+$0xFFFFFF90]  }
0x31c: {  	v58 =	vadd.s32 v14, v37;
	v44 =	vadd.f32 v44, v45  }
0x31d: {  	v60 =	vmul.f32 v54, v34;
	v61 =	vld [tilespmem:s15+$0x90];
	v59 =	vadd.f32 v56, v55  }
0x31e: {  	[tilespmem:v63+s28+$0x0] =	vst.idx.msk $0xffff, v44;
	v63 =	vld [tilespmem:s15+$0x190]  }
0x31f: {  	v62 =	vld [tilespmem:s17+$0xFFFFFE10];
	v44 =	vadd.f32 v60, v59  }
0x320: {  	v56 =	vld [tilespmem:s17+$0xFFFFFF10];
	v50 =	vmul.f32 v50, v30;
	v48 =	vmul.f32 v57, v31  }
0x321: {  	v52 =	vld [tilespmem:s17+$0x10];
	[tilespmem:v58+s28+$0x0] =	vst.idx.msk $0xffff, v44  }
0x322: {  	v46 =	vmul.f32 v61, v33;
	v44 =	vld [tilespmem:s16+$0xFFFFFE50];
	v48 =	vadd.f32 v48, v50  }
0x323: {  	v57 =	vadd.s32 v20, v29;
	v49 =	vld [tilespmem:s16+$0xFFFFFF50]  }
0x324: {  	v58 =	vld [tilespmem:s17+$0x110];
	v45 =	vmul.f32 v63, v32;
	v46 =	vadd.f32 v46, v48  }
0x325: {  	v60 =	vld [tilespmem:s16+$0x50];
	v47 =	vmul.f32 v62, v41;
	v59 =	vmul.f32 v56, v42  }
0x326: {  	v45 =	vadd.f32 v45, v46  }
0x327: {  	v63 =	vld [tilespmem:s16+$0x150];
	v62 =	vmul.f32 v52, v39;
	v56 =	vadd.s32 v10, v43;
	v61 =	vadd.f32 v59, v47  }
0x328: {  	v44 =	vmul.f32 v44, v36;
	v49 =	vmul.f32 v49, v38;
	[tilespmem:v57+s28+$0x0] =	vst.idx.msk $0xffff, v45  }
0x329: {  	v58 =	vmul.f32 v58, v40;
	v46 =	vadd.f32 v62, v61;
	v57 =	vld [tilespmem:s15+$0xFFFFFEA0]  }
0x32a: {  	v59 =	vmul.f32 v60, v35;
	v44 =	vadd.f32 v49, v44;
	v60 =	vld [tilespmem:s15+$0xFFFFFFA0]  }
0x32b: {  	v61 =	vadd.s32 v15, v37;
	v46 =	vadd.f32 v58, v46  }
0x32c: {  	v48 =	vmul.f32 v63, v34;
	v62 =	vld [tilespmem:s15+$0xA0];
	v44 =	vadd.f32 v59, v44  }
0x32d: {  	v63 =	vld [tilespmem:s15+$0x1A0];
	[tilespmem:v56+s28+$0x0] =	vst.idx.msk $0xffff, v46  }
0x32e: {  	v46 =	vld [tilespmem:s17+$0xFFFFFE20];
	v44 =	vadd.f32 v48, v44  }
0x32f: {  	v56 =	vld [tilespmem:s17+$0xFFFFFF20];
	v47 =	vmul.f32 v57, v30;
	v55 =	vmul.f32 v60, v31  }
0x330: {  	[tilespmem:v61+s28+$0x0] =	vst.idx.msk $0xffff, v44;
	v60 =	vld [tilespmem:s17+$0x20]  }
0x331: {  	v57 =	vmul.f32 v62, v33;
	v44 =	vld [tilespmem:s16+$0xFFFFFE60];
	v47 =	vadd.f32 v55, v47  }
0x332: {  	v59 =	vadd.s32 v22, v29;
	v58 =	vld [tilespmem:s16+$0xFFFFFF60]  }
0x333: {  	v45 =	vmul.f32 v63, v32;
	v62 =	vld [tilespmem:s17+$0x120];
	v47 =	vadd.f32 v57, v47  }
0x334: {  	v61 =	vld [tilespmem:s16+$0x60];
	v46 =	vmul.f32 v46, v41;
	v63 =	vmul.f32 v56, v42  }
0x335: {  	v45 =	vadd.f32 v45, v47  }
0x336: {  	s18 =	simm.s32 $0xAA00;
	v57 =	vld [tilespmem:s16+$0x160];
	v46 =	vadd.f32 v63, v46;
	v44 =	vmul.f32 v44, v36  }
0x337: {  	v53 =	vld [tilespmem:s18+$0xFFFFFE00];
	v49 =	vmul.f32 v58, v38;
	v58 =	vmul.f32 v60, v39;
	[tilespmem:v59+s28+$0x0] =	vst.idx.msk $0xffff, v45  }
0x338: {  	v62 =	vmul.f32 v62, v40;
	v60 =	vadd.s32 v11, v43;
	v59 =	vld [tilespmem:s15+$0xFFFFFEB0]  }
0x339: {  	v48 =	vmul.f32 v61, v35;
	v44 =	vadd.f32 v49, v44;
	v45 =	vadd.f32 v58, v46;
	v61 =	vld [tilespmem:s15+$0xFFFFFFB0]  }
0x33a: {  	s5 =	simm.s32 $0x3;
	v54 =	vld [tilespmem:s18+$0x0];
	v63 =	vadd.s32 v16, v37  }
0x33b: {  	s19 =	sand.u32 $0x10, s5;
	v56 =	vmul.f32 v57, v34;
	v57 =	vld [tilespmem:s15+$0xB0];
	v44 =	vadd.f32 v48, v44;
	v45 =	vadd.f32 v62, v45  }
0x33c: {  	s6 =	sor.u32 s13, s19;
	v58 =	vld [tilespmem:s15+$0x1B0]  }
0x33d: {  	v44 =	vadd.f32 v56, v44;
	[tilespmem:v60+s28+$0x0] =	vst.idx.msk $0xffff, v45;
	v45 =	vld [tilespmem:s6+$0x400]  }
0x33e: {  	v51 =	vld [tilespmem:s17+$0xFFFFFE30];
	v47 =	vmul.f32 v59, v30;
	v49 =	vmul.f32 v61, v31  }
0x33f: {  	v55 =	vld [tilespmem:s17+$0xFFFFFF30];
	[tilespmem:v63+s28+$0x0] =	vst.idx.msk $0xffff, v44  }
0x340: {  	v60 =	vmul.f32 v57, v33;
	v44 =	vld [tilespmem:s16+$0xFFFFFE70];
	v59 =	vadd.f32 v49, v47  }
0x341: {  	v61 =	vadd.s32 v23, v29;
	v49 =	vld [tilespmem:s16+$0xFFFFFF70]  }
0x342: {  	v56 =	vld [tilespmem:s17+$0x30];
	v62 =	vmul.f32 v58, v32;
	v46 =	vadd.f32 v60, v59  }
0x343: {  	v63 =	vld [tilespmem:s16+$0x70]  }
0x344: {  	v57 =	vld [tilespmem:s17+$0x130];
	v46 =	vadd.f32 v62, v46  }
0x345: {  	v60 =	vld [tilespmem:s16+$0x170]  }
0x346: {  	v58 =	vld [tilespmem:s6+$0x600];
	v44 =	vmul.f32 v44, v36;
	v49 =	vmul.f32 v49, v38;
	[tilespmem:v61+s28+$0x0] =	vst.idx.msk $0xffff, v46  }
0x347: {  	v62 =	vmul.f32 v55, v42;
	v61 =	vmul.f32 v51, v41;
	v50 =	vld [tilespmem:s15+$0xFFFFFEC0]  }
0x348: {  	v48 =	vmul.f32 v63, v35;
	v44 =	vadd.f32 v49, v44;
	v49 =	vld [tilespmem:s15+$0xFFFFFFC0]  }
0x349: {  	s19 =	sand.u32 $0xF, s5;
	v52 =	vld [tilespmem:s6+$0x800];
	v56 =	vmul.f32 v56, v39;
	v59 =	vadd.s32 v18, v37;
	v46 =	vadd.f32 v62, v61  }
0x34a: {  	v55 =	vmov s19;
	v47 =	vmul.f32 v60, v34;
	v51 =	vld [tilespmem:s15+$0xC0];
	v48 =	vadd.f32 v48, v44  }
0x34b: {  	v60 =	vld [tilespmem:s18+$0xFFFFFF00];
	v61 =	vadd.s32 v12, v43;
	v44 =	vperm.xlane v45, v55;
	v45 =	vadd.f32 v56, v46  }
0x34c: {  	v56 =	vmul.f32 v57, v40;
	v57 =	vld [tilespmem:s15+$0x1C0];
	v46 =	vperm.xlane v58, v55;
	v47 =	vadd.f32 v47, v48  }
0x34d: {  	v62 =	vld [tilespmem:s6+$0xA00];
	v63 =	vmul.f32 v50, v30;
	v49 =	vmul.f32 v49, v31  }
0x34e: {  	v58 =	vld [tilespmem:s18+$0x100];
	v50 =	vadd.s32 v24, v29;
	v56 =	vadd.f32 v56, v45;
	[tilespmem:v59+s28+$0x0] =	vst.idx.msk $0xffff, v47  }
0x34f: {  	v45 =	vperm.xlane v52, v55;
	v52 =	vld [tilespmem:s16+$0xFFFFFE80];
	v47 =	vadd.f32 v49, v63;
	v49 =	vmul.f32 v51, v33  }
0x350: {  	v48 =	vmov s5;
	v60 =	vmul.f32 v60, v46;
	v63 =	vmul.f32 v53, v44;
	[tilespmem:v61+s28+$0x0] =	vst.idx.msk $0xffff, v56;
	v56 =	vld [tilespmem:s16+$0xFFFFFF80]  }
0x351: {  	v53 =	vmul.f32 v54, v45;
	v54 =	vld [tilespmem:s16+$0x80];
	v57 =	vmul.f32 v57, v32;
	v49 =	vadd.f32 v49, v47  }
0x352: {  	v48 =	vand.u32 $0x1F, v48;
	v59 =	vld [tilespmem:s17+$0xFFFFFE40];
	v47 =	vperm.xlane v62, v55;
	v51 =	vadd.f32 v60, v63  }
0x353: {  	v55 =	vadd.s32 v6, v48;
	v60 =	vld [tilespmem:s17+$0xFFFFFF40];
	v49 =	vadd.f32 v57, v49  }
0x354: {  	v51 =	vadd.f32 v53, v51;
	v62 =	vmul.f32 v58, v47;
	v57 =	vld [tilespmem:s16+$0x180]  }
0x355: {  	v58 =	vld [tilespmem:s17+$0x40];
	v52 =	vmul.f32 v52, v36;
	v56 =	vmul.f32 v56, v38;
	[tilespmem:v50+s28+$0x0] =	vst.idx.msk $0xffff, v49  }
0x356: {  	v63 =	vadd.f32 v62, v51;
	v50 =	vld [tilespmem:s15+$0xFFFFFED0]  }
0x357: {  	v62 =	vmul.f32 v54, v35;
	v61 =	vadd.f32 v56, v52;
	v53 =	vld [tilespmem:s15+$0xFFFFFFD0]  }
0x358: {  	v54 =	vld [tilespmem:s17+$0x140];
	v60 =	vmul.f32 v60, v42;
	[tilespmem:v55+s28+$0x0] =	vst.idx.msk $0xffff, v63;
	v55 =	vadd.s32 v19, v37  }
0x359: {  	v63 =	vmul.f32 v59, v41;
	v51 =	vadd.f32 v62, v61;
	v61 =	vmul.f32 v57, v34;
	v57 =	vld [tilespmem:s15+$0xD0]  }
0x35a: {  	v52 =	vld [tilespmem:s15+$0x1D0]  }
0x35b: {  	v59 =	vld [tilespmem:s18+$0xFFFFFE10];
	v56 =	vmul.f32 v58, v39;
	v49 =	vadd.f32 v60, v63;
	v51 =	vadd.f32 v61, v51  }
0x35c: {  	v58 =	vld [tilespmem:s18+$0xFFFFFF10];
	v60 =	vadd.s32 v14, v43;
	v50 =	vmul.f32 v50, v30;
	v53 =	vmul.f32 v53, v31  }
0x35d: {  	v61 =	vld [tilespmem:s18+$0x10];
	v54 =	vmul.f32 v54, v40;
	v49 =	vadd.f32 v56, v49;
	[tilespmem:v55+s28+$0x0] =	vst.idx.msk $0xffff, v51  }
0x35e: {  	v51 =	vld [tilespmem:s16+$0xFFFFFE90];
	v50 =	vadd.f32 v53, v50;
	v62 =	vmul.f32 v57, v33  }
0x35f: {  	v63 =	vadd.s32 v26, v29;
	v49 =	vadd.f32 v54, v49;
	v54 =	vld [tilespmem:s16+$0xFFFFFF90]  }
0x360: {  	v56 =	vld [tilespmem:s18+$0x110];
	v52 =	vmul.f32 v52, v32;
	v50 =	vadd.f32 v62, v50  }
0x361: {  	[tilespmem:v60+s28+$0x0] =	vst.idx.msk $0xffff, v49;
	v49 =	vld [tilespmem:s16+$0x90];
	v60 =	vmul.f32 v59, v44;
	v62 =	vmul.f32 v58, v46  }
0x362: {  	v58 =	vld [tilespmem:s17+$0xFFFFFE50];
	v50 =	vadd.f32 v52, v50  }
0x363: {  	v57 =	vmul.f32 v61, v45;
	v52 =	vld [tilespmem:s16+$0x190];
	v53 =	vadd.f32 v62, v60  }
0x364: {  	v59 =	vld [tilespmem:s17+$0xFFFFFF50];
	v51 =	vmul.f32 v51, v36;
	v54 =	vmul.f32 v54, v38;
	[tilespmem:v63+s28+$0x0] =	vst.idx.msk $0xffff, v50  }
0x365: {  	v55 =	vmul.f32 v56, v47;
	v50 =	vadd.s32 v10, v48;
	v53 =	vadd.f32 v57, v53;
	v60 =	vld [tilespmem:s15+$0xFFFFFEE0]  }
0x366: {  	v61 =	vld [tilespmem:s15+$0xFFFFFFE0];
	v51 =	vadd.f32 v54, v51;
	v63 =	vmul.f32 v49, v35  }
0x367: {  	v57 =	vld [tilespmem:s17+$0x50];
	v55 =	vadd.f32 v55, v53;
	v53 =	vadd.s32 v20, v37  }
0x368: {  	v49 =	vld [tilespmem:s15+$0xE0];
	v51 =	vadd.f32 v63, v51;
	v52 =	vmul.f32 v52, v34  }
0x369: {  	v56 =	vld [tilespmem:s17+$0x150];
	v58 =	vmul.f32 v58, v41  }
0x36a: {  	v59 =	vmul.f32 v59, v42;
	[tilespmem:v50+s28+$0x0] =	vst.idx.msk $0xffff, v55;
	v50 =	vld [tilespmem:s15+$0x1E0];
	v54 =	vadd.f32 v52, v51  }
0x36b: {  	s19 =	simm.s32 $0x4;
	v55 =	vld [tilespmem:s18+$0x120];
	v51 =	vmul.f32 v60, v30;
	v52 =	vmul.f32 v61, v31  }
.LBB2_9:
0x36c: {  	p0 =	sne.s32 s19, $0x1F;
	v60 =	vld [tilespmem:s18+$0x20];
	v58 =	vadd.f32 v59, v58;
	v57 =	vmul.f32 v57, v39;
	[tilespmem:v53+s28+$0x0] =	vst.idx.msk $0xffff, v54  }
0x36d: {  	v53 =	vadd.s32 v15, v43;
	v54 =	vld [tilespmem:s16+$0xFFFFFEA0];
	v51 =	vadd.f32 v52, v51;
	v49 =	vmul.f32 v49, v33  }
0x36e: {  	v52 =	vadd.f32 v57, v58;
	v56 =	vmul.f32 v56, v40;
	v57 =	vld [tilespmem:s16+$0xFFFFFFA0];
	v58 =	vadd.s32 v27, v29  }
0x36f: {  	v59 =	vld [tilespmem:s18+$0xFFFFFE20];
	v49 =	vadd.f32 v49, v51;
	v50 =	vmul.f32 v50, v32  }
0x370: {  	v51 =	vadd.f32 v56, v52;
	v52 =	vld [tilespmem:s16+$0xA0]  }
0x371: {  	v56 =	vld [tilespmem:s18+$0xFFFFFF20];
	v49 =	vadd.f32 v50, v49  }
0x372: {  	[tilespmem:v53+s28+$0x0] =	vst.idx.msk $0xffff, v51;
	v50 =	vld [tilespmem:s16+$0x1A0]  }
0x373: {  	v53 =	vmul.f32 v54, v36;
	v51 =	vld [tilespmem:s17+$0xFFFFFE60];
	v54 =	vmul.f32 v57, v38;
	[tilespmem:v58+s28+$0x0] =	vst.idx.msk $0xffff, v49  }
0x374: {  	v49 =	vld [tilespmem:s15+$0xFFFFFEF0]  }
0x375: {  	v53 =	vadd.f32 v54, v53;
	v54 =	vld [tilespmem:s15+$0xFFFFFFF0]  }
0x376: {  	v52 =	vmul.f32 v52, v35  }
0x377: {  	v58 =	vadd.s32 v22, v37;
	v57 =	vld [tilespmem:s17+$0xFFFFFF60]  }
0x378: {  	v62 =	vadd.s32 v28, v29;
	v52 =	vadd.f32 v52, v53;
	v50 =	vmul.f32 v50, v34;
	v53 =	vld [tilespmem:s15+$0xF0]  }
0x379: {  	v63 =	vadd.s32 v11, v48;
	v29 =	vmovc v37;
	v59 =	vmul.f32 v59, v44;
	v56 =	vmul.f32 v56, v46;
	v61 =	vld [tilespmem:s17+$0x60]  }
0x37a: {  	v60 =	vmul.f32 v60, v45;
	v37 =	vmovc v43;
	v50 =	vadd.f32 v50, v52;
	v52 =	vld [tilespmem:s15+$0x1F0];
	s15 =	smov.u32 s16;
	s16 =	smov.u32 s17;
	s17 =	smov.u32 s18;
	v31 =	vmul.f32 v54, v31  }
0x37b: {  	v43 =	vadd.f32 v56, v59;
	s18 =	sadd.s32 $0x400, s18;
	v59 =	vmul.f32 v49, v30;
	v30 =	vmov v36;
	v56 =	vld [tilespmem:s16+$0x160]  }
0x37c: {  	v51 =	vmul.f32 v51, v41;
	v36 =	vmov v41;
	v49 =	vld [tilespmem:s18+$0x0];
	v54 =	vmul.f32 v57, v42;
	[tilespmem:v58+s28+$0x0] =	vst.idx.msk $0xffff, v50  }
0x37d: {  	v41 =	vmovc v44;
	v50 =	vmul.f32 v55, v47;
	v55 =	vld [tilespmem:s15+$0xFFFFFEB0];
	v57 =	vadd.f32 v31, v59;
	v33 =	vmul.f32 v53, v33  }
0x37e: {  	v59 =	vadd.f32 v60, v43;
	v44 =	vadd.f32 v54, v51;
	v51 =	vmul.f32 v61, v39;
	v53 =	vld [tilespmem:s15+$0xFFFFFFB0];
	v31 =	vmovc v38  }
0x37f: {  	s5 =	sand.u32 $0x10, s19;
	v58 =	vadd.s32 v16, v37;
	v57 =	vadd.f32 v33, v57;
	v60 =	vmul.f32 v52, v32;
	v38 =	vmovc v42;
	v54 =	vld [tilespmem:s18+$0xFFFFFE00]  }
0x380: {  	s5 =	sor.u32 s13, s5;
	v50 =	vadd.f32 v50, v59;
	v42 =	vmovc v46;
	v44 =	vadd.f32 v51, v44;
	v51 =	vmul.f32 v56, v40;
	v52 =	vld [tilespmem:s15+$0xB0]  }
0x381: {  	v43 =	vmovc v48;
	v46 =	vadd.f32 v60, v57;
	v33 =	vmovc v35;
	v35 =	vmov v39;
	v39 =	vmov v45;
	v56 =	vld [tilespmem:s5+$0x800]  }
0x382: {  	v32 =	vmovc v34;
	v34 =	vmov v40;
	v40 =	vmov v47;
	v44 =	vadd.f32 v51, v44;
	[tilespmem:v63+s28+$0x0] =	vst.idx.msk $0xffff, v50;
	v45 =	vld [tilespmem:s15+$0x1B0]  }
0x383: {  	v48 =	vmul.f32 v55, v30;
	v50 =	vmul.f32 v53, v31;
	v47 =	vld [tilespmem:s5+$0x400];
	[tilespmem:v62+s28+$0x0] =	vst.idx.msk $0xffff, v46  }
0x384: {  	v46 =	vld [tilespmem:s17+$0xFFFFFE30];
	[tilespmem:v58+s28+$0x0] =	vst.idx.msk $0xffff, v44  }
0x385: {  	v48 =	vadd.f32 v50, v48;
	v44 =	vld [tilespmem:s16+$0xFFFFFE70];
	v50 =	vmul.f32 v52, v33  }
0x386: {  	v52 =	vadd.s32 v23, v29;
	v51 =	vld [tilespmem:s16+$0xFFFFFF70]  }
0x387: {  	v53 =	vld [tilespmem:s17+$0xFFFFFF30];
	v48 =	vadd.f32 v50, v48;
	v45 =	vmul.f32 v45, v32  }
0x388: {  	v50 =	vld [tilespmem:s16+$0x70]  }
0x389: {  	v55 =	vld [tilespmem:s17+$0x30];
	v45 =	vadd.f32 v45, v48  }
0x38a: {  	v48 =	vld [tilespmem:s16+$0x170]  }
0x38b: {  	v44 =	vmul.f32 v44, v36;
	v57 =	vld [tilespmem:s17+$0x130];
	v51 =	vmul.f32 v51, v38;
	[tilespmem:v52+s28+$0x0] =	vst.idx.msk $0xffff, v45  }
0x38c: {  	v45 =	vmul.f32 v46, v41;
	v46 =	vld [tilespmem:s15+$0xFFFFFEC0]  }
0x38d: {  	s6 =	sand.u32 $0xF, s19;
	v52 =	vmul.f32 v53, v42;
	v44 =	vadd.f32 v51, v44;
	v50 =	vmul.f32 v50, v35;
	v51 =	vld [tilespmem:s15+$0xFFFFFFC0]  }
0x38e: {  	v59 =	vadd.s32 v18, v37;
	v53 =	vmov s6;
	v58 =	vld [tilespmem:s5+$0x600];
	v55 =	vmul.f32 v55, v39  }
0x38f: {  	v45 =	vadd.f32 v52, v45;
	v50 =	vadd.f32 v50, v44;
	v48 =	vmul.f32 v48, v34;
	v52 =	vld [tilespmem:s15+$0xC0]  }
0x390: {  	v60 =	vadd.s32 v12, v43;
	v44 =	vperm.xlane v47, v53;
	v47 =	vld [tilespmem:s18+$0xFFFFFF00]  }
0x391: {  	v45 =	vadd.f32 v55, v45;
	v55 =	vmul.f32 v57, v40;
	v48 =	vadd.f32 v48, v50;
	v50 =	vld [tilespmem:s15+$0x1C0]  }
0x392: {  	v62 =	vadd.s32 v24, v29;
	v61 =	vmul.f32 v46, v30;
	v57 =	vld [tilespmem:s5+$0xA00];
	v51 =	vmul.f32 v51, v31  }
0x393: {  	v55 =	vadd.f32 v55, v45;
	v46 =	vperm.xlane v58, v53;
	v58 =	vld [tilespmem:s18+$0x100];
	[tilespmem:v59+s28+$0x0] =	vst.idx.msk $0xffff, v48  }
0x394: {  	v45 =	vperm.xlane v56, v53;
	v56 =	vld [tilespmem:s16+$0xFFFFFE80];
	v51 =	vadd.f32 v51, v61;
	v52 =	vmul.f32 v52, v33  }
0x395: {  	v54 =	vmul.f32 v54, v44;
	v48 =	vmov s19;
	v59 =	vmul.f32 v47, v46;
	[tilespmem:v60+s28+$0x0] =	vst.idx.msk $0xffff, v55;
	v55 =	vld [tilespmem:s16+$0xFFFFFF80]  }
0x396: {  	v48 =	vand.u32 $0x1F, v48;
	v60 =	vld [tilespmem:s17+$0xFFFFFE40];
	v51 =	vadd.f32 v52, v51;
	v50 =	vmul.f32 v50, v32  }
0x397: {  	v49 =	vmul.f32 v49, v45;
	v47 =	vperm.xlane v57, v53;
	v52 =	vadd.f32 v59, v54;
	v53 =	vld [tilespmem:s16+$0x80]  }
0x398: {  	v54 =	vadd.s32 v6, v48;
	v57 =	vld [tilespmem:s17+$0xFFFFFF40];
	v50 =	vadd.f32 v50, v51  }
0x399: {  	v49 =	vadd.f32 v49, v52;
	v51 =	vmul.f32 v58, v47;
	v52 =	vld [tilespmem:s16+$0x180]  }
0x39a: {  	v56 =	vmul.f32 v56, v36;
	v58 =	vld [tilespmem:s17+$0x40];
	v55 =	vmul.f32 v55, v38;
	[tilespmem:v62+s28+$0x0] =	vst.idx.msk $0xffff, v50  }
0x39b: {  	v49 =	vadd.f32 v51, v49;
	v50 =	vld [tilespmem:s15+$0xFFFFFED0]  }
0x39c: {  	v51 =	vadd.f32 v55, v56;
	v53 =	vmul.f32 v53, v35;
	v55 =	vld [tilespmem:s15+$0xFFFFFFD0]  }
0x39d: {  	v56 =	vadd.s32 v19, v37;
	[tilespmem:v54+s28+$0x0] =	vst.idx.msk $0xffff, v49;
	v49 =	vmul.f32 v60, v41;
	v54 =	vld [tilespmem:s17+$0x140]  }
0x39e: {  	v57 =	vmul.f32 v57, v42;
	v51 =	vadd.f32 v53, v51;
	v52 =	vmul.f32 v52, v34;
	v53 =	vld [tilespmem:s15+$0xD0]  }
0x39f: {  	v59 =	vld [tilespmem:s18+$0xFFFFFE10]  }
0x3a0: {  	v49 =	vadd.f32 v57, v49;
	v57 =	vmul.f32 v58, v39;
	v51 =	vadd.f32 v52, v51;
	v52 =	vld [tilespmem:s15+$0x1D0]  }
0x3a1: {  	v60 =	vadd.s32 v14, v43;
	v50 =	vmul.f32 v50, v30;
	v58 =	vld [tilespmem:s18+$0xFFFFFF10];
	v55 =	vmul.f32 v55, v31  }
0x3a2: {  	v49 =	vadd.f32 v57, v49;
	v61 =	vld [tilespmem:s18+$0x10];
	v54 =	vmul.f32 v54, v40;
	[tilespmem:v56+s28+$0x0] =	vst.idx.msk $0xffff, v51  }
0x3a3: {  	v51 =	vld [tilespmem:s16+$0xFFFFFE90];
	v50 =	vadd.f32 v55, v50;
	v53 =	vmul.f32 v53, v33  }
0x3a4: {  	v55 =	vadd.s32 v26, v29;
	v49 =	vadd.f32 v54, v49;
	v54 =	vld [tilespmem:s16+$0xFFFFFF90]  }
0x3a5: {  	v56 =	vld [tilespmem:s18+$0x110];
	v50 =	vadd.f32 v53, v50;
	v52 =	vmul.f32 v52, v32  }
0x3a6: {  	v53 =	vmul.f32 v59, v44;
	v57 =	vmul.f32 v58, v46;
	[tilespmem:v60+s28+$0x0] =	vst.idx.msk $0xffff, v49;
	v49 =	vld [tilespmem:s16+$0x90]  }
0x3a7: {  	v58 =	vld [tilespmem:s17+$0xFFFFFE50];
	v50 =	vadd.f32 v52, v50  }
0x3a8: {  	v59 =	vadd.s32 v10, v48;
	v52 =	vadd.f32 v57, v53;
	v53 =	vmul.f32 v61, v45;
	v60 =	vld [tilespmem:s16+$0x190]  }
0x3a9: {  	v51 =	vmul.f32 v51, v36;
	v61 =	vld [tilespmem:s17+$0xFFFFFF50];
	v54 =	vmul.f32 v54, v38;
	[tilespmem:v55+s28+$0x0] =	vst.idx.msk $0xffff, v50  }
0x3aa: {  	v50 =	vadd.f32 v53, v52;
	v52 =	vmul.f32 v56, v47;
	v62 =	vld [tilespmem:s15+$0xFFFFFEE0]  }
0x3ab: {  	v51 =	vadd.f32 v54, v51;
	v49 =	vmul.f32 v49, v35;
	v63 =	vld [tilespmem:s15+$0xFFFFFFE0]  }
.Ltmp3:
0x3ac: {  	v53 =	vadd.s32 v20, v37;
	v50 =	vadd.f32 v52, v50;
	v57 =	vld [tilespmem:s17+$0x50];
	(pc) =	sbr.rel @p0 .LBB2_9-.Ltmp3, $4  }
0x3ad: {  	v51 =	vadd.f32 v49, v51;
	v52 =	vmul.f32 v60, v34;
	v49 =	vld [tilespmem:s15+$0xE0]  }
0x3ae: {  	[tilespmem:v59+s28+$0x0] =	vst.idx.msk $0xffff, v50;
	v56 =	vld [tilespmem:s17+$0x150]  }
0x3af: {  	v58 =	vmul.f32 v58, v41;
	v59 =	vmul.f32 v61, v42;
	v54 =	vadd.f32 v52, v51;
	v50 =	vld [tilespmem:s15+$0x1E0]  }
0x3b0: {  	s19 =	sadd.s32 $0x1, s19;
	v51 =	vmul.f32 v62, v30;
	v55 =	vld [tilespmem:s18+$0x120];
	v52 =	vmul.f32 v63, v31  }
0x3b1: {  	v60 =	vld [tilespmem:s18+$0xFFFFFE20]  }
0x3b2: {  	v61 =	vld [tilespmem:s18+$0xFFFFFF20];
	_ =	sdelay $0x1  }
0x3b3: {  	v62 =	vld [tilespmem:s18+$0x20];
	_ =	sdelay $0x2  }
0x3b4: {  	v60 =	vmul.f32 v60, v44;
	v61 =	vmul.f32 v61, v46;
	_ =	sdelay $0x1  }
0x3b5: {  	v62 =	vmul.f32 v62, v45;
	v60 =	vadd.f32 v61, v60  }
0x3b6: {  	v61 =	vadd.s32 v11, v48  }
0x3b7: {  	v55 =	vmul.f32 v55, v47;
	v60 =	vadd.f32 v62, v60;
	_ =	sdelay $0x1  }
0x3b8: {  	v55 =	vadd.f32 v55, v60;
	_ =	sdelay $0x1  }
0x3b9: {  	[tilespmem:v61+s28+$0x0] =	vst.idx.msk $0xffff, v55  }
0x3ba: {  	v55 =	vld [tilespmem:s18+$0xFFFFFE30]  }
0x3bb: {  	v60 =	vld [tilespmem:s18+$0xFFFFFF30];
	_ =	sdelay $0x1  }
0x3bc: {  	v61 =	vld [tilespmem:s18+$0x30];
	_ =	sdelay $0x1  }
0x3bd: {  	v62 =	vld [tilespmem:s18+$0x130]  }
0x3be: {  	v55 =	vmul.f32 v55, v44;
	v60 =	vmul.f32 v60, v46;
	_ =	sdelay $0x1  }
0x3bf: {  	v61 =	vmul.f32 v61, v45;
	v55 =	vadd.f32 v60, v55  }
0x3c0: {  	v60 =	vadd.s32 v12, v48  }
0x3c1: {  	v55 =	vadd.f32 v61, v55;
	v61 =	vmul.f32 v62, v47;
	_ =	sdelay $0x1  }
0x3c2: {  	v55 =	vadd.f32 v61, v55;
	_ =	sdelay $0x1  }
0x3c3: {  	[tilespmem:v60+s28+$0x0] =	vst.idx.msk $0xffff, v55  }
0x3c4: {  	v55 =	vld [tilespmem:s18+$0xFFFFFE40]  }
0x3c5: {  	v60 =	vld [tilespmem:s18+$0xFFFFFF40];
	_ =	sdelay $0x1  }
0x3c6: {  	v61 =	vld [tilespmem:s18+$0x40];
	_ =	sdelay $0x1  }
0x3c7: {  	v62 =	vld [tilespmem:s18+$0x140]  }
0x3c8: {  	v55 =	vmul.f32 v55, v44;
	v60 =	vmul.f32 v60, v46;
	_ =	sdelay $0x1  }
0x3c9: {  	v55 =	vadd.f32 v60, v55;
	v60 =	vmul.f32 v61, v45  }
0x3ca: {  	v61 =	vadd.s32 v14, v48  }
0x3cb: {  	v55 =	vadd.f32 v60, v55;
	v60 =	vmul.f32 v62, v47;
	_ =	sdelay $0x1  }
0x3cc: {  	v55 =	vadd.f32 v60, v55;
	_ =	sdelay $0x1  }
0x3cd: {  	[tilespmem:v61+s28+$0x0] =	vst.idx.msk $0xffff, v55  }
0x3ce: {  	v55 =	vld [tilespmem:s18+$0xFFFFFE50]  }
0x3cf: {  	v60 =	vld [tilespmem:s18+$0xFFFFFF50];
	_ =	sdelay $0x1  }
0x3d0: {  	v61 =	vld [tilespmem:s18+$0x50];
	_ =	sdelay $0x1  }
0x3d1: {  	v58 =	vadd.f32 v59, v58;
	v57 =	vmul.f32 v57, v39;
	v59 =	vld [tilespmem:s18+$0x150]  }
0x3d2: {  	v62 =	vadd.s32 v15, v43;
	v55 =	vmul.f32 v55, v44;
	v60 =	vmul.f32 v60, v46  }
0x3d3: {  	v57 =	vadd.f32 v57, v58;
	v56 =	vmul.f32 v56, v40  }
0x3d4: {  	v55 =	vadd.f32 v60, v55;
	v60 =	vmul.f32 v61, v45  }
0x3d5: {  	v56 =	vadd.f32 v56, v57;
	v61 =	vadd.s32 v15, v48  }
0x3d6: {  	v63 =	vmul.f32 v59, v47;
	v55 =	vadd.f32 v60, v55  }
0x3d7: {  	[tilespmem:v62+s28+$0x0] =	vst.idx.msk $0xffff, v56  }
0x3d8: {  	v56 =	vld [tilespmem:s17+$0xFFFFFE60];
	v55 =	vadd.f32 v63, v55  }
0x3d9: {  	v58 =	vld [tilespmem:s17+$0xFFFFFF60]  }
0x3da: {  	v59 =	vld [tilespmem:s17+$0x60];
	[tilespmem:v61+s28+$0x0] =	vst.idx.msk $0xffff, v55  }
0x3db: {  	v55 =	vld [tilespmem:s18+$0xFFFFFE60]  }
0x3dc: {  	v57 =	vld [tilespmem:s18+$0xFFFFFF60]  }
0x3dd: {  	v60 =	vld [tilespmem:s17+$0x160]  }
0x3de: {  	v56 =	vmul.f32 v56, v41;
	v58 =	vmul.f32 v58, v42;
	v61 =	vld [tilespmem:s18+$0x60];
	_ =	sdelay $0x1  }
0x3df: {  	v56 =	vadd.f32 v58, v56;
	v58 =	vmul.f32 v59, v39;
	v59 =	vld [tilespmem:s18+$0x160]  }
0x3e0: {  	v62 =	vadd.s32 v16, v43;
	v55 =	vmul.f32 v55, v44;
	v57 =	vmul.f32 v57, v46  }
0x3e1: {  	v56 =	vadd.f32 v58, v56;
	v60 =	vmul.f32 v60, v40  }
0x3e2: {  	v63 =	vmul.f32 v61, v45;
	v55 =	vadd.f32 v57, v55  }
0x3e3: {  	v56 =	vadd.f32 v60, v56;
	v60 =	vadd.s32 v16, v48  }
0x3e4: {  	v61 =	vmul.f32 v59, v47;
	v55 =	vadd.f32 v63, v55  }
0x3e5: {  	[tilespmem:v62+s28+$0x0] =	vst.idx.msk $0xffff, v56  }
0x3e6: {  	v56 =	vld [tilespmem:s17+$0xFFFFFE70];
	v55 =	vadd.f32 v61, v55  }
0x3e7: {  	v57 =	vld [tilespmem:s17+$0xFFFFFF70]  }
0x3e8: {  	v59 =	vld [tilespmem:s17+$0x70];
	[tilespmem:v60+s28+$0x0] =	vst.idx.msk $0xffff, v55  }
0x3e9: {  	v55 =	vld [tilespmem:s18+$0xFFFFFE70]  }
0x3ea: {  	v58 =	vld [tilespmem:s18+$0xFFFFFF70]  }
0x3eb: {  	v60 =	vld [tilespmem:s17+$0x170]  }
0x3ec: {  	v56 =	vmul.f32 v56, v41;
	v57 =	vmul.f32 v57, v42;
	v61 =	vld [tilespmem:s18+$0x70];
	_ =	sdelay $0x1  }
0x3ed: {  	v56 =	vadd.f32 v57, v56;
	v57 =	vmul.f32 v59, v39;
	v59 =	vld [tilespmem:s18+$0x170]  }
0x3ee: {  	v62 =	vadd.s32 v18, v43;
	v55 =	vmul.f32 v55, v44;
	v58 =	vmul.f32 v58, v46  }
0x3ef: {  	v56 =	vadd.f32 v57, v56;
	v63 =	vmul.f32 v60, v40  }
0x3f0: {  	v60 =	vmul.f32 v61, v45;
	v55 =	vadd.f32 v58, v55  }
0x3f1: {  	v61 =	vadd.s32 v18, v48;
	v56 =	vadd.f32 v63, v56  }
0x3f2: {  	v63 =	vmul.f32 v59, v47;
	v55 =	vadd.f32 v60, v55  }
0x3f3: {  	[tilespmem:v62+s28+$0x0] =	vst.idx.msk $0xffff, v56  }
0x3f4: {  	v56 =	vld [tilespmem:s17+$0xFFFFFE80];
	v55 =	vadd.f32 v63, v55  }
0x3f5: {  	v58 =	vld [tilespmem:s17+$0xFFFFFF80]  }
0x3f6: {  	v59 =	vld [tilespmem:s17+$0x80];
	[tilespmem:v61+s28+$0x0] =	vst.idx.msk $0xffff, v55  }
0x3f7: {  	v55 =	vld [tilespmem:s18+$0xFFFFFE80]  }
0x3f8: {  	v57 =	vld [tilespmem:s18+$0xFFFFFF80]  }
0x3f9: {  	v60 =	vld [tilespmem:s17+$0x180]  }
0x3fa: {  	v56 =	vmul.f32 v56, v41;
	v58 =	vmul.f32 v58, v42;
	v61 =	vld [tilespmem:s18+$0x80];
	_ =	sdelay $0x1  }
0x3fb: {  	v56 =	vadd.f32 v58, v56;
	v58 =	vmul.f32 v59, v39;
	v59 =	vld [tilespmem:s18+$0x180]  }
0x3fc: {  	v62 =	vadd.s32 v19, v43;
	v55 =	vmul.f32 v55, v44;
	v57 =	vmul.f32 v57, v46  }
0x3fd: {  	v60 =	vmul.f32 v60, v40;
	v56 =	vadd.f32 v58, v56  }
0x3fe: {  	v63 =	vmul.f32 v61, v45;
	v55 =	vadd.f32 v57, v55  }
0x3ff: {  	v56 =	vadd.f32 v60, v56;
	v60 =	vadd.s32 v19, v48  }
0x400: {  	v61 =	vmul.f32 v59, v47;
	v55 =	vadd.f32 v63, v55  }
0x401: {  	[tilespmem:v62+s28+$0x0] =	vst.idx.msk $0xffff, v56  }
0x402: {  	v56 =	vld [tilespmem:s17+$0xFFFFFE90];
	v55 =	vadd.f32 v61, v55  }
0x403: {  	v57 =	vld [tilespmem:s17+$0xFFFFFF90]  }
0x404: {  	v59 =	vld [tilespmem:s17+$0x90];
	[tilespmem:v60+s28+$0x0] =	vst.idx.msk $0xffff, v55  }
0x405: {  	v55 =	vld [tilespmem:s18+$0xFFFFFE90]  }
0x406: {  	v58 =	vld [tilespmem:s18+$0xFFFFFF90]  }
0x407: {  	v60 =	vld [tilespmem:s17+$0x190]  }
0x408: {  	v56 =	vmul.f32 v56, v41;
	v57 =	vmul.f32 v57, v42;
	v61 =	vld [tilespmem:s18+$0x90];
	_ =	sdelay $0x1  }
0x409: {  	v56 =	vadd.f32 v57, v56;
	v57 =	vmul.f32 v59, v39;
	v59 =	vld [tilespmem:s18+$0x190]  }
0x40a: {  	v62 =	vadd.s32 v20, v43;
	v55 =	vmul.f32 v55, v44;
	v58 =	vmul.f32 v58, v46  }
0x40b: {  	[tilespmem:v53+s28+$0x0] =	vst.idx.msk $0xffff, v54;
	v63 =	vadd.f32 v57, v56;
	v60 =	vmul.f32 v60, v40  }
0x40c: {  	v56 =	vld [tilespmem:s16+$0xFFFFFEA0];
	v57 =	vmul.f32 v61, v45;
	v55 =	vadd.f32 v58, v55  }
0x40d: {  	v54 =	vadd.s32 v20, v48;
	v53 =	vadd.f32 v60, v63;
	v58 =	vld [tilespmem:s16+$0xFFFFFFA0]  }
0x40e: {  	v60 =	vld [tilespmem:s16+$0xA0];
	v61 =	vmul.f32 v59, v47;
	v55 =	vadd.f32 v57, v55  }
0x40f: {  	v59 =	vld [tilespmem:s16+$0x1A0];
	[tilespmem:v62+s28+$0x0] =	vst.idx.msk $0xffff, v53  }
0x410: {  	v53 =	vld [tilespmem:s17+$0xFFFFFEA0];
	v55 =	vadd.f32 v61, v55  }
0x411: {  	v57 =	vld [tilespmem:s17+$0xFFFFFFA0]  }
0x412: {  	v56 =	vmul.f32 v56, v36;
	v61 =	vld [tilespmem:s17+$0xA0];
	v58 =	vmul.f32 v58, v38;
	[tilespmem:v54+s28+$0x0] =	vst.idx.msk $0xffff, v55  }
0x413: {  	v54 =	vld [tilespmem:s18+$0xFFFFFEA0]  }
0x414: {  	v55 =	vadd.f32 v58, v56;
	v56 =	vmul.f32 v60, v35;
	v58 =	vld [tilespmem:s18+$0xFFFFFFA0]  }
0x415: {  	v62 =	vld [tilespmem:s17+$0x1A0];
	v59 =	vmul.f32 v59, v34;
	v60 =	vadd.s32 v22, v37  }
0x416: {  	v53 =	vmul.f32 v53, v41;
	v63 =	vmul.f32 v57, v42;
	v57 =	vld [tilespmem:s18+$0xA0];
	v55 =	vadd.f32 v56, v55;
	_ =	sdelay $0x1  }
0x417: {  	v53 =	vadd.f32 v63, v53;
	v56 =	vmul.f32 v61, v39;
	v55 =	vadd.f32 v59, v55;
	v59 =	vld [tilespmem:s18+$0x1A0]  }
0x418: {  	v61 =	vadd.s32 v22, v43;
	v54 =	vmul.f32 v54, v44;
	v58 =	vmul.f32 v58, v46  }
0x419: {  	v53 =	vadd.f32 v56, v53;
	[tilespmem:v60+s28+$0x0] =	vst.idx.msk $0xffff, v55;
	v60 =	vmul.f32 v62, v40  }
0x41a: {  	v57 =	vmul.f32 v57, v45;
	v56 =	vld [tilespmem:s16+$0xFFFFFEB0];
	v54 =	vadd.f32 v58, v54  }
0x41b: {  	v55 =	vadd.s32 v22, v48;
	v58 =	vld [tilespmem:s16+$0xFFFFFFB0];
	v53 =	vadd.f32 v60, v53  }
0x41c: {  	v60 =	vld [tilespmem:s16+$0xB0];
	v54 =	vadd.f32 v57, v54;
	v62 =	vmul.f32 v59, v47  }
0x41d: {  	v59 =	vld [tilespmem:s16+$0x1B0];
	[tilespmem:v61+s28+$0x0] =	vst.idx.msk $0xffff, v53  }
0x41e: {  	v53 =	vld [tilespmem:s17+$0xFFFFFEB0];
	v54 =	vadd.f32 v62, v54  }
0x41f: {  	v57 =	vld [tilespmem:s17+$0xFFFFFFB0]  }
0x420: {  	v61 =	vld [tilespmem:s17+$0xB0];
	v56 =	vmul.f32 v56, v36;
	v58 =	vmul.f32 v58, v38;
	[tilespmem:v55+s28+$0x0] =	vst.idx.msk $0xffff, v54  }
0x421: {  	v54 =	vld [tilespmem:s18+$0xFFFFFEB0]  }
0x422: {  	v55 =	vadd.f32 v58, v56;
	v56 =	vmul.f32 v60, v35;
	v58 =	vld [tilespmem:s18+$0xFFFFFFB0]  }
0x423: {  	v62 =	vld [tilespmem:s17+$0x1B0];
	v60 =	vadd.s32 v23, v37;
	v59 =	vmul.f32 v59, v34  }
0x424: {  	v55 =	vadd.f32 v56, v55;
	v53 =	vmul.f32 v53, v41;
	v63 =	vmul.f32 v57, v42;
	v57 =	vld [tilespmem:s18+$0xB0];
	_ =	sdelay $0x1  }
0x425: {  	v56 =	vmul.f32 v61, v39;
	v55 =	vadd.f32 v59, v55;
	v53 =	vadd.f32 v63, v53;
	v59 =	vld [tilespmem:s18+$0x1B0]  }
0x426: {  	v61 =	vadd.s32 v23, v43;
	v54 =	vmul.f32 v54, v44;
	v58 =	vmul.f32 v58, v46  }
0x427: {  	[tilespmem:v60+s28+$0x0] =	vst.idx.msk $0xffff, v55;
	v53 =	vadd.f32 v56, v53;
	v60 =	vmul.f32 v62, v40  }
0x428: {  	v56 =	vld [tilespmem:s16+$0xFFFFFEC0];
	v54 =	vadd.f32 v58, v54;
	v57 =	vmul.f32 v57, v45  }
0x429: {  	v55 =	vadd.s32 v23, v48;
	v58 =	vld [tilespmem:s16+$0xFFFFFFC0];
	v53 =	vadd.f32 v60, v53  }
0x42a: {  	v60 =	vld [tilespmem:s16+$0xC0];
	v54 =	vadd.f32 v57, v54;
	v62 =	vmul.f32 v59, v47  }
0x42b: {  	v59 =	vld [tilespmem:s16+$0x1C0];
	[tilespmem:v61+s28+$0x0] =	vst.idx.msk $0xffff, v53  }
0x42c: {  	v53 =	vld [tilespmem:s17+$0xFFFFFEC0];
	v54 =	vadd.f32 v62, v54  }
0x42d: {  	v57 =	vld [tilespmem:s17+$0xFFFFFFC0]  }
0x42e: {  	v61 =	vld [tilespmem:s17+$0xC0];
	v56 =	vmul.f32 v56, v36;
	v58 =	vmul.f32 v58, v38;
	[tilespmem:v55+s28+$0x0] =	vst.idx.msk $0xffff, v54  }
0x42f: {  	v54 =	vld [tilespmem:s18+$0xFFFFFEC0]  }
0x430: {  	v55 =	vadd.f32 v58, v56;
	v56 =	vmul.f32 v60, v35;
	v58 =	vld [tilespmem:s18+$0xFFFFFFC0]  }
0x431: {  	v62 =	vld [tilespmem:s17+$0x1C0];
	v60 =	vadd.s32 v24, v37;
	v59 =	vmul.f32 v59, v34  }
0x432: {  	v55 =	vadd.f32 v56, v55;
	v53 =	vmul.f32 v53, v41;
	v63 =	vmul.f32 v57, v42;
	v57 =	vld [tilespmem:s18+$0xC0];
	_ =	sdelay $0x1  }
0x433: {  	v56 =	vmul.f32 v61, v39;
	v55 =	vadd.f32 v59, v55;
	v53 =	vadd.f32 v63, v53;
	v59 =	vld [tilespmem:s18+$0x1C0]  }
0x434: {  	v61 =	vadd.s32 v24, v43;
	v54 =	vmul.f32 v54, v44;
	v58 =	vmul.f32 v58, v46  }
0x435: {  	[tilespmem:v60+s28+$0x0] =	vst.idx.msk $0xffff, v55;
	v53 =	vadd.f32 v56, v53;
	v60 =	vmul.f32 v62, v40  }
0x436: {  	v56 =	vld [tilespmem:s16+$0xFFFFFED0];
	v54 =	vadd.f32 v58, v54;
	v57 =	vmul.f32 v57, v45  }
0x437: {  	v55 =	vadd.s32 v24, v48;
	v58 =	vld [tilespmem:s16+$0xFFFFFFD0];
	v53 =	vadd.f32 v60, v53  }
0x438: {  	v60 =	vld [tilespmem:s16+$0xD0];
	v54 =	vadd.f32 v57, v54;
	v62 =	vmul.f32 v59, v47  }
0x439: {  	v59 =	vld [tilespmem:s16+$0x1D0];
	[tilespmem:v61+s28+$0x0] =	vst.idx.msk $0xffff, v53  }
0x43a: {  	v53 =	vld [tilespmem:s17+$0xFFFFFED0];
	v54 =	vadd.f32 v62, v54  }
0x43b: {  	v57 =	vld [tilespmem:s17+$0xFFFFFFD0]  }
0x43c: {  	v61 =	vld [tilespmem:s17+$0xD0];
	v56 =	vmul.f32 v56, v36;
	v58 =	vmul.f32 v58, v38;
	[tilespmem:v55+s28+$0x0] =	vst.idx.msk $0xffff, v54  }
0x43d: {  	v54 =	vld [tilespmem:s18+$0xFFFFFED0]  }
0x43e: {  	v55 =	vadd.f32 v58, v56;
	v56 =	vmul.f32 v60, v35;
	v58 =	vld [tilespmem:s18+$0xFFFFFFD0]  }
0x43f: {  	v62 =	vld [tilespmem:s17+$0x1D0];
	v60 =	vadd.s32 v26, v37;
	v59 =	vmul.f32 v59, v34  }
0x440: {  	v55 =	vadd.f32 v56, v55;
	v53 =	vmul.f32 v53, v41;
	v63 =	vmul.f32 v57, v42;
	v57 =	vld [tilespmem:s18+$0xD0];
	_ =	sdelay $0x1  }
0x441: {  	v56 =	vmul.f32 v61, v39;
	v55 =	vadd.f32 v59, v55;
	v53 =	vadd.f32 v63, v53;
	v59 =	vld [tilespmem:s18+$0x1D0]  }
0x442: {  	v61 =	vadd.s32 v26, v43;
	v54 =	vmul.f32 v54, v44;
	v58 =	vmul.f32 v58, v46  }
0x443: {  	v62 =	vmul.f32 v62, v40;
	[tilespmem:v60+s28+$0x0] =	vst.idx.msk $0xffff, v55;
	v53 =	vadd.f32 v56, v53  }
0x444: {  	v56 =	vld [tilespmem:s16+$0xFFFFFEE0];
	v54 =	vadd.f32 v58, v54;
	v57 =	vmul.f32 v57, v45  }
0x445: {  	v55 =	vadd.s32 v26, v48;
	v58 =	vld [tilespmem:s16+$0xFFFFFFE0];
	v53 =	vadd.f32 v62, v53  }
0x446: {  	v60 =	vld [tilespmem:s16+$0xE0];
	v54 =	vadd.f32 v57, v54;
	v63 =	vmul.f32 v59, v47  }
0x447: {  	v51 =	vadd.f32 v52, v51;
	v49 =	vmul.f32 v49, v33;
	v52 =	vld [tilespmem:s16+$0x1E0];
	[tilespmem:v61+s28+$0x0] =	vst.idx.msk $0xffff, v53  }
0x448: {  	v53 =	vadd.s32 v27, v29;
	v59 =	vld [tilespmem:s17+$0xFFFFFEE0];
	v54 =	vadd.f32 v63, v54  }
0x449: {  	v49 =	vadd.f32 v49, v51;
	v50 =	vmul.f32 v50, v32;
	v51 =	vld [tilespmem:s17+$0xFFFFFFE0]  }
0x44a: {  	v56 =	vmul.f32 v56, v36;
	v62 =	vmul.f32 v58, v38;
	v58 =	vld [tilespmem:s17+$0xE0];
	[tilespmem:v55+s28+$0x0] =	vst.idx.msk $0xffff, v54  }
0x44b: {  	v49 =	vadd.f32 v50, v49;
	v50 =	vld [tilespmem:s18+$0xFFFFFEE0]  }
0x44c: {  	v60 =	vmul.f32 v60, v35;
	v63 =	vadd.f32 v62, v56;
	v61 =	vld [tilespmem:s18+$0xFFFFFFE0]  }
0x44d: {  	v52 =	vmul.f32 v52, v34;
	v57 =	vld [tilespmem:s18+$0xE0];
	[tilespmem:v53+s28+$0x0] =	vst.idx.msk $0xffff, v49;
	v49 =	vadd.s32 v27, v37  }
0x44e: {  	v53 =	vld [tilespmem:s17+$0x1E0];
	v54 =	vadd.f32 v60, v63;
	v62 =	vmul.f32 v59, v41;
	v51 =	vmul.f32 v51, v42  }
0x44f: {  	v55 =	vld [tilespmem:s18+$0x1E0]  }
0x450: {  	v59 =	vld [tilespmem:s15+$0xFFFFFEF0];
	v52 =	vadd.f32 v52, v54;
	v51 =	vadd.f32 v51, v62;
	v54 =	vmul.f32 v58, v39  }
0x451: {  	v60 =	vld [tilespmem:s15+$0xF0];
	v50 =	vmul.f32 v50, v44;
	v56 =	vmul.f32 v61, v46  }
0x452: {  	v58 =	vld [tilespmem:s15+$0xFFFFFFF0];
	[tilespmem:v49+s28+$0x0] =	vst.idx.msk $0xffff, v52;
	v49 =	vadd.s32 v27, v43;
	v51 =	vadd.f32 v54, v51  }
0x453: {  	v52 =	vld [tilespmem:s15+$0x1F0];
	v53 =	vmul.f32 v53, v40;
	v54 =	vmul.f32 v57, v45;
	v50 =	vadd.f32 v56, v50  }
0x454: {  	v57 =	vadd.s32 v27, v48;
	v56 =	vld [tilespmem:s16+$0xFFFFFEF0]  }
0x455: {  	v63 =	vmul.f32 v55, v47;
	v61 =	vld [tilespmem:s16+$0xFFFFFFF0];
	v51 =	vadd.f32 v53, v51;
	v50 =	vadd.f32 v54, v50  }
0x456: {  	v62 =	vld [tilespmem:s16+$0xF0]  }
0x457: {  	v55 =	vld [tilespmem:s16+$0x1F0];
	[tilespmem:v49+s28+$0x0] =	vst.idx.msk $0xffff, v51;
	v63 =	vadd.f32 v63, v50  }
0x458: {  	v30 =	vmul.f32 v59, v30;
	v31 =	vmul.f32 v58, v31;
	v50 =	vld [tilespmem:s17+$0xFFFFFEF0]  }
0x459: {  	v51 =	vld [tilespmem:s17+$0xFFFFFFF0];
	[tilespmem:v57+s28+$0x0] =	vst.idx.msk $0xffff, v63  }
0x45a: {  	v30 =	vadd.f32 v31, v30;
	v31 =	vmul.f32 v60, v33;
	v57 =	vld [tilespmem:s18+$0xFFFFFEF0]  }
0x45b: {  	v49 =	vld [tilespmem:s18+$0xFFFFFFF0]  }
0x45c: {  	v59 =	vmul.f32 v61, v38;
	v60 =	vld [tilespmem:s17+$0xF0];
	v30 =	vadd.f32 v31, v30;
	v31 =	vmul.f32 v56, v36  }
0x45d: {  	v29 =	vadd.s32 v28, v29;
	v58 =	vmul.f32 v52, v32;
	v61 =	vld [tilespmem:s18+$0xF0]  }
0x45e: {  	v62 =	vmul.f32 v62, v35;
	v63 =	vld [tilespmem:s17+$0x1F0];
	v31 =	vadd.f32 v59, v31;
	v59 =	vmul.f32 v55, v34  }
0x45f: {  	v36 =	vadd.s32 v28, v37;
	v56 =	vld [tilespmem:s18+$0x1F0];
	v53 =	vmul.f32 v50, v41;
	v54 =	vmul.f32 v51, v42  }
0x460: {  	v30 =	vadd.f32 v58, v30;
	v57 =	vmul.f32 v57, v44;
	v58 =	vmul.f32 v49, v46  }
0x461: {  	v31 =	vadd.f32 v62, v31;
	v38 =	vmul.f32 v60, v39;
	v37 =	vadd.f32 v54, v53  }
0x462: {  	v60 =	vadd.s32 v28, v43;
	v61 =	vmul.f32 v61, v45;
	v32 =	vadd.f32 v58, v57  }
0x463: {  	v62 =	vadd.s32 v28, v48;
	v35 =	vmul.f32 v63, v40;
	v37 =	vadd.f32 v38, v37  }
0x464: {  	s5 =	sand.u32 $0x60, s13;
	v31 =	vadd.f32 v59, v31;
	v63 =	vmul.f32 v56, v47;
	v32 =	vadd.f32 v61, v32  }
0x465: {  	s5 =	sor.u32 s5, s7;
	[tilespmem:v29+s28+$0x0] =	vst.idx.msk $0xffff, v30;
	v29 =	vadd.f32 v35, v37  }
0x466: {  	s5 =	sor.u32 s14, s5;
	[tilespmem:v36+s28+$0x0] =	vst.idx.msk $0xffff, v31;
	v30 =	vadd.f32 v63, v32  }
0x467: {  	s5 =	sshrl.u32 s5, $0x3;
	[tilespmem:v60+s28+$0x0] =	vst.idx.msk $0xffff, v29  }
0x468: {  	s13 =	simm.s32 $0x14400;
	s6 =	sadd.s32 s3, s5;
	[tilespmem:v62+s28+$0x0] =	vst.idx.msk $0xffff, v30  }
0x469: {  	[hbm4b:s6+s4] =	stream.linear.scatter [tilespmem:s13], [sflag:$0x4], $0x20, $0x38;
	[tilespmem:$0x16C00] =	vst v63  }
0x46a: {  	s14 =	simm.s32 $0x14428;
	s15 =	sadd.s32 $0x10, s6  }
0x46b: {  	[hbm4b:s15+s4] =	stream.linear.scatter [tilespmem:s14], [sflag:$0x4], $0x20, $0x38;
	[tilespmem:$0x16C00] =	vst v63  }
0x46c: {  	s5 =	simm.s32 $0x140;
	s16 =	simm.s32 $0x14450;
	s17 =	sadd.s32 $0x20, s6  }
0x46d: {  	[hbm4b:s17+s4] =	stream.linear.scatter [tilespmem:s16], [sflag:$0x4], $0x20, $0x38;
	[tilespmem:$0x16C00] =	vst v63  }
0x46e: {  	s19 =	sadd.s32 $0x30, s6;
	s18 =	simm.s32 $0x14478;
	s13 =	sadd.s32 $0x1000, s6  }
0x46f: {  	[hbm4b:s19+s4] =	stream.linear.scatter [tilespmem:s18], [sflag:$0x4], $0x20, $0x38;
	[tilespmem:$0x16C00] =	vst v63  }
0x470: {  	s14 =	simm.s32 $0x144A0;
	s15 =	sadd.s32 $0x40, s6;
	s16 =	simm.s32 $0x144C8  }
0x471: {  	[hbm4b:s15+s4] =	stream.linear.scatter [tilespmem:s14], [sflag:$0x4], $0x20, $0x38;
	[tilespmem:$0x16C00] =	vst v63  }
0x472: {  	s17 =	sadd.s32 $0x50, s6;
	s18 =	simm.s32 $0x144F0;
	s19 =	sadd.s32 $0x60, s6  }
0x473: {  	[hbm4b:s17+s4] =	stream.linear.scatter [tilespmem:s16], [sflag:$0x4], $0x20, $0x38;
	[tilespmem:$0x16C00] =	vst v63  }
0x474: {  	s14 =	simm.s32 $0xA00;
	s15 =	simm.s32 $0x14518;
	s16 =	sadd.s32 $0x70, s6  }
0x475: {  	[hbm4b:s19+s4] =	stream.linear.scatter [tilespmem:s18], [sflag:$0x4], $0x20, $0x38;
	[tilespmem:$0x16C00] =	vst v63  }
.LBB2_11:
0x476: {  	[hbm4b:s16+s4] =	stream.linear.scatter [tilespmem:s15], [sflag:$0x4], $0x20, $0x38;
	[tilespmem:$0x16C00] =	vst v63  }
0x477: {  	s6 =	smov.u32 s5;
	s5 =	smov.u32 s14  }
0x478: {  	s17 =	sadd.s32 $0x500, s14;
	s5 =	sshra.s32 s5, $0x2;
	s15 =	sadd.s32 $0x14400, s6  }
0x479: {  	[hbm4b:s13+s4] =	stream.linear.scatter [tilespmem:s15], [sflag:$0x4], $0x20, $0x38;
	[tilespmem:$0x16C00] =	vst v63  }
0x47a: {  	p0 =	sne.s32 s14, $0x9B00;
	s14 =	sadd.s32 $0x14428, s6;
	s15 =	sadd.s32 $0x10, s13  }
0x47b: {  	[hbm4b:s15+s4] =	stream.linear.scatter [tilespmem:s14], [sflag:$0x4], $0x20, $0x38;
	[tilespmem:$0x16C00] =	vst v63  }
0x47c: {  	s14 =	sadd.s32 $0x14450, s6;
	s15 =	sadd.s32 $0x20, s13  }
0x47d: {  	[hbm4b:s15+s4] =	stream.linear.scatter [tilespmem:s14], [sflag:$0x4], $0x20, $0x38;
	[tilespmem:$0x16C00] =	vst v63  }
0x47e: {  	s14 =	sadd.s32 $0x14478, s6;
	s15 =	sadd.s32 $0x30, s13  }
0x47f: {  	[hbm4b:s15+s4] =	stream.linear.scatter [tilespmem:s14], [sflag:$0x4], $0x20, $0x38;
	[tilespmem:$0x16C00] =	vst v63  }
0x480: {  	s14 =	sadd.s32 $0x144A0, s6;
	s15 =	sadd.s32 $0x40, s13  }
0x481: {  	[hbm4b:s15+s4] =	stream.linear.scatter [tilespmem:s14], [sflag:$0x4], $0x20, $0x38;
	[tilespmem:$0x16C00] =	vst v63  }
.Ltmp4:
0x482: {  	s14 =	sadd.s32 $0x144C8, s6;
	s15 =	sadd.s32 $0x50, s13;
	(pc) =	sbr.rel @p0 .LBB2_11-.Ltmp4, $4  }
0x483: {  	[hbm4b:s15+s4] =	stream.linear.scatter [tilespmem:s14], [sflag:$0x4], $0x20, $0x38;
	[tilespmem:$0x16C00] =	vst v63  }
0x484: {  	s16 =	sadd.s32 $0x70, s13;
	s14 =	sadd.s32 $0x144F0, s6;
	s15 =	sadd.s32 $0x60, s13  }
0x485: {  	[hbm4b:s15+s4] =	stream.linear.scatter [tilespmem:s14], [sflag:$0x4], $0x20, $0x38;
	[tilespmem:$0x16C00] =	vst v63  }
0x486: {  	s13 =	sadd.s32 $0x1000, s13;
	s15 =	sadd.s32 $0x14518, s6;
	s14 =	smov.u32 s17  }
0x487: {  	[hbm4b:s16+s4] =	stream.linear.scatter [tilespmem:s15], [sflag:$0x4], $0x20, $0x38;
	[tilespmem:$0x16C00] =	vst v63  }
0x488: {  	s6 =	sadd.s32 $0x14400, s5  }
0x489: {  	[hbm4b:s13+s4] =	stream.linear.scatter [tilespmem:s6], [sflag:$0x4], $0x20, $0x38;
	[tilespmem:$0x16C00] =	vst v63  }
0x48a: {  	s19 =	sadd.s32 $0x14428, s5;
	s14 =	sadd.s32 $0x10, s13  }
0x48b: {  	[hbm4b:s14+s4] =	stream.linear.scatter [tilespmem:s19], [sflag:$0x4], $0x20, $0x38;
	[tilespmem:$0x16C00] =	vst v63  }
0x48c: {  	s15 =	sadd.s32 $0x20, s13;
	s14 =	sadd.s32 $0x14450, s5  }
0x48d: {  	[hbm4b:s15+s4] =	stream.linear.scatter [tilespmem:s14], [sflag:$0x4], $0x20, $0x38;
	[tilespmem:$0x16C00] =	vst v63  }
0x48e: {  	s16 =	sadd.s32 $0x14478, s5;
	s17 =	sadd.s32 $0x30, s13  }
0x48f: {  	[hbm4b:s17+s4] =	stream.linear.scatter [tilespmem:s16], [sflag:$0x4], $0x20, $0x38;
	[tilespmem:$0x16C00] =	vst v63  }
0x490: {  	s18 =	sadd.s32 $0x144A0, s5;
	s2 =	sadd.s32 $0x1, s2;
	s19 =	sadd.s32 $0x40, s13  }
0x491: {  	[hbm4b:s19+s4] =	stream.linear.scatter [tilespmem:s18], [sflag:$0x4], $0x20, $0x38;
	[tilespmem:$0x16C00] =	vst v63  }
0x492: {  	p0 =	sne.s32 s2, $0x8;
	s14 =	sadd.s32 $0x144C8, s5;
	s15 =	sadd.s32 $0x50, s13  }
0x493: {  	[hbm4b:s15+s4] =	stream.linear.scatter [tilespmem:s14], [sflag:$0x4], $0x20, $0x38;
	[tilespmem:$0x16C00] =	vst v63  }
.Ltmp5:
0x494: {  	_ = 	snop;
	(pc) =	sbr.rel @p0 .LBB2_4-.Ltmp5, $4  }
0x495: {  	s16 =	sadd.s32 $0x144F0, s5;
	s17 =	sadd.s32 $0x60, s13  }
0x496: {  	[hbm4b:s17+s4] =	stream.linear.scatter [tilespmem:s16], [sflag:$0x4], $0x20, $0x38;
	[tilespmem:$0x16C00] =	vst v63  }
0x497: {  	s18 =	sadd.s32 $0x14518, s5;
	s19 =	sadd.s32 $0x70, s13  }
0x498: {  	[hbm4b:s19+s4] =	stream.linear.scatter [tilespmem:s18], [sflag:$0x4], $0x20, $0x38;
	[tilespmem:$0x16C00] =	vst v63  }
0x499: {  	s31 =	sadd.s32 $0x1, s31  }
0x49a: {  	_ =	swait.ge [sflag:s29], $0x2000;
	p0 =	sne.s32 s31, s9  }
.Ltmp6:
0x49b: {  	[sflag:s29] =	ssyncset.done $0x0;
	(pc) =	sbr.rel @p0 .LBB2_1-.Ltmp6, $4  }
0x49c: {  	[sflag:s29] =	ssyncadd.s32 $0xFFFFE000  }
0x49d: {  	_ =	swait.ge [sflag:s30], $0x2000  }
0x49e: {  	[sflag:s30] =	ssyncset.done $0x0  }
0x49f: {  	[sflag:s30] =	ssyncadd.s32 $0xFFFFE000  }
0x4a0: {  	_ =	sfence.sel $0x180000  }
0x4a1: {  	[bflag:$0x0] =	sbarrier.arrive $0xFFFF  }
0x4a2: {  	_ =	strace $0x90000047  }
0x4a3: {  	s0 =	stileid.u32;
	[bflag:$0x2] =	sbarrier.arrive $0xFFFF  }
0x4a4: {  	p0 =	sne.s32 s0, $0x0;
	s0 =	rddreg [dreg:$0x3]  }
0x4a5: {  	s0 =	sadd.s32 @!p0 $0x100000, s0  }
0x4a6: {  	[sflag:s0] =	ssyncadd.tile.s32 @!p0 $0x1;
	_ =	shalt  }
.Lfunc_end2:
_tile_overlayer_lowered:
.L_overlay_start_2:
0x4a7: {  	(tag) =	ssettag $0x2  }
0x4a8: {  	s0 =	rddreg [dreg:$0x0];
	s2 =	stileid.u32  }
0x4a9: {  	s1 =	rddreg [dreg:$0x1];
	p0 =	sne.s32 s2, $0x0  }
0x4aa: {  	s3 =	rddreg [dreg:$0x2];
	[bflag:$0x3] =	sbarrier.arrive $0xFFFF;
	s2 =	simm.s32 @!p0 $0x1C05  }
0x4ab: {  	[timem:s3], [sflag:s2] =	dma.local @!p0 [hbm:s0], s1  }
0x4ac: {  	s0 =	simm.s32 @!p0 $0x5  }
0x4ad: {  	_ =	swait.ge @!p0 [sflag:s0], s1  }
0x4ae: {  	s1 =	ssub.s32 @!p0 $0x0, s1;
	[sflag:s0] =	ssyncset.done @!p0 $0x0  }
0x4af: {  	[sflag:s0] =	ssyncadd.s32 @!p0 s1  }
0x4b0: {  	[bflag:$0x3] =	sbarrier.arrive $0xFFFF  }
0x4b1: {  	_ =	shalt  }

</sc_bundles>
